<compile_context>
chip_gen: v7x
topology: tpu7x:2x2x1
jax: 0.10.2.dev20260603
libtpu: 0.0.44.dev20260713+nightly
codegen_flags: <defaults>
</compile_context>

<pallas_src>
import functools

import jax
import jax.numpy as jnp
from jax import lax
from jax.experimental import pallas as pl
from jax.experimental.pallas import tpu as pltpu
from jax.experimental.pallas import tpu_sc as plsc

_B, _S, _D = 2, 4096, 2048
_K, _R, _TOPK, _RDIM = 64, 4, 16, 16
_OUT = 2048
_SCALING = 32.0 / _TOPK
_T = _B * _S
_KR = _K * _R

_TT = 1024
_NTILES = _T // _TT

_NC, _NS, _L = 2, 16, 16
_NW = _NC * _NS
_TPW = _T // _NW
_WORDS = _TPW * _K
_UNROLL = 4


_KP = 128


def _stage1_body(x_ref, aw_ref, wq_ref, keys_ref, z_ref, s_ref):
    xt = x_ref[...]
    xb = xt.astype(jnp.bfloat16)
    awb = aw_ref[...].astype(jnp.bfloat16)
    z = lax.dot_general(xb, awb, (((1,), (1,)), ((), ())),
                        preferred_element_type=jnp.float32)
    z_ref[...] = z.astype(jnp.bfloat16)
    q = lax.dot_general(xt, wq_ref[...], (((1,), (1,)), ((), ())),
                        preferred_element_type=jnp.float32)
    s_ref[:, pl.ds(0, _K)] = lax.dot_general(
        q, keys_ref[...], (((1,), (0,)), ((), ())),
        preferred_element_type=jnp.float32)


def _stage1(xf, a_w, wq, keys, tile0, ntiles):
    return pl.pallas_call(
        _stage1_body,
        grid=(ntiles,),
        in_specs=[
            pl.BlockSpec((_TT, _D), lambda i, t0=tile0: (i + t0, 0)),
            pl.BlockSpec((_KR, _D), lambda i: (0, 0)),
            pl.BlockSpec((_RDIM, _D), lambda i: (0, 0)),
            pl.BlockSpec((_RDIM, _K), lambda i: (0, 0)),
        ],
        out_specs=[
            pl.BlockSpec((_TT, _KR), lambda i: (i, 0)),
            pl.BlockSpec((_TT, _KP), lambda i: (i, 0)),
        ],
        out_shape=[
            jax.ShapeDtypeStruct((ntiles * _TT, _KR), jnp.bfloat16),
            jax.ShapeDtypeStruct((ntiles * _TT, _KP), jnp.float32),
        ],
    )(xf, a_w, wq, keys)


def _splat(v, lane):
    idx = jnp.full((_L,), lane, jnp.int32)
    return v.at[idx].get(mode="promise_in_bounds")


def _sort_desc(v):
    return plsc.sort_key_val(v, v, descending=True)[0]


def _router_token(s_v, g_v, t):
    s = [s_v[t, pl.ds(_L * c, _L)] for c in range(4)]
    cur = _sort_desc(s[0])
    for c in range(1, 4):
        m = jnp.maximum(cur, lax.rev(_sort_desc(s[c]), (0,)))
        cur = _sort_desc(m)
    mx = _splat(cur, 0)
    tau = _splat(cur, _L - 1)
    esort = jnp.exp(cur - mx)
    zsum = _splat(lax.cumsum(esort, axis=0), _L - 1)
    rz = 1.0 / zsum
    eq16 = (cur == tau).astype(jnp.int32)
    need = _splat(lax.cumsum(eq16, axis=0), _L - 1)
    offcnt = jnp.zeros((_L,), jnp.int32)
    for c in range(4):
        sc = s[c]
        e = jnp.exp(sc - mx) * rz
        gt = sc > tau
        eq = sc == tau
        cum = lax.cumsum(eq.astype(jnp.int32), axis=0) + offcnt
        keep = jnp.logical_or(gt, jnp.logical_and(eq, cum <= need))
        g_v[t, pl.ds(_L * c, _L)] = jnp.where(keep, e, 0.0)
        offcnt = _splat(cum, _L - 1)


def _router(scores):
    ntok = scores.shape[0]
    tpw = ntok // _NW

    def body(s_hbm, g_hbm, s_v, g_v):
        wid = lax.axis_index("s") * _NC + lax.axis_index("c")
        base = wid * tpw
        pltpu.sync_copy(s_hbm.at[pl.ds(base, tpw)], s_v)

        def group(g, carry):
            for u in range(_UNROLL):
                _router_token(s_v, g_v, g * _UNROLL + u)
            return carry

        lax.fori_loop(0, tpw // _UNROLL, group, 0)
        pltpu.sync_copy(g_v, g_hbm.at[pl.ds(base, tpw)])

    fn = functools.partial(
        pl.kernel,
        mesh=plsc.VectorSubcoreMesh(core_axis_name="c", subcore_axis_name="s"),
        out_type=jax.ShapeDtypeStruct((ntok, _KP), jnp.float32),
        scratch_types=[
            pltpu.VMEM((tpw, _KP), jnp.float32),
            pltpu.VMEM((tpw, _KP), jnp.float32),
        ],
        compiler_params=pltpu.CompilerParams(needs_layout_passes=False),
    )(body)
    return fn(scores)


def _stage2_body(z_ref, g_ref, bw_ref, o_ref):
    gate = g_ref[:, pl.ds(0, _K)].astype(jnp.bfloat16)
    expand = (lax.broadcasted_iota(jnp.int32, (_K, _KR), 1) // _R ==
              lax.broadcasted_iota(jnp.int32, (_K, _KR), 0)
              ).astype(jnp.bfloat16)
    ge = lax.dot_general(gate, expand, (((1,), (0,)), ((), ())),
                         preferred_element_type=jnp.float32)
    zg = z_ref[...] * ge.astype(jnp.bfloat16)
    bwb = bw_ref[...].astype(jnp.bfloat16)
    out = lax.dot_general(zg, bwb, (((1,), (1,)), ((), ())),
                          preferred_element_type=jnp.float32)
    o_ref[...] = out * _SCALING


def _stage2_first(z_bf, gate, b_b, tile0, ntiles):
    return pl.pallas_call(
        _stage2_body,
        grid=(ntiles,),
        in_specs=[
            pl.BlockSpec((_TT, _KR), lambda i: (i, 0)),
            pl.BlockSpec((_TT, _KP), lambda i: (i, 0)),
            pl.BlockSpec((_OUT, _KR), lambda i: (0, 0)),
        ],
        out_specs=pl.BlockSpec((_TT, _OUT), lambda i, t0=tile0: (i + t0, 0)),
        out_shape=jax.ShapeDtypeStruct((_T, _OUT), jnp.float32),
    )(z_bf, gate, b_b)


def _stage2_next(acc, z_bf, gate, b_b, tile0, ntiles):
    def body(acc_ref, z_ref, g_ref, bw_ref, o_ref):
        _stage2_body(z_ref, g_ref, bw_ref, o_ref)

    return pl.pallas_call(
        body,
        grid=(ntiles,),
        in_specs=[
            pl.BlockSpec(memory_space=pl.ANY),
            pl.BlockSpec((_TT, _KR), lambda i: (i, 0)),
            pl.BlockSpec((_TT, _KP), lambda i: (i, 0)),
            pl.BlockSpec((_OUT, _KR), lambda i: (0, 0)),
        ],
        out_specs=pl.BlockSpec((_TT, _OUT), lambda i, t0=tile0: (i + t0, 0)),
        out_shape=jax.ShapeDtypeStruct((_T, _OUT), jnp.float32),
        input_output_aliases={0: 0},
    )(acc, z_bf, gate, b_b)


_NCHUNK = 2
_CTILES = _NTILES // _NCHUNK


def kernel(x, A_w, B_w, Wq_w, keys):
    xf = x.reshape(_T, _D)
    keys_t = keys.T
    zs = [_stage1(xf, A_w, Wq_w, keys_t, c * _CTILES, _CTILES)
          for c in range(_NCHUNK)]
    gates = [_router(s) for _, s in zs]
    out = _stage2_first(zs[0][0], gates[0], B_w, 0, _CTILES)
    for c in range(1, _NCHUNK):
        out = _stage2_next(out, zs[c][0], gates[c], B_w, c * _CTILES, _CTILES)
    return out.reshape(_B, _S, _OUT)

# --- scband reference (transcript-rebuilt; emitter-appended) ---
"""Pipeline reference for scband-routed-lo-ra-59717225283913 (READ-ONLY COPY).

The authoritative reference and input builder live on the scoring server;
editing this copy changes nothing except your own understanding.
"""

import jax, jax.numpy as jnp
import numpy as np

B, S, D = 2, 4096, 2048
K, R, TOPK, RDIM = 64, 4, 16, 16
OUT = 2048
SCALING = 32.0 / TOPK

def setup_inputs(seed: int = 0) -> dict:
    key = jax.random.key(seed)
    k1, k2, k3, k4, k5 = jax.random.split(key, 5)
    x = jax.random.normal(k1, (B, S, D), dtype=jnp.float32)
    # torch nn.Linear weight layout: (out, in)
    A_w = jax.random.normal(k2, (K * R, D), dtype=jnp.float32) * (1.0 / np.sqrt(D))
    # torch init is zeros; use small random so output/grads are nontrivial for benchmarking
    B_w = jax.random.normal(k3, (OUT, K * R), dtype=jnp.float32) * 0.02
    Wq_w = jax.random.normal(k4, (RDIM, D), dtype=jnp.float32) * (1.0 / np.sqrt(D))
    keys = jax.random.normal(k5, (K, RDIM), dtype=jnp.float32) * 0.01
    return {"x": x, "A_w": A_w, "B_w": B_w, "Wq_w": Wq_w, "keys": keys}

def reference(x, A_w, B_w, Wq_w, keys):
    # dropout is Identity (p=0.0)
    z = x @ A_w.T                      # (B, S, K*R)
    z = z.reshape(B, S, K, R)
    # low-rank router
    q = x @ Wq_w.T                     # (B, S, RDIM)
    scores = q @ keys.T                # (B, S, K)
    top_vals, top_idx = jax.lax.top_k(scores, TOPK)
    top_w = jax.nn.softmax(top_vals, axis=-1)
    # sparse gate via scatter-overwrite (topk indices are distinct per token)
    T = B * S
    idx_flat = top_idx.reshape(T, TOPK)
    w_flat = top_w.reshape(T, TOPK)
    gate = jnp.zeros((T, K), dtype=x.dtype).at[jnp.arange(T)[:, None], idx_flat].set(w_flat)
    gate = gate.reshape(B, S, K)
    z_gated = z * gate[..., None]      # (B, S, K, R)
    z_flat = z_gated.reshape(B, S, K * R)
    return (z_flat @ B_w.T) * SCALING

if __name__ == "__main__":
    import jax
    _d = setup_inputs()
    print(jax.jit(kernel)(*tuple(_d.values())))

</pallas_src>

<mosaic_0001>
#map = affine_map<(d0, d1) -> (0, 0)>
module attributes {stable_mosaic.version = 14 : i64} {
  func.func @body(%arg0: i32, %arg1: i32, %arg2: memref<4096x128xf32, #tpu.memory_space<hbm>>, %arg3: memref<4096x128xf32, #tpu.memory_space<hbm>>, %arg4: memref<128x128xf32, #tpu.memory_space<vmem>>, %arg5: memref<128x128xf32, #tpu.memory_space<vmem>>) attributes {dimension_semantics = [#tpu.dimension_semantics<core_parallel>, #tpu.dimension_semantics<subcore_parallel>], iteration_bounds = array<i64: 2, 16>, scalar_prefetch = 0 : i64, scratch_operands = 2 : i64, tpu.core_type = #tpu.core_type<sc_vector_subcore>, window_params = [{transform_indices = #map}, {transform_indices = #map}]} {
    %mul3A = arith.constant 2 : i32
    %mul3A_0 = arith.muli %arg1, %mul3A : i32
    %add3A = arith.addi %mul3A_0, %arg0 : i32
    %mul3A_1 = arith.constant 128 : i32
    %mul3A_2 = arith.muli %add3A, %mul3A_1 : i32
    "tpu.region"() ({
      %run_scoped3A = tpu.sem_alloc : memref<!tpu.dma_semaphore, #tpu.memory_space<semaphore_mem>>
      %dma_start3A = arith.constant 0 : i32
      %dma_start3A_8 = tpu.memref_slice %arg2[%mul3A_2, %dma_start3A] : memref<4096x128xf32, #tpu.memory_space<hbm>> -> memref<128x128xf32, #tpu.memory_space<hbm>>
      %dma_start3A_9 = arith.constant 0 : i32
      %dma_start3A_10 = tpu.memref_slice %arg2[%mul3A_2, %dma_start3A_9] : memref<4096x128xf32, #tpu.memory_space<hbm>> -> memref<128x128xf32, #tpu.memory_space<hbm>>
      tpu.enqueue_dma source(%dma_start3A_10 : memref<128x128xf32, #tpu.memory_space<hbm>>) target(%arg4 : memref<128x128xf32, #tpu.memory_space<vmem>>) target_semaphore(%run_scoped3A : memref<!tpu.dma_semaphore, #tpu.memory_space<semaphore_mem>>)
      %dma_wait3A = arith.constant 0 : i32
      %dma_wait3A_11 = tpu.memref_slice %arg2[%mul3A_2, %dma_wait3A] : memref<4096x128xf32, #tpu.memory_space<hbm>> -> memref<128x128xf32, #tpu.memory_space<hbm>>
      %dma_wait3A_12 = arith.constant 0 : i32
      %dma_wait3A_13 = tpu.memref_slice %arg2[%mul3A_2, %dma_wait3A_12] : memref<4096x128xf32, #tpu.memory_space<hbm>> -> memref<128x128xf32, #tpu.memory_space<hbm>>
      tpu.wait_dma2 semaphore(%run_scoped3A : memref<!tpu.dma_semaphore, #tpu.memory_space<semaphore_mem>>) src(%dma_wait3A_13 : memref<128x128xf32, #tpu.memory_space<hbm>>) dst(%arg4 : memref<128x128xf32, #tpu.memory_space<vmem>>)
      tpu.yield
    }) : () -> ()
    %scan3A = arith.constant 0 : i32
    %scan3A_3 = arith.constant 0 : i32
    %scan3A_4 = arith.constant 32 : i32
    %scan3A_5 = arith.addi %scan3A_3, %scan3A_4 : i32
    %scan3A_6 = arith.constant 1 : i32
    scf.for %scan3A_8 = %scan3A_3 to %scan3A_5 step %scan3A_6  : i32 {
      %mul3A_9 = arith.constant 4 : i32
      %mul3A_10 = arith.muli %scan3A_8, %mul3A_9 : i32
      %add3A_11 = arith.constant 0 : i32
      %add3A_12 = arith.addi %mul3A_10, %add3A_11 : i32
      %get3A = arith.index_cast %add3A_12 : i32 to index
      %get3A_13 = arith.constant 0 : index
      %get3A_14 = tpu.vector_load %arg4[%get3A, %get3A_13] {strides = array<i32>} : memref<128x128xf32, #tpu.memory_space<vmem>>, vector<16xf32>,
      %get3A_15 = arith.index_cast %add3A_12 : i32 to index
      %get3A_16 = arith.constant 16 : index
      %get3A_17 = tpu.vector_load %arg4[%get3A_15, %get3A_16] {strides = array<i32>} : memref<128x128xf32, #tpu.memory_space<vmem>>, vector<16xf32>,
      %get3A_18 = arith.index_cast %add3A_12 : i32 to index
      %get3A_19 = arith.constant 32 : index
      %get3A_20 = tpu.vector_load %arg4[%get3A_18, %get3A_19] {strides = array<i32>} : memref<128x128xf32, #tpu.memory_space<vmem>>, vector<16xf32>,
      %get3A_21 = arith.index_cast %add3A_12 : i32 to index
      %get3A_22 = arith.constant 48 : index
      %get3A_23 = tpu.vector_load %arg4[%get3A_21, %get3A_22] {strides = array<i32>} : memref<128x128xf32, #tpu.memory_space<vmem>>, vector<16xf32>,
      %masked_sort3A = arith.constant dense<true> : vector<16xi1>
      %masked_sort3A_24, %masked_sort3A_25, %masked_sort3A_26 = tpu.sort %get3A_14, %get3A_14 masked %masked_sort3A {descending = true} : (vector<16xf32>, vector<16xf32>, vector<16xi1>) -> (vector<16xi1>, vector<16xf32>, vector<16xf32>)
      %masked_sort3A_27 = arith.constant dense<true> : vector<16xi1>
      %masked_sort3A_28, %masked_sort3A_29, %masked_sort3A_30 = tpu.sort %get3A_17, %get3A_17 masked %masked_sort3A_27 {descending = true} : (vector<16xf32>, vector<16xf32>, vector<16xi1>) -> (vector<16xi1>, vector<16xf32>, vector<16xf32>)
      %rev3A = arith.constant 15 : i32
      %rev3A_31 = vector.broadcast %rev3A : i32 to vector<16xi32>
      %rev3A_32 = tpu.iota {dimensions = array<i32: 0>} : vector<16xi32>
      %rev3A_33 = arith.subi %rev3A_31, %rev3A_32 : vector<16xi32>
      %rev3A_34 = tpu.dynamic_gather %masked_sort3A_29[%rev3A_33] in [0] : vector<16xf32>, vector<16xi32> -> vector<16xf32>
      %max3A = arith.maximumf %masked_sort3A_25, %rev3A_34 : vector<16xf32>
      %masked_sort3A_35 = arith.constant dense<true> : vector<16xi1>
      %masked_sort3A_36, %masked_sort3A_37, %masked_sort3A_38 = tpu.sort %max3A, %max3A masked %masked_sort3A_35 {descending = true} : (vector<16xf32>, vector<16xf32>, vector<16xi1>) -> (vector<16xi1>, vector<16xf32>, vector<16xf32>)
      %masked_sort3A_39 = arith.constant dense<true> : vector<16xi1>
      %masked_sort3A_40, %masked_sort3A_41, %masked_sort3A_42 = tpu.sort %get3A_20, %get3A_20 masked %masked_sort3A_39 {descending = true} : (vector<16xf32>, vector<16xf32>, vector<16xi1>) -> (vector<16xi1>, vector<16xf32>, vector<16xf32>)
      %rev3A_43 = arith.constant 15 : i32
      %rev3A_44 = vector.broadcast %rev3A_43 : i32 to vector<16xi32>
      %rev3A_45 = tpu.iota {dimensions = array<i32: 0>} : vector<16xi32>
      %rev3A_46 = arith.subi %rev3A_44, %rev3A_45 : vector<16xi32>
      %rev3A_47 = tpu.dynamic_gather %masked_sort3A_41[%rev3A_46] in [0] : vector<16xf32>, vector<16xi32> -> vector<16xf32>
      %max3A_48 = arith.maximumf %masked_sort3A_37, %rev3A_47 : vector<16xf32>
      %masked_sort3A_49 = arith.constant dense<true> : vector<16xi1>
      %masked_sort3A_50, %masked_sort3A_51, %masked_sort3A_52 = tpu.sort %max3A_48, %max3A_48 masked %masked_sort3A_49 {descending = true} : (vector<16xf32>, vector<16xf32>, vector<16xi1>) -> (vector<16xi1>, vector<16xf32>, vector<16xf32>)
      %masked_sort3A_53 = arith.constant dense<true> : vector<16xi1>
      %masked_sort3A_54, %masked_sort3A_55, %masked_sort3A_56 = tpu.sort %get3A_23, %get3A_23 masked %masked_sort3A_53 {descending = true} : (vector<16xf32>, vector<16xf32>, vector<16xi1>) -> (vector<16xi1>, vector<16xf32>, vector<16xf32>)
      %rev3A_57 = arith.constant 15 : i32
      %rev3A_58 = vector.broadcast %rev3A_57 : i32 to vector<16xi32>
      %rev3A_59 = tpu.iota {dimensions = array<i32: 0>} : vector<16xi32>
      %rev3A_60 = arith.subi %rev3A_58, %rev3A_59 : vector<16xi32>
      %rev3A_61 = tpu.dynamic_gather %masked_sort3A_55[%rev3A_60] in [0] : vector<16xf32>, vector<16xi32> -> vector<16xf32>
      %max3A_62 = arith.maximumf %masked_sort3A_51, %rev3A_61 : vector<16xf32>
      %masked_sort3A_63 = arith.constant dense<true> : vector<16xi1>
      %masked_sort3A_64, %masked_sort3A_65, %masked_sort3A_66 = tpu.sort %max3A_62, %max3A_62 masked %masked_sort3A_63 {descending = true} : (vector<16xf32>, vector<16xf32>, vector<16xi1>) -> (vector<16xi1>, vector<16xf32>, vector<16xf32>)
      %broadcast_in_dim3A = arith.constant 0 : i32
      %broadcast_in_dim3A_67 = vector.broadcast %broadcast_in_dim3A : i32 to vector<16xi32>
      %lt3A = arith.constant 0 : i32
      %lt3A_68 = vector.broadcast %lt3A : i32 to vector<16xi32>
      %lt3A_69 = arith.cmpi slt, %broadcast_in_dim3A_67, %lt3A_68 : vector<16xi32>
      %add3A_70 = arith.constant 16 : i32
      %add3A_71 = vector.broadcast %add3A_70 : i32 to vector<16xi32>
      %add3A_72 = arith.addi %broadcast_in_dim3A_67, %add3A_71 : vector<16xi32>
      %select_n3A = arith.select %lt3A_69, %add3A_72, %broadcast_in_dim3A_67 : vector<16xi1>, vector<16xi32>
      %broadcast_in_dim3A_73 = vector.shape_cast %select_n3A : vector<16xi32> to vector<16x1xi32>
      %gather3A = vector.shape_cast %broadcast_in_dim3A_73 : vector<16x1xi32> to vector<16xi32>
      %gather3A_74 = tpu.dynamic_gather %masked_sort3A_65[%gather3A] in [0] : vector<16xf32>, vector<16xi32> -> vector<16xf32>
      %broadcast_in_dim3A_75 = arith.constant 15 : i32
      %broadcast_in_dim3A_76 = vector.broadcast %broadcast_in_dim3A_75 : i32 to vector<16xi32>
      %lt3A_77 = arith.constant 0 : i32
      %lt3A_78 = vector.broadcast %lt3A_77 : i32 to vector<16xi32>
      %lt3A_79 = arith.cmpi slt, %broadcast_in_dim3A_76, %lt3A_78 : vector<16xi32>
      %add3A_80 = arith.constant 16 : i32
      %add3A_81 = vector.broadcast %add3A_80 : i32 to vector<16xi32>
      %add3A_82 = arith.addi %broadcast_in_dim3A_76, %add3A_81 : vector<16xi32>
      %select_n3A_83 = arith.select %lt3A_79, %add3A_82, %broadcast_in_dim3A_76 : vector<16xi1>, vector<16xi32>
      %broadcast_in_dim3A_84 = vector.shape_cast %select_n3A_83 : vector<16xi32> to vector<16x1xi32>
      %gather3A_85 = vector.shape_cast %broadcast_in_dim3A_84 : vector<16x1xi32> to vector<16xi32>
      %gather3A_86 = tpu.dynamic_gather %masked_sort3A_65[%gather3A_85] in [0] : vector<16xf32>, vector<16xi32> -> vector<16xf32>
      %sub3A = arith.subf %masked_sort3A_65, %gather3A_74 : vector<16xf32>
      %exp3A = math.exp %sub3A : vector<16xf32>
      %cumsum3A = arith.constant true
      %cumsum3A_87 = vector.broadcast %cumsum3A : i1 to vector<16xi1>
      %cumsum3A_88 = tpu.scan <sum>, %exp3A masked %cumsum3A_87 : vector<16xf32>, vector<16xi1> -> vector<16xf32>
      %broadcast_in_dim3A_89 = arith.constant 15 : i32
      %broadcast_in_dim3A_90 = vector.broadcast %broadcast_in_dim3A_89 : i32 to vector<16xi32>
      %lt3A_91 = arith.constant 0 : i32
      %lt3A_92 = vector.broadcast %lt3A_91 : i32 to vector<16xi32>
      %lt3A_93 = arith.cmpi slt, %broadcast_in_dim3A_90, %lt3A_92 : vector<16xi32>
      %add3A_94 = arith.constant 16 : i32
      %add3A_95 = vector.broadcast %add3A_94 : i32 to vector<16xi32>
      %add3A_96 = arith.addi %broadcast_in_dim3A_90, %add3A_95 : vector<16xi32>
      %select_n3A_97 = arith.select %lt3A_93, %add3A_96, %broadcast_in_dim3A_90 : vector<16xi1>, vector<16xi32>
      %broadcast_in_dim3A_98 = vector.shape_cast %select_n3A_97 : vector<16xi32> to vector<16x1xi32>
      %gather3A_99 = vector.shape_cast %broadcast_in_dim3A_98 : vector<16x1xi32> to vector<16xi32>
      %gather3A_100 = tpu.dynamic_gather %cumsum3A_88[%gather3A_99] in [0] : vector<16xf32>, vector<16xi32> -> vector<16xf32>
      %div3A = arith.constant 1.000000e+00 : f32
      %div3A_101 = vector.broadcast %div3A : f32 to vector<16xf32>
      %div3A_102 = arith.divf %div3A_101, %gather3A_100 : vector<16xf32>
      %eq3A = arith.cmpf oeq, %masked_sort3A_65, %gather3A_86 : vector<16xf32>
      %convert_element_type3A = arith.extui %eq3A : vector<16xi1> to vector<16xi32>
      %cumsum3A_103 = arith.constant true
      %cumsum3A_104 = vector.broadcast %cumsum3A_103 : i1 to vector<16xi1>
      %cumsum3A_105 = tpu.scan <sum>, %convert_element_type3A masked %cumsum3A_104 : vector<16xi32>, vector<16xi1> -> vector<16xi32>
      %broadcast_in_dim3A_106 = arith.constant 15 : i32
      %broadcast_in_dim3A_107 = vector.broadcast %broadcast_in_dim3A_106 : i32 to vector<16xi32>
      %lt3A_108 = arith.constant 0 : i32
      %lt3A_109 = vector.broadcast %lt3A_108 : i32 to vector<16xi32>
      %lt3A_110 = arith.cmpi slt, %broadcast_in_dim3A_107, %lt3A_109 : vector<16xi32>
      %add3A_111 = arith.constant 16 : i32
      %add3A_112 = vector.broadcast %add3A_111 : i32 to vector<16xi32>
      %add3A_113 = arith.addi %broadcast_in_dim3A_107, %add3A_112 : vector<16xi32>
      %select_n3A_114 = arith.select %lt3A_110, %add3A_113, %broadcast_in_dim3A_107 : vector<16xi1>, vector<16xi32>
      %broadcast_in_dim3A_115 = vector.shape_cast %select_n3A_114 : vector<16xi32> to vector<16x1xi32>
      %gather3A_116 = vector.shape_cast %broadcast_in_dim3A_115 : vector<16x1xi32> to vector<16xi32>
      %gather3A_117 = tpu.dynamic_gather %cumsum3A_105[%gather3A_116] in [0] : vector<16xi32>, vector<16xi32> -> vector<16xi32>
      %broadcast_in_dim3A_118 = arith.constant 0 : i32
      %broadcast_in_dim3A_119 = vector.broadcast %broadcast_in_dim3A_118 : i32 to vector<16xi32>
      %sub3A_120 = arith.subf %get3A_14, %gather3A_74 : vector<16xf32>
      %exp3A_121 = math.exp %sub3A_120 : vector<16xf32>
      %mul3A_122 = arith.mulf %exp3A_121, %div3A_102 : vector<16xf32>
      %gt3A = arith.cmpf ogt, %get3A_14, %gather3A_86 : vector<16xf32>
      %eq3A_123 = arith.cmpf oeq, %get3A_14, %gather3A_86 : vector<16xf32>
      %convert_element_type3A_124 = arith.extui %eq3A_123 : vector<16xi1> to vector<16xi32>
      %cumsum3A_125 = arith.constant true
      %cumsum3A_126 = vector.broadcast %cumsum3A_125 : i1 to vector<16xi1>
      %cumsum3A_127 = tpu.scan <sum>, %convert_element_type3A_124 masked %cumsum3A_126 : vector<16xi32>, vector<16xi1> -> vector<16xi32>
      %add3A_128 = arith.addi %cumsum3A_127, %broadcast_in_dim3A_119 : vector<16xi32>
      %le3A = arith.cmpi sle, %add3A_128, %gather3A_117 : vector<16xi32>
      %and3A = arith.andi %eq3A_123, %le3A : vector<16xi1>
      %or3A = arith.ori %gt3A, %and3A : vector<16xi1>
      %jit3A = arith.constant 0.000000e+00 : f32
      %broadcast_in_dim3A_129 = vector.broadcast %jit3A : f32 to vector<16xf32>
      %select_n3A_130 = arith.select %or3A, %mul3A_122, %broadcast_in_dim3A_129 : vector<16xi1>, vector<16xf32>
      %swap3A = arith.index_cast %add3A_12 : i32 to index
      %swap3A_131 = arith.constant 0 : index
      %swap3A_132 = tpu.vector_load %arg5[%swap3A, %swap3A_131] {strides = array<i32>} : memref<128x128xf32, #tpu.memory_space<vmem>>, vector<16xf32>,
      tpu.vector_store %arg5[%swap3A, %swap3A_131], %select_n3A_130 {strides = array<i32>} : memref<128x128xf32, #tpu.memory_space<vmem>>, vector<16xf32>,
      %broadcast_in_dim3A_133 = arith.constant 15 : i32
      %broadcast_in_dim3A_134 = vector.broadcast %broadcast_in_dim3A_133 : i32 to vector<16xi32>
      %lt3A_135 = arith.constant 0 : i32
      %lt3A_136 = vector.broadcast %lt3A_135 : i32 to vector<16xi32>
      %lt3A_137 = arith.cmpi slt, %broadcast_in_dim3A_134, %lt3A_136 : vector<16xi32>
      %add3A_138 = arith.constant 16 : i32
      %add3A_139 = vector.broadcast %add3A_138 : i32 to vector<16xi32>
      %add3A_140 = arith.addi %broadcast_in_dim3A_134, %add3A_139 : vector<16xi32>
      %select_n3A_141 = arith.select %lt3A_137, %add3A_140, %broadcast_in_dim3A_134 : vector<16xi1>, vector<16xi32>
      %broadcast_in_dim3A_142 = vector.shape_cast %select_n3A_141 : vector<16xi32> to vector<16x1xi32>
      %gather3A_143 = vector.shape_cast %broadcast_in_dim3A_142 : vector<16x1xi32> to vector<16xi32>
      %gather3A_144 = tpu.dynamic_gather %add3A_128[%gather3A_143] in [0] : vector<16xi32>, vector<16xi32> -> vector<16xi32>
      %sub3A_145 = arith.subf %get3A_17, %gather3A_74 : vector<16xf32>
      %exp3A_146 = math.exp %sub3A_145 : vector<16xf32>
      %mul3A_147 = arith.mulf %exp3A_146, %div3A_102 : vector<16xf32>
      %gt3A_148 = arith.cmpf ogt, %get3A_17, %gather3A_86 : vector<16xf32>
      %eq3A_149 = arith.cmpf oeq, %get3A_17, %gather3A_86 : vector<16xf32>
      %convert_element_type3A_150 = arith.extui %eq3A_149 : vector<16xi1> to vector<16xi32>
      %cumsum3A_151 = arith.constant true
      %cumsum3A_152 = vector.broadcast %cumsum3A_151 : i1 to vector<16xi1>
      %cumsum3A_153 = tpu.scan <sum>, %convert_element_type3A_150 masked %cumsum3A_152 : vector<16xi32>, vector<16xi1> -> vector<16xi32>
      %add3A_154 = arith.addi %cumsum3A_153, %gather3A_144 : vector<16xi32>
      %le3A_155 = arith.cmpi sle, %add3A_154, %gather3A_117 : vector<16xi32>
      %and3A_156 = arith.andi %eq3A_149, %le3A_155 : vector<16xi1>
      %or3A_157 = arith.ori %gt3A_148, %and3A_156 : vector<16xi1>
      %jit3A_158 = arith.constant 0.000000e+00 : f32
      %broadcast_in_dim3A_159 = vector.broadcast %jit3A_158 : f32 to vector<16xf32>
      %select_n3A_160 = arith.select %or3A_157, %mul3A_147, %broadcast_in_dim3A_159 : vector<16xi1>, vector<16xf32>
      %swap3A_161 = arith.index_cast %add3A_12 : i32 to index
      %swap3A_162 = arith.constant 16 : index
      %swap3A_163 = tpu.vector_load %arg5[%swap3A_161, %swap3A_162] {strides = array<i32>} : memref<128x128xf32, #tpu.memory_space<vmem>>, vector<16xf32>,
      tpu.vector_store %arg5[%swap3A_161, %swap3A_162], %select_n3A_160 {strides = array<i32>} : memref<128x128xf32, #tpu.memory_space<vmem>>, vector<16xf32>,
      %broadcast_in_dim3A_164 = arith.constant 15 : i32
      %broadcast_in_dim3A_165 = vector.broadcast %broadcast_in_dim3A_164 : i32 to vector<16xi32>
      %lt3A_166 = arith.constant 0 : i32
      %lt3A_167 = vector.broadcast %lt3A_166 : i32 to vector<16xi32>
      %lt3A_168 = arith.cmpi slt, %broadcast_in_dim3A_165, %lt3A_167 : vector<16xi32>
      %add3A_169 = arith.constant 16 : i32
      %add3A_170 = vector.broadcast %add3A_169 : i32 to vector<16xi32>
      %add3A_171 = arith.addi %broadcast_in_dim3A_165, %add3A_170 : vector<16xi32>
      %select_n3A_172 = arith.select %lt3A_168, %add3A_171, %broadcast_in_dim3A_165 : vector<16xi1>, vector<16xi32>
      %broadcast_in_dim3A_173 = vector.shape_cast %select_n3A_172 : vector<16xi32> to vector<16x1xi32>
      %gather3A_174 = vector.shape_cast %broadcast_in_dim3A_173 : vector<16x1xi32> to vector<16xi32>
      %gather3A_175 = tpu.dynamic_gather %add3A_154[%gather3A_174] in [0] : vector<16xi32>, vector<16xi32> -> vector<16xi32>
      %sub3A_176 = arith.subf %get3A_20, %gather3A_74 : vector<16xf32>
      %exp3A_177 = math.exp %sub3A_176 : vector<16xf32>
      %mul3A_178 = arith.mulf %exp3A_177, %div3A_102 : vector<16xf32>
      %gt3A_179 = arith.cmpf ogt, %get3A_20, %gather3A_86 : vector<16xf32>
      %eq3A_180 = arith.cmpf oeq, %get3A_20, %gather3A_86 : vector<16xf32>
      %convert_element_type3A_181 = arith.extui %eq3A_180 : vector<16xi1> to vector<16xi32>
      %cumsum3A_182 = arith.constant true
      %cumsum3A_183 = vector.broadcast %cumsum3A_182 : i1 to vector<16xi1>
      %cumsum3A_184 = tpu.scan <sum>, %convert_element_type3A_181 masked %cumsum3A_183 : vector<16xi32>, vector<16xi1> -> vector<16xi32>
      %add3A_185 = arith.addi %cumsum3A_184, %gather3A_175 : vector<16xi32>
      %le3A_186 = arith.cmpi sle, %add3A_185, %gather3A_117 : vector<16xi32>
      %and3A_187 = arith.andi %eq3A_180, %le3A_186 : vector<16xi1>
      %or3A_188 = arith.ori %gt3A_179, %and3A_187 : vector<16xi1>
      %jit3A_189 = arith.constant 0.000000e+00 : f32
      %broadcast_in_dim3A_190 = vector.broadcast %jit3A_189 : f32 to vector<16xf32>
      %select_n3A_191 = arith.select %or3A_188, %mul3A_178, %broadcast_in_dim3A_190 : vector<16xi1>, vector<16xf32>
      %swap3A_192 = arith.index_cast %add3A_12 : i32 to index
      %swap3A_193 = arith.constant 32 : index
      %swap3A_194 = tpu.vector_load %arg5[%swap3A_192, %swap3A_193] {strides = array<i32>} : memref<128x128xf32, #tpu.memory_space<vmem>>, vector<16xf32>,
      tpu.vector_store %arg5[%swap3A_192, %swap3A_193], %select_n3A_191 {strides = array<i32>} : memref<128x128xf32, #tpu.memory_space<vmem>>, vector<16xf32>,
      %broadcast_in_dim3A_195 = arith.constant 15 : i32
      %broadcast_in_dim3A_196 = vector.broadcast %broadcast_in_dim3A_195 : i32 to vector<16xi32>
      %lt3A_197 = arith.constant 0 : i32
      %lt3A_198 = vector.broadcast %lt3A_197 : i32 to vector<16xi32>
      %lt3A_199 = arith.cmpi slt, %broadcast_in_dim3A_196, %lt3A_198 : vector<16xi32>
      %add3A_200 = arith.constant 16 : i32
      %add3A_201 = vector.broadcast %add3A_200 : i32 to vector<16xi32>
      %add3A_202 = arith.addi %broadcast_in_dim3A_196, %add3A_201 : vector<16xi32>
      %select_n3A_203 = arith.select %lt3A_199, %add3A_202, %broadcast_in_dim3A_196 : vector<16xi1>, vector<16xi32>
      %broadcast_in_dim3A_204 = vector.shape_cast %select_n3A_203 : vector<16xi32> to vector<16x1xi32>
      %gather3A_205 = vector.shape_cast %broadcast_in_dim3A_204 : vector<16x1xi32> to vector<16xi32>
      %gather3A_206 = tpu.dynamic_gather %add3A_185[%gather3A_205] in [0] : vector<16xi32>, vector<16xi32> -> vector<16xi32>
      %sub3A_207 = arith.subf %get3A_23, %gather3A_74 : vector<16xf32>
      %exp3A_208 = math.exp %sub3A_207 : vector<16xf32>
      %mul3A_209 = arith.mulf %exp3A_208, %div3A_102 : vector<16xf32>
      %gt3A_210 = arith.cmpf ogt, %get3A_23, %gather3A_86 : vector<16xf32>
      %eq3A_211 = arith.cmpf oeq, %get3A_23, %gather3A_86 : vector<16xf32>
      %convert_element_type3A_212 = arith.extui %eq3A_211 : vector<16xi1> to vector<16xi32>
      %cumsum3A_213 = arith.constant true
      %cumsum3A_214 = vector.broadcast %cumsum3A_213 : i1 to vector<16xi1>
      %cumsum3A_215 = tpu.scan <sum>, %convert_element_type3A_212 masked %cumsum3A_214 : vector<16xi32>, vector<16xi1> -> vector<16xi32>
      %add3A_216 = arith.addi %cumsum3A_215, %gather3A_206 : vector<16xi32>
      %le3A_217 = arith.cmpi sle, %add3A_216, %gather3A_117 : vector<16xi32>
      %and3A_218 = arith.andi %eq3A_211, %le3A_217 : vector<16xi1>
      %or3A_219 = arith.ori %gt3A_210, %and3A_218 : vector<16xi1>
      %jit3A_220 = arith.constant 0.000000e+00 : f32
      %broadcast_in_dim3A_221 = vector.broadcast %jit3A_220 : f32 to vector<16xf32>
      %select_n3A_222 = arith.select %or3A_219, %mul3A_209, %broadcast_in_dim3A_221 : vector<16xi1>, vector<16xf32>
      %swap3A_223 = arith.index_cast %add3A_12 : i32 to index
      %swap3A_224 = arith.constant 48 : index
      %swap3A_225 = tpu.vector_load %arg5[%swap3A_223, %swap3A_224] {strides = array<i32>} : memref<128x128xf32, #tpu.memory_space<vmem>>, vector<16xf32>,
      tpu.vector_store %arg5[%swap3A_223, %swap3A_224], %select_n3A_222 {strides = array<i32>} : memref<128x128xf32, #tpu.memory_space<vmem>>, vector<16xf32>,
      %broadcast_in_dim3A_226 = arith.constant 15 : i32
      %broadcast_in_dim3A_227 = vector.broadcast %broadcast_in_dim3A_226 : i32 to vector<16xi32>
      %lt3A_228 = arith.constant 0 : i32
      %lt3A_229 = vector.broadcast %lt3A_228 : i32 to vector<16xi32>
      %lt3A_230 = arith.cmpi slt, %broadcast_in_dim3A_227, %lt3A_229 : vector<16xi32>
      %add3A_231 = arith.constant 16 : i32
      %add3A_232 = vector.broadcast %add3A_231 : i32 to vector<16xi32>
      %add3A_233 = arith.addi %broadcast_in_dim3A_227, %add3A_232 : vector<16xi32>
      %select_n3A_234 = arith.select %lt3A_230, %add3A_233, %broadcast_in_dim3A_227 : vector<16xi1>, vector<16xi32>
      %broadcast_in_dim3A_235 = vector.shape_cast %select_n3A_234 : vector<16xi32> to vector<16x1xi32>
      %gather3A_236 = vector.shape_cast %broadcast_in_dim3A_235 : vector<16x1xi32> to vector<16xi32>
      %gather3A_237 = tpu.dynamic_gather %add3A_216[%gather3A_236] in [0] : vector<16xi32>, vector<16xi32> -> vector<16xi32>
      %mul3A_238 = arith.constant 4 : i32
      %mul3A_239 = arith.muli %scan3A_8, %mul3A_238 : i32
      %add3A_240 = arith.constant 1 : i32
      %add3A_241 = arith.addi %mul3A_239, %add3A_240 : i32
      %get3A_242 = arith.index_cast %add3A_241 : i32 to index
      %get3A_243 = arith.constant 0 : index
      %get3A_244 = tpu.vector_load %arg4[%get3A_242, %get3A_243] {strides = array<i32>} : memref<128x128xf32, #tpu.memory_space<vmem>>, vector<16xf32>,
      %get3A_245 = arith.index_cast %add3A_241 : i32 to index
      %get3A_246 = arith.constant 16 : index
      %get3A_247 = tpu.vector_load %arg4[%get3A_245, %get3A_246] {strides = array<i32>} : memref<128x128xf32, #tpu.memory_space<vmem>>, vector<16xf32>,
      %get3A_248 = arith.index_cast %add3A_241 : i32 to index
      %get3A_249 = arith.constant 32 : index
      %get3A_250 = tpu.vector_load %arg4[%get3A_248, %get3A_249] {strides = array<i32>} : memref<128x128xf32, #tpu.memory_space<vmem>>, vector<16xf32>,
      %get3A_251 = arith.index_cast %add3A_241 : i32 to index
      %get3A_252 = arith.constant 48 : index
      %get3A_253 = tpu.vector_load %arg4[%get3A_251, %get3A_252] {strides = array<i32>} : memref<128x128xf32, #tpu.memory_space<vmem>>, vector<16xf32>,
      %masked_sort3A_254 = arith.constant dense<true> : vector<16xi1>
      %masked_sort3A_255, %masked_sort3A_256, %masked_sort3A_257 = tpu.sort %get3A_244, %get3A_244 masked %masked_sort3A_254 {descending = true} : (vector<16xf32>, vector<16xf32>, vector<16xi1>) -> (vector<16xi1>, vector<16xf32>, vector<16xf32>)
      %masked_sort3A_258 = arith.constant dense<true> : vector<16xi1>
      %masked_sort3A_259, %masked_sort3A_260, %masked_sort3A_261 = tpu.sort %get3A_247, %get3A_247 masked %masked_sort3A_258 {descending = true} : (vector<16xf32>, vector<16xf32>, vector<16xi1>) -> (vector<16xi1>, vector<16xf32>, vector<16xf32>)
      %rev3A_262 = arith.constant 15 : i32
      %rev3A_263 = vector.broadcast %rev3A_262 : i32 to vector<16xi32>
      %rev3A_264 = tpu.iota {dimensions = array<i32: 0>} : vector<16xi32>
      %rev3A_265 = arith.subi %rev3A_263, %rev3A_264 : vector<16xi32>
      %rev3A_266 = tpu.dynamic_gather %masked_sort3A_260[%rev3A_265] in [0] : vector<16xf32>, vector<16xi32> -> vector<16xf32>
      %max3A_267 = arith.maximumf %masked_sort3A_256, %rev3A_266 : vector<16xf32>
      %masked_sort3A_268 = arith.constant dense<true> : vector<16xi1>
      %masked_sort3A_269, %masked_sort3A_270, %masked_sort3A_271 = tpu.sort %max3A_267, %max3A_267 masked %masked_sort3A_268 {descending = true} : (vector<16xf32>, vector<16xf32>, vector<16xi1>) -> (vector<16xi1>, vector<16xf32>, vector<16xf32>)
      %masked_sort3A_272 = arith.constant dense<true> : vector<16xi1>
      %masked_sort3A_273, %masked_sort3A_274, %masked_sort3A_275 = tpu.sort %get3A_250, %get3A_250 masked %masked_sort3A_272 {descending = true} : (vector<16xf32>, vector<16xf32>, vector<16xi1>) -> (vector<16xi1>, vector<16xf32>, vector<16xf32>)
      %rev3A_276 = arith.constant 15 : i32
      %rev3A_277 = vector.broadcast %rev3A_276 : i32 to vector<16xi32>
      %rev3A_278 = tpu.iota {dimensions = array<i32: 0>} : vector<16xi32>
      %rev3A_279 = arith.subi %rev3A_277, %rev3A_278 : vector<16xi32>
      %rev3A_280 = tpu.dynamic_gather %masked_sort3A_274[%rev3A_279] in [0] : vector<16xf32>, vector<16xi32> -> vector<16xf32>
      %max3A_281 = arith.maximumf %masked_sort3A_270, %rev3A_280 : vector<16xf32>
      %masked_sort3A_282 = arith.constant dense<true> : vector<16xi1>
      %masked_sort3A_283, %masked_sort3A_284, %masked_sort3A_285 = tpu.sort %max3A_281, %max3A_281 masked %masked_sort3A_282 {descending = true} : (vector<16xf32>, vector<16xf32>, vector<16xi1>) -> (vector<16xi1>, vector<16xf32>, vector<16xf32>)
      %masked_sort3A_286 = arith.constant dense<true> : vector<16xi1>
      %masked_sort3A_287, %masked_sort3A_288, %masked_sort3A_289 = tpu.sort %get3A_253, %get3A_253 masked %masked_sort3A_286 {descending = true} : (vector<16xf32>, vector<16xf32>, vector<16xi1>) -> (vector<16xi1>, vector<16xf32>, vector<16xf32>)
      %rev3A_290 = arith.constant 15 : i32
      %rev3A_291 = vector.broadcast %rev3A_290 : i32 to vector<16xi32>
      %rev3A_292 = tpu.iota {dimensions = array<i32: 0>} : vector<16xi32>
      %rev3A_293 = arith.subi %rev3A_291, %rev3A_292 : vector<16xi32>
      %rev3A_294 = tpu.dynamic_gather %masked_sort3A_288[%rev3A_293] in [0] : vector<16xf32>, vector<16xi32> -> vector<16xf32>
      %max3A_295 = arith.maximumf %masked_sort3A_284, %rev3A_294 : vector<16xf32>
      %masked_sort3A_296 = arith.constant dense<true> : vector<16xi1>
      %masked_sort3A_297, %masked_sort3A_298, %masked_sort3A_299 = tpu.sort %max3A_295, %max3A_295 masked %masked_sort3A_296 {descending = true} : (vector<16xf32>, vector<16xf32>, vector<16xi1>) -> (vector<16xi1>, vector<16xf32>, vector<16xf32>)
      %broadcast_in_dim3A_300 = arith.constant 0 : i32
      %broadcast_in_dim3A_301 = vector.broadcast %broadcast_in_dim3A_300 : i32 to vector<16xi32>
      %lt3A_302 = arith.constant 0 : i32
      %lt3A_303 = vector.broadcast %lt3A_302 : i32 to vector<16xi32>
      %lt3A_304 = arith.cmpi slt, %broadcast_in_dim3A_301, %lt3A_303 : vector<16xi32>
      %add3A_305 = arith.constant 16 : i32
      %add3A_306 = vector.broadcast %add3A_305 : i32 to vector<16xi32>
      %add3A_307 = arith.addi %broadcast_in_dim3A_301, %add3A_306 : vector<16xi32>
      %select_n3A_308 = arith.select %lt3A_304, %add3A_307, %broadcast_in_dim3A_301 : vector<16xi1>, vector<16xi32>
      %broadcast_in_dim3A_309 = vector.shape_cast %select_n3A_308 : vector<16xi32> to vector<16x1xi32>
      %gather3A_310 = vector.shape_cast %broadcast_in_dim3A_309 : vector<16x1xi32> to vector<16xi32>
      %gather3A_311 = tpu.dynamic_gather %masked_sort3A_298[%gather3A_310] in [0] : vector<16xf32>, vector<16xi32> -> vector<16xf32>
      %broadcast_in_dim3A_312 = arith.constant 15 : i32
      %broadcast_in_dim3A_313 = vector.broadcast %broadcast_in_dim3A_312 : i32 to vector<16xi32>
      %lt3A_314 = arith.constant 0 : i32
      %lt3A_315 = vector.broadcast %lt3A_314 : i32 to vector<16xi32>
      %lt3A_316 = arith.cmpi slt, %broadcast_in_dim3A_313, %lt3A_315 : vector<16xi32>
      %add3A_317 = arith.constant 16 : i32
      %add3A_318 = vector.broadcast %add3A_317 : i32 to vector<16xi32>
      %add3A_319 = arith.addi %broadcast_in_dim3A_313, %add3A_318 : vector<16xi32>
      %select_n3A_320 = arith.select %lt3A_316, %add3A_319, %broadcast_in_dim3A_313 : vector<16xi1>, vector<16xi32>
      %broadcast_in_dim3A_321 = vector.shape_cast %select_n3A_320 : vector<16xi32> to vector<16x1xi32>
      %gather3A_322 = vector.shape_cast %broadcast_in_dim3A_321 : vector<16x1xi32> to vector<16xi32>
      %gather3A_323 = tpu.dynamic_gather %masked_sort3A_298[%gather3A_322] in [0] : vector<16xf32>, vector<16xi32> -> vector<16xf32>
      %sub3A_324 = arith.subf %masked_sort3A_298, %gather3A_311 : vector<16xf32>
      %exp3A_325 = math.exp %sub3A_324 : vector<16xf32>
      %cumsum3A_326 = arith.constant true
      %cumsum3A_327 = vector.broadcast %cumsum3A_326 : i1 to vector<16xi1>
      %cumsum3A_328 = tpu.scan <sum>, %exp3A_325 masked %cumsum3A_327 : vector<16xf32>, vector<16xi1> -> vector<16xf32>
      %broadcast_in_dim3A_329 = arith.constant 15 : i32
      %broadcast_in_dim3A_330 = vector.broadcast %broadcast_in_dim3A_329 : i32 to vector<16xi32>
      %lt3A_331 = arith.constant 0 : i32
      %lt3A_332 = vector.broadcast %lt3A_331 : i32 to vector<16xi32>
      %lt3A_333 = arith.cmpi slt, %broadcast_in_dim3A_330, %lt3A_332 : vector<16xi32>
      %add3A_334 = arith.constant 16 : i32
      %add3A_335 = vector.broadcast %add3A_334 : i32 to vector<16xi32>
      %add3A_336 = arith.addi %broadcast_in_dim3A_330, %add3A_335 : vector<16xi32>
      %select_n3A_337 = arith.select %lt3A_333, %add3A_336, %broadcast_in_dim3A_330 : vector<16xi1>, vector<16xi32>
      %broadcast_in_dim3A_338 = vector.shape_cast %select_n3A_337 : vector<16xi32> to vector<16x1xi32>
      %gather3A_339 = vector.shape_cast %broadcast_in_dim3A_338 : vector<16x1xi32> to vector<16xi32>
      %gather3A_340 = tpu.dynamic_gather %cumsum3A_328[%gather3A_339] in [0] : vector<16xf32>, vector<16xi32> -> vector<16xf32>
      %div3A_341 = arith.constant 1.000000e+00 : f32
      %div3A_342 = vector.broadcast %div3A_341 : f32 to vector<16xf32>
      %div3A_343 = arith.divf %div3A_342, %gather3A_340 : vector<16xf32>
      %eq3A_344 = arith.cmpf oeq, %masked_sort3A_298, %gather3A_323 : vector<16xf32>
      %convert_element_type3A_345 = arith.extui %eq3A_344 : vector<16xi1> to vector<16xi32>
      %cumsum3A_346 = arith.constant true
      %cumsum3A_347 = vector.broadcast %cumsum3A_346 : i1 to vector<16xi1>
      %cumsum3A_348 = tpu.scan <sum>, %convert_element_type3A_345 masked %cumsum3A_347 : vector<16xi32>, vector<16xi1> -> vector<16xi32>
      %broadcast_in_dim3A_349 = arith.constant 15 : i32
      %broadcast_in_dim3A_350 = vector.broadcast %broadcast_in_dim3A_349 : i32 to vector<16xi32>
      %lt3A_351 = arith.constant 0 : i32
      %lt3A_352 = vector.broadcast %lt3A_351 : i32 to vector<16xi32>
      %lt3A_353 = arith.cmpi slt, %broadcast_in_dim3A_350, %lt3A_352 : vector<16xi32>
      %add3A_354 = arith.constant 16 : i32
      %add3A_355 = vector.broadcast %add3A_354 : i32 to vector<16xi32>
      %add3A_356 = arith.addi %broadcast_in_dim3A_350, %add3A_355 : vector<16xi32>
      %select_n3A_357 = arith.select %lt3A_353, %add3A_356, %broadcast_in_dim3A_350 : vector<16xi1>, vector<16xi32>
      %broadcast_in_dim3A_358 = vector.shape_cast %select_n3A_357 : vector<16xi32> to vector<16x1xi32>
      %gather3A_359 = vector.shape_cast %broadcast_in_dim3A_358 : vector<16x1xi32> to vector<16xi32>
      %gather3A_360 = tpu.dynamic_gather %cumsum3A_348[%gather3A_359] in [0] : vector<16xi32>, vector<16xi32> -> vector<16xi32>
      %broadcast_in_dim3A_361 = arith.constant 0 : i32
      %broadcast_in_dim3A_362 = vector.broadcast %broadcast_in_dim3A_361 : i32 to vector<16xi32>
      %sub3A_363 = arith.subf %get3A_244, %gather3A_311 : vector<16xf32>
      %exp3A_364 = math.exp %sub3A_363 : vector<16xf32>
      %mul3A_365 = arith.mulf %exp3A_364, %div3A_343 : vector<16xf32>
      %gt3A_366 = arith.cmpf ogt, %get3A_244, %gather3A_323 : vector<16xf32>
      %eq3A_367 = arith.cmpf oeq, %get3A_244, %gather3A_323 : vector<16xf32>
      %convert_element_type3A_368 = arith.extui %eq3A_367 : vector<16xi1> to vector<16xi32>
      %cumsum3A_369 = arith.constant true
      %cumsum3A_370 = vector.broadcast %cumsum3A_369 : i1 to vector<16xi1>
      %cumsum3A_371 = tpu.scan <sum>, %convert_element_type3A_368 masked %cumsum3A_370 : vector<16xi32>, vector<16xi1> -> vector<16xi32>
      %add3A_372 = arith.addi %cumsum3A_371, %broadcast_in_dim3A_362 : vector<16xi32>
      %le3A_373 = arith.cmpi sle, %add3A_372, %gather3A_360 : vector<16xi32>
      %and3A_374 = arith.andi %eq3A_367, %le3A_373 : vector<16xi1>
      %or3A_375 = arith.ori %gt3A_366, %and3A_374 : vector<16xi1>
      %jit3A_376 = arith.constant 0.000000e+00 : f32
      %broadcast_in_dim3A_377 = vector.broadcast %jit3A_376 : f32 to vector<16xf32>
      %select_n3A_378 = arith.select %or3A_375, %mul3A_365, %broadcast_in_dim3A_377 : vector<16xi1>, vector<16xf32>
      %swap3A_379 = arith.index_cast %add3A_241 : i32 to index
      %swap3A_380 = arith.constant 0 : index
      %swap3A_381 = tpu.vector_load %arg5[%swap3A_379, %swap3A_380] {strides = array<i32>} : memref<128x128xf32, #tpu.memory_space<vmem>>, vector<16xf32>,
      tpu.vector_store %arg5[%swap3A_379, %swap3A_380], %select_n3A_378 {strides = array<i32>} : memref<128x128xf32, #tpu.memory_space<vmem>>, vector<16xf32>,
      %broadcast_in_dim3A_382 = arith.constant 15 : i32
      %broadcast_in_dim3A_383 = vector.broadcast %broadcast_in_dim3A_382 : i32 to vector<16xi32>
      %lt3A_384 = arith.constant 0 : i32
      %lt3A_385 = vector.broadcast %lt3A_384 : i32 to vector<16xi32>
      %lt3A_386 = arith.cmpi slt, %broadcast_in_dim3A_383, %lt3A_385 : vector<16xi32>
      %add3A_387 = arith.constant 16 : i32
      %add3A_388 = vector.broadcast %add3A_387 : i32 to vector<16xi32>
      %add3A_389 = arith.addi %broadcast_in_dim3A_383, %add3A_388 : vector<16xi32>
      %select_n3A_390 = arith.select %lt3A_386, %add3A_389, %broadcast_in_dim3A_383 : vector<16xi1>, vector<16xi32>
      %broadcast_in_dim3A_391 = vector.shape_cast %select_n3A_390 : vector<16xi32> to vector<16x1xi32>
      %gather3A_392 = vector.shape_cast %broadcast_in_dim3A_391 : vector<16x1xi32> to vector<16xi32>
      %gather3A_393 = tpu.dynamic_gather %add3A_372[%gather3A_392] in [0] : vector<16xi32>, vector<16xi32> -> vector<16xi32>
      %sub3A_394 = arith.subf %get3A_247, %gather3A_311 : vector<16xf32>
      %exp3A_395 = math.exp %sub3A_394 : vector<16xf32>
      %mul3A_396 = arith.mulf %exp3A_395, %div3A_343 : vector<16xf32>
      %gt3A_397 = arith.cmpf ogt, %get3A_247, %gather3A_323 : vector<16xf32>
      %eq3A_398 = arith.cmpf oeq, %get3A_247, %gather3A_323 : vector<16xf32>
      %convert_element_type3A_399 = arith.extui %eq3A_398 : vector<16xi1> to vector<16xi32>
      %cumsum3A_400 = arith.constant true
      %cumsum3A_401 = vector.broadcast %cumsum3A_400 : i1 to vector<16xi1>
      %cumsum3A_402 = tpu.scan <sum>, %convert_element_type3A_399 masked %cumsum3A_401 : vector<16xi32>, vector<16xi1> -> vector<16xi32>
      %add3A_403 = arith.addi %cumsum3A_402, %gather3A_393 : vector<16xi32>
      %le3A_404 = arith.cmpi sle, %add3A_403, %gather3A_360 : vector<16xi32>
      %and3A_405 = arith.andi %eq3A_398, %le3A_404 : vector<16xi1>
      %or3A_406 = arith.ori %gt3A_397, %and3A_405 : vector<16xi1>
      %jit3A_407 = arith.constant 0.000000e+00 : f32
      %broadcast_in_dim3A_408 = vector.broadcast %jit3A_407 : f32 to vector<16xf32>
      %select_n3A_409 = arith.select %or3A_406, %mul3A_396, %broadcast_in_dim3A_408 : vector<16xi1>, vector<16xf32>
      %swap3A_410 = arith.index_cast %add3A_241 : i32 to index
      %swap3A_411 = arith.constant 16 : index
      %swap3A_412 = tpu.vector_load %arg5[%swap3A_410, %swap3A_411] {strides = array<i32>} : memref<128x128xf32, #tpu.memory_space<vmem>>, vector<16xf32>,
      tpu.vector_store %arg5[%swap3A_410, %swap3A_411], %select_n3A_409 {strides = array<i32>} : memref<128x128xf32, #tpu.memory_space<vmem>>, vector<16xf32>,
      %broadcast_in_dim3A_413 = arith.constant 15 : i32
      %broadcast_in_dim3A_414 = vector.broadcast %broadcast_in_dim3A_413 : i32 to vector<16xi32>
      %lt3A_415 = arith.constant 0 : i32
      %lt3A_416 = vector.broadcast %lt3A_415 : i32 to vector<16xi32>
      %lt3A_417 = arith.cmpi slt, %broadcast_in_dim3A_414, %lt3A_416 : vector<16xi32>
      %add3A_418 = arith.constant 16 : i32
      %add3A_419 = vector.broadcast %add3A_418 : i32 to vector<16xi32>
      %add3A_420 = arith.addi %broadcast_in_dim3A_414, %add3A_419 : vector<16xi32>
      %select_n3A_421 = arith.select %lt3A_417, %add3A_420, %broadcast_in_dim3A_414 : vector<16xi1>, vector<16xi32>
      %broadcast_in_dim3A_422 = vector.shape_cast %select_n3A_421 : vector<16xi32> to vector<16x1xi32>
      %gather3A_423 = vector.shape_cast %broadcast_in_dim3A_422 : vector<16x1xi32> to vector<16xi32>
      %gather3A_424 = tpu.dynamic_gather %add3A_403[%gather3A_423] in [0] : vector<16xi32>, vector<16xi32> -> vector<16xi32>
      %sub3A_425 = arith.subf %get3A_250, %gather3A_311 : vector<16xf32>
      %exp3A_426 = math.exp %sub3A_425 : vector<16xf32>
      %mul3A_427 = arith.mulf %exp3A_426, %div3A_343 : vector<16xf32>
      %gt3A_428 = arith.cmpf ogt, %get3A_250, %gather3A_323 : vector<16xf32>
      %eq3A_429 = arith.cmpf oeq, %get3A_250, %gather3A_323 : vector<16xf32>
      %convert_element_type3A_430 = arith.extui %eq3A_429 : vector<16xi1> to vector<16xi32>
      %cumsum3A_431 = arith.constant true
      %cumsum3A_432 = vector.broadcast %cumsum3A_431 : i1 to vector<16xi1>
      %cumsum3A_433 = tpu.scan <sum>, %convert_element_type3A_430 masked %cumsum3A_432 : vector<16xi32>, vector<16xi1> -> vector<16xi32>
      %add3A_434 = arith.addi %cumsum3A_433, %gather3A_424 : vector<16xi32>
      %le3A_435 = arith.cmpi sle, %add3A_434, %gather3A_360 : vector<16xi32>
      %and3A_436 = arith.andi %eq3A_429, %le3A_435 : vector<16xi1>
      %or3A_437 = arith.ori %gt3A_428, %and3A_436 : vector<16xi1>
      %jit3A_438 = arith.constant 0.000000e+00 : f32
      %broadcast_in_dim3A_439 = vector.broadcast %jit3A_438 : f32 to vector<16xf32>
      %select_n3A_440 = arith.select %or3A_437, %mul3A_427, %broadcast_in_dim3A_439 : vector<16xi1>, vector<16xf32>
      %swap3A_441 = arith.index_cast %add3A_241 : i32 to index
      %swap3A_442 = arith.constant 32 : index
      %swap3A_443 = tpu.vector_load %arg5[%swap3A_441, %swap3A_442] {strides = array<i32>} : memref<128x128xf32, #tpu.memory_space<vmem>>, vector<16xf32>,
      tpu.vector_store %arg5[%swap3A_441, %swap3A_442], %select_n3A_440 {strides = array<i32>} : memref<128x128xf32, #tpu.memory_space<vmem>>, vector<16xf32>,
      %broadcast_in_dim3A_444 = arith.constant 15 : i32
      %broadcast_in_dim3A_445 = vector.broadcast %broadcast_in_dim3A_444 : i32 to vector<16xi32>
      %lt3A_446 = arith.constant 0 : i32
      %lt3A_447 = vector.broadcast %lt3A_446 : i32 to vector<16xi32>
      %lt3A_448 = arith.cmpi slt, %broadcast_in_dim3A_445, %lt3A_447 : vector<16xi32>
      %add3A_449 = arith.constant 16 : i32
      %add3A_450 = vector.broadcast %add3A_449 : i32 to vector<16xi32>
      %add3A_451 = arith.addi %broadcast_in_dim3A_445, %add3A_450 : vector<16xi32>
      %select_n3A_452 = arith.select %lt3A_448, %add3A_451, %broadcast_in_dim3A_445 : vector<16xi1>, vector<16xi32>
      %broadcast_in_dim3A_453 = vector.shape_cast %select_n3A_452 : vector<16xi32> to vector<16x1xi32>
      %gather3A_454 = vector.shape_cast %broadcast_in_dim3A_453 : vector<16x1xi32> to vector<16xi32>
      %gather3A_455 = tpu.dynamic_gather %add3A_434[%gather3A_454] in [0] : vector<16xi32>, vector<16xi32> -> vector<16xi32>
      %sub3A_456 = arith.subf %get3A_253, %gather3A_311 : vector<16xf32>
      %exp3A_457 = math.exp %sub3A_456 : vector<16xf32>
      %mul3A_458 = arith.mulf %exp3A_457, %div3A_343 : vector<16xf32>
      %gt3A_459 = arith.cmpf ogt, %get3A_253, %gather3A_323 : vector<16xf32>
      %eq3A_460 = arith.cmpf oeq, %get3A_253, %gather3A_323 : vector<16xf32>
      %convert_element_type3A_461 = arith.extui %eq3A_460 : vector<16xi1> to vector<16xi32>
      %cumsum3A_462 = arith.constant true
      %cumsum3A_463 = vector.broadcast %cumsum3A_462 : i1 to vector<16xi1>
      %cumsum3A_464 = tpu.scan <sum>, %convert_element_type3A_461 masked %cumsum3A_463 : vector<16xi32>, vector<16xi1> -> vector<16xi32>
      %add3A_465 = arith.addi %cumsum3A_464, %gather3A_455 : vector<16xi32>
      %le3A_466 = arith.cmpi sle, %add3A_465, %gather3A_360 : vector<16xi32>
      %and3A_467 = arith.andi %eq3A_460, %le3A_466 : vector<16xi1>
      %or3A_468 = arith.ori %gt3A_459, %and3A_467 : vector<16xi1>
      %jit3A_469 = arith.constant 0.000000e+00 : f32
      %broadcast_in_dim3A_470 = vector.broadcast %jit3A_469 : f32 to vector<16xf32>
      %select_n3A_471 = arith.select %or3A_468, %mul3A_458, %broadcast_in_dim3A_470 : vector<16xi1>, vector<16xf32>
      %swap3A_472 = arith.index_cast %add3A_241 : i32 to index
      %swap3A_473 = arith.constant 48 : index
      %swap3A_474 = tpu.vector_load %arg5[%swap3A_472, %swap3A_473] {strides = array<i32>} : memref<128x128xf32, #tpu.memory_space<vmem>>, vector<16xf32>,
      tpu.vector_store %arg5[%swap3A_472, %swap3A_473], %select_n3A_471 {strides = array<i32>} : memref<128x128xf32, #tpu.memory_space<vmem>>, vector<16xf32>,
      %broadcast_in_dim3A_475 = arith.constant 15 : i32
      %broadcast_in_dim3A_476 = vector.broadcast %broadcast_in_dim3A_475 : i32 to vector<16xi32>
      %lt3A_477 = arith.constant 0 : i32
      %lt3A_478 = vector.broadcast %lt3A_477 : i32 to vector<16xi32>
      %lt3A_479 = arith.cmpi slt, %broadcast_in_dim3A_476, %lt3A_478 : vector<16xi32>
      %add3A_480 = arith.constant 16 : i32
      %add3A_481 = vector.broadcast %add3A_480 : i32 to vector<16xi32>
      %add3A_482 = arith.addi %broadcast_in_dim3A_476, %add3A_481 : vector<16xi32>
      %select_n3A_483 = arith.select %lt3A_479, %add3A_482, %broadcast_in_dim3A_476 : vector<16xi1>, vector<16xi32>
      %broadcast_in_dim3A_484 = vector.shape_cast %select_n3A_483 : vector<16xi32> to vector<16x1xi32>
      %gather3A_485 = vector.shape_cast %broadcast_in_dim3A_484 : vector<16x1xi32> to vector<16xi32>
      %gather3A_486 = tpu.dynamic_gather %add3A_465[%gather3A_485] in [0] : vector<16xi32>, vector<16xi32> -> vector<16xi32>
      %mul3A_487 = arith.constant 4 : i32
      %mul3A_488 = arith.muli %scan3A_8, %mul3A_487 : i32
      %add3A_489 = arith.constant 2 : i32
      %add3A_490 = arith.addi %mul3A_488, %add3A_489 : i32
      %get3A_491 = arith.index_cast %add3A_490 : i32 to index
      %get3A_492 = arith.constant 0 : index
      %get3A_493 = tpu.vector_load %arg4[%get3A_491, %get3A_492] {strides = array<i32>} : memref<128x128xf32, #tpu.memory_space<vmem>>, vector<16xf32>,
      %get3A_494 = arith.index_cast %add3A_490 : i32 to index
      %get3A_495 = arith.constant 16 : index
      %get3A_496 = tpu.vector_load %arg4[%get3A_494, %get3A_495] {strides = array<i32>} : memref<128x128xf32, #tpu.memory_space<vmem>>, vector<16xf32>,
      %get3A_497 = arith.index_cast %add3A_490 : i32 to index
      %get3A_498 = arith.constant 32 : index
      %get3A_499 = tpu.vector_load %arg4[%get3A_497, %get3A_498] {strides = array<i32>} : memref<128x128xf32, #tpu.memory_space<vmem>>, vector<16xf32>,
      %get3A_500 = arith.index_cast %add3A_490 : i32 to index
      %get3A_501 = arith.constant 48 : index
      %get3A_502 = tpu.vector_load %arg4[%get3A_500, %get3A_501] {strides = array<i32>} : memref<128x128xf32, #tpu.memory_space<vmem>>, vector<16xf32>,
      %masked_sort3A_503 = arith.constant dense<true> : vector<16xi1>
      %masked_sort3A_504, %masked_sort3A_505, %masked_sort3A_506 = tpu.sort %get3A_493, %get3A_493 masked %masked_sort3A_503 {descending = true} : (vector<16xf32>, vector<16xf32>, vector<16xi1>) -> (vector<16xi1>, vector<16xf32>, vector<16xf32>)
      %masked_sort3A_507 = arith.constant dense<true> : vector<16xi1>
      %masked_sort3A_508, %masked_sort3A_509, %masked_sort3A_510 = tpu.sort %get3A_496, %get3A_496 masked %masked_sort3A_507 {descending = true} : (vector<16xf32>, vector<16xf32>, vector<16xi1>) -> (vector<16xi1>, vector<16xf32>, vector<16xf32>)
      %rev3A_511 = arith.constant 15 : i32
      %rev3A_512 = vector.broadcast %rev3A_511 : i32 to vector<16xi32>
      %rev3A_513 = tpu.iota {dimensions = array<i32: 0>} : vector<16xi32>
      %rev3A_514 = arith.subi %rev3A_512, %rev3A_513 : vector<16xi32>
      %rev3A_515 = tpu.dynamic_gather %masked_sort3A_509[%rev3A_514] in [0] : vector<16xf32>, vector<16xi32> -> vector<16xf32>
      %max3A_516 = arith.maximumf %masked_sort3A_505, %rev3A_515 : vector<16xf32>
      %masked_sort3A_517 = arith.constant dense<true> : vector<16xi1>
      %masked_sort3A_518, %masked_sort3A_519, %masked_sort3A_520 = tpu.sort %max3A_516, %max3A_516 masked %masked_sort3A_517 {descending = true} : (vector<16xf32>, vector<16xf32>, vector<16xi1>) -> (vector<16xi1>, vector<16xf32>, vector<16xf32>)
      %masked_sort3A_521 = arith.constant dense<true> : vector<16xi1>
      %masked_sort3A_522, %masked_sort3A_523, %masked_sort3A_524 = tpu.sort %get3A_499, %get3A_499 masked %masked_sort3A_521 {descending = true} : (vector<16xf32>, vector<16xf32>, vector<16xi1>) -> (vector<16xi1>, vector<16xf32>, vector<16xf32>)
      %rev3A_525 = arith.constant 15 : i32
      %rev3A_526 = vector.broadcast %rev3A_525 : i32 to vector<16xi32>
      %rev3A_527 = tpu.iota {dimensions = array<i32: 0>} : vector<16xi32>
      %rev3A_528 = arith.subi %rev3A_526, %rev3A_527 : vector<16xi32>
      %rev3A_529 = tpu.dynamic_gather %masked_sort3A_523[%rev3A_528] in [0] : vector<16xf32>, vector<16xi32> -> vector<16xf32>
      %max3A_530 = arith.maximumf %masked_sort3A_519, %rev3A_529 : vector<16xf32>
      %masked_sort3A_531 = arith.constant dense<true> : vector<16xi1>
      %masked_sort3A_532, %masked_sort3A_533, %masked_sort3A_534 = tpu.sort %max3A_530, %max3A_530 masked %masked_sort3A_531 {descending = true} : (vector<16xf32>, vector<16xf32>, vector<16xi1>) -> (vector<16xi1>, vector<16xf32>, vector<16xf32>)
      %masked_sort3A_535 = arith.constant dense<true> : vector<16xi1>
      %masked_sort3A_536, %masked_sort3A_537, %masked_sort3A_538 = tpu.sort %get3A_502, %get3A_502 masked %masked_sort3A_535 {descending = true} : (vector<16xf32>, vector<16xf32>, vector<16xi1>) -> (vector<16xi1>, vector<16xf32>, vector<16xf32>)
      %rev3A_539 = arith.constant 15 : i32
      %rev3A_540 = vector.broadcast %rev3A_539 : i32 to vector<16xi32>
      %rev3A_541 = tpu.iota {dimensions = array<i32: 0>} : vector<16xi32>
      %rev3A_542 = arith.subi %rev3A_540, %rev3A_541 : vector<16xi32>
      %rev3A_543 = tpu.dynamic_gather %masked_sort3A_537[%rev3A_542] in [0] : vector<16xf32>, vector<16xi32> -> vector<16xf32>
      %max3A_544 = arith.maximumf %masked_sort3A_533, %rev3A_543 : vector<16xf32>
      %masked_sort3A_545 = arith.constant dense<true> : vector<16xi1>
      %masked_sort3A_546, %masked_sort3A_547, %masked_sort3A_548 = tpu.sort %max3A_544, %max3A_544 masked %masked_sort3A_545 {descending = true} : (vector<16xf32>, vector<16xf32>, vector<16xi1>) -> (vector<16xi1>, vector<16xf32>, vector<16xf32>)
      %broadcast_in_dim3A_549 = arith.constant 0 : i32
      %broadcast_in_dim3A_550 = vector.broadcast %broadcast_in_dim3A_549 : i32 to vector<16xi32>
      %lt3A_551 = arith.constant 0 : i32
      %lt3A_552 = vector.broadcast %lt3A_551 : i32 to vector<16xi32>
      %lt3A_553 = arith.cmpi slt, %broadcast_in_dim3A_550, %lt3A_552 : vector<16xi32>
      %add3A_554 = arith.constant 16 : i32
      %add3A_555 = vector.broadcast %add3A_554 : i32 to vector<16xi32>
      %add3A_556 = arith.addi %broadcast_in_dim3A_550, %add3A_555 : vector<16xi32>
      %select_n3A_557 = arith.select %lt3A_553, %add3A_556, %broadcast_in_dim3A_550 : vector<16xi1>, vector<16xi32>
      %broadcast_in_dim3A_558 = vector.shape_cast %select_n3A_557 : vector<16xi32> to vector<16x1xi32>
      %gather3A_559 = vector.shape_cast %broadcast_in_dim3A_558 : vector<16x1xi32> to vector<16xi32>
      %gather3A_560 = tpu.dynamic_gather %masked_sort3A_547[%gather3A_559] in [0] : vector<16xf32>, vector<16xi32> -> vector<16xf32>
      %broadcast_in_dim3A_561 = arith.constant 15 : i32
      %broadcast_in_dim3A_562 = vector.broadcast %broadcast_in_dim3A_561 : i32 to vector<16xi32>
      %lt3A_563 = arith.constant 0 : i32
      %lt3A_564 = vector.broadcast %lt3A_563 : i32 to vector<16xi32>
      %lt3A_565 = arith.cmpi slt, %broadcast_in_dim3A_562, %lt3A_564 : vector<16xi32>
      %add3A_566 = arith.constant 16 : i32
      %add3A_567 = vector.broadcast %add3A_566 : i32 to vector<16xi32>
      %add3A_568 = arith.addi %broadcast_in_dim3A_562, %add3A_567 : vector<16xi32>
      %select_n3A_569 = arith.select %lt3A_565, %add3A_568, %broadcast_in_dim3A_562 : vector<16xi1>, vector<16xi32>
      %broadcast_in_dim3A_570 = vector.shape_cast %select_n3A_569 : vector<16xi32> to vector<16x1xi32>
      %gather3A_571 = vector.shape_cast %broadcast_in_dim3A_570 : vector<16x1xi32> to vector<16xi32>
      %gather3A_572 = tpu.dynamic_gather %masked_sort3A_547[%gather3A_571] in [0] : vector<16xf32>, vector<16xi32> -> vector<16xf32>
      %sub3A_573 = arith.subf %masked_sort3A_547, %gather3A_560 : vector<16xf32>
      %exp3A_574 = math.exp %sub3A_573 : vector<16xf32>
      %cumsum3A_575 = arith.constant true
      %cumsum3A_576 = vector.broadcast %cumsum3A_575 : i1 to vector<16xi1>
      %cumsum3A_577 = tpu.scan <sum>, %exp3A_574 masked %cumsum3A_576 : vector<16xf32>, vector<16xi1> -> vector<16xf32>
      %broadcast_in_dim3A_578 = arith.constant 15 : i32
      %broadcast_in_dim3A_579 = vector.broadcast %broadcast_in_dim3A_578 : i32 to vector<16xi32>
      %lt3A_580 = arith.constant 0 : i32
      %lt3A_581 = vector.broadcast %lt3A_580 : i32 to vector<16xi32>
      %lt3A_582 = arith.cmpi slt, %broadcast_in_dim3A_579, %lt3A_581 : vector<16xi32>
      %add3A_583 = arith.constant 16 : i32
      %add3A_584 = vector.broadcast %add3A_583 : i32 to vector<16xi32>
      %add3A_585 = arith.addi %broadcast_in_dim3A_579, %add3A_584 : vector<16xi32>
      %select_n3A_586 = arith.select %lt3A_582, %add3A_585, %broadcast_in_dim3A_579 : vector<16xi1>, vector<16xi32>
      %broadcast_in_dim3A_587 = vector.shape_cast %select_n3A_586 : vector<16xi32> to vector<16x1xi32>
      %gather3A_588 = vector.shape_cast %broadcast_in_dim3A_587 : vector<16x1xi32> to vector<16xi32>
      %gather3A_589 = tpu.dynamic_gather %cumsum3A_577[%gather3A_588] in [0] : vector<16xf32>, vector<16xi32> -> vector<16xf32>
      %div3A_590 = arith.constant 1.000000e+00 : f32
      %div3A_591 = vector.broadcast %div3A_590 : f32 to vector<16xf32>
      %div3A_592 = arith.divf %div3A_591, %gather3A_589 : vector<16xf32>
      %eq3A_593 = arith.cmpf oeq, %masked_sort3A_547, %gather3A_572 : vector<16xf32>
      %convert_element_type3A_594 = arith.extui %eq3A_593 : vector<16xi1> to vector<16xi32>
      %cumsum3A_595 = arith.constant true
      %cumsum3A_596 = vector.broadcast %cumsum3A_595 : i1 to vector<16xi1>
      %cumsum3A_597 = tpu.scan <sum>, %convert_element_type3A_594 masked %cumsum3A_596 : vector<16xi32>, vector<16xi1> -> vector<16xi32>
      %broadcast_in_dim3A_598 = arith.constant 15 : i32
      %broadcast_in_dim3A_599 = vector.broadcast %broadcast_in_dim3A_598 : i32 to vector<16xi32>
      %lt3A_600 = arith.constant 0 : i32
      %lt3A_601 = vector.broadcast %lt3A_600 : i32 to vector<16xi32>
      %lt3A_602 = arith.cmpi slt, %broadcast_in_dim3A_599, %lt3A_601 : vector<16xi32>
      %add3A_603 = arith.constant 16 : i32
      %add3A_604 = vector.broadcast %add3A_603 : i32 to vector<16xi32>
      %add3A_605 = arith.addi %broadcast_in_dim3A_599, %add3A_604 : vector<16xi32>
      %select_n3A_606 = arith.select %lt3A_602, %add3A_605, %broadcast_in_dim3A_599 : vector<16xi1>, vector<16xi32>
      %broadcast_in_dim3A_607 = vector.shape_cast %select_n3A_606 : vector<16xi32> to vector<16x1xi32>
      %gather3A_608 = vector.shape_cast %broadcast_in_dim3A_607 : vector<16x1xi32> to vector<16xi32>
      %gather3A_609 = tpu.dynamic_gather %cumsum3A_597[%gather3A_608] in [0] : vector<16xi32>, vector<16xi32> -> vector<16xi32>
      %broadcast_in_dim3A_610 = arith.constant 0 : i32
      %broadcast_in_dim3A_611 = vector.broadcast %broadcast_in_dim3A_610 : i32 to vector<16xi32>
      %sub3A_612 = arith.subf %get3A_493, %gather3A_560 : vector<16xf32>
      %exp3A_613 = math.exp %sub3A_612 : vector<16xf32>
      %mul3A_614 = arith.mulf %exp3A_613, %div3A_592 : vector<16xf32>
      %gt3A_615 = arith.cmpf ogt, %get3A_493, %gather3A_572 : vector<16xf32>
      %eq3A_616 = arith.cmpf oeq, %get3A_493, %gather3A_572 : vector<16xf32>
      %convert_element_type3A_617 = arith.extui %eq3A_616 : vector<16xi1> to vector<16xi32>
      %cumsum3A_618 = arith.constant true
      %cumsum3A_619 = vector.broadcast %cumsum3A_618 : i1 to vector<16xi1>
      %cumsum3A_620 = tpu.scan <sum>, %convert_element_type3A_617 masked %cumsum3A_619 : vector<16xi32>, vector<16xi1> -> vector<16xi32>
      %add3A_621 = arith.addi %cumsum3A_620, %broadcast_in_dim3A_611 : vector<16xi32>
      %le3A_622 = arith.cmpi sle, %add3A_621, %gather3A_609 : vector<16xi32>
      %and3A_623 = arith.andi %eq3A_616, %le3A_622 : vector<16xi1>
      %or3A_624 = arith.ori %gt3A_615, %and3A_623 : vector<16xi1>
      %jit3A_625 = arith.constant 0.000000e+00 : f32
      %broadcast_in_dim3A_626 = vector.broadcast %jit3A_625 : f32 to vector<16xf32>
      %select_n3A_627 = arith.select %or3A_624, %mul3A_614, %broadcast_in_dim3A_626 : vector<16xi1>, vector<16xf32>
      %swap3A_628 = arith.index_cast %add3A_490 : i32 to index
      %swap3A_629 = arith.constant 0 : index
      %swap3A_630 = tpu.vector_load %arg5[%swap3A_628, %swap3A_629] {strides = array<i32>} : memref<128x128xf32, #tpu.memory_space<vmem>>, vector<16xf32>,
      tpu.vector_store %arg5[%swap3A_628, %swap3A_629], %select_n3A_627 {strides = array<i32>} : memref<128x128xf32, #tpu.memory_space<vmem>>, vector<16xf32>,
      %broadcast_in_dim3A_631 = arith.constant 15 : i32
      %broadcast_in_dim3A_632 = vector.broadcast %broadcast_in_dim3A_631 : i32 to vector<16xi32>
      %lt3A_633 = arith.constant 0 : i32
      %lt3A_634 = vector.broadcast %lt3A_633 : i32 to vector<16xi32>
      %lt3A_635 = arith.cmpi slt, %broadcast_in_dim3A_632, %lt3A_634 : vector<16xi32>
      %add3A_636 = arith.constant 16 : i32
      %add3A_637 = vector.broadcast %add3A_636 : i32 to vector<16xi32>
      %add3A_638 = arith.addi %broadcast_in_dim3A_632, %add3A_637 : vector<16xi32>
      %select_n3A_639 = arith.select %lt3A_635, %add3A_638, %broadcast_in_dim3A_632 : vector<16xi1>, vector<16xi32>
      %broadcast_in_dim3A_640 = vector.shape_cast %select_n3A_639 : vector<16xi32> to vector<16x1xi32>
      %gather3A_641 = vector.shape_cast %broadcast_in_dim3A_640 : vector<16x1xi32> to vector<16xi32>
      %gather3A_642 = tpu.dynamic_gather %add3A_621[%gather3A_641] in [0] : vector<16xi32>, vector<16xi32> -> vector<16xi32>
      %sub3A_643 = arith.subf %get3A_496, %gather3A_560 : vector<16xf32>
      %exp3A_644 = math.exp %sub3A_643 : vector<16xf32>
      %mul3A_645 = arith.mulf %exp3A_644, %div3A_592 : vector<16xf32>
      %gt3A_646 = arith.cmpf ogt, %get3A_496, %gather3A_572 : vector<16xf32>
      %eq3A_647 = arith.cmpf oeq, %get3A_496, %gather3A_572 : vector<16xf32>
      %convert_element_type3A_648 = arith.extui %eq3A_647 : vector<16xi1> to vector<16xi32>
      %cumsum3A_649 = arith.constant true
      %cumsum3A_650 = vector.broadcast %cumsum3A_649 : i1 to vector<16xi1>
      %cumsum3A_651 = tpu.scan <sum>, %convert_element_type3A_648 masked %cumsum3A_650 : vector<16xi32>, vector<16xi1> -> vector<16xi32>
      %add3A_652 = arith.addi %cumsum3A_651, %gather3A_642 : vector<16xi32>
      %le3A_653 = arith.cmpi sle, %add3A_652, %gather3A_609 : vector<16xi32>
      %and3A_654 = arith.andi %eq3A_647, %le3A_653 : vector<16xi1>
      %or3A_655 = arith.ori %gt3A_646, %and3A_654 : vector<16xi1>
      %jit3A_656 = arith.constant 0.000000e+00 : f32
      %broadcast_in_dim3A_657 = vector.broadcast %jit3A_656 : f32 to vector<16xf32>
      %select_n3A_658 = arith.select %or3A_655, %mul3A_645, %broadcast_in_dim3A_657 : vector<16xi1>, vector<16xf32>
      %swap3A_659 = arith.index_cast %add3A_490 : i32 to index
      %swap3A_660 = arith.constant 16 : index
      %swap3A_661 = tpu.vector_load %arg5[%swap3A_659, %swap3A_660] {strides = array<i32>} : memref<128x128xf32, #tpu.memory_space<vmem>>, vector<16xf32>,
      tpu.vector_store %arg5[%swap3A_659, %swap3A_660], %select_n3A_658 {strides = array<i32>} : memref<128x128xf32, #tpu.memory_space<vmem>>, vector<16xf32>,
      %broadcast_in_dim3A_662 = arith.constant 15 : i32
      %broadcast_in_dim3A_663 = vector.broadcast %broadcast_in_dim3A_662 : i32 to vector<16xi32>
      %lt3A_664 = arith.constant 0 : i32
      %lt3A_665 = vector.broadcast %lt3A_664 : i32 to vector<16xi32>
      %lt3A_666 = arith.cmpi slt, %broadcast_in_dim3A_663, %lt3A_665 : vector<16xi32>
      %add3A_667 = arith.constant 16 : i32
      %add3A_668 = vector.broadcast %add3A_667 : i32 to vector<16xi32>
      %add3A_669 = arith.addi %broadcast_in_dim3A_663, %add3A_668 : vector<16xi32>
      %select_n3A_670 = arith.select %lt3A_666, %add3A_669, %broadcast_in_dim3A_663 : vector<16xi1>, vector<16xi32>
      %broadcast_in_dim3A_671 = vector.shape_cast %select_n3A_670 : vector<16xi32> to vector<16x1xi32>
      %gather3A_672 = vector.shape_cast %broadcast_in_dim3A_671 : vector<16x1xi32> to vector<16xi32>
      %gather3A_673 = tpu.dynamic_gather %add3A_652[%gather3A_672] in [0] : vector<16xi32>, vector<16xi32> -> vector<16xi32>
      %sub3A_674 = arith.subf %get3A_499, %gather3A_560 : vector<16xf32>
      %exp3A_675 = math.exp %sub3A_674 : vector<16xf32>
      %mul3A_676 = arith.mulf %exp3A_675, %div3A_592 : vector<16xf32>
      %gt3A_677 = arith.cmpf ogt, %get3A_499, %gather3A_572 : vector<16xf32>
      %eq3A_678 = arith.cmpf oeq, %get3A_499, %gather3A_572 : vector<16xf32>
      %convert_element_type3A_679 = arith.extui %eq3A_678 : vector<16xi1> to vector<16xi32>
      %cumsum3A_680 = arith.constant true
      %cumsum3A_681 = vector.broadcast %cumsum3A_680 : i1 to vector<16xi1>
      %cumsum3A_682 = tpu.scan <sum>, %convert_element_type3A_679 masked %cumsum3A_681 : vector<16xi32>, vector<16xi1> -> vector<16xi32>
      %add3A_683 = arith.addi %cumsum3A_682, %gather3A_673 : vector<16xi32>
      %le3A_684 = arith.cmpi sle, %add3A_683, %gather3A_609 : vector<16xi32>
      %and3A_685 = arith.andi %eq3A_678, %le3A_684 : vector<16xi1>
      %or3A_686 = arith.ori %gt3A_677, %and3A_685 : vector<16xi1>
      %jit3A_687 = arith.constant 0.000000e+00 : f32
      %broadcast_in_dim3A_688 = vector.broadcast %jit3A_687 : f32 to vector<16xf32>
      %select_n3A_689 = arith.select %or3A_686, %mul3A_676, %broadcast_in_dim3A_688 : vector<16xi1>, vector<16xf32>
      %swap3A_690 = arith.index_cast %add3A_490 : i32 to index
      %swap3A_691 = arith.constant 32 : index
      %swap3A_692 = tpu.vector_load %arg5[%swap3A_690, %swap3A_691] {strides = array<i32>} : memref<128x128xf32, #tpu.memory_space<vmem>>, vector<16xf32>,
      tpu.vector_store %arg5[%swap3A_690, %swap3A_691], %select_n3A_689 {strides = array<i32>} : memref<128x128xf32, #tpu.memory_space<vmem>>, vector<16xf32>,
      %broadcast_in_dim3A_693 = arith.constant 15 : i32
      %broadcast_in_dim3A_694 = vector.broadcast %broadcast_in_dim3A_693 : i32 to vector<16xi32>
      %lt3A_695 = arith.constant 0 : i32
      %lt3A_696 = vector.broadcast %lt3A_695 : i32 to vector<16xi32>
      %lt3A_697 = arith.cmpi slt, %broadcast_in_dim3A_694, %lt3A_696 : vector<16xi32>
      %add3A_698 = arith.constant 16 : i32
      %add3A_699 = vector.broadcast %add3A_698 : i32 to vector<16xi32>
      %add3A_700 = arith.addi %broadcast_in_dim3A_694, %add3A_699 : vector<16xi32>
      %select_n3A_701 = arith.select %lt3A_697, %add3A_700, %broadcast_in_dim3A_694 : vector<16xi1>, vector<16xi32>
      %broadcast_in_dim3A_702 = vector.shape_cast %select_n3A_701 : vector<16xi32> to vector<16x1xi32>
      %gather3A_703 = vector.shape_cast %broadcast_in_dim3A_702 : vector<16x1xi32> to vector<16xi32>
      %gather3A_704 = tpu.dynamic_gather %add3A_683[%gather3A_703] in [0] : vector<16xi32>, vector<16xi32> -> vector<16xi32>
      %sub3A_705 = arith.subf %get3A_502, %gather3A_560 : vector<16xf32>
      %exp3A_706 = math.exp %sub3A_705 : vector<16xf32>
      %mul3A_707 = arith.mulf %exp3A_706, %div3A_592 : vector<16xf32>
      %gt3A_708 = arith.cmpf ogt, %get3A_502, %gather3A_572 : vector<16xf32>
      %eq3A_709 = arith.cmpf oeq, %get3A_502, %gather3A_572 : vector<16xf32>
      %convert_element_type3A_710 = arith.extui %eq3A_709 : vector<16xi1> to vector<16xi32>
      %cumsum3A_711 = arith.constant true
      %cumsum3A_712 = vector.broadcast %cumsum3A_711 : i1 to vector<16xi1>
      %cumsum3A_713 = tpu.scan <sum>, %convert_element_type3A_710 masked %cumsum3A_712 : vector<16xi32>, vector<16xi1> -> vector<16xi32>
      %add3A_714 = arith.addi %cumsum3A_713, %gather3A_704 : vector<16xi32>
      %le3A_715 = arith.cmpi sle, %add3A_714, %gather3A_609 : vector<16xi32>
      %and3A_716 = arith.andi %eq3A_709, %le3A_715 : vector<16xi1>
      %or3A_717 = arith.ori %gt3A_708, %and3A_716 : vector<16xi1>
      %jit3A_718 = arith.constant 0.000000e+00 : f32
      %broadcast_in_dim3A_719 = vector.broadcast %jit3A_718 : f32 to vector<16xf32>
      %select_n3A_720 = arith.select %or3A_717, %mul3A_707, %broadcast_in_dim3A_719 : vector<16xi1>, vector<16xf32>
      %swap3A_721 = arith.index_cast %add3A_490 : i32 to index
      %swap3A_722 = arith.constant 48 : index
      %swap3A_723 = tpu.vector_load %arg5[%swap3A_721, %swap3A_722] {strides = array<i32>} : memref<128x128xf32, #tpu.memory_space<vmem>>, vector<16xf32>,
      tpu.vector_store %arg5[%swap3A_721, %swap3A_722], %select_n3A_720 {strides = array<i32>} : memref<128x128xf32, #tpu.memory_space<vmem>>, vector<16xf32>,
      %broadcast_in_dim3A_724 = arith.constant 15 : i32
      %broadcast_in_dim3A_725 = vector.broadcast %broadcast_in_dim3A_724 : i32 to vector<16xi32>
      %lt3A_726 = arith.constant 0 : i32
      %lt3A_727 = vector.broadcast %lt3A_726 : i32 to vector<16xi32>
      %lt3A_728 = arith.cmpi slt, %broadcast_in_dim3A_725, %lt3A_727 : vector<16xi32>
      %add3A_729 = arith.constant 16 : i32
      %add3A_730 = vector.broadcast %add3A_729 : i32 to vector<16xi32>
      %add3A_731 = arith.addi %broadcast_in_dim3A_725, %add3A_730 : vector<16xi32>
      %select_n3A_732 = arith.select %lt3A_728, %add3A_731, %broadcast_in_dim3A_725 : vector<16xi1>, vector<16xi32>
      %broadcast_in_dim3A_733 = vector.shape_cast %select_n3A_732 : vector<16xi32> to vector<16x1xi32>
      %gather3A_734 = vector.shape_cast %broadcast_in_dim3A_733 : vector<16x1xi32> to vector<16xi32>
      %gather3A_735 = tpu.dynamic_gather %add3A_714[%gather3A_734] in [0] : vector<16xi32>, vector<16xi32> -> vector<16xi32>
      %mul3A_736 = arith.constant 4 : i32
      %mul3A_737 = arith.muli %scan3A_8, %mul3A_736 : i32
      %add3A_738 = arith.constant 3 : i32
      %add3A_739 = arith.addi %mul3A_737, %add3A_738 : i32
      %get3A_740 = arith.index_cast %add3A_739 : i32 to index
      %get3A_741 = arith.constant 0 : index
      %get3A_742 = tpu.vector_load %arg4[%get3A_740, %get3A_741] {strides = array<i32>} : memref<128x128xf32, #tpu.memory_space<vmem>>, vector<16xf32>,
      %get3A_743 = arith.index_cast %add3A_739 : i32 to index
      %get3A_744 = arith.constant 16 : index
      %get3A_745 = tpu.vector_load %arg4[%get3A_743, %get3A_744] {strides = array<i32>} : memref<128x128xf32, #tpu.memory_space<vmem>>, vector<16xf32>,
      %get3A_746 = arith.index_cast %add3A_739 : i32 to index
      %get3A_747 = arith.constant 32 : index
      %get3A_748 = tpu.vector_load %arg4[%get3A_746, %get3A_747] {strides = array<i32>} : memref<128x128xf32, #tpu.memory_space<vmem>>, vector<16xf32>,
      %get3A_749 = arith.index_cast %add3A_739 : i32 to index
      %get3A_750 = arith.constant 48 : index
      %get3A_751 = tpu.vector_load %arg4[%get3A_749, %get3A_750] {strides = array<i32>} : memref<128x128xf32, #tpu.memory_space<vmem>>, vector<16xf32>,
      %masked_sort3A_752 = arith.constant dense<true> : vector<16xi1>
      %masked_sort3A_753, %masked_sort3A_754, %masked_sort3A_755 = tpu.sort %get3A_742, %get3A_742 masked %masked_sort3A_752 {descending = true} : (vector<16xf32>, vector<16xf32>, vector<16xi1>) -> (vector<16xi1>, vector<16xf32>, vector<16xf32>)
      %masked_sort3A_756 = arith.constant dense<true> : vector<16xi1>
      %masked_sort3A_757, %masked_sort3A_758, %masked_sort3A_759 = tpu.sort %get3A_745, %get3A_745 masked %masked_sort3A_756 {descending = true} : (vector<16xf32>, vector<16xf32>, vector<16xi1>) -> (vector<16xi1>, vector<16xf32>, vector<16xf32>)
      %rev3A_760 = arith.constant 15 : i32
      %rev3A_761 = vector.broadcast %rev3A_760 : i32 to vector<16xi32>
      %rev3A_762 = tpu.iota {dimensions = array<i32: 0>} : vector<16xi32>
      %rev3A_763 = arith.subi %rev3A_761, %rev3A_762 : vector<16xi32>
      %rev3A_764 = tpu.dynamic_gather %masked_sort3A_758[%rev3A_763] in [0] : vector<16xf32>, vector<16xi32> -> vector<16xf32>
      %max3A_765 = arith.maximumf %masked_sort3A_754, %rev3A_764 : vector<16xf32>
      %masked_sort3A_766 = arith.constant dense<true> : vector<16xi1>
      %masked_sort3A_767, %masked_sort3A_768, %masked_sort3A_769 = tpu.sort %max3A_765, %max3A_765 masked %masked_sort3A_766 {descending = true} : (vector<16xf32>, vector<16xf32>, vector<16xi1>) -> (vector<16xi1>, vector<16xf32>, vector<16xf32>)
      %masked_sort3A_770 = arith.constant dense<true> : vector<16xi1>
      %masked_sort3A_771, %masked_sort3A_772, %masked_sort3A_773 = tpu.sort %get3A_748, %get3A_748 masked %masked_sort3A_770 {descending = true} : (vector<16xf32>, vector<16xf32>, vector<16xi1>) -> (vector<16xi1>, vector<16xf32>, vector<16xf32>)
      %rev3A_774 = arith.constant 15 : i32
      %rev3A_775 = vector.broadcast %rev3A_774 : i32 to vector<16xi32>
      %rev3A_776 = tpu.iota {dimensions = array<i32: 0>} : vector<16xi32>
      %rev3A_777 = arith.subi %rev3A_775, %rev3A_776 : vector<16xi32>
      %rev3A_778 = tpu.dynamic_gather %masked_sort3A_772[%rev3A_777] in [0] : vector<16xf32>, vector<16xi32> -> vector<16xf32>
      %max3A_779 = arith.maximumf %masked_sort3A_768, %rev3A_778 : vector<16xf32>
      %masked_sort3A_780 = arith.constant dense<true> : vector<16xi1>
      %masked_sort3A_781, %masked_sort3A_782, %masked_sort3A_783 = tpu.sort %max3A_779, %max3A_779 masked %masked_sort3A_780 {descending = true} : (vector<16xf32>, vector<16xf32>, vector<16xi1>) -> (vector<16xi1>, vector<16xf32>, vector<16xf32>)
      %masked_sort3A_784 = arith.constant dense<true> : vector<16xi1>
      %masked_sort3A_785, %masked_sort3A_786, %masked_sort3A_787 = tpu.sort %get3A_751, %get3A_751 masked %masked_sort3A_784 {descending = true} : (vector<16xf32>, vector<16xf32>, vector<16xi1>) -> (vector<16xi1>, vector<16xf32>, vector<16xf32>)
      %rev3A_788 = arith.constant 15 : i32
      %rev3A_789 = vector.broadcast %rev3A_788 : i32 to vector<16xi32>
      %rev3A_790 = tpu.iota {dimensions = array<i32: 0>} : vector<16xi32>
      %rev3A_791 = arith.subi %rev3A_789, %rev3A_790 : vector<16xi32>
      %rev3A_792 = tpu.dynamic_gather %masked_sort3A_786[%rev3A_791] in [0] : vector<16xf32>, vector<16xi32> -> vector<16xf32>
      %max3A_793 = arith.maximumf %masked_sort3A_782, %rev3A_792 : vector<16xf32>
      %masked_sort3A_794 = arith.constant dense<true> : vector<16xi1>
      %masked_sort3A_795, %masked_sort3A_796, %masked_sort3A_797 = tpu.sort %max3A_793, %max3A_793 masked %masked_sort3A_794 {descending = true} : (vector<16xf32>, vector<16xf32>, vector<16xi1>) -> (vector<16xi1>, vector<16xf32>, vector<16xf32>)
      %broadcast_in_dim3A_798 = arith.constant 0 : i32
      %broadcast_in_dim3A_799 = vector.broadcast %broadcast_in_dim3A_798 : i32 to vector<16xi32>
      %lt3A_800 = arith.constant 0 : i32
      %lt3A_801 = vector.broadcast %lt3A_800 : i32 to vector<16xi32>
      %lt3A_802 = arith.cmpi slt, %broadcast_in_dim3A_799, %lt3A_801 : vector<16xi32>
      %add3A_803 = arith.constant 16 : i32
      %add3A_804 = vector.broadcast %add3A_803 : i32 to vector<16xi32>
      %add3A_805 = arith.addi %broadcast_in_dim3A_799, %add3A_804 : vector<16xi32>
      %select_n3A_806 = arith.select %lt3A_802, %add3A_805, %broadcast_in_dim3A_799 : vector<16xi1>, vector<16xi32>
      %broadcast_in_dim3A_807 = vector.shape_cast %select_n3A_806 : vector<16xi32> to vector<16x1xi32>
      %gather3A_808 = vector.shape_cast %broadcast_in_dim3A_807 : vector<16x1xi32> to vector<16xi32>
      %gather3A_809 = tpu.dynamic_gather %masked_sort3A_796[%gather3A_808] in [0] : vector<16xf32>, vector<16xi32> -> vector<16xf32>
      %broadcast_in_dim3A_810 = arith.constant 15 : i32
      %broadcast_in_dim3A_811 = vector.broadcast %broadcast_in_dim3A_810 : i32 to vector<16xi32>
      %lt3A_812 = arith.constant 0 : i32
      %lt3A_813 = vector.broadcast %lt3A_812 : i32 to vector<16xi32>
      %lt3A_814 = arith.cmpi slt, %broadcast_in_dim3A_811, %lt3A_813 : vector<16xi32>
      %add3A_815 = arith.constant 16 : i32
      %add3A_816 = vector.broadcast %add3A_815 : i32 to vector<16xi32>
      %add3A_817 = arith.addi %broadcast_in_dim3A_811, %add3A_816 : vector<16xi32>
      %select_n3A_818 = arith.select %lt3A_814, %add3A_817, %broadcast_in_dim3A_811 : vector<16xi1>, vector<16xi32>
      %broadcast_in_dim3A_819 = vector.shape_cast %select_n3A_818 : vector<16xi32> to vector<16x1xi32>
      %gather3A_820 = vector.shape_cast %broadcast_in_dim3A_819 : vector<16x1xi32> to vector<16xi32>
      %gather3A_821 = tpu.dynamic_gather %masked_sort3A_796[%gather3A_820] in [0] : vector<16xf32>, vector<16xi32> -> vector<16xf32>
      %sub3A_822 = arith.subf %masked_sort3A_796, %gather3A_809 : vector<16xf32>
      %exp3A_823 = math.exp %sub3A_822 : vector<16xf32>
      %cumsum3A_824 = arith.constant true
      %cumsum3A_825 = vector.broadcast %cumsum3A_824 : i1 to vector<16xi1>
      %cumsum3A_826 = tpu.scan <sum>, %exp3A_823 masked %cumsum3A_825 : vector<16xf32>, vector<16xi1> -> vector<16xf32>
      %broadcast_in_dim3A_827 = arith.constant 15 : i32
      %broadcast_in_dim3A_828 = vector.broadcast %broadcast_in_dim3A_827 : i32 to vector<16xi32>
      %lt3A_829 = arith.constant 0 : i32
      %lt3A_830 = vector.broadcast %lt3A_829 : i32 to vector<16xi32>
      %lt3A_831 = arith.cmpi slt, %broadcast_in_dim3A_828, %lt3A_830 : vector<16xi32>
      %add3A_832 = arith.constant 16 : i32
      %add3A_833 = vector.broadcast %add3A_832 : i32 to vector<16xi32>
      %add3A_834 = arith.addi %broadcast_in_dim3A_828, %add3A_833 : vector<16xi32>
      %select_n3A_835 = arith.select %lt3A_831, %add3A_834, %broadcast_in_dim3A_828 : vector<16xi1>, vector<16xi32>
      %broadcast_in_dim3A_836 = vector.shape_cast %select_n3A_835 : vector<16xi32> to vector<16x1xi32>
      %gather3A_837 = vector.shape_cast %broadcast_in_dim3A_836 : vector<16x1xi32> to vector<16xi32>
      %gather3A_838 = tpu.dynamic_gather %cumsum3A_826[%gather3A_837] in [0] : vector<16xf32>, vector<16xi32> -> vector<16xf32>
      %div3A_839 = arith.constant 1.000000e+00 : f32
      %div3A_840 = vector.broadcast %div3A_839 : f32 to vector<16xf32>
      %div3A_841 = arith.divf %div3A_840, %gather3A_838 : vector<16xf32>
      %eq3A_842 = arith.cmpf oeq, %masked_sort3A_796, %gather3A_821 : vector<16xf32>
      %convert_element_type3A_843 = arith.extui %eq3A_842 : vector<16xi1> to vector<16xi32>
      %cumsum3A_844 = arith.constant true
      %cumsum3A_845 = vector.broadcast %cumsum3A_844 : i1 to vector<16xi1>
      %cumsum3A_846 = tpu.scan <sum>, %convert_element_type3A_843 masked %cumsum3A_845 : vector<16xi32>, vector<16xi1> -> vector<16xi32>
      %broadcast_in_dim3A_847 = arith.constant 15 : i32
      %broadcast_in_dim3A_848 = vector.broadcast %broadcast_in_dim3A_847 : i32 to vector<16xi32>
      %lt3A_849 = arith.constant 0 : i32
      %lt3A_850 = vector.broadcast %lt3A_849 : i32 to vector<16xi32>
      %lt3A_851 = arith.cmpi slt, %broadcast_in_dim3A_848, %lt3A_850 : vector<16xi32>
      %add3A_852 = arith.constant 16 : i32
      %add3A_853 = vector.broadcast %add3A_852 : i32 to vector<16xi32>
      %add3A_854 = arith.addi %broadcast_in_dim3A_848, %add3A_853 : vector<16xi32>
      %select_n3A_855 = arith.select %lt3A_851, %add3A_854, %broadcast_in_dim3A_848 : vector<16xi1>, vector<16xi32>
      %broadcast_in_dim3A_856 = vector.shape_cast %select_n3A_855 : vector<16xi32> to vector<16x1xi32>
      %gather3A_857 = vector.shape_cast %broadcast_in_dim3A_856 : vector<16x1xi32> to vector<16xi32>
      %gather3A_858 = tpu.dynamic_gather %cumsum3A_846[%gather3A_857] in [0] : vector<16xi32>, vector<16xi32> -> vector<16xi32>
      %broadcast_in_dim3A_859 = arith.constant 0 : i32
      %broadcast_in_dim3A_860 = vector.broadcast %broadcast_in_dim3A_859 : i32 to vector<16xi32>
      %sub3A_861 = arith.subf %get3A_742, %gather3A_809 : vector<16xf32>
      %exp3A_862 = math.exp %sub3A_861 : vector<16xf32>
      %mul3A_863 = arith.mulf %exp3A_862, %div3A_841 : vector<16xf32>
      %gt3A_864 = arith.cmpf ogt, %get3A_742, %gather3A_821 : vector<16xf32>
      %eq3A_865 = arith.cmpf oeq, %get3A_742, %gather3A_821 : vector<16xf32>
      %convert_element_type3A_866 = arith.extui %eq3A_865 : vector<16xi1> to vector<16xi32>
      %cumsum3A_867 = arith.constant true
      %cumsum3A_868 = vector.broadcast %cumsum3A_867 : i1 to vector<16xi1>
      %cumsum3A_869 = tpu.scan <sum>, %convert_element_type3A_866 masked %cumsum3A_868 : vector<16xi32>, vector<16xi1> -> vector<16xi32>
      %add3A_870 = arith.addi %cumsum3A_869, %broadcast_in_dim3A_860 : vector<16xi32>
      %le3A_871 = arith.cmpi sle, %add3A_870, %gather3A_858 : vector<16xi32>
      %and3A_872 = arith.andi %eq3A_865, %le3A_871 : vector<16xi1>
      %or3A_873 = arith.ori %gt3A_864, %and3A_872 : vector<16xi1>
      %jit3A_874 = arith.constant 0.000000e+00 : f32
      %broadcast_in_dim3A_875 = vector.broadcast %jit3A_874 : f32 to vector<16xf32>
      %select_n3A_876 = arith.select %or3A_873, %mul3A_863, %broadcast_in_dim3A_875 : vector<16xi1>, vector<16xf32>
      %swap3A_877 = arith.index_cast %add3A_739 : i32 to index
      %swap3A_878 = arith.constant 0 : index
      %swap3A_879 = tpu.vector_load %arg5[%swap3A_877, %swap3A_878] {strides = array<i32>} : memref<128x128xf32, #tpu.memory_space<vmem>>, vector<16xf32>,
      tpu.vector_store %arg5[%swap3A_877, %swap3A_878], %select_n3A_876 {strides = array<i32>} : memref<128x128xf32, #tpu.memory_space<vmem>>, vector<16xf32>,
      %broadcast_in_dim3A_880 = arith.constant 15 : i32
      %broadcast_in_dim3A_881 = vector.broadcast %broadcast_in_dim3A_880 : i32 to vector<16xi32>
      %lt3A_882 = arith.constant 0 : i32
      %lt3A_883 = vector.broadcast %lt3A_882 : i32 to vector<16xi32>
      %lt3A_884 = arith.cmpi slt, %broadcast_in_dim3A_881, %lt3A_883 : vector<16xi32>
      %add3A_885 = arith.constant 16 : i32
      %add3A_886 = vector.broadcast %add3A_885 : i32 to vector<16xi32>
      %add3A_887 = arith.addi %broadcast_in_dim3A_881, %add3A_886 : vector<16xi32>
      %select_n3A_888 = arith.select %lt3A_884, %add3A_887, %broadcast_in_dim3A_881 : vector<16xi1>, vector<16xi32>
      %broadcast_in_dim3A_889 = vector.shape_cast %select_n3A_888 : vector<16xi32> to vector<16x1xi32>
      %gather3A_890 = vector.shape_cast %broadcast_in_dim3A_889 : vector<16x1xi32> to vector<16xi32>
      %gather3A_891 = tpu.dynamic_gather %add3A_870[%gather3A_890] in [0] : vector<16xi32>, vector<16xi32> -> vector<16xi32>
      %sub3A_892 = arith.subf %get3A_745, %gather3A_809 : vector<16xf32>
      %exp3A_893 = math.exp %sub3A_892 : vector<16xf32>
      %mul3A_894 = arith.mulf %exp3A_893, %div3A_841 : vector<16xf32>
      %gt3A_895 = arith.cmpf ogt, %get3A_745, %gather3A_821 : vector<16xf32>
      %eq3A_896 = arith.cmpf oeq, %get3A_745, %gather3A_821 : vector<16xf32>
      %convert_element_type3A_897 = arith.extui %eq3A_896 : vector<16xi1> to vector<16xi32>
      %cumsum3A_898 = arith.constant true
      %cumsum3A_899 = vector.broadcast %cumsum3A_898 : i1 to vector<16xi1>
      %cumsum3A_900 = tpu.scan <sum>, %convert_element_type3A_897 masked %cumsum3A_899 : vector<16xi32>, vector<16xi1> -> vector<16xi32>
      %add3A_901 = arith.addi %cumsum3A_900, %gather3A_891 : vector<16xi32>
      %le3A_902 = arith.cmpi sle, %add3A_901, %gather3A_858 : vector<16xi32>
      %and3A_903 = arith.andi %eq3A_896, %le3A_902 : vector<16xi1>
      %or3A_904 = arith.ori %gt3A_895, %and3A_903 : vector<16xi1>
      %jit3A_905 = arith.constant 0.000000e+00 : f32
      %broadcast_in_dim3A_906 = vector.broadcast %jit3A_905 : f32 to vector<16xf32>
      %select_n3A_907 = arith.select %or3A_904, %mul3A_894, %broadcast_in_dim3A_906 : vector<16xi1>, vector<16xf32>
      %swap3A_908 = arith.index_cast %add3A_739 : i32 to index
      %swap3A_909 = arith.constant 16 : index
      %swap3A_910 = tpu.vector_load %arg5[%swap3A_908, %swap3A_909] {strides = array<i32>} : memref<128x128xf32, #tpu.memory_space<vmem>>, vector<16xf32>,
      tpu.vector_store %arg5[%swap3A_908, %swap3A_909], %select_n3A_907 {strides = array<i32>} : memref<128x128xf32, #tpu.memory_space<vmem>>, vector<16xf32>,
      %broadcast_in_dim3A_911 = arith.constant 15 : i32
      %broadcast_in_dim3A_912 = vector.broadcast %broadcast_in_dim3A_911 : i32 to vector<16xi32>
      %lt3A_913 = arith.constant 0 : i32
      %lt3A_914 = vector.broadcast %lt3A_913 : i32 to vector<16xi32>
      %lt3A_915 = arith.cmpi slt, %broadcast_in_dim3A_912, %lt3A_914 : vector<16xi32>
      %add3A_916 = arith.constant 16 : i32
      %add3A_917 = vector.broadcast %add3A_916 : i32 to vector<16xi32>
      %add3A_918 = arith.addi %broadcast_in_dim3A_912, %add3A_917 : vector<16xi32>
      %select_n3A_919 = arith.select %lt3A_915, %add3A_918, %broadcast_in_dim3A_912 : vector<16xi1>, vector<16xi32>
      %broadcast_in_dim3A_920 = vector.shape_cast %select_n3A_919 : vector<16xi32> to vector<16x1xi32>
      %gather3A_921 = vector.shape_cast %broadcast_in_dim3A_920 : vector<16x1xi32> to vector<16xi32>
      %gather3A_922 = tpu.dynamic_gather %add3A_901[%gather3A_921] in [0] : vector<16xi32>, vector<16xi32> -> vector<16xi32>
      %sub3A_923 = arith.subf %get3A_748, %gather3A_809 : vector<16xf32>
      %exp3A_924 = math.exp %sub3A_923 : vector<16xf32>
      %mul3A_925 = arith.mulf %exp3A_924, %div3A_841 : vector<16xf32>
      %gt3A_926 = arith.cmpf ogt, %get3A_748, %gather3A_821 : vector<16xf32>
      %eq3A_927 = arith.cmpf oeq, %get3A_748, %gather3A_821 : vector<16xf32>
      %convert_element_type3A_928 = arith.extui %eq3A_927 : vector<16xi1> to vector<16xi32>
      %cumsum3A_929 = arith.constant true
      %cumsum3A_930 = vector.broadcast %cumsum3A_929 : i1 to vector<16xi1>
      %cumsum3A_931 = tpu.scan <sum>, %convert_element_type3A_928 masked %cumsum3A_930 : vector<16xi32>, vector<16xi1> -> vector<16xi32>
      %add3A_932 = arith.addi %cumsum3A_931, %gather3A_922 : vector<16xi32>
      %le3A_933 = arith.cmpi sle, %add3A_932, %gather3A_858 : vector<16xi32>
      %and3A_934 = arith.andi %eq3A_927, %le3A_933 : vector<16xi1>
      %or3A_935 = arith.ori %gt3A_926, %and3A_934 : vector<16xi1>
      %jit3A_936 = arith.constant 0.000000e+00 : f32
      %broadcast_in_dim3A_937 = vector.broadcast %jit3A_936 : f32 to vector<16xf32>
      %select_n3A_938 = arith.select %or3A_935, %mul3A_925, %broadcast_in_dim3A_937 : vector<16xi1>, vector<16xf32>
      %swap3A_939 = arith.index_cast %add3A_739 : i32 to index
      %swap3A_940 = arith.constant 32 : index
      %swap3A_941 = tpu.vector_load %arg5[%swap3A_939, %swap3A_940] {strides = array<i32>} : memref<128x128xf32, #tpu.memory_space<vmem>>, vector<16xf32>,
      tpu.vector_store %arg5[%swap3A_939, %swap3A_940], %select_n3A_938 {strides = array<i32>} : memref<128x128xf32, #tpu.memory_space<vmem>>, vector<16xf32>,
      %broadcast_in_dim3A_942 = arith.constant 15 : i32
      %broadcast_in_dim3A_943 = vector.broadcast %broadcast_in_dim3A_942 : i32 to vector<16xi32>
      %lt3A_944 = arith.constant 0 : i32
      %lt3A_945 = vector.broadcast %lt3A_944 : i32 to vector<16xi32>
      %lt3A_946 = arith.cmpi slt, %broadcast_in_dim3A_943, %lt3A_945 : vector<16xi32>
      %add3A_947 = arith.constant 16 : i32
      %add3A_948 = vector.broadcast %add3A_947 : i32 to vector<16xi32>
      %add3A_949 = arith.addi %broadcast_in_dim3A_943, %add3A_948 : vector<16xi32>
      %select_n3A_950 = arith.select %lt3A_946, %add3A_949, %broadcast_in_dim3A_943 : vector<16xi1>, vector<16xi32>
      %broadcast_in_dim3A_951 = vector.shape_cast %select_n3A_950 : vector<16xi32> to vector<16x1xi32>
      %gather3A_952 = vector.shape_cast %broadcast_in_dim3A_951 : vector<16x1xi32> to vector<16xi32>
      %gather3A_953 = tpu.dynamic_gather %add3A_932[%gather3A_952] in [0] : vector<16xi32>, vector<16xi32> -> vector<16xi32>
      %sub3A_954 = arith.subf %get3A_751, %gather3A_809 : vector<16xf32>
      %exp3A_955 = math.exp %sub3A_954 : vector<16xf32>
      %mul3A_956 = arith.mulf %exp3A_955, %div3A_841 : vector<16xf32>
      %gt3A_957 = arith.cmpf ogt, %get3A_751, %gather3A_821 : vector<16xf32>
      %eq3A_958 = arith.cmpf oeq, %get3A_751, %gather3A_821 : vector<16xf32>
      %convert_element_type3A_959 = arith.extui %eq3A_958 : vector<16xi1> to vector<16xi32>
      %cumsum3A_960 = arith.constant true
      %cumsum3A_961 = vector.broadcast %cumsum3A_960 : i1 to vector<16xi1>
      %cumsum3A_962 = tpu.scan <sum>, %convert_element_type3A_959 masked %cumsum3A_961 : vector<16xi32>, vector<16xi1> -> vector<16xi32>
      %add3A_963 = arith.addi %cumsum3A_962, %gather3A_953 : vector<16xi32>
      %le3A_964 = arith.cmpi sle, %add3A_963, %gather3A_858 : vector<16xi32>
      %and3A_965 = arith.andi %eq3A_958, %le3A_964 : vector<16xi1>
      %or3A_966 = arith.ori %gt3A_957, %and3A_965 : vector<16xi1>
      %jit3A_967 = arith.constant 0.000000e+00 : f32
      %broadcast_in_dim3A_968 = vector.broadcast %jit3A_967 : f32 to vector<16xf32>
      %select_n3A_969 = arith.select %or3A_966, %mul3A_956, %broadcast_in_dim3A_968 : vector<16xi1>, vector<16xf32>
      %swap3A_970 = arith.index_cast %add3A_739 : i32 to index
      %swap3A_971 = arith.constant 48 : index
      %swap3A_972 = tpu.vector_load %arg5[%swap3A_970, %swap3A_971] {strides = array<i32>} : memref<128x128xf32, #tpu.memory_space<vmem>>, vector<16xf32>,
      tpu.vector_store %arg5[%swap3A_970, %swap3A_971], %select_n3A_969 {strides = array<i32>} : memref<128x128xf32, #tpu.memory_space<vmem>>, vector<16xf32>,
      %broadcast_in_dim3A_973 = arith.constant 15 : i32
      %broadcast_in_dim3A_974 = vector.broadcast %broadcast_in_dim3A_973 : i32 to vector<16xi32>
      %lt3A_975 = arith.constant 0 : i32
      %lt3A_976 = vector.broadcast %lt3A_975 : i32 to vector<16xi32>
      %lt3A_977 = arith.cmpi slt, %broadcast_in_dim3A_974, %lt3A_976 : vector<16xi32>
      %add3A_978 = arith.constant 16 : i32
      %add3A_979 = vector.broadcast %add3A_978 : i32 to vector<16xi32>
      %add3A_980 = arith.addi %broadcast_in_dim3A_974, %add3A_979 : vector<16xi32>
      %select_n3A_981 = arith.select %lt3A_977, %add3A_980, %broadcast_in_dim3A_974 : vector<16xi1>, vector<16xi32>
      %broadcast_in_dim3A_982 = vector.shape_cast %select_n3A_981 : vector<16xi32> to vector<16x1xi32>
      %gather3A_983 = vector.shape_cast %broadcast_in_dim3A_982 : vector<16x1xi32> to vector<16xi32>
      %gather3A_984 = tpu.dynamic_gather %add3A_963[%gather3A_983] in [0] : vector<16xi32>, vector<16xi32> -> vector<16xi32>
    }
    %scan3A_7 = arith.constant 32 : i32
    "tpu.region"() ({
      %run_scoped3A = tpu.sem_alloc : memref<!tpu.dma_semaphore, #tpu.memory_space<semaphore_mem>>
      %dma_start3A = arith.constant 0 : i32
      %dma_start3A_8 = tpu.memref_slice %arg3[%mul3A_2, %dma_start3A] : memref<4096x128xf32, #tpu.memory_space<hbm>> -> memref<128x128xf32, #tpu.memory_space<hbm>>
      %dma_start3A_9 = arith.constant 0 : i32
      %dma_start3A_10 = tpu.memref_slice %arg3[%mul3A_2, %dma_start3A_9] : memref<4096x128xf32, #tpu.memory_space<hbm>> -> memref<128x128xf32, #tpu.memory_space<hbm>>
      tpu.enqueue_dma source(%arg5 : memref<128x128xf32, #tpu.memory_space<vmem>>) target(%dma_start3A_10 : memref<128x128xf32, #tpu.memory_space<hbm>>) target_semaphore(%run_scoped3A : memref<!tpu.dma_semaphore, #tpu.memory_space<semaphore_mem>>)
      %dma_wait3A = arith.constant 0 : i32
      %dma_wait3A_11 = tpu.memref_slice %arg3[%mul3A_2, %dma_wait3A] : memref<4096x128xf32, #tpu.memory_space<hbm>> -> memref<128x128xf32, #tpu.memory_space<hbm>>
      %dma_wait3A_12 = arith.constant 0 : i32
      %dma_wait3A_13 = tpu.memref_slice %arg3[%mul3A_2, %dma_wait3A_12] : memref<4096x128xf32, #tpu.memory_space<hbm>> -> memref<128x128xf32, #tpu.memory_space<hbm>>
      tpu.wait_dma2 semaphore(%run_scoped3A : memref<!tpu.dma_semaphore, #tpu.memory_space<semaphore_mem>>) src(%arg5 : memref<128x128xf32, #tpu.memory_space<vmem>>) dst(%dma_wait3A_13 : memref<128x128xf32, #tpu.memory_space<hbm>>)
      tpu.yield
    }) : () -> ()
    return
  }
}

#map = affine_map<(d0, d1) -> (0, 0)>
module attributes {stable_mosaic.version = 14 : i64} {
  func.func @body(%arg0: i32, %arg1: i32, %arg2: memref<4096x128xf32, #tpu.memory_space<hbm>>, %arg3: memref<4096x128xf32, #tpu.memory_space<hbm>>, %arg4: memref<128x128xf32, #tpu.memory_space<vmem>>, %arg5: memref<128x128xf32, #tpu.memory_space<vmem>>) attributes {dimension_semantics = [#tpu.dimension_semantics<core_parallel>, #tpu.dimension_semantics<subcore_parallel>], iteration_bounds = array<i64: 2, 16>, scalar_prefetch = 0 : i64, scratch_operands = 2 : i64, tpu.core_type = #tpu.core_type<sc_vector_subcore>, window_params = [{transform_indices = #map}, {transform_indices = #map}]} {
    %mul3A = arith.constant 2 : i32
    %mul3A_0 = arith.muli %arg1, %mul3A : i32
    %add3A = arith.addi %mul3A_0, %arg0 : i32
    %mul3A_1 = arith.constant 128 : i32
    %mul3A_2 = arith.muli %add3A, %mul3A_1 : i32
    "tpu.region"() ({
      %run_scoped3A = tpu.sem_alloc : memref<!tpu.dma_semaphore, #tpu.memory_space<semaphore_mem>>
      %dma_start3A = arith.constant 0 : i32
      %dma_start3A_8 = tpu.memref_slice %arg2[%mul3A_2, %dma_start3A] : memref<4096x128xf32, #tpu.memory_space<hbm>> -> memref<128x128xf32, #tpu.memory_space<hbm>>
      %dma_start3A_9 = arith.constant 0 : i32
      %dma_start3A_10 = tpu.memref_slice %arg2[%mul3A_2, %dma_start3A_9] : memref<4096x128xf32, #tpu.memory_space<hbm>> -> memref<128x128xf32, #tpu.memory_space<hbm>>
      tpu.enqueue_dma source(%dma_start3A_10 : memref<128x128xf32, #tpu.memory_space<hbm>>) target(%arg4 : memref<128x128xf32, #tpu.memory_space<vmem>>) target_semaphore(%run_scoped3A : memref<!tpu.dma_semaphore, #tpu.memory_space<semaphore_mem>>)
      %dma_wait3A = arith.constant 0 : i32
      %dma_wait3A_11 = tpu.memref_slice %arg2[%mul3A_2, %dma_wait3A] : memref<4096x128xf32, #tpu.memory_space<hbm>> -> memref<128x128xf32, #tpu.memory_space<hbm>>
      %dma_wait3A_12 = arith.constant 0 : i32
      %dma_wait3A_13 = tpu.memref_slice %arg2[%mul3A_2, %dma_wait3A_12] : memref<4096x128xf32, #tpu.memory_space<hbm>> -> memref<128x128xf32, #tpu.memory_space<hbm>>
      tpu.wait_dma2 semaphore(%run_scoped3A : memref<!tpu.dma_semaphore, #tpu.memory_space<semaphore_mem>>) src(%dma_wait3A_13 : memref<128x128xf32, #tpu.memory_space<hbm>>) dst(%arg4 : memref<128x128xf32, #tpu.memory_space<vmem>>)
      tpu.yield
    }) : () -> ()
    %scan3A = arith.constant 0 : i32
    %scan3A_3 = arith.constant 0 : i32
    %scan3A_4 = arith.constant 32 : i32
    %scan3A_5 = arith.addi %scan3A_3, %scan3A_4 : i32
    %scan3A_6 = arith.constant 1 : i32
    scf.for %scan3A_8 = %scan3A_3 to %scan3A_5 step %scan3A_6  : i32 {
      %mul3A_9 = arith.constant 4 : i32
      %mul3A_10 = arith.muli %scan3A_8, %mul3A_9 : i32
      %add3A_11 = arith.constant 0 : i32
      %add3A_12 = arith.addi %mul3A_10, %add3A_11 : i32
      %get3A = arith.index_cast %add3A_12 : i32 to index
      %get3A_13 = arith.constant 0 : index
      %get3A_14 = tpu.vector_load %arg4[%get3A, %get3A_13] {strides = array<i32>} : memref<128x128xf32, #tpu.memory_space<vmem>>, vector<16xf32>,
      %get3A_15 = arith.index_cast %add3A_12 : i32 to index
      %get3A_16 = arith.constant 16 : index
      %get3A_17 = tpu.vector_load %arg4[%get3A_15, %get3A_16] {strides = array<i32>} : memref<128x128xf32, #tpu.memory_space<vmem>>, vector<16xf32>,
      %get3A_18 = arith.index_cast %add3A_12 : i32 to index
      %get3A_19 = arith.constant 32 : index
      %get3A_20 = tpu.vector_load %arg4[%get3A_18, %get3A_19] {strides = array<i32>} : memref<128x128xf32, #tpu.memory_space<vmem>>, vector<16xf32>,
      %get3A_21 = arith.index_cast %add3A_12 : i32 to index
      %get3A_22 = arith.constant 48 : index
      %get3A_23 = tpu.vector_load %arg4[%get3A_21, %get3A_22] {strides = array<i32>} : memref<128x128xf32, #tpu.memory_space<vmem>>, vector<16xf32>,
      %masked_sort3A = arith.constant dense<true> : vector<16xi1>
      %masked_sort3A_24, %masked_sort3A_25, %masked_sort3A_26 = tpu.sort %get3A_14, %get3A_14 masked %masked_sort3A {descending = true} : (vector<16xf32>, vector<16xf32>, vector<16xi1>) -> (vector<16xi1>, vector<16xf32>, vector<16xf32>)
      %masked_sort3A_27 = arith.constant dense<true> : vector<16xi1>
      %masked_sort3A_28, %masked_sort3A_29, %masked_sort3A_30 = tpu.sort %get3A_17, %get3A_17 masked %masked_sort3A_27 {descending = true} : (vector<16xf32>, vector<16xf32>, vector<16xi1>) -> (vector<16xi1>, vector<16xf32>, vector<16xf32>)
      %rev3A = arith.constant 15 : i32
      %rev3A_31 = vector.broadcast %rev3A : i32 to vector<16xi32>
      %rev3A_32 = tpu.iota {dimensions = array<i32: 0>} : vector<16xi32>
      %rev3A_33 = arith.subi %rev3A_31, %rev3A_32 : vector<16xi32>
      %rev3A_34 = tpu.dynamic_gather %masked_sort3A_29[%rev3A_33] in [0] : vector<16xf32>, vector<16xi32> -> vector<16xf32>
      %max3A = arith.maximumf %masked_sort3A_25, %rev3A_34 : vector<16xf32>
      %masked_sort3A_35 = arith.constant dense<true> : vector<16xi1>
      %masked_sort3A_36, %masked_sort3A_37, %masked_sort3A_38 = tpu.sort %max3A, %max3A masked %masked_sort3A_35 {descending = true} : (vector<16xf32>, vector<16xf32>, vector<16xi1>) -> (vector<16xi1>, vector<16xf32>, vector<16xf32>)
      %masked_sort3A_39 = arith.constant dense<true> : vector<16xi1>
      %masked_sort3A_40, %masked_sort3A_41, %masked_sort3A_42 = tpu.sort %get3A_20, %get3A_20 masked %masked_sort3A_39 {descending = true} : (vector<16xf32>, vector<16xf32>, vector<16xi1>) -> (vector<16xi1>, vector<16xf32>, vector<16xf32>)
      %rev3A_43 = arith.constant 15 : i32
      %rev3A_44 = vector.broadcast %rev3A_43 : i32 to vector<16xi32>
      %rev3A_45 = tpu.iota {dimensions = array<i32: 0>} : vector<16xi32>
      %rev3A_46 = arith.subi %rev3A_44, %rev3A_45 : vector<16xi32>
      %rev3A_47 = tpu.dynamic_gather %masked_sort3A_41[%rev3A_46] in [0] : vector<16xf32>, vector<16xi32> -> vector<16xf32>
      %max3A_48 = arith.maximumf %masked_sort3A_37, %rev3A_47 : vector<16xf32>
      %masked_sort3A_49 = arith.constant dense<true> : vector<16xi1>
      %masked_sort3A_50, %masked_sort3A_51, %masked_sort3A_52 = tpu.sort %max3A_48, %max3A_48 masked %masked_sort3A_49 {descending = true} : (vector<16xf32>, vector<16xf32>, vector<16xi1>) -> (vector<16xi1>, vector<16xf32>, vector<16xf32>)
      %masked_sort3A_53 = arith.constant dense<true> : vector<16xi1>
      %masked_sort3A_54, %masked_sort3A_55, %masked_sort3A_56 = tpu.sort %get3A_23, %get3A_23 masked %masked_sort3A_53 {descending = true} : (vector<16xf32>, vector<16xf32>, vector<16xi1>) -> (vector<16xi1>, vector<16xf32>, vector<16xf32>)
      %rev3A_57 = arith.constant 15 : i32
      %rev3A_58 = vector.broadcast %rev3A_57 : i32 to vector<16xi32>
      %rev3A_59 = tpu.iota {dimensions = array<i32: 0>} : vector<16xi32>
      %rev3A_60 = arith.subi %rev3A_58, %rev3A_59 : vector<16xi32>
      %rev3A_61 = tpu.dynamic_gather %masked_sort3A_55[%rev3A_60] in [0] : vector<16xf32>, vector<16xi32> -> vector<16xf32>
      %max3A_62 = arith.maximumf %masked_sort3A_51, %rev3A_61 : vector<16xf32>
      %masked_sort3A_63 = arith.constant dense<true> : vector<16xi1>
      %masked_sort3A_64, %masked_sort3A_65, %masked_sort3A_66 = tpu.sort %max3A_62, %max3A_62 masked %masked_sort3A_63 {descending = true} : (vector<16xf32>, vector<16xf32>, vector<16xi1>) -> (vector<16xi1>, vector<16xf32>, vector<16xf32>)
      %broadcast_in_dim3A = arith.constant 0 : i32
      %broadcast_in_dim3A_67 = vector.broadcast %broadcast_in_dim3A : i32 to vector<16xi32>
      %lt3A = arith.constant 0 : i32
      %lt3A_68 = vector.broadcast %lt3A : i32 to vector<16xi32>
      %lt3A_69 = arith.cmpi slt, %broadcast_in_dim3A_67, %lt3A_68 : vector<16xi32>
      %add3A_70 = arith.constant 16 : i32
      %add3A_71 = vector.broadcast %add3A_70 : i32 to vector<16xi32>
      %add3A_72 = arith.addi %broadcast_in_dim3A_67, %add3A_71 : vector<16xi32>
      %select_n3A = arith.select %lt3A_69, %add3A_72, %broadcast_in_dim3A_67 : vector<16xi1>, vector<16xi32>
      %broadcast_in_dim3A_73 = vector.shape_cast %select_n3A : vector<16xi32> to vector<16x1xi32>
      %gather3A = vector.shape_cast %broadcast_in_dim3A_73 : vector<16x1xi32> to vector<16xi32>
      %gather3A_74 = tpu.dynamic_gather %masked_sort3A_65[%gather3A] in [0] : vector<16xf32>, vector<16xi32> -> vector<16xf32>
      %broadcast_in_dim3A_75 = arith.constant 15 : i32
      %broadcast_in_dim3A_76 = vector.broadcast %broadcast_in_dim3A_75 : i32 to vector<16xi32>
      %lt3A_77 = arith.constant 0 : i32
      %lt3A_78 = vector.broadcast %lt3A_77 : i32 to vector<16xi32>
      %lt3A_79 = arith.cmpi slt, %broadcast_in_dim3A_76, %lt3A_78 : vector<16xi32>
      %add3A_80 = arith.constant 16 : i32
      %add3A_81 = vector.broadcast %add3A_80 : i32 to vector<16xi32>
      %add3A_82 = arith.addi %broadcast_in_dim3A_76, %add3A_81 : vector<16xi32>
      %select_n3A_83 = arith.select %lt3A_79, %add3A_82, %broadcast_in_dim3A_76 : vector<16xi1>, vector<16xi32>
      %broadcast_in_dim3A_84 = vector.shape_cast %select_n3A_83 : vector<16xi32> to vector<16x1xi32>
      %gather3A_85 = vector.shape_cast %broadcast_in_dim3A_84 : vector<16x1xi32> to vector<16xi32>
      %gather3A_86 = tpu.dynamic_gather %masked_sort3A_65[%gather3A_85] in [0] : vector<16xf32>, vector<16xi32> -> vector<16xf32>
      %sub3A = arith.subf %masked_sort3A_65, %gather3A_74 : vector<16xf32>
      %exp3A = math.exp %sub3A : vector<16xf32>
      %cumsum3A = arith.constant true
      %cumsum3A_87 = vector.broadcast %cumsum3A : i1 to vector<16xi1>
      %cumsum3A_88 = tpu.scan <sum>, %exp3A masked %cumsum3A_87 : vector<16xf32>, vector<16xi1> -> vector<16xf32>
      %broadcast_in_dim3A_89 = arith.constant 15 : i32
      %broadcast_in_dim3A_90 = vector.broadcast %broadcast_in_dim3A_89 : i32 to vector<16xi32>
      %lt3A_91 = arith.constant 0 : i32
      %lt3A_92 = vector.broadcast %lt3A_91 : i32 to vector<16xi32>
      %lt3A_93 = arith.cmpi slt, %broadcast_in_dim3A_90, %lt3A_92 : vector<16xi32>
      %add3A_94 = arith.constant 16 : i32
      %add3A_95 = vector.broadcast %add3A_94 : i32 to vector<16xi32>
      %add3A_96 = arith.addi %broadcast_in_dim3A_90, %add3A_95 : vector<16xi32>
      %select_n3A_97 = arith.select %lt3A_93, %add3A_96, %broadcast_in_dim3A_90 : vector<16xi1>, vector<16xi32>
      %broadcast_in_dim3A_98 = vector.shape_cast %select_n3A_97 : vector<16xi32> to vector<16x1xi32>
      %gather3A_99 = vector.shape_cast %broadcast_in_dim3A_98 : vector<16x1xi32> to vector<16xi32>
      %gather3A_100 = tpu.dynamic_gather %cumsum3A_88[%gather3A_99] in [0] : vector<16xf32>, vector<16xi32> -> vector<16xf32>
      %div3A = arith.constant 1.000000e+00 : f32
      %div3A_101 = vector.broadcast %div3A : f32 to vector<16xf32>
      %div3A_102 = arith.divf %div3A_101, %gather3A_100 : vector<16xf32>
      %eq3A = arith.cmpf oeq, %masked_sort3A_65, %gather3A_86 : vector<16xf32>
      %convert_element_type3A = arith.extui %eq3A : vector<16xi1> to vector<16xi32>
      %cumsum3A_103 = arith.constant true
      %cumsum3A_104 = vector.broadcast %cumsum3A_103 : i1 to vector<16xi1>
      %cumsum3A_105 = tpu.scan <sum>, %convert_element_type3A masked %cumsum3A_104 : vector<16xi32>, vector<16xi1> -> vector<16xi32>
      %broadcast_in_dim3A_106 = arith.constant 15 : i32
      %broadcast_in_dim3A_107 = vector.broadcast %broadcast_in_dim3A_106 : i32 to vector<16xi32>
      %lt3A_108 = arith.constant 0 : i32
      %lt3A_109 = vector.broadcast %lt3A_108 : i32 to vector<16xi32>
      %lt3A_110 = arith.cmpi slt, %broadcast_in_dim3A_107, %lt3A_109 : vector<16xi32>
      %add3A_111 = arith.constant 16 : i32
      %add3A_112 = vector.broadcast %add3A_111 : i32 to vector<16xi32>
      %add3A_113 = arith.addi %broadcast_in_dim3A_107, %add3A_112 : vector<16xi32>
      %select_n3A_114 = arith.select %lt3A_110, %add3A_113, %broadcast_in_dim3A_107 : vector<16xi1>, vector<16xi32>
      %broadcast_in_dim3A_115 = vector.shape_cast %select_n3A_114 : vector<16xi32> to vector<16x1xi32>
      %gather3A_116 = vector.shape_cast %broadcast_in_dim3A_115 : vector<16x1xi32> to vector<16xi32>
      %gather3A_117 = tpu.dynamic_gather %cumsum3A_105[%gather3A_116] in [0] : vector<16xi32>, vector<16xi32> -> vector<16xi32>
      %broadcast_in_dim3A_118 = arith.constant 0 : i32
      %broadcast_in_dim3A_119 = vector.broadcast %broadcast_in_dim3A_118 : i32 to vector<16xi32>
      %sub3A_120 = arith.subf %get3A_14, %gather3A_74 : vector<16xf32>
      %exp3A_121 = math.exp %sub3A_120 : vector<16xf32>
      %mul3A_122 = arith.mulf %exp3A_121, %div3A_102 : vector<16xf32>
      %gt3A = arith.cmpf ogt, %get3A_14, %gather3A_86 : vector<16xf32>
      %eq3A_123 = arith.cmpf oeq, %get3A_14, %gather3A_86 : vector<16xf32>
      %convert_element_type3A_124 = arith.extui %eq3A_123 : vector<16xi1> to vector<16xi32>
      %cumsum3A_125 = arith.constant true
      %cumsum3A_126 = vector.broadcast %cumsum3A_125 : i1 to vector<16xi1>
      %cumsum3A_127 = tpu.scan <sum>, %convert_element_type3A_124 masked %cumsum3A_126 : vector<16xi32>, vector<16xi1> -> vector<16xi32>
      %add3A_128 = arith.addi %cumsum3A_127, %broadcast_in_dim3A_119 : vector<16xi32>
      %le3A = arith.cmpi sle, %add3A_128, %gather3A_117 : vector<16xi32>
      %and3A = arith.andi %eq3A_123, %le3A : vector<16xi1>
      %or3A = arith.ori %gt3A, %and3A : vector<16xi1>
      %jit3A = arith.constant 0.000000e+00 : f32
      %broadcast_in_dim3A_129 = vector.broadcast %jit3A : f32 to vector<16xf32>
      %select_n3A_130 = arith.select %or3A, %mul3A_122, %broadcast_in_dim3A_129 : vector<16xi1>, vector<16xf32>
      %swap3A = arith.index_cast %add3A_12 : i32 to index
      %swap3A_131 = arith.constant 0 : index
      %swap3A_132 = tpu.vector_load %arg5[%swap3A, %swap3A_131] {strides = array<i32>} : memref<128x128xf32, #tpu.memory_space<vmem>>, vector<16xf32>,
      tpu.vector_store %arg5[%swap3A, %swap3A_131], %select_n3A_130 {strides = array<i32>} : memref<128x128xf32, #tpu.memory_space<vmem>>, vector<16xf32>,
      %broadcast_in_dim3A_133 = arith.constant 15 : i32
      %broadcast_in_dim3A_134 = vector.broadcast %broadcast_in_dim3A_133 : i32 to vector<16xi32>
      %lt3A_135 = arith.constant 0 : i32
      %lt3A_136 = vector.broadcast %lt3A_135 : i32 to vector<16xi32>
      %lt3A_137 = arith.cmpi slt, %broadcast_in_dim3A_134, %lt3A_136 : vector<16xi32>
      %add3A_138 = arith.constant 16 : i32
      %add3A_139 = vector.broadcast %add3A_138 : i32 to vector<16xi32>
      %add3A_140 = arith.addi %broadcast_in_dim3A_134, %add3A_139 : vector<16xi32>
      %select_n3A_141 = arith.select %lt3A_137, %add3A_140, %broadcast_in_dim3A_134 : vector<16xi1>, vector<16xi32>
      %broadcast_in_dim3A_142 = vector.shape_cast %select_n3A_141 : vector<16xi32> to vector<16x1xi32>
      %gather3A_143 = vector.shape_cast %broadcast_in_dim3A_142 : vector<16x1xi32> to vector<16xi32>
      %gather3A_144 = tpu.dynamic_gather %add3A_128[%gather3A_143] in [0] : vector<16xi32>, vector<16xi32> -> vector<16xi32>
      %sub3A_145 = arith.subf %get3A_17, %gather3A_74 : vector<16xf32>
      %exp3A_146 = math.exp %sub3A_145 : vector<16xf32>
      %mul3A_147 = arith.mulf %exp3A_146, %div3A_102 : vector<16xf32>
      %gt3A_148 = arith.cmpf ogt, %get3A_17, %gather3A_86 : vector<16xf32>
      %eq3A_149 = arith.cmpf oeq, %get3A_17, %gather3A_86 : vector<16xf32>
      %convert_element_type3A_150 = arith.extui %eq3A_149 : vector<16xi1> to vector<16xi32>
      %cumsum3A_151 = arith.constant true
      %cumsum3A_152 = vector.broadcast %cumsum3A_151 : i1 to vector<16xi1>
      %cumsum3A_153 = tpu.scan <sum>, %convert_element_type3A_150 masked %cumsum3A_152 : vector<16xi32>, vector<16xi1> -> vector<16xi32>
      %add3A_154 = arith.addi %cumsum3A_153, %gather3A_144 : vector<16xi32>
      %le3A_155 = arith.cmpi sle, %add3A_154, %gather3A_117 : vector<16xi32>
      %and3A_156 = arith.andi %eq3A_149, %le3A_155 : vector<16xi1>
      %or3A_157 = arith.ori %gt3A_148, %and3A_156 : vector<16xi1>
      %jit3A_158 = arith.constant 0.000000e+00 : f32
      %broadcast_in_dim3A_159 = vector.broadcast %jit3A_158 : f32 to vector<16xf32>
      %select_n3A_160 = arith.select %or3A_157, %mul3A_147, %broadcast_in_dim3A_159 : vector<16xi1>, vector<16xf32>
      %swap3A_161 = arith.index_cast %add3A_12 : i32 to index
      %swap3A_162 = arith.constant 16 : index
      %swap3A_163 = tpu.vector_load %arg5[%swap3A_161, %swap3A_162] {strides = array<i32>} : memref<128x128xf32, #tpu.memory_space<vmem>>, vector<16xf32>,
      tpu.vector_store %arg5[%swap3A_161, %swap3A_162], %select_n3A_160 {strides = array<i32>} : memref<128x128xf32, #tpu.memory_space<vmem>>, vector<16xf32>,
      %broadcast_in_dim3A_164 = arith.constant 15 : i32
      %broadcast_in_dim3A_165 = vector.broadcast %broadcast_in_dim3A_164 : i32 to vector<16xi32>
      %lt3A_166 = arith.constant 0 : i32
      %lt3A_167 = vector.broadcast %lt3A_166 : i32 to vector<16xi32>
      %lt3A_168 = arith.cmpi slt, %broadcast_in_dim3A_165, %lt3A_167 : vector<16xi32>
      %add3A_169 = arith.constant 16 : i32
      %add3A_170 = vector.broadcast %add3A_169 : i32 to vector<16xi32>
      %add3A_171 = arith.addi %broadcast_in_dim3A_165, %add3A_170 : vector<16xi32>
      %select_n3A_172 = arith.select %lt3A_168, %add3A_171, %broadcast_in_dim3A_165 : vector<16xi1>, vector<16xi32>
      %broadcast_in_dim3A_173 = vector.shape_cast %select_n3A_172 : vector<16xi32> to vector<16x1xi32>
      %gather3A_174 = vector.shape_cast %broadcast_in_dim3A_173 : vector<16x1xi32> to vector<16xi32>
      %gather3A_175 = tpu.dynamic_gather %add3A_154[%gather3A_174] in [0] : vector<16xi32>, vector<16xi32> -> vector<16xi32>
      %sub3A_176 = arith.subf %get3A_20, %gather3A_74 : vector<16xf32>
      %exp3A_177 = math.exp %sub3A_176 : vector<16xf32>
      %mul3A_178 = arith.mulf %exp3A_177, %div3A_102 : vector<16xf32>
      %gt3A_179 = arith.cmpf ogt, %get3A_20, %gather3A_86 : vector<16xf32>
      %eq3A_180 = arith.cmpf oeq, %get3A_20, %gather3A_86 : vector<16xf32>
      %convert_element_type3A_181 = arith.extui %eq3A_180 : vector<16xi1> to vector<16xi32>
      %cumsum3A_182 = arith.constant true
      %cumsum3A_183 = vector.broadcast %cumsum3A_182 : i1 to vector<16xi1>
      %cumsum3A_184 = tpu.scan <sum>, %convert_element_type3A_181 masked %cumsum3A_183 : vector<16xi32>, vector<16xi1> -> vector<16xi32>
      %add3A_185 = arith.addi %cumsum3A_184, %gather3A_175 : vector<16xi32>
      %le3A_186 = arith.cmpi sle, %add3A_185, %gather3A_117 : vector<16xi32>
      %and3A_187 = arith.andi %eq3A_180, %le3A_186 : vector<16xi1>
      %or3A_188 = arith.ori %gt3A_179, %and3A_187 : vector<16xi1>
      %jit3A_189 = arith.constant 0.000000e+00 : f32
      %broadcast_in_dim3A_190 = vector.broadcast %jit3A_189 : f32 to vector<16xf32>
      %select_n3A_191 = arith.select %or3A_188, %mul3A_178, %broadcast_in_dim3A_190 : vector<16xi1>, vector<16xf32>
      %swap3A_192 = arith.index_cast %add3A_12 : i32 to index
      %swap3A_193 = arith.constant 32 : index
      %swap3A_194 = tpu.vector_load %arg5[%swap3A_192, %swap3A_193] {strides = array<i32>} : memref<128x128xf32, #tpu.memory_space<vmem>>, vector<16xf32>,
      tpu.vector_store %arg5[%swap3A_192, %swap3A_193], %select_n3A_191 {strides = array<i32>} : memref<128x128xf32, #tpu.memory_space<vmem>>, vector<16xf32>,
      %broadcast_in_dim3A_195 = arith.constant 15 : i32
      %broadcast_in_dim3A_196 = vector.broadcast %broadcast_in_dim3A_195 : i32 to vector<16xi32>
      %lt3A_197 = arith.constant 0 : i32
      %lt3A_198 = vector.broadcast %lt3A_197 : i32 to vector<16xi32>
      %lt3A_199 = arith.cmpi slt, %broadcast_in_dim3A_196, %lt3A_198 : vector<16xi32>
      %add3A_200 = arith.constant 16 : i32
      %add3A_201 = vector.broadcast %add3A_200 : i32 to vector<16xi32>
      %add3A_202 = arith.addi %broadcast_in_dim3A_196, %add3A_201 : vector<16xi32>
      %select_n3A_203 = arith.select %lt3A_199, %add3A_202, %broadcast_in_dim3A_196 : vector<16xi1>, vector<16xi32>
      %broadcast_in_dim3A_204 = vector.shape_cast %select_n3A_203 : vector<16xi32> to vector<16x1xi32>
      %gather3A_205 = vector.shape_cast %broadcast_in_dim3A_204 : vector<16x1xi32> to vector<16xi32>
      %gather3A_206 = tpu.dynamic_gather %add3A_185[%gather3A_205] in [0] : vector<16xi32>, vector<16xi32> -> vector<16xi32>
      %sub3A_207 = arith.subf %get3A_23, %gather3A_74 : vector<16xf32>
      %exp3A_208 = math.exp %sub3A_207 : vector<16xf32>
      %mul3A_209 = arith.mulf %exp3A_208, %div3A_102 : vector<16xf32>
      %gt3A_210 = arith.cmpf ogt, %get3A_23, %gather3A_86 : vector<16xf32>
      %eq3A_211 = arith.cmpf oeq, %get3A_23, %gather3A_86 : vector<16xf32>
      %convert_element_type3A_212 = arith.extui %eq3A_211 : vector<16xi1> to vector<16xi32>
      %cumsum3A_213 = arith.constant true
      %cumsum3A_214 = vector.broadcast %cumsum3A_213 : i1 to vector<16xi1>
      %cumsum3A_215 = tpu.scan <sum>, %convert_element_type3A_212 masked %cumsum3A_214 : vector<16xi32>, vector<16xi1> -> vector<16xi32>
      %add3A_216 = arith.addi %cumsum3A_215, %gather3A_206 : vector<16xi32>
      %le3A_217 = arith.cmpi sle, %add3A_216, %gather3A_117 : vector<16xi32>
      %and3A_218 = arith.andi %eq3A_211, %le3A_217 : vector<16xi1>
      %or3A_219 = arith.ori %gt3A_210, %and3A_218 : vector<16xi1>
      %jit3A_220 = arith.constant 0.000000e+00 : f32
      %broadcast_in_dim3A_221 = vector.broadcast %jit3A_220 : f32 to vector<16xf32>
      %select_n3A_222 = arith.select %or3A_219, %mul3A_209, %broadcast_in_dim3A_221 : vector<16xi1>, vector<16xf32>
      %swap3A_223 = arith.index_cast %add3A_12 : i32 to index
      %swap3A_224 = arith.constant 48 : index
      %swap3A_225 = tpu.vector_load %arg5[%swap3A_223, %swap3A_224] {strides = array<i32>} : memref<128x128xf32, #tpu.memory_space<vmem>>, vector<16xf32>,
      tpu.vector_store %arg5[%swap3A_223, %swap3A_224], %select_n3A_222 {strides = array<i32>} : memref<128x128xf32, #tpu.memory_space<vmem>>, vector<16xf32>,
      %broadcast_in_dim3A_226 = arith.constant 15 : i32
      %broadcast_in_dim3A_227 = vector.broadcast %broadcast_in_dim3A_226 : i32 to vector<16xi32>
      %lt3A_228 = arith.constant 0 : i32
      %lt3A_229 = vector.broadcast %lt3A_228 : i32 to vector<16xi32>
      %lt3A_230 = arith.cmpi slt, %broadcast_in_dim3A_227, %lt3A_229 : vector<16xi32>
      %add3A_231 = arith.constant 16 : i32
      %add3A_232 = vector.broadcast %add3A_231 : i32 to vector<16xi32>
      %add3A_233 = arith.addi %broadcast_in_dim3A_227, %add3A_232 : vector<16xi32>
      %select_n3A_234 = arith.select %lt3A_230, %add3A_233, %broadcast_in_dim3A_227 : vector<16xi1>, vector<16xi32>
      %broadcast_in_dim3A_235 = vector.shape_cast %select_n3A_234 : vector<16xi32> to vector<16x1xi32>
      %gather3A_236 = vector.shape_cast %broadcast_in_dim3A_235 : vector<16x1xi32> to vector<16xi32>
      %gather3A_237 = tpu.dynamic_gather %add3A_216[%gather3A_236] in [0] : vector<16xi32>, vector<16xi32> -> vector<16xi32>
      %mul3A_238 = arith.constant 4 : i32
      %mul3A_239 = arith.muli %scan3A_8, %mul3A_238 : i32
      %add3A_240 = arith.constant 1 : i32
      %add3A_241 = arith.addi %mul3A_239, %add3A_240 : i32
      %get3A_242 = arith.index_cast %add3A_241 : i32 to index
      %get3A_243 = arith.constant 0 : index
      %get3A_244 = tpu.vector_load %arg4[%get3A_242, %get3A_243] {strides = array<i32>} : memref<128x128xf32, #tpu.memory_space<vmem>>, vector<16xf32>,
      %get3A_245 = arith.index_cast %add3A_241 : i32 to index
      %get3A_246 = arith.constant 16 : index
      %get3A_247 = tpu.vector_load %arg4[%get3A_245, %get3A_246] {strides = array<i32>} : memref<128x128xf32, #tpu.memory_space<vmem>>, vector<16xf32>,
      %get3A_248 = arith.index_cast %add3A_241 : i32 to index
      %get3A_249 = arith.constant 32 : index
      %get3A_250 = tpu.vector_load %arg4[%get3A_248, %get3A_249] {strides = array<i32>} : memref<128x128xf32, #tpu.memory_space<vmem>>, vector<16xf32>,
      %get3A_251 = arith.index_cast %add3A_241 : i32 to index
      %get3A_252 = arith.constant 48 : index
      %get3A_253 = tpu.vector_load %arg4[%get3A_251, %get3A_252] {strides = array<i32>} : memref<128x128xf32, #tpu.memory_space<vmem>>, vector<16xf32>,
      %masked_sort3A_254 = arith.constant dense<true> : vector<16xi1>
      %masked_sort3A_255, %masked_sort3A_256, %masked_sort3A_257 = tpu.sort %get3A_244, %get3A_244 masked %masked_sort3A_254 {descending = true} : (vector<16xf32>, vector<16xf32>, vector<16xi1>) -> (vector<16xi1>, vector<16xf32>, vector<16xf32>)
      %masked_sort3A_258 = arith.constant dense<true> : vector<16xi1>
      %masked_sort3A_259, %masked_sort3A_260, %masked_sort3A_261 = tpu.sort %get3A_247, %get3A_247 masked %masked_sort3A_258 {descending = true} : (vector<16xf32>, vector<16xf32>, vector<16xi1>) -> (vector<16xi1>, vector<16xf32>, vector<16xf32>)
      %rev3A_262 = arith.constant 15 : i32
      %rev3A_263 = vector.broadcast %rev3A_262 : i32 to vector<16xi32>
      %rev3A_264 = tpu.iota {dimensions = array<i32: 0>} : vector<16xi32>
      %rev3A_265 = arith.subi %rev3A_263, %rev3A_264 : vector<16xi32>
      %rev3A_266 = tpu.dynamic_gather %masked_sort3A_260[%rev3A_265] in [0] : vector<16xf32>, vector<16xi32> -> vector<16xf32>
      %max3A_267 = arith.maximumf %masked_sort3A_256, %rev3A_266 : vector<16xf32>
      %masked_sort3A_268 = arith.constant dense<true> : vector<16xi1>
      %masked_sort3A_269, %masked_sort3A_270, %masked_sort3A_271 = tpu.sort %max3A_267, %max3A_267 masked %masked_sort3A_268 {descending = true} : (vector<16xf32>, vector<16xf32>, vector<16xi1>) -> (vector<16xi1>, vector<16xf32>, vector<16xf32>)
      %masked_sort3A_272 = arith.constant dense<true> : vector<16xi1>
      %masked_sort3A_273, %masked_sort3A_274, %masked_sort3A_275 = tpu.sort %get3A_250, %get3A_250 masked %masked_sort3A_272 {descending = true} : (vector<16xf32>, vector<16xf32>, vector<16xi1>) -> (vector<16xi1>, vector<16xf32>, vector<16xf32>)
      %rev3A_276 = arith.constant 15 : i32
      %rev3A_277 = vector.broadcast %rev3A_276 : i32 to vector<16xi32>
      %rev3A_278 = tpu.iota {dimensions = array<i32: 0>} : vector<16xi32>
      %rev3A_279 = arith.subi %rev3A_277, %rev3A_278 : vector<16xi32>
      %rev3A_280 = tpu.dynamic_gather %masked_sort3A_274[%rev3A_279] in [0] : vector<16xf32>, vector<16xi32> -> vector<16xf32>
      %max3A_281 = arith.maximumf %masked_sort3A_270, %rev3A_280 : vector<16xf32>
      %masked_sort3A_282 = arith.constant dense<true> : vector<16xi1>
      %masked_sort3A_283, %masked_sort3A_284, %masked_sort3A_285 = tpu.sort %max3A_281, %max3A_281 masked %masked_sort3A_282 {descending = true} : (vector<16xf32>, vector<16xf32>, vector<16xi1>) -> (vector<16xi1>, vector<16xf32>, vector<16xf32>)
      %masked_sort3A_286 = arith.constant dense<true> : vector<16xi1>
      %masked_sort3A_287, %masked_sort3A_288, %masked_sort3A_289 = tpu.sort %get3A_253, %get3A_253 masked %masked_sort3A_286 {descending = true} : (vector<16xf32>, vector<16xf32>, vector<16xi1>) -> (vector<16xi1>, vector<16xf32>, vector<16xf32>)
      %rev3A_290 = arith.constant 15 : i32
      %rev3A_291 = vector.broadcast %rev3A_290 : i32 to vector<16xi32>
      %rev3A_292 = tpu.iota {dimensions = array<i32: 0>} : vector<16xi32>
      %rev3A_293 = arith.subi %rev3A_291, %rev3A_292 : vector<16xi32>
      %rev3A_294 = tpu.dynamic_gather %masked_sort3A_288[%rev3A_293] in [0] : vector<16xf32>, vector<16xi32> -> vector<16xf32>
      %max3A_295 = arith.maximumf %masked_sort3A_284, %rev3A_294 : vector<16xf32>
      %masked_sort3A_296 = arith.constant dense<true> : vector<16xi1>
      %masked_sort3A_297, %masked_sort3A_298, %masked_sort3A_299 = tpu.sort %max3A_295, %max3A_295 masked %masked_sort3A_296 {descending = true} : (vector<16xf32>, vector<16xf32>, vector<16xi1>) -> (vector<16xi1>, vector<16xf32>, vector<16xf32>)
      %broadcast_in_dim3A_300 = arith.constant 0 : i32
      %broadcast_in_dim3A_301 = vector.broadcast %broadcast_in_dim3A_300 : i32 to vector<16xi32>
      %lt3A_302 = arith.constant 0 : i32
      %lt3A_303 = vector.broadcast %lt3A_302 : i32 to vector<16xi32>
      %lt3A_304 = arith.cmpi slt, %broadcast_in_dim3A_301, %lt3A_303 : vector<16xi32>
      %add3A_305 = arith.constant 16 : i32
      %add3A_306 = vector.broadcast %add3A_305 : i32 to vector<16xi32>
      %add3A_307 = arith.addi %broadcast_in_dim3A_301, %add3A_306 : vector<16xi32>
      %select_n3A_308 = arith.select %lt3A_304, %add3A_307, %broadcast_in_dim3A_301 : vector<16xi1>, vector<16xi32>
      %broadcast_in_dim3A_309 = vector.shape_cast %select_n3A_308 : vector<16xi32> to vector<16x1xi32>
      %gather3A_310 = vector.shape_cast %broadcast_in_dim3A_309 : vector<16x1xi32> to vector<16xi32>
      %gather3A_311 = tpu.dynamic_gather %masked_sort3A_298[%gather3A_310] in [0] : vector<16xf32>, vector<16xi32> -> vector<16xf32>
      %broadcast_in_dim3A_312 = arith.constant 15 : i32
      %broadcast_in_dim3A_313 = vector.broadcast %broadcast_in_dim3A_312 : i32 to vector<16xi32>
      %lt3A_314 = arith.constant 0 : i32
      %lt3A_315 = vector.broadcast %lt3A_314 : i32 to vector<16xi32>
      %lt3A_316 = arith.cmpi slt, %broadcast_in_dim3A_313, %lt3A_315 : vector<16xi32>
      %add3A_317 = arith.constant 16 : i32
      %add3A_318 = vector.broadcast %add3A_317 : i32 to vector<16xi32>
      %add3A_319 = arith.addi %broadcast_in_dim3A_313, %add3A_318 : vector<16xi32>
      %select_n3A_320 = arith.select %lt3A_316, %add3A_319, %broadcast_in_dim3A_313 : vector<16xi1>, vector<16xi32>
      %broadcast_in_dim3A_321 = vector.shape_cast %select_n3A_320 : vector<16xi32> to vector<16x1xi32>
      %gather3A_322 = vector.shape_cast %broadcast_in_dim3A_321 : vector<16x1xi32> to vector<16xi32>
      %gather3A_323 = tpu.dynamic_gather %masked_sort3A_298[%gather3A_322] in [0] : vector<16xf32>, vector<16xi32> -> vector<16xf32>
      %sub3A_324 = arith.subf %masked_sort3A_298, %gather3A_311 : vector<16xf32>
      %exp3A_325 = math.exp %sub3A_324 : vector<16xf32>
      %cumsum3A_326 = arith.constant true
      %cumsum3A_327 = vector.broadcast %cumsum3A_326 : i1 to vector<16xi1>
      %cumsum3A_328 = tpu.scan <sum>, %exp3A_325 masked %cumsum3A_327 : vector<16xf32>, vector<16xi1> -> vector<16xf32>
      %broadcast_in_dim3A_329 = arith.constant 15 : i32
      %broadcast_in_dim3A_330 = vector.broadcast %broadcast_in_dim3A_329 : i32 to vector<16xi32>
      %lt3A_331 = arith.constant 0 : i32
      %lt3A_332 = vector.broadcast %lt3A_331 : i32 to vector<16xi32>
      %lt3A_333 = arith.cmpi slt, %broadcast_in_dim3A_330, %lt3A_332 : vector<16xi32>
      %add3A_334 = arith.constant 16 : i32
      %add3A_335 = vector.broadcast %add3A_334 : i32 to vector<16xi32>
      %add3A_336 = arith.addi %broadcast_in_dim3A_330, %add3A_335 : vector<16xi32>
      %select_n3A_337 = arith.select %lt3A_333, %add3A_336, %broadcast_in_dim3A_330 : vector<16xi1>, vector<16xi32>
      %broadcast_in_dim3A_338 = vector.shape_cast %select_n3A_337 : vector<16xi32> to vector<16x1xi32>
      %gather3A_339 = vector.shape_cast %broadcast_in_dim3A_338 : vector<16x1xi32> to vector<16xi32>
      %gather3A_340 = tpu.dynamic_gather %cumsum3A_328[%gather3A_339] in [0] : vector<16xf32>, vector<16xi32> -> vector<16xf32>
      %div3A_341 = arith.constant 1.000000e+00 : f32
      %div3A_342 = vector.broadcast %div3A_341 : f32 to vector<16xf32>
      %div3A_343 = arith.divf %div3A_342, %gather3A_340 : vector<16xf32>
      %eq3A_344 = arith.cmpf oeq, %masked_sort3A_298, %gather3A_323 : vector<16xf32>
      %convert_element_type3A_345 = arith.extui %eq3A_344 : vector<16xi1> to vector<16xi32>
      %cumsum3A_346 = arith.constant true
      %cumsum3A_347 = vector.broadcast %cumsum3A_346 : i1 to vector<16xi1>
      %cumsum3A_348 = tpu.scan <sum>, %convert_element_type3A_345 masked %cumsum3A_347 : vector<16xi32>, vector<16xi1> -> vector<16xi32>
      %broadcast_in_dim3A_349 = arith.constant 15 : i32
      %broadcast_in_dim3A_350 = vector.broadcast %broadcast_in_dim3A_349 : i32 to vector<16xi32>
      %lt3A_351 = arith.constant 0 : i32
      %lt3A_352 = vector.broadcast %lt3A_351 : i32 to vector<16xi32>
      %lt3A_353 = arith.cmpi slt, %broadcast_in_dim3A_350, %lt3A_352 : vector<16xi32>
      %add3A_354 = arith.constant 16 : i32
      %add3A_355 = vector.broadcast %add3A_354 : i32 to vector<16xi32>
      %add3A_356 = arith.addi %broadcast_in_dim3A_350, %add3A_355 : vector<16xi32>
      %select_n3A_357 = arith.select %lt3A_353, %add3A_356, %broadcast_in_dim3A_350 : vector<16xi1>, vector<16xi32>
      %broadcast_in_dim3A_358 = vector.shape_cast %select_n3A_357 : vector<16xi32> to vector<16x1xi32>
      %gather3A_359 = vector.shape_cast %broadcast_in_dim3A_358 : vector<16x1xi32> to vector<16xi32>
      %gather3A_360 = tpu.dynamic_gather %cumsum3A_348[%gather3A_359] in [0] : vector<16xi32>, vector<16xi32> -> vector<16xi32>
      %broadcast_in_dim3A_361 = arith.constant 0 : i32
      %broadcast_in_dim3A_362 = vector.broadcast %broadcast_in_dim3A_361 : i32 to vector<16xi32>
      %sub3A_363 = arith.subf %get3A_244, %gather3A_311 : vector<16xf32>
      %exp3A_364 = math.exp %sub3A_363 : vector<16xf32>
      %mul3A_365 = arith.mulf %exp3A_364, %div3A_343 : vector<16xf32>
      %gt3A_366 = arith.cmpf ogt, %get3A_244, %gather3A_323 : vector<16xf32>
      %eq3A_367 = arith.cmpf oeq, %get3A_244, %gather3A_323 : vector<16xf32>
      %convert_element_type3A_368 = arith.extui %eq3A_367 : vector<16xi1> to vector<16xi32>
      %cumsum3A_369 = arith.constant true
      %cumsum3A_370 = vector.broadcast %cumsum3A_369 : i1 to vector<16xi1>
      %cumsum3A_371 = tpu.scan <sum>, %convert_element_type3A_368 masked %cumsum3A_370 : vector<16xi32>, vector<16xi1> -> vector<16xi32>
      %add3A_372 = arith.addi %cumsum3A_371, %broadcast_in_dim3A_362 : vector<16xi32>
      %le3A_373 = arith.cmpi sle, %add3A_372, %gather3A_360 : vector<16xi32>
      %and3A_374 = arith.andi %eq3A_367, %le3A_373 : vector<16xi1>
      %or3A_375 = arith.ori %gt3A_366, %and3A_374 : vector<16xi1>
      %jit3A_376 = arith.constant 0.000000e+00 : f32
      %broadcast_in_dim3A_377 = vector.broadcast %jit3A_376 : f32 to vector<16xf32>
      %select_n3A_378 = arith.select %or3A_375, %mul3A_365, %broadcast_in_dim3A_377 : vector<16xi1>, vector<16xf32>
      %swap3A_379 = arith.index_cast %add3A_241 : i32 to index
      %swap3A_380 = arith.constant 0 : index
      %swap3A_381 = tpu.vector_load %arg5[%swap3A_379, %swap3A_380] {strides = array<i32>} : memref<128x128xf32, #tpu.memory_space<vmem>>, vector<16xf32>,
      tpu.vector_store %arg5[%swap3A_379, %swap3A_380], %select_n3A_378 {strides = array<i32>} : memref<128x128xf32, #tpu.memory_space<vmem>>, vector<16xf32>,
      %broadcast_in_dim3A_382 = arith.constant 15 : i32
      %broadcast_in_dim3A_383 = vector.broadcast %broadcast_in_dim3A_382 : i32 to vector<16xi32>
      %lt3A_384 = arith.constant 0 : i32
      %lt3A_385 = vector.broadcast %lt3A_384 : i32 to vector<16xi32>
      %lt3A_386 = arith.cmpi slt, %broadcast_in_dim3A_383, %lt3A_385 : vector<16xi32>
      %add3A_387 = arith.constant 16 : i32
      %add3A_388 = vector.broadcast %add3A_387 : i32 to vector<16xi32>
      %add3A_389 = arith.addi %broadcast_in_dim3A_383, %add3A_388 : vector<16xi32>
      %select_n3A_390 = arith.select %lt3A_386, %add3A_389, %broadcast_in_dim3A_383 : vector<16xi1>, vector<16xi32>
      %broadcast_in_dim3A_391 = vector.shape_cast %select_n3A_390 : vector<16xi32> to vector<16x1xi32>
      %gather3A_392 = vector.shape_cast %broadcast_in_dim3A_391 : vector<16x1xi32> to vector<16xi32>
      %gather3A_393 = tpu.dynamic_gather %add3A_372[%gather3A_392] in [0] : vector<16xi32>, vector<16xi32> -> vector<16xi32>
      %sub3A_394 = arith.subf %get3A_247, %gather3A_311 : vector<16xf32>
      %exp3A_395 = math.exp %sub3A_394 : vector<16xf32>
      %mul3A_396 = arith.mulf %exp3A_395, %div3A_343 : vector<16xf32>
      %gt3A_397 = arith.cmpf ogt, %get3A_247, %gather3A_323 : vector<16xf32>
      %eq3A_398 = arith.cmpf oeq, %get3A_247, %gather3A_323 : vector<16xf32>
      %convert_element_type3A_399 = arith.extui %eq3A_398 : vector<16xi1> to vector<16xi32>
      %cumsum3A_400 = arith.constant true
      %cumsum3A_401 = vector.broadcast %cumsum3A_400 : i1 to vector<16xi1>
      %cumsum3A_402 = tpu.scan <sum>, %convert_element_type3A_399 masked %cumsum3A_401 : vector<16xi32>, vector<16xi1> -> vector<16xi32>
      %add3A_403 = arith.addi %cumsum3A_402, %gather3A_393 : vector<16xi32>
      %le3A_404 = arith.cmpi sle, %add3A_403, %gather3A_360 : vector<16xi32>
      %and3A_405 = arith.andi %eq3A_398, %le3A_404 : vector<16xi1>
      %or3A_406 = arith.ori %gt3A_397, %and3A_405 : vector<16xi1>
      %jit3A_407 = arith.constant 0.000000e+00 : f32
      %broadcast_in_dim3A_408 = vector.broadcast %jit3A_407 : f32 to vector<16xf32>
      %select_n3A_409 = arith.select %or3A_406, %mul3A_396, %broadcast_in_dim3A_408 : vector<16xi1>, vector<16xf32>
      %swap3A_410 = arith.index_cast %add3A_241 : i32 to index
      %swap3A_411 = arith.constant 16 : index
      %swap3A_412 = tpu.vector_load %arg5[%swap3A_410, %swap3A_411] {strides = array<i32>} : memref<128x128xf32, #tpu.memory_space<vmem>>, vector<16xf32>,
      tpu.vector_store %arg5[%swap3A_410, %swap3A_411], %select_n3A_409 {strides = array<i32>} : memref<128x128xf32, #tpu.memory_space<vmem>>, vector<16xf32>,
      %broadcast_in_dim3A_413 = arith.constant 15 : i32
      %broadcast_in_dim3A_414 = vector.broadcast %broadcast_in_dim3A_413 : i32 to vector<16xi32>
      %lt3A_415 = arith.constant 0 : i32
      %lt3A_416 = vector.broadcast %lt3A_415 : i32 to vector<16xi32>
      %lt3A_417 = arith.cmpi slt, %broadcast_in_dim3A_414, %lt3A_416 : vector<16xi32>
      %add3A_418 = arith.constant 16 : i32
      %add3A_419 = vector.broadcast %add3A_418 : i32 to vector<16xi32>
      %add3A_420 = arith.addi %broadcast_in_dim3A_414, %add3A_419 : vector<16xi32>
      %select_n3A_421 = arith.select %lt3A_417, %add3A_420, %broadcast_in_dim3A_414 : vector<16xi1>, vector<16xi32>
      %broadcast_in_dim3A_422 = vector.shape_cast %select_n3A_421 : vector<16xi32> to vector<16x1xi32>
      %gather3A_423 = vector.shape_cast %broadcast_in_dim3A_422 : vector<16x1xi32> to vector<16xi32>
      %gather3A_424 = tpu.dynamic_gather %add3A_403[%gather3A_423] in [0] : vector<16xi32>, vector<16xi32> -> vector<16xi32>
      %sub3A_425 = arith.subf %get3A_250, %gather3A_311 : vector<16xf32>
      %exp3A_426 = math.exp %sub3A_425 : vector<16xf32>
      %mul3A_427 = arith.mulf %exp3A_426, %div3A_343 : vector<16xf32>
      %gt3A_428 = arith.cmpf ogt, %get3A_250, %gather3A_323 : vector<16xf32>
      %eq3A_429 = arith.cmpf oeq, %get3A_250, %gather3A_323 : vector<16xf32>
      %convert_element_type3A_430 = arith.extui %eq3A_429 : vector<16xi1> to vector<16xi32>
      %cumsum3A_431 = arith.constant true
      %cumsum3A_432 = vector.broadcast %cumsum3A_431 : i1 to vector<16xi1>
      %cumsum3A_433 = tpu.scan <sum>, %convert_element_type3A_430 masked %cumsum3A_432 : vector<16xi32>, vector<16xi1> -> vector<16xi32>
      %add3A_434 = arith.addi %cumsum3A_433, %gather3A_424 : vector<16xi32>
      %le3A_435 = arith.cmpi sle, %add3A_434, %gather3A_360 : vector<16xi32>
      %and3A_436 = arith.andi %eq3A_429, %le3A_435 : vector<16xi1>
      %or3A_437 = arith.ori %gt3A_428, %and3A_436 : vector<16xi1>
      %jit3A_438 = arith.constant 0.000000e+00 : f32
      %broadcast_in_dim3A_439 = vector.broadcast %jit3A_438 : f32 to vector<16xf32>
      %select_n3A_440 = arith.select %or3A_437, %mul3A_427, %broadcast_in_dim3A_439 : vector<16xi1>, vector<16xf32>
      %swap3A_441 = arith.index_cast %add3A_241 : i32 to index
      %swap3A_442 = arith.constant 32 : index
      %swap3A_443 = tpu.vector_load %arg5[%swap3A_441, %swap3A_442] {strides = array<i32>} : memref<128x128xf32, #tpu.memory_space<vmem>>, vector<16xf32>,
      tpu.vector_store %arg5[%swap3A_441, %swap3A_442], %select_n3A_440 {strides = array<i32>} : memref<128x128xf32, #tpu.memory_space<vmem>>, vector<16xf32>,
      %broadcast_in_dim3A_444 = arith.constant 15 : i32
      %broadcast_in_dim3A_445 = vector.broadcast %broadcast_in_dim3A_444 : i32 to vector<16xi32>
      %lt3A_446 = arith.constant 0 : i32
      %lt3A_447 = vector.broadcast %lt3A_446 : i32 to vector<16xi32>
      %lt3A_448 = arith.cmpi slt, %broadcast_in_dim3A_445, %lt3A_447 : vector<16xi32>
      %add3A_449 = arith.constant 16 : i32
      %add3A_450 = vector.broadcast %add3A_449 : i32 to vector<16xi32>
      %add3A_451 = arith.addi %broadcast_in_dim3A_445, %add3A_450 : vector<16xi32>
      %select_n3A_452 = arith.select %lt3A_448, %add3A_451, %broadcast_in_dim3A_445 : vector<16xi1>, vector<16xi32>
      %broadcast_in_dim3A_453 = vector.shape_cast %select_n3A_452 : vector<16xi32> to vector<16x1xi32>
      %gather3A_454 = vector.shape_cast %broadcast_in_dim3A_453 : vector<16x1xi32> to vector<16xi32>
      %gather3A_455 = tpu.dynamic_gather %add3A_434[%gather3A_454] in [0] : vector<16xi32>, vector<16xi32> -> vector<16xi32>
      %sub3A_456 = arith.subf %get3A_253, %gather3A_311 : vector<16xf32>
      %exp3A_457 = math.exp %sub3A_456 : vector<16xf32>
      %mul3A_458 = arith.mulf %exp3A_457, %div3A_343 : vector<16xf32>
      %gt3A_459 = arith.cmpf ogt, %get3A_253, %gather3A_323 : vector<16xf32>
      %eq3A_460 = arith.cmpf oeq, %get3A_253, %gather3A_323 : vector<16xf32>
      %convert_element_type3A_461 = arith.extui %eq3A_460 : vector<16xi1> to vector<16xi32>
      %cumsum3A_462 = arith.constant true
      %cumsum3A_463 = vector.broadcast %cumsum3A_462 : i1 to vector<16xi1>
      %cumsum3A_464 = tpu.scan <sum>, %convert_element_type3A_461 masked %cumsum3A_463 : vector<16xi32>, vector<16xi1> -> vector<16xi32>
      %add3A_465 = arith.addi %cumsum3A_464, %gather3A_455 : vector<16xi32>
      %le3A_466 = arith.cmpi sle, %add3A_465, %gather3A_360 : vector<16xi32>
      %and3A_467 = arith.andi %eq3A_460, %le3A_466 : vector<16xi1>
      %or3A_468 = arith.ori %gt3A_459, %and3A_467 : vector<16xi1>
      %jit3A_469 = arith.constant 0.000000e+00 : f32
      %broadcast_in_dim3A_470 = vector.broadcast %jit3A_469 : f32 to vector<16xf32>
      %select_n3A_471 = arith.select %or3A_468, %mul3A_458, %broadcast_in_dim3A_470 : vector<16xi1>, vector<16xf32>
      %swap3A_472 = arith.index_cast %add3A_241 : i32 to index
      %swap3A_473 = arith.constant 48 : index
      %swap3A_474 = tpu.vector_load %arg5[%swap3A_472, %swap3A_473] {strides = array<i32>} : memref<128x128xf32, #tpu.memory_space<vmem>>, vector<16xf32>,
      tpu.vector_store %arg5[%swap3A_472, %swap3A_473], %select_n3A_471 {strides = array<i32>} : memref<128x128xf32, #tpu.memory_space<vmem>>, vector<16xf32>,
      %broadcast_in_dim3A_475 = arith.constant 15 : i32
      %broadcast_in_dim3A_476 = vector.broadcast %broadcast_in_dim3A_475 : i32 to vector<16xi32>
      %lt3A_477 = arith.constant 0 : i32
      %lt3A_478 = vector.broadcast %lt3A_477 : i32 to vector<16xi32>
      %lt3A_479 = arith.cmpi slt, %broadcast_in_dim3A_476, %lt3A_478 : vector<16xi32>
      %add3A_480 = arith.constant 16 : i32
      %add3A_481 = vector.broadcast %add3A_480 : i32 to vector<16xi32>
      %add3A_482 = arith.addi %broadcast_in_dim3A_476, %add3A_481 : vector<16xi32>
      %select_n3A_483 = arith.select %lt3A_479, %add3A_482, %broadcast_in_dim3A_476 : vector<16xi1>, vector<16xi32>
      %broadcast_in_dim3A_484 = vector.shape_cast %select_n3A_483 : vector<16xi32> to vector<16x1xi32>
      %gather3A_485 = vector.shape_cast %broadcast_in_dim3A_484 : vector<16x1xi32> to vector<16xi32>
      %gather3A_486 = tpu.dynamic_gather %add3A_465[%gather3A_485] in [0] : vector<16xi32>, vector<16xi32> -> vector<16xi32>
      %mul3A_487 = arith.constant 4 : i32
      %mul3A_488 = arith.muli %scan3A_8, %mul3A_487 : i32
      %add3A_489 = arith.constant 2 : i32
      %add3A_490 = arith.addi %mul3A_488, %add3A_489 : i32
      %get3A_491 = arith.index_cast %add3A_490 : i32 to index
      %get3A_492 = arith.constant 0 : index
      %get3A_493 = tpu.vector_load %arg4[%get3A_491, %get3A_492] {strides = array<i32>} : memref<128x128xf32, #tpu.memory_space<vmem>>, vector<16xf32>,
      %get3A_494 = arith.index_cast %add3A_490 : i32 to index
      %get3A_495 = arith.constant 16 : index
      %get3A_496 = tpu.vector_load %arg4[%get3A_494, %get3A_495] {strides = array<i32>} : memref<128x128xf32, #tpu.memory_space<vmem>>, vector<16xf32>,
      %get3A_497 = arith.index_cast %add3A_490 : i32 to index
      %get3A_498 = arith.constant 32 : index
      %get3A_499 = tpu.vector_load %arg4[%get3A_497, %get3A_498] {strides = array<i32>} : memref<128x128xf32, #tpu.memory_space<vmem>>, vector<16xf32>,
      %get3A_500 = arith.index_cast %add3A_490 : i32 to index
      %get3A_501 = arith.constant 48 : index
      %get3A_502 = tpu.vector_load %arg4[%get3A_500, %get3A_501] {strides = array<i32>} : memref<128x128xf32, #tpu.memory_space<vmem>>, vector<16xf32>,
      %masked_sort3A_503 = arith.constant dense<true> : vector<16xi1>
      %masked_sort3A_504, %masked_sort3A_505, %masked_sort3A_506 = tpu.sort %get3A_493, %get3A_493 masked %masked_sort3A_503 {descending = true} : (vector<16xf32>, vector<16xf32>, vector<16xi1>) -> (vector<16xi1>, vector<16xf32>, vector<16xf32>)
      %masked_sort3A_507 = arith.constant dense<true> : vector<16xi1>
      %masked_sort3A_508, %masked_sort3A_509, %masked_sort3A_510 = tpu.sort %get3A_496, %get3A_496 masked %masked_sort3A_507 {descending = true} : (vector<16xf32>, vector<16xf32>, vector<16xi1>) -> (vector<16xi1>, vector<16xf32>, vector<16xf32>)
      %rev3A_511 = arith.constant 15 : i32
      %rev3A_512 = vector.broadcast %rev3A_511 : i32 to vector<16xi32>
      %rev3A_513 = tpu.iota {dimensions = array<i32: 0>} : vector<16xi32>
      %rev3A_514 = arith.subi %rev3A_512, %rev3A_513 : vector<16xi32>
      %rev3A_515 = tpu.dynamic_gather %masked_sort3A_509[%rev3A_514] in [0] : vector<16xf32>, vector<16xi32> -> vector<16xf32>
      %max3A_516 = arith.maximumf %masked_sort3A_505, %rev3A_515 : vector<16xf32>
      %masked_sort3A_517 = arith.constant dense<true> : vector<16xi1>
      %masked_sort3A_518, %masked_sort3A_519, %masked_sort3A_520 = tpu.sort %max3A_516, %max3A_516 masked %masked_sort3A_517 {descending = true} : (vector<16xf32>, vector<16xf32>, vector<16xi1>) -> (vector<16xi1>, vector<16xf32>, vector<16xf32>)
      %masked_sort3A_521 = arith.constant dense<true> : vector<16xi1>
      %masked_sort3A_522, %masked_sort3A_523, %masked_sort3A_524 = tpu.sort %get3A_499, %get3A_499 masked %masked_sort3A_521 {descending = true} : (vector<16xf32>, vector<16xf32>, vector<16xi1>) -> (vector<16xi1>, vector<16xf32>, vector<16xf32>)
      %rev3A_525 = arith.constant 15 : i32
      %rev3A_526 = vector.broadcast %rev3A_525 : i32 to vector<16xi32>
      %rev3A_527 = tpu.iota {dimensions = array<i32: 0>} : vector<16xi32>
      %rev3A_528 = arith.subi %rev3A_526, %rev3A_527 : vector<16xi32>
      %rev3A_529 = tpu.dynamic_gather %masked_sort3A_523[%rev3A_528] in [0] : vector<16xf32>, vector<16xi32> -> vector<16xf32>
      %max3A_530 = arith.maximumf %masked_sort3A_519, %rev3A_529 : vector<16xf32>
      %masked_sort3A_531 = arith.constant dense<true> : vector<16xi1>
      %masked_sort3A_532, %masked_sort3A_533, %masked_sort3A_534 = tpu.sort %max3A_530, %max3A_530 masked %masked_sort3A_531 {descending = true} : (vector<16xf32>, vector<16xf32>, vector<16xi1>) -> (vector<16xi1>, vector<16xf32>, vector<16xf32>)
      %masked_sort3A_535 = arith.constant dense<true> : vector<16xi1>
      %masked_sort3A_536, %masked_sort3A_537, %masked_sort3A_538 = tpu.sort %get3A_502, %get3A_502 masked %masked_sort3A_535 {descending = true} : (vector<16xf32>, vector<16xf32>, vector<16xi1>) -> (vector<16xi1>, vector<16xf32>, vector<16xf32>)
      %rev3A_539 = arith.constant 15 : i32
      %rev3A_540 = vector.broadcast %rev3A_539 : i32 to vector<16xi32>
      %rev3A_541 = tpu.iota {dimensions = array<i32: 0>} : vector<16xi32>
      %rev3A_542 = arith.subi %rev3A_540, %rev3A_541 : vector<16xi32>
      %rev3A_543 = tpu.dynamic_gather %masked_sort3A_537[%rev3A_542] in [0] : vector<16xf32>, vector<16xi32> -> vector<16xf32>
      %max3A_544 = arith.maximumf %masked_sort3A_533, %rev3A_543 : vector<16xf32>
      %masked_sort3A_545 = arith.constant dense<true> : vector<16xi1>
      %masked_sort3A_546, %masked_sort3A_547, %masked_sort3A_548 = tpu.sort %max3A_544, %max3A_544 masked %masked_sort3A_545 {descending = true} : (vector<16xf32>, vector<16xf32>, vector<16xi1>) -> (vector<16xi1>, vector<16xf32>, vector<16xf32>)
      %broadcast_in_dim3A_549 = arith.constant 0 : i32
      %broadcast_in_dim3A_550 = vector.broadcast %broadcast_in_dim3A_549 : i32 to vector<16xi32>
      %lt3A_551 = arith.constant 0 : i32
      %lt3A_552 = vector.broadcast %lt3A_551 : i32 to vector<16xi32>
      %lt3A_553 = arith.cmpi slt, %broadcast_in_dim3A_550, %lt3A_552 : vector<16xi32>
      %add3A_554 = arith.constant 16 : i32
      %add3A_555 = vector.broadcast %add3A_554 : i32 to vector<16xi32>
      %add3A_556 = arith.addi %broadcast_in_dim3A_550, %add3A_555 : vector<16xi32>
      %select_n3A_557 = arith.select %lt3A_553, %add3A_556, %broadcast_in_dim3A_550 : vector<16xi1>, vector<16xi32>
      %broadcast_in_dim3A_558 = vector.shape_cast %select_n3A_557 : vector<16xi32> to vector<16x1xi32>
      %gather3A_559 = vector.shape_cast %broadcast_in_dim3A_558 : vector<16x1xi32> to vector<16xi32>
      %gather3A_560 = tpu.dynamic_gather %masked_sort3A_547[%gather3A_559] in [0] : vector<16xf32>, vector<16xi32> -> vector<16xf32>
      %broadcast_in_dim3A_561 = arith.constant 15 : i32
      %broadcast_in_dim3A_562 = vector.broadcast %broadcast_in_dim3A_561 : i32 to vector<16xi32>
      %lt3A_563 = arith.constant 0 : i32
      %lt3A_564 = vector.broadcast %lt3A_563 : i32 to vector<16xi32>
      %lt3A_565 = arith.cmpi slt, %broadcast_in_dim3A_562, %lt3A_564 : vector<16xi32>
      %add3A_566 = arith.constant 16 : i32
      %add3A_567 = vector.broadcast %add3A_566 : i32 to vector<16xi32>
      %add3A_568 = arith.addi %broadcast_in_dim3A_562, %add3A_567 : vector<16xi32>
      %select_n3A_569 = arith.select %lt3A_565, %add3A_568, %broadcast_in_dim3A_562 : vector<16xi1>, vector<16xi32>
      %broadcast_in_dim3A_570 = vector.shape_cast %select_n3A_569 : vector<16xi32> to vector<16x1xi32>
      %gather3A_571 = vector.shape_cast %broadcast_in_dim3A_570 : vector<16x1xi32> to vector<16xi32>
      %gather3A_572 = tpu.dynamic_gather %masked_sort3A_547[%gather3A_571] in [0] : vector<16xf32>, vector<16xi32> -> vector<16xf32>
      %sub3A_573 = arith.subf %masked_sort3A_547, %gather3A_560 : vector<16xf32>
      %exp3A_574 = math.exp %sub3A_573 : vector<16xf32>
      %cumsum3A_575 = arith.constant true
      %cumsum3A_576 = vector.broadcast %cumsum3A_575 : i1 to vector<16xi1>
      %cumsum3A_577 = tpu.scan <sum>, %exp3A_574 masked %cumsum3A_576 : vector<16xf32>, vector<16xi1> -> vector<16xf32>
      %broadcast_in_dim3A_578 = arith.constant 15 : i32
      %broadcast_in_dim3A_579 = vector.broadcast %broadcast_in_dim3A_578 : i32 to vector<16xi32>
      %lt3A_580 = arith.constant 0 : i32
      %lt3A_581 = vector.broadcast %lt3A_580 : i32 to vector<16xi32>
      %lt3A_582 = arith.cmpi slt, %broadcast_in_dim3A_579, %lt3A_581 : vector<16xi32>
      %add3A_583 = arith.constant 16 : i32
      %add3A_584 = vector.broadcast %add3A_583 : i32 to vector<16xi32>
      %add3A_585 = arith.addi %broadcast_in_dim3A_579, %add3A_584 : vector<16xi32>
      %select_n3A_586 = arith.select %lt3A_582, %add3A_585, %broadcast_in_dim3A_579 : vector<16xi1>, vector<16xi32>
      %broadcast_in_dim3A_587 = vector.shape_cast %select_n3A_586 : vector<16xi32> to vector<16x1xi32>
      %gather3A_588 = vector.shape_cast %broadcast_in_dim3A_587 : vector<16x1xi32> to vector<16xi32>
      %gather3A_589 = tpu.dynamic_gather %cumsum3A_577[%gather3A_588] in [0] : vector<16xf32>, vector<16xi32> -> vector<16xf32>
      %div3A_590 = arith.constant 1.000000e+00 : f32
      %div3A_591 = vector.broadcast %div3A_590 : f32 to vector<16xf32>
      %div3A_592 = arith.divf %div3A_591, %gather3A_589 : vector<16xf32>
      %eq3A_593 = arith.cmpf oeq, %masked_sort3A_547, %gather3A_572 : vector<16xf32>
      %convert_element_type3A_594 = arith.extui %eq3A_593 : vector<16xi1> to vector<16xi32>
      %cumsum3A_595 = arith.constant true
      %cumsum3A_596 = vector.broadcast %cumsum3A_595 : i1 to vector<16xi1>
      %cumsum3A_597 = tpu.scan <sum>, %convert_element_type3A_594 masked %cumsum3A_596 : vector<16xi32>, vector<16xi1> -> vector<16xi32>
      %broadcast_in_dim3A_598 = arith.constant 15 : i32
      %broadcast_in_dim3A_599 = vector.broadcast %broadcast_in_dim3A_598 : i32 to vector<16xi32>
      %lt3A_600 = arith.constant 0 : i32
      %lt3A_601 = vector.broadcast %lt3A_600 : i32 to vector<16xi32>
      %lt3A_602 = arith.cmpi slt, %broadcast_in_dim3A_599, %lt3A_601 : vector<16xi32>
      %add3A_603 = arith.constant 16 : i32
      %add3A_604 = vector.broadcast %add3A_603 : i32 to vector<16xi32>
      %add3A_605 = arith.addi %broadcast_in_dim3A_599, %add3A_604 : vector<16xi32>
      %select_n3A_606 = arith.select %lt3A_602, %add3A_605, %broadcast_in_dim3A_599 : vector<16xi1>, vector<16xi32>
      %broadcast_in_dim3A_607 = vector.shape_cast %select_n3A_606 : vector<16xi32> to vector<16x1xi32>
      %gather3A_608 = vector.shape_cast %broadcast_in_dim3A_607 : vector<16x1xi32> to vector<16xi32>
      %gather3A_609 = tpu.dynamic_gather %cumsum3A_597[%gather3A_608] in [0] : vector<16xi32>, vector<16xi32> -> vector<16xi32>
      %broadcast_in_dim3A_610 = arith.constant 0 : i32
      %broadcast_in_dim3A_611 = vector.broadcast %broadcast_in_dim3A_610 : i32 to vector<16xi32>
      %sub3A_612 = arith.subf %get3A_493, %gather3A_560 : vector<16xf32>
      %exp3A_613 = math.exp %sub3A_612 : vector<16xf32>
      %mul3A_614 = arith.mulf %exp3A_613, %div3A_592 : vector<16xf32>
      %gt3A_615 = arith.cmpf ogt, %get3A_493, %gather3A_572 : vector<16xf32>
      %eq3A_616 = arith.cmpf oeq, %get3A_493, %gather3A_572 : vector<16xf32>
      %convert_element_type3A_617 = arith.extui %eq3A_616 : vector<16xi1> to vector<16xi32>
      %cumsum3A_618 = arith.constant true
      %cumsum3A_619 = vector.broadcast %cumsum3A_618 : i1 to vector<16xi1>
      %cumsum3A_620 = tpu.scan <sum>, %convert_element_type3A_617 masked %cumsum3A_619 : vector<16xi32>, vector<16xi1> -> vector<16xi32>
      %add3A_621 = arith.addi %cumsum3A_620, %broadcast_in_dim3A_611 : vector<16xi32>
      %le3A_622 = arith.cmpi sle, %add3A_621, %gather3A_609 : vector<16xi32>
      %and3A_623 = arith.andi %eq3A_616, %le3A_622 : vector<16xi1>
      %or3A_624 = arith.ori %gt3A_615, %and3A_623 : vector<16xi1>
      %jit3A_625 = arith.constant 0.000000e+00 : f32
      %broadcast_in_dim3A_626 = vector.broadcast %jit3A_625 : f32 to vector<16xf32>
      %select_n3A_627 = arith.select %or3A_624, %mul3A_614, %broadcast_in_dim3A_626 : vector<16xi1>, vector<16xf32>
      %swap3A_628 = arith.index_cast %add3A_490 : i32 to index
      %swap3A_629 = arith.constant 0 : index
      %swap3A_630 = tpu.vector_load %arg5[%swap3A_628, %swap3A_629] {strides = array<i32>} : memref<128x128xf32, #tpu.memory_space<vmem>>, vector<16xf32>,
      tpu.vector_store %arg5[%swap3A_628, %swap3A_629], %select_n3A_627 {strides = array<i32>} : memref<128x128xf32, #tpu.memory_space<vmem>>, vector<16xf32>,
      %broadcast_in_dim3A_631 = arith.constant 15 : i32
      %broadcast_in_dim3A_632 = vector.broadcast %broadcast_in_dim3A_631 : i32 to vector<16xi32>
      %lt3A_633 = arith.constant 0 : i32
      %lt3A_634 = vector.broadcast %lt3A_633 : i32 to vector<16xi32>
      %lt3A_635 = arith.cmpi slt, %broadcast_in_dim3A_632, %lt3A_634 : vector<16xi32>
      %add3A_636 = arith.constant 16 : i32
      %add3A_637 = vector.broadcast %add3A_636 : i32 to vector<16xi32>
      %add3A_638 = arith.addi %broadcast_in_dim3A_632, %add3A_637 : vector<16xi32>
      %select_n3A_639 = arith.select %lt3A_635, %add3A_638, %broadcast_in_dim3A_632 : vector<16xi1>, vector<16xi32>
      %broadcast_in_dim3A_640 = vector.shape_cast %select_n3A_639 : vector<16xi32> to vector<16x1xi32>
      %gather3A_641 = vector.shape_cast %broadcast_in_dim3A_640 : vector<16x1xi32> to vector<16xi32>
      %gather3A_642 = tpu.dynamic_gather %add3A_621[%gather3A_641] in [0] : vector<16xi32>, vector<16xi32> -> vector<16xi32>
      %sub3A_643 = arith.subf %get3A_496, %gather3A_560 : vector<16xf32>
      %exp3A_644 = math.exp %sub3A_643 : vector<16xf32>
      %mul3A_645 = arith.mulf %exp3A_644, %div3A_592 : vector<16xf32>
      %gt3A_646 = arith.cmpf ogt, %get3A_496, %gather3A_572 : vector<16xf32>
      %eq3A_647 = arith.cmpf oeq, %get3A_496, %gather3A_572 : vector<16xf32>
      %convert_element_type3A_648 = arith.extui %eq3A_647 : vector<16xi1> to vector<16xi32>
      %cumsum3A_649 = arith.constant true
      %cumsum3A_650 = vector.broadcast %cumsum3A_649 : i1 to vector<16xi1>
      %cumsum3A_651 = tpu.scan <sum>, %convert_element_type3A_648 masked %cumsum3A_650 : vector<16xi32>, vector<16xi1> -> vector<16xi32>
      %add3A_652 = arith.addi %cumsum3A_651, %gather3A_642 : vector<16xi32>
      %le3A_653 = arith.cmpi sle, %add3A_652, %gather3A_609 : vector<16xi32>
      %and3A_654 = arith.andi %eq3A_647, %le3A_653 : vector<16xi1>
      %or3A_655 = arith.ori %gt3A_646, %and3A_654 : vector<16xi1>
      %jit3A_656 = arith.constant 0.000000e+00 : f32
      %broadcast_in_dim3A_657 = vector.broadcast %jit3A_656 : f32 to vector<16xf32>
      %select_n3A_658 = arith.select %or3A_655, %mul3A_645, %broadcast_in_dim3A_657 : vector<16xi1>, vector<16xf32>
      %swap3A_659 = arith.index_cast %add3A_490 : i32 to index
      %swap3A_660 = arith.constant 16 : index
      %swap3A_661 = tpu.vector_load %arg5[%swap3A_659, %swap3A_660] {strides = array<i32>} : memref<128x128xf32, #tpu.memory_space<vmem>>, vector<16xf32>,
      tpu.vector_store %arg5[%swap3A_659, %swap3A_660], %select_n3A_658 {strides = array<i32>} : memref<128x128xf32, #tpu.memory_space<vmem>>, vector<16xf32>,
      %broadcast_in_dim3A_662 = arith.constant 15 : i32
      %broadcast_in_dim3A_663 = vector.broadcast %broadcast_in_dim3A_662 : i32 to vector<16xi32>
      %lt3A_664 = arith.constant 0 : i32
      %lt3A_665 = vector.broadcast %lt3A_664 : i32 to vector<16xi32>
      %lt3A_666 = arith.cmpi slt, %broadcast_in_dim3A_663, %lt3A_665 : vector<16xi32>
      %add3A_667 = arith.constant 16 : i32
      %add3A_668 = vector.broadcast %add3A_667 : i32 to vector<16xi32>
      %add3A_669 = arith.addi %broadcast_in_dim3A_663, %add3A_668 : vector<16xi32>
      %select_n3A_670 = arith.select %lt3A_666, %add3A_669, %broadcast_in_dim3A_663 : vector<16xi1>, vector<16xi32>
      %broadcast_in_dim3A_671 = vector.shape_cast %select_n3A_670 : vector<16xi32> to vector<16x1xi32>
      %gather3A_672 = vector.shape_cast %broadcast_in_dim3A_671 : vector<16x1xi32> to vector<16xi32>
      %gather3A_673 = tpu.dynamic_gather %add3A_652[%gather3A_672] in [0] : vector<16xi32>, vector<16xi32> -> vector<16xi32>
      %sub3A_674 = arith.subf %get3A_499, %gather3A_560 : vector<16xf32>
      %exp3A_675 = math.exp %sub3A_674 : vector<16xf32>
      %mul3A_676 = arith.mulf %exp3A_675, %div3A_592 : vector<16xf32>
      %gt3A_677 = arith.cmpf ogt, %get3A_499, %gather3A_572 : vector<16xf32>
      %eq3A_678 = arith.cmpf oeq, %get3A_499, %gather3A_572 : vector<16xf32>
      %convert_element_type3A_679 = arith.extui %eq3A_678 : vector<16xi1> to vector<16xi32>
      %cumsum3A_680 = arith.constant true
      %cumsum3A_681 = vector.broadcast %cumsum3A_680 : i1 to vector<16xi1>
      %cumsum3A_682 = tpu.scan <sum>, %convert_element_type3A_679 masked %cumsum3A_681 : vector<16xi32>, vector<16xi1> -> vector<16xi32>
      %add3A_683 = arith.addi %cumsum3A_682, %gather3A_673 : vector<16xi32>
      %le3A_684 = arith.cmpi sle, %add3A_683, %gather3A_609 : vector<16xi32>
      %and3A_685 = arith.andi %eq3A_678, %le3A_684 : vector<16xi1>
      %or3A_686 = arith.ori %gt3A_677, %and3A_685 : vector<16xi1>
      %jit3A_687 = arith.constant 0.000000e+00 : f32
      %broadcast_in_dim3A_688 = vector.broadcast %jit3A_687 : f32 to vector<16xf32>
      %select_n3A_689 = arith.select %or3A_686, %mul3A_676, %broadcast_in_dim3A_688 : vector<16xi1>, vector<16xf32>
      %swap3A_690 = arith.index_cast %add3A_490 : i32 to index
      %swap3A_691 = arith.constant 32 : index
      %swap3A_692 = tpu.vector_load %arg5[%swap3A_690, %swap3A_691] {strides = array<i32>} : memref<128x128xf32, #tpu.memory_space<vmem>>, vector<16xf32>,
      tpu.vector_store %arg5[%swap3A_690, %swap3A_691], %select_n3A_689 {strides = array<i32>} : memref<128x128xf32, #tpu.memory_space<vmem>>, vector<16xf32>,
      %broadcast_in_dim3A_693 = arith.constant 15 : i32
      %broadcast_in_dim3A_694 = vector.broadcast %broadcast_in_dim3A_693 : i32 to vector<16xi32>
      %lt3A_695 = arith.constant 0 : i32
      %lt3A_696 = vector.broadcast %lt3A_695 : i32 to vector<16xi32>
      %lt3A_697 = arith.cmpi slt, %broadcast_in_dim3A_694, %lt3A_696 : vector<16xi32>
      %add3A_698 = arith.constant 16 : i32
      %add3A_699 = vector.broadcast %add3A_698 : i32 to vector<16xi32>
      %add3A_700 = arith.addi %broadcast_in_dim3A_694, %add3A_699 : vector<16xi32>
      %select_n3A_701 = arith.select %lt3A_697, %add3A_700, %broadcast_in_dim3A_694 : vector<16xi1>, vector<16xi32>
      %broadcast_in_dim3A_702 = vector.shape_cast %select_n3A_701 : vector<16xi32> to vector<16x1xi32>
      %gather3A_703 = vector.shape_cast %broadcast_in_dim3A_702 : vector<16x1xi32> to vector<16xi32>
      %gather3A_704 = tpu.dynamic_gather %add3A_683[%gather3A_703] in [0] : vector<16xi32>, vector<16xi32> -> vector<16xi32>
      %sub3A_705 = arith.subf %get3A_502, %gather3A_560 : vector<16xf32>
      %exp3A_706 = math.exp %sub3A_705 : vector<16xf32>
      %mul3A_707 = arith.mulf %exp3A_706, %div3A_592 : vector<16xf32>
      %gt3A_708 = arith.cmpf ogt, %get3A_502, %gather3A_572 : vector<16xf32>
      %eq3A_709 = arith.cmpf oeq, %get3A_502, %gather3A_572 : vector<16xf32>
      %convert_element_type3A_710 = arith.extui %eq3A_709 : vector<16xi1> to vector<16xi32>
      %cumsum3A_711 = arith.constant true
      %cumsum3A_712 = vector.broadcast %cumsum3A_711 : i1 to vector<16xi1>
      %cumsum3A_713 = tpu.scan <sum>, %convert_element_type3A_710 masked %cumsum3A_712 : vector<16xi32>, vector<16xi1> -> vector<16xi32>
      %add3A_714 = arith.addi %cumsum3A_713, %gather3A_704 : vector<16xi32>
      %le3A_715 = arith.cmpi sle, %add3A_714, %gather3A_609 : vector<16xi32>
      %and3A_716 = arith.andi %eq3A_709, %le3A_715 : vector<16xi1>
      %or3A_717 = arith.ori %gt3A_708, %and3A_716 : vector<16xi1>
      %jit3A_718 = arith.constant 0.000000e+00 : f32
      %broadcast_in_dim3A_719 = vector.broadcast %jit3A_718 : f32 to vector<16xf32>
      %select_n3A_720 = arith.select %or3A_717, %mul3A_707, %broadcast_in_dim3A_719 : vector<16xi1>, vector<16xf32>
      %swap3A_721 = arith.index_cast %add3A_490 : i32 to index
      %swap3A_722 = arith.constant 48 : index
      %swap3A_723 = tpu.vector_load %arg5[%swap3A_721, %swap3A_722] {strides = array<i32>} : memref<128x128xf32, #tpu.memory_space<vmem>>, vector<16xf32>,
      tpu.vector_store %arg5[%swap3A_721, %swap3A_722], %select_n3A_720 {strides = array<i32>} : memref<128x128xf32, #tpu.memory_space<vmem>>, vector<16xf32>,
      %broadcast_in_dim3A_724 = arith.constant 15 : i32
      %broadcast_in_dim3A_725 = vector.broadcast %broadcast_in_dim3A_724 : i32 to vector<16xi32>
      %lt3A_726 = arith.constant 0 : i32
      %lt3A_727 = vector.broadcast %lt3A_726 : i32 to vector<16xi32>
      %lt3A_728 = arith.cmpi slt, %broadcast_in_dim3A_725, %lt3A_727 : vector<16xi32>
      %add3A_729 = arith.constant 16 : i32
      %add3A_730 = vector.broadcast %add3A_729 : i32 to vector<16xi32>
      %add3A_731 = arith.addi %broadcast_in_dim3A_725, %add3A_730 : vector<16xi32>
      %select_n3A_732 = arith.select %lt3A_728, %add3A_731, %broadcast_in_dim3A_725 : vector<16xi1>, vector<16xi32>
      %broadcast_in_dim3A_733 = vector.shape_cast %select_n3A_732 : vector<16xi32> to vector<16x1xi32>
      %gather3A_734 = vector.shape_cast %broadcast_in_dim3A_733 : vector<16x1xi32> to vector<16xi32>
      %gather3A_735 = tpu.dynamic_gather %add3A_714[%gather3A_734] in [0] : vector<16xi32>, vector<16xi32> -> vector<16xi32>
      %mul3A_736 = arith.constant 4 : i32
      %mul3A_737 = arith.muli %scan3A_8, %mul3A_736 : i32
      %add3A_738 = arith.constant 3 : i32
      %add3A_739 = arith.addi %mul3A_737, %add3A_738 : i32
      %get3A_740 = arith.index_cast %add3A_739 : i32 to index
      %get3A_741 = arith.constant 0 : index
      %get3A_742 = tpu.vector_load %arg4[%get3A_740, %get3A_741] {strides = array<i32>} : memref<128x128xf32, #tpu.memory_space<vmem>>, vector<16xf32>,
      %get3A_743 = arith.index_cast %add3A_739 : i32 to index
      %get3A_744 = arith.constant 16 : index
      %get3A_745 = tpu.vector_load %arg4[%get3A_743, %get3A_744] {strides = array<i32>} : memref<128x128xf32, #tpu.memory_space<vmem>>, vector<16xf32>,
      %get3A_746 = arith.index_cast %add3A_739 : i32 to index
      %get3A_747 = arith.constant 32 : index
      %get3A_748 = tpu.vector_load %arg4[%get3A_746, %get3A_747] {strides = array<i32>} : memref<128x128xf32, #tpu.memory_space<vmem>>, vector<16xf32>,
      %get3A_749 = arith.index_cast %add3A_739 : i32 to index
      %get3A_750 = arith.constant 48 : index
      %get3A_751 = tpu.vector_load %arg4[%get3A_749, %get3A_750] {strides = array<i32>} : memref<128x128xf32, #tpu.memory_space<vmem>>, vector<16xf32>,
      %masked_sort3A_752 = arith.constant dense<true> : vector<16xi1>
      %masked_sort3A_753, %masked_sort3A_754, %masked_sort3A_755 = tpu.sort %get3A_742, %get3A_742 masked %masked_sort3A_752 {descending = true} : (vector<16xf32>, vector<16xf32>, vector<16xi1>) -> (vector<16xi1>, vector<16xf32>, vector<16xf32>)
      %masked_sort3A_756 = arith.constant dense<true> : vector<16xi1>
      %masked_sort3A_757, %masked_sort3A_758, %masked_sort3A_759 = tpu.sort %get3A_745, %get3A_745 masked %masked_sort3A_756 {descending = true} : (vector<16xf32>, vector<16xf32>, vector<16xi1>) -> (vector<16xi1>, vector<16xf32>, vector<16xf32>)
      %rev3A_760 = arith.constant 15 : i32
      %rev3A_761 = vector.broadcast %rev3A_760 : i32 to vector<16xi32>
      %rev3A_762 = tpu.iota {dimensions = array<i32: 0>} : vector<16xi32>
      %rev3A_763 = arith.subi %rev3A_761, %rev3A_762 : vector<16xi32>
      %rev3A_764 = tpu.dynamic_gather %masked_sort3A_758[%rev3A_763] in [0] : vector<16xf32>, vector<16xi32> -> vector<16xf32>
      %max3A_765 = arith.maximumf %masked_sort3A_754, %rev3A_764 : vector<16xf32>
      %masked_sort3A_766 = arith.constant dense<true> : vector<16xi1>
      %masked_sort3A_767, %masked_sort3A_768, %masked_sort3A_769 = tpu.sort %max3A_765, %max3A_765 masked %masked_sort3A_766 {descending = true} : (vector<16xf32>, vector<16xf32>, vector<16xi1>) -> (vector<16xi1>, vector<16xf32>, vector<16xf32>)
      %masked_sort3A_770 = arith.constant dense<true> : vector<16xi1>
      %masked_sort3A_771, %masked_sort3A_772, %masked_sort3A_773 = tpu.sort %get3A_748, %get3A_748 masked %masked_sort3A_770 {descending = true} : (vector<16xf32>, vector<16xf32>, vector<16xi1>) -> (vector<16xi1>, vector<16xf32>, vector<16xf32>)
      %rev3A_774 = arith.constant 15 : i32
      %rev3A_775 = vector.broadcast %rev3A_774 : i32 to vector<16xi32>
      %rev3A_776 = tpu.iota {dimensions = array<i32: 0>} : vector<16xi32>
      %rev3A_777 = arith.subi %rev3A_775, %rev3A_776 : vector<16xi32>
      %rev3A_778 = tpu.dynamic_gather %masked_sort3A_772[%rev3A_777] in [0] : vector<16xf32>, vector<16xi32> -> vector<16xf32>
      %max3A_779 = arith.maximumf %masked_sort3A_768, %rev3A_778 : vector<16xf32>
      %masked_sort3A_780 = arith.constant dense<true> : vector<16xi1>
      %masked_sort3A_781, %masked_sort3A_782, %masked_sort3A_783 = tpu.sort %max3A_779, %max3A_779 masked %masked_sort3A_780 {descending = true} : (vector<16xf32>, vector<16xf32>, vector<16xi1>) -> (vector<16xi1>, vector<16xf32>, vector<16xf32>)
      %masked_sort3A_784 = arith.constant dense<true> : vector<16xi1>
      %masked_sort3A_785, %masked_sort3A_786, %masked_sort3A_787 = tpu.sort %get3A_751, %get3A_751 masked %masked_sort3A_784 {descending = true} : (vector<16xf32>, vector<16xf32>, vector<16xi1>) -> (vector<16xi1>, vector<16xf32>, vector<16xf32>)
      %rev3A_788 = arith.constant 15 : i32
      %rev3A_789 = vector.broadcast %rev3A_788 : i32 to vector<16xi32>
      %rev3A_790 = tpu.iota {dimensions = array<i32: 0>} : vector<16xi32>
      %rev3A_791 = arith.subi %rev3A_789, %rev3A_790 : vector<16xi32>
      %rev3A_792 = tpu.dynamic_gather %masked_sort3A_786[%rev3A_791] in [0] : vector<16xf32>, vector<16xi32> -> vector<16xf32>
      %max3A_793 = arith.maximumf %masked_sort3A_782, %rev3A_792 : vector<16xf32>
      %masked_sort3A_794 = arith.constant dense<true> : vector<16xi1>
      %masked_sort3A_795, %masked_sort3A_796, %masked_sort3A_797 = tpu.sort %max3A_793, %max3A_793 masked %masked_sort3A_794 {descending = true} : (vector<16xf32>, vector<16xf32>, vector<16xi1>) -> (vector<16xi1>, vector<16xf32>, vector<16xf32>)
      %broadcast_in_dim3A_798 = arith.constant 0 : i32
      %broadcast_in_dim3A_799 = vector.broadcast %broadcast_in_dim3A_798 : i32 to vector<16xi32>
      %lt3A_800 = arith.constant 0 : i32
      %lt3A_801 = vector.broadcast %lt3A_800 : i32 to vector<16xi32>
      %lt3A_802 = arith.cmpi slt, %broadcast_in_dim3A_799, %lt3A_801 : vector<16xi32>
      %add3A_803 = arith.constant 16 : i32
      %add3A_804 = vector.broadcast %add3A_803 : i32 to vector<16xi32>
      %add3A_805 = arith.addi %broadcast_in_dim3A_799, %add3A_804 : vector<16xi32>
      %select_n3A_806 = arith.select %lt3A_802, %add3A_805, %broadcast_in_dim3A_799 : vector<16xi1>, vector<16xi32>
      %broadcast_in_dim3A_807 = vector.shape_cast %select_n3A_806 : vector<16xi32> to vector<16x1xi32>
      %gather3A_808 = vector.shape_cast %broadcast_in_dim3A_807 : vector<16x1xi32> to vector<16xi32>
      %gather3A_809 = tpu.dynamic_gather %masked_sort3A_796[%gather3A_808] in [0] : vector<16xf32>, vector<16xi32> -> vector<16xf32>
      %broadcast_in_dim3A_810 = arith.constant 15 : i32
      %broadcast_in_dim3A_811 = vector.broadcast %broadcast_in_dim3A_810 : i32 to vector<16xi32>
      %lt3A_812 = arith.constant 0 : i32
      %lt3A_813 = vector.broadcast %lt3A_812 : i32 to vector<16xi32>
      %lt3A_814 = arith.cmpi slt, %broadcast_in_dim3A_811, %lt3A_813 : vector<16xi32>
      %add3A_815 = arith.constant 16 : i32
      %add3A_816 = vector.broadcast %add3A_815 : i32 to vector<16xi32>
      %add3A_817 = arith.addi %broadcast_in_dim3A_811, %add3A_816 : vector<16xi32>
      %select_n3A_818 = arith.select %lt3A_814, %add3A_817, %broadcast_in_dim3A_811 : vector<16xi1>, vector<16xi32>
      %broadcast_in_dim3A_819 = vector.shape_cast %select_n3A_818 : vector<16xi32> to vector<16x1xi32>
      %gather3A_820 = vector.shape_cast %broadcast_in_dim3A_819 : vector<16x1xi32> to vector<16xi32>
      %gather3A_821 = tpu.dynamic_gather %masked_sort3A_796[%gather3A_820] in [0] : vector<16xf32>, vector<16xi32> -> vector<16xf32>
      %sub3A_822 = arith.subf %masked_sort3A_796, %gather3A_809 : vector<16xf32>
      %exp3A_823 = math.exp %sub3A_822 : vector<16xf32>
      %cumsum3A_824 = arith.constant true
      %cumsum3A_825 = vector.broadcast %cumsum3A_824 : i1 to vector<16xi1>
      %cumsum3A_826 = tpu.scan <sum>, %exp3A_823 masked %cumsum3A_825 : vector<16xf32>, vector<16xi1> -> vector<16xf32>
      %broadcast_in_dim3A_827 = arith.constant 15 : i32
      %broadcast_in_dim3A_828 = vector.broadcast %broadcast_in_dim3A_827 : i32 to vector<16xi32>
      %lt3A_829 = arith.constant 0 : i32
      %lt3A_830 = vector.broadcast %lt3A_829 : i32 to vector<16xi32>
      %lt3A_831 = arith.cmpi slt, %broadcast_in_dim3A_828, %lt3A_830 : vector<16xi32>
      %add3A_832 = arith.constant 16 : i32
      %add3A_833 = vector.broadcast %add3A_832 : i32 to vector<16xi32>
      %add3A_834 = arith.addi %broadcast_in_dim3A_828, %add3A_833 : vector<16xi32>
      %select_n3A_835 = arith.select %lt3A_831, %add3A_834, %broadcast_in_dim3A_828 : vector<16xi1>, vector<16xi32>
      %broadcast_in_dim3A_836 = vector.shape_cast %select_n3A_835 : vector<16xi32> to vector<16x1xi32>
      %gather3A_837 = vector.shape_cast %broadcast_in_dim3A_836 : vector<16x1xi32> to vector<16xi32>
      %gather3A_838 = tpu.dynamic_gather %cumsum3A_826[%gather3A_837] in [0] : vector<16xf32>, vector<16xi32> -> vector<16xf32>
      %div3A_839 = arith.constant 1.000000e+00 : f32
      %div3A_840 = vector.broadcast %div3A_839 : f32 to vector<16xf32>
      %div3A_841 = arith.divf %div3A_840, %gather3A_838 : vector<16xf32>
      %eq3A_842 = arith.cmpf oeq, %masked_sort3A_796, %gather3A_821 : vector<16xf32>
      %convert_element_type3A_843 = arith.extui %eq3A_842 : vector<16xi1> to vector<16xi32>
      %cumsum3A_844 = arith.constant true
      %cumsum3A_845 = vector.broadcast %cumsum3A_844 : i1 to vector<16xi1>
      %cumsum3A_846 = tpu.scan <sum>, %convert_element_type3A_843 masked %cumsum3A_845 : vector<16xi32>, vector<16xi1> -> vector<16xi32>
      %broadcast_in_dim3A_847 = arith.constant 15 : i32
      %broadcast_in_dim3A_848 = vector.broadcast %broadcast_in_dim3A_847 : i32 to vector<16xi32>
      %lt3A_849 = arith.constant 0 : i32
      %lt3A_850 = vector.broadcast %lt3A_849 : i32 to vector<16xi32>
      %lt3A_851 = arith.cmpi slt, %broadcast_in_dim3A_848, %lt3A_850 : vector<16xi32>
      %add3A_852 = arith.constant 16 : i32
      %add3A_853 = vector.broadcast %add3A_852 : i32 to vector<16xi32>
      %add3A_854 = arith.addi %broadcast_in_dim3A_848, %add3A_853 : vector<16xi32>
      %select_n3A_855 = arith.select %lt3A_851, %add3A_854, %broadcast_in_dim3A_848 : vector<16xi1>, vector<16xi32>
      %broadcast_in_dim3A_856 = vector.shape_cast %select_n3A_855 : vector<16xi32> to vector<16x1xi32>
      %gather3A_857 = vector.shape_cast %broadcast_in_dim3A_856 : vector<16x1xi32> to vector<16xi32>
      %gather3A_858 = tpu.dynamic_gather %cumsum3A_846[%gather3A_857] in [0] : vector<16xi32>, vector<16xi32> -> vector<16xi32>
      %broadcast_in_dim3A_859 = arith.constant 0 : i32
      %broadcast_in_dim3A_860 = vector.broadcast %broadcast_in_dim3A_859 : i32 to vector<16xi32>
      %sub3A_861 = arith.subf %get3A_742, %gather3A_809 : vector<16xf32>
      %exp3A_862 = math.exp %sub3A_861 : vector<16xf32>
      %mul3A_863 = arith.mulf %exp3A_862, %div3A_841 : vector<16xf32>
      %gt3A_864 = arith.cmpf ogt, %get3A_742, %gather3A_821 : vector<16xf32>
      %eq3A_865 = arith.cmpf oeq, %get3A_742, %gather3A_821 : vector<16xf32>
      %convert_element_type3A_866 = arith.extui %eq3A_865 : vector<16xi1> to vector<16xi32>
      %cumsum3A_867 = arith.constant true
      %cumsum3A_868 = vector.broadcast %cumsum3A_867 : i1 to vector<16xi1>
      %cumsum3A_869 = tpu.scan <sum>, %convert_element_type3A_866 masked %cumsum3A_868 : vector<16xi32>, vector<16xi1> -> vector<16xi32>
      %add3A_870 = arith.addi %cumsum3A_869, %broadcast_in_dim3A_860 : vector<16xi32>
      %le3A_871 = arith.cmpi sle, %add3A_870, %gather3A_858 : vector<16xi32>
      %and3A_872 = arith.andi %eq3A_865, %le3A_871 : vector<16xi1>
      %or3A_873 = arith.ori %gt3A_864, %and3A_872 : vector<16xi1>
      %jit3A_874 = arith.constant 0.000000e+00 : f32
      %broadcast_in_dim3A_875 = vector.broadcast %jit3A_874 : f32 to vector<16xf32>
      %select_n3A_876 = arith.select %or3A_873, %mul3A_863, %broadcast_in_dim3A_875 : vector<16xi1>, vector<16xf32>
      %swap3A_877 = arith.index_cast %add3A_739 : i32 to index
      %swap3A_878 = arith.constant 0 : index
      %swap3A_879 = tpu.vector_load %arg5[%swap3A_877, %swap3A_878] {strides = array<i32>} : memref<128x128xf32, #tpu.memory_space<vmem>>, vector<16xf32>,
      tpu.vector_store %arg5[%swap3A_877, %swap3A_878], %select_n3A_876 {strides = array<i32>} : memref<128x128xf32, #tpu.memory_space<vmem>>, vector<16xf32>,
      %broadcast_in_dim3A_880 = arith.constant 15 : i32
      %broadcast_in_dim3A_881 = vector.broadcast %broadcast_in_dim3A_880 : i32 to vector<16xi32>
      %lt3A_882 = arith.constant 0 : i32
      %lt3A_883 = vector.broadcast %lt3A_882 : i32 to vector<16xi32>
      %lt3A_884 = arith.cmpi slt, %broadcast_in_dim3A_881, %lt3A_883 : vector<16xi32>
      %add3A_885 = arith.constant 16 : i32
      %add3A_886 = vector.broadcast %add3A_885 : i32 to vector<16xi32>
      %add3A_887 = arith.addi %broadcast_in_dim3A_881, %add3A_886 : vector<16xi32>
      %select_n3A_888 = arith.select %lt3A_884, %add3A_887, %broadcast_in_dim3A_881 : vector<16xi1>, vector<16xi32>
      %broadcast_in_dim3A_889 = vector.shape_cast %select_n3A_888 : vector<16xi32> to vector<16x1xi32>
      %gather3A_890 = vector.shape_cast %broadcast_in_dim3A_889 : vector<16x1xi32> to vector<16xi32>
      %gather3A_891 = tpu.dynamic_gather %add3A_870[%gather3A_890] in [0] : vector<16xi32>, vector<16xi32> -> vector<16xi32>
      %sub3A_892 = arith.subf %get3A_745, %gather3A_809 : vector<16xf32>
      %exp3A_893 = math.exp %sub3A_892 : vector<16xf32>
      %mul3A_894 = arith.mulf %exp3A_893, %div3A_841 : vector<16xf32>
      %gt3A_895 = arith.cmpf ogt, %get3A_745, %gather3A_821 : vector<16xf32>
      %eq3A_896 = arith.cmpf oeq, %get3A_745, %gather3A_821 : vector<16xf32>
      %convert_element_type3A_897 = arith.extui %eq3A_896 : vector<16xi1> to vector<16xi32>
      %cumsum3A_898 = arith.constant true
      %cumsum3A_899 = vector.broadcast %cumsum3A_898 : i1 to vector<16xi1>
      %cumsum3A_900 = tpu.scan <sum>, %convert_element_type3A_897 masked %cumsum3A_899 : vector<16xi32>, vector<16xi1> -> vector<16xi32>
      %add3A_901 = arith.addi %cumsum3A_900, %gather3A_891 : vector<16xi32>
      %le3A_902 = arith.cmpi sle, %add3A_901, %gather3A_858 : vector<16xi32>
      %and3A_903 = arith.andi %eq3A_896, %le3A_902 : vector<16xi1>
      %or3A_904 = arith.ori %gt3A_895, %and3A_903 : vector<16xi1>
      %jit3A_905 = arith.constant 0.000000e+00 : f32
      %broadcast_in_dim3A_906 = vector.broadcast %jit3A_905 : f32 to vector<16xf32>
      %select_n3A_907 = arith.select %or3A_904, %mul3A_894, %broadcast_in_dim3A_906 : vector<16xi1>, vector<16xf32>
      %swap3A_908 = arith.index_cast %add3A_739 : i32 to index
      %swap3A_909 = arith.constant 16 : index
      %swap3A_910 = tpu.vector_load %arg5[%swap3A_908, %swap3A_909] {strides = array<i32>} : memref<128x128xf32, #tpu.memory_space<vmem>>, vector<16xf32>,
      tpu.vector_store %arg5[%swap3A_908, %swap3A_909], %select_n3A_907 {strides = array<i32>} : memref<128x128xf32, #tpu.memory_space<vmem>>, vector<16xf32>,
      %broadcast_in_dim3A_911 = arith.constant 15 : i32
      %broadcast_in_dim3A_912 = vector.broadcast %broadcast_in_dim3A_911 : i32 to vector<16xi32>
      %lt3A_913 = arith.constant 0 : i32
      %lt3A_914 = vector.broadcast %lt3A_913 : i32 to vector<16xi32>
      %lt3A_915 = arith.cmpi slt, %broadcast_in_dim3A_912, %lt3A_914 : vector<16xi32>
      %add3A_916 = arith.constant 16 : i32
      %add3A_917 = vector.broadcast %add3A_916 : i32 to vector<16xi32>
      %add3A_918 = arith.addi %broadcast_in_dim3A_912, %add3A_917 : vector<16xi32>
      %select_n3A_919 = arith.select %lt3A_915, %add3A_918, %broadcast_in_dim3A_912 : vector<16xi1>, vector<16xi32>
      %broadcast_in_dim3A_920 = vector.shape_cast %select_n3A_919 : vector<16xi32> to vector<16x1xi32>
      %gather3A_921 = vector.shape_cast %broadcast_in_dim3A_920 : vector<16x1xi32> to vector<16xi32>
      %gather3A_922 = tpu.dynamic_gather %add3A_901[%gather3A_921] in [0] : vector<16xi32>, vector<16xi32> -> vector<16xi32>
      %sub3A_923 = arith.subf %get3A_748, %gather3A_809 : vector<16xf32>
      %exp3A_924 = math.exp %sub3A_923 : vector<16xf32>
      %mul3A_925 = arith.mulf %exp3A_924, %div3A_841 : vector<16xf32>
      %gt3A_926 = arith.cmpf ogt, %get3A_748, %gather3A_821 : vector<16xf32>
      %eq3A_927 = arith.cmpf oeq, %get3A_748, %gather3A_821 : vector<16xf32>
      %convert_element_type3A_928 = arith.extui %eq3A_927 : vector<16xi1> to vector<16xi32>
      %cumsum3A_929 = arith.constant true
      %cumsum3A_930 = vector.broadcast %cumsum3A_929 : i1 to vector<16xi1>
      %cumsum3A_931 = tpu.scan <sum>, %convert_element_type3A_928 masked %cumsum3A_930 : vector<16xi32>, vector<16xi1> -> vector<16xi32>
      %add3A_932 = arith.addi %cumsum3A_931, %gather3A_922 : vector<16xi32>
      %le3A_933 = arith.cmpi sle, %add3A_932, %gather3A_858 : vector<16xi32>
      %and3A_934 = arith.andi %eq3A_927, %le3A_933 : vector<16xi1>
      %or3A_935 = arith.ori %gt3A_926, %and3A_934 : vector<16xi1>
      %jit3A_936 = arith.constant 0.000000e+00 : f32
      %broadcast_in_dim3A_937 = vector.broadcast %jit3A_936 : f32 to vector<16xf32>
      %select_n3A_938 = arith.select %or3A_935, %mul3A_925, %broadcast_in_dim3A_937 : vector<16xi1>, vector<16xf32>
      %swap3A_939 = arith.index_cast %add3A_739 : i32 to index
      %swap3A_940 = arith.constant 32 : index
      %swap3A_941 = tpu.vector_load %arg5[%swap3A_939, %swap3A_940] {strides = array<i32>} : memref<128x128xf32, #tpu.memory_space<vmem>>, vector<16xf32>,
      tpu.vector_store %arg5[%swap3A_939, %swap3A_940], %select_n3A_938 {strides = array<i32>} : memref<128x128xf32, #tpu.memory_space<vmem>>, vector<16xf32>,
      %broadcast_in_dim3A_942 = arith.constant 15 : i32
      %broadcast_in_dim3A_943 = vector.broadcast %broadcast_in_dim3A_942 : i32 to vector<16xi32>
      %lt3A_944 = arith.constant 0 : i32
      %lt3A_945 = vector.broadcast %lt3A_944 : i32 to vector<16xi32>
      %lt3A_946 = arith.cmpi slt, %broadcast_in_dim3A_943, %lt3A_945 : vector<16xi32>
      %add3A_947 = arith.constant 16 : i32
      %add3A_948 = vector.broadcast %add3A_947 : i32 to vector<16xi32>
      %add3A_949 = arith.addi %broadcast_in_dim3A_943, %add3A_948 : vector<16xi32>
      %select_n3A_950 = arith.select %lt3A_946, %add3A_949, %broadcast_in_dim3A_943 : vector<16xi1>, vector<16xi32>
      %broadcast_in_dim3A_951 = vector.shape_cast %select_n3A_950 : vector<16xi32> to vector<16x1xi32>
      %gather3A_952 = vector.shape_cast %broadcast_in_dim3A_951 : vector<16x1xi32> to vector<16xi32>
      %gather3A_953 = tpu.dynamic_gather %add3A_932[%gather3A_952] in [0] : vector<16xi32>, vector<16xi32> -> vector<16xi32>
      %sub3A_954 = arith.subf %get3A_751, %gather3A_809 : vector<16xf32>
      %exp3A_955 = math.exp %sub3A_954 : vector<16xf32>
      %mul3A_956 = arith.mulf %exp3A_955, %div3A_841 : vector<16xf32>
      %gt3A_957 = arith.cmpf ogt, %get3A_751, %gather3A_821 : vector<16xf32>
      %eq3A_958 = arith.cmpf oeq, %get3A_751, %gather3A_821 : vector<16xf32>
      %convert_element_type3A_959 = arith.extui %eq3A_958 : vector<16xi1> to vector<16xi32>
      %cumsum3A_960 = arith.constant true
      %cumsum3A_961 = vector.broadcast %cumsum3A_960 : i1 to vector<16xi1>
      %cumsum3A_962 = tpu.scan <sum>, %convert_element_type3A_959 masked %cumsum3A_961 : vector<16xi32>, vector<16xi1> -> vector<16xi32>
      %add3A_963 = arith.addi %cumsum3A_962, %gather3A_953 : vector<16xi32>
      %le3A_964 = arith.cmpi sle, %add3A_963, %gather3A_858 : vector<16xi32>
      %and3A_965 = arith.andi %eq3A_958, %le3A_964 : vector<16xi1>
      %or3A_966 = arith.ori %gt3A_957, %and3A_965 : vector<16xi1>
      %jit3A_967 = arith.constant 0.000000e+00 : f32
      %broadcast_in_dim3A_968 = vector.broadcast %jit3A_967 : f32 to vector<16xf32>
      %select_n3A_969 = arith.select %or3A_966, %mul3A_956, %broadcast_in_dim3A_968 : vector<16xi1>, vector<16xf32>
      %swap3A_970 = arith.index_cast %add3A_739 : i32 to index
      %swap3A_971 = arith.constant 48 : index
      %swap3A_972 = tpu.vector_load %arg5[%swap3A_970, %swap3A_971] {strides = array<i32>} : memref<128x128xf32, #tpu.memory_space<vmem>>, vector<16xf32>,
      tpu.vector_store %arg5[%swap3A_970, %swap3A_971], %select_n3A_969 {strides = array<i32>} : memref<128x128xf32, #tpu.memory_space<vmem>>, vector<16xf32>,
      %broadcast_in_dim3A_973 = arith.constant 15 : i32
      %broadcast_in_dim3A_974 = vector.broadcast %broadcast_in_dim3A_973 : i32 to vector<16xi32>
      %lt3A_975 = arith.constant 0 : i32
      %lt3A_976 = vector.broadcast %lt3A_975 : i32 to vector<16xi32>
      %lt3A_977 = arith.cmpi slt, %broadcast_in_dim3A_974, %lt3A_976 : vector<16xi32>
      %add3A_978 = arith.constant 16 : i32
      %add3A_979 = vector.broadcast %add3A_978 : i32 to vector<16xi32>
      %add3A_980 = arith.addi %broadcast_in_dim3A_974, %add3A_979 : vector<16xi32>
      %select_n3A_981 = arith.select %lt3A_977, %add3A_980, %broadcast_in_dim3A_974 : vector<16xi1>, vector<16xi32>
      %broadcast_in_dim3A_982 = vector.shape_cast %select_n3A_981 : vector<16xi32> to vector<16x1xi32>
      %gather3A_983 = vector.shape_cast %broadcast_in_dim3A_982 : vector<16x1xi32> to vector<16xi32>
      %gather3A_984 = tpu.dynamic_gather %add3A_963[%gather3A_983] in [0] : vector<16xi32>, vector<16xi32> -> vector<16xi32>
    }
    %scan3A_7 = arith.constant 32 : i32
    "tpu.region"() ({
      %run_scoped3A = tpu.sem_alloc : memref<!tpu.dma_semaphore, #tpu.memory_space<semaphore_mem>>
      %dma_start3A = arith.constant 0 : i32
      %dma_start3A_8 = tpu.memref_slice %arg3[%mul3A_2, %dma_start3A] : memref<4096x128xf32, #tpu.memory_space<hbm>> -> memref<128x128xf32, #tpu.memory_space<hbm>>
      %dma_start3A_9 = arith.constant 0 : i32
      %dma_start3A_10 = tpu.memref_slice %arg3[%mul3A_2, %dma_start3A_9] : memref<4096x128xf32, #tpu.memory_space<hbm>> -> memref<128x128xf32, #tpu.memory_space<hbm>>
      tpu.enqueue_dma source(%arg5 : memref<128x128xf32, #tpu.memory_space<vmem>>) target(%dma_start3A_10 : memref<128x128xf32, #tpu.memory_space<hbm>>) target_semaphore(%run_scoped3A : memref<!tpu.dma_semaphore, #tpu.memory_space<semaphore_mem>>)
      %dma_wait3A = arith.constant 0 : i32
      %dma_wait3A_11 = tpu.memref_slice %arg3[%mul3A_2, %dma_wait3A] : memref<4096x128xf32, #tpu.memory_space<hbm>> -> memref<128x128xf32, #tpu.memory_space<hbm>>
      %dma_wait3A_12 = arith.constant 0 : i32
      %dma_wait3A_13 = tpu.memref_slice %arg3[%mul3A_2, %dma_wait3A_12] : memref<4096x128xf32, #tpu.memory_space<hbm>> -> memref<128x128xf32, #tpu.memory_space<hbm>>
      tpu.wait_dma2 semaphore(%run_scoped3A : memref<!tpu.dma_semaphore, #tpu.memory_space<semaphore_mem>>) src(%arg5 : memref<128x128xf32, #tpu.memory_space<vmem>>) dst(%dma_wait3A_13 : memref<128x128xf32, #tpu.memory_space<hbm>>)
      tpu.yield
    }) : () -> ()
    return
  }
}

module attributes {stable_mosaic.version = 14 : i64} {
  func.func @body(%arg0: i32, %arg1: memref<8192x2048xf32, #tpu.memory_space<any>>, %arg2: memref<1024x256xbf16, #tpu.memory_space<vmem>>, %arg3: memref<1024x128xf32, #tpu.memory_space<vmem>>, %arg4: memref<2048x256xf32, #tpu.memory_space<vmem>>, %arg5: memref<1024x2048xf32, #tpu.memory_space<vmem>>) attributes {dimension_semantics = [#tpu.dimension_semantics<arbitrary>], iteration_bounds = array<i64: 4>, scalar_prefetch = 0 : i64, scratch_operands = 0 : i64, tpu.core_type = #tpu.core_type<tc>, window_params = [{}, {transform_indices = @transform_1, window_bounds = array<i64: 1024, 256>}, {transform_indices = @transform_2, window_bounds = array<i64: 1024, 128>}, {pipeline_mode = #tpu.pipeline_mode<synchronous>, transform_indices = @transform_3, window_bounds = array<i64: 2048, 256>}, {transform_indices = @transform_4, window_bounds = array<i64: 1024, 2048>}]} {
    %get3A = arith.constant 0 : index
    %get3A_0 = arith.constant 0 : index
    %get3A_1 = vector.load %arg3[%get3A, %get3A_0] : memref<1024x128xf32, #tpu.memory_space<vmem>>, vector<1024x64xf32>
    %convert_element_type3A = arith.truncf %get3A_1 : vector<1024x64xf32> to vector<1024x64xbf16>
    %iota3A = tpu.iota {dimensions = array<i32: 1>} : vector<64x256xi32>
    %jit3A = arith.constant 4 : i32
    %div3A = vector.broadcast %jit3A : i32 to vector<64x256xi32>
    %div3A_2 = arith.divsi %iota3A, %div3A : vector<64x256xi32>
    %sign3A = arith.constant 0 : i32
    %sign3A_3 = vector.broadcast %sign3A : i32 to vector<64x256xi32>
    %sign3A_4 = arith.cmpi sgt, %iota3A, %sign3A_3 : vector<64x256xi32>
    %sign3A_5 = arith.extui %sign3A_4 : vector<64x256xi1> to vector<64x256xi32>
    %sign3A_6 = arith.constant 0 : i32
    %sign3A_7 = vector.broadcast %sign3A_6 : i32 to vector<64x256xi32>
    %sign3A_8 = arith.cmpi slt, %iota3A, %sign3A_7 : vector<64x256xi32>
    %sign3A_9 = arith.extui %sign3A_8 : vector<64x256xi1> to vector<64x256xi32>
    %sign3A_10 = arith.subi %sign3A_5, %sign3A_9 : vector<64x256xi32>
    %sign3A_11 = arith.constant 0 : i32
    %sign3A_12 = arith.cmpi sgt, %jit3A, %sign3A_11 : i32
    %sign3A_13 = arith.extui %sign3A_12 : i1 to i32
    %sign3A_14 = arith.constant 0 : i32
    %sign3A_15 = arith.cmpi slt, %jit3A, %sign3A_14 : i32
    %sign3A_16 = arith.extui %sign3A_15 : i1 to i32
    %sign3A_17 = arith.subi %sign3A_13, %sign3A_16 : i32
    %ne3A = vector.broadcast %sign3A_17 : i32 to vector<64x256xi32>
    %ne3A_18 = arith.cmpi ne, %sign3A_10, %ne3A : vector<64x256xi32>
    %rem3A = vector.broadcast %jit3A : i32 to vector<64x256xi32>
    %rem3A_19 = arith.remsi %iota3A, %rem3A : vector<64x256xi32>
    %ne3A_20 = arith.constant 0 : i32
    %ne3A_21 = vector.broadcast %ne3A_20 : i32 to vector<64x256xi32>
    %ne3A_22 = arith.cmpi ne, %rem3A_19, %ne3A_21 : vector<64x256xi32>
    %and3A = arith.andi %ne3A_18, %ne3A_22 : vector<64x256xi1>
    %sub3A = arith.constant 1 : i32
    %sub3A_23 = vector.broadcast %sub3A : i32 to vector<64x256xi32>
    %sub3A_24 = arith.subi %div3A_2, %sub3A_23 : vector<64x256xi32>
    %select_n3A = arith.select %and3A, %sub3A_24, %div3A_2 : vector<64x256xi1>, vector<64x256xi32>
    %iota3A_25 = tpu.iota {dimensions = array<i32: 0>} : vector<64x256xi32>
    %eq3A = arith.cmpi eq, %select_n3A, %iota3A_25 : vector<64x256xi32>
    %convert_element_type3A_26 = arith.extui %eq3A : vector<64x256xi1> to vector<64x256xi32>
    %convert_element_type3A_27 = arith.sitofp %convert_element_type3A_26 : vector<64x256xi32> to vector<64x256xf32>
    %convert_element_type3A_28 = arith.truncf %convert_element_type3A_27 : vector<64x256xf32> to vector<64x256xbf16>
    %dot_general3A = arith.constant dense<0.000000e+00> : vector<1024x256xf32>
    %dot_general3A_29 = tpu.matmul %convert_element_type3A, %convert_element_type3A_28, %dot_general3A {dimension_numbers = #tpu.dot_dimension_numbers<[1], [0], [0], [1], [0, 0, 1, 1], [], []>, transpose_lhs_hint = false} : vector<1024x64xbf16>, vector<64x256xbf16>, vector<1024x256xf32> -> vector<1024x256xf32>
    %get3A_30 = arith.constant 0 : index
    %get3A_31 = arith.constant 0 : index
    %get3A_32 = vector.load %arg2[%get3A_30, %get3A_31] : memref<1024x256xbf16, #tpu.memory_space<vmem>>, vector<1024x256xbf16>
    %convert_element_type3A_33 = arith.truncf %dot_general3A_29 : vector<1024x256xf32> to vector<1024x256xbf16>
    %mul3A = arith.mulf %get3A_32, %convert_element_type3A_33 : vector<1024x256xbf16>
    %get3A_34 = arith.constant 0 : index
    %get3A_35 = arith.constant 0 : index
    %get3A_36 = vector.load %arg4[%get3A_34, %get3A_35] : memref<2048x256xf32, #tpu.memory_space<vmem>>, vector<2048x256xf32>
    %convert_element_type3A_37 = arith.truncf %get3A_36 : vector<2048x256xf32> to vector<2048x256xbf16>
    %dot_general3A_38 = arith.constant dense<0.000000e+00> : vector<1024x2048xf32>
    %dot_general3A_39 = tpu.matmul %mul3A, %convert_element_type3A_37, %dot_general3A_38 {dimension_numbers = #tpu.dot_dimension_numbers<[1], [1], [0], [0], [0, 0, 1, 0], [], []>, transpose_lhs_hint = false} : vector<1024x256xbf16>, vector<2048x256xbf16>, vector<1024x2048xf32> -> vector<1024x2048xf32>
    %mul3A_40 = arith.constant 2.000000e+00 : f32
    %mul3A_41 = vector.broadcast %mul3A_40 : f32 to vector<1024x2048xf32>
    %mul3A_42 = arith.mulf %dot_general3A_39, %mul3A_41 : vector<1024x2048xf32>
    %swap3A = arith.constant 0 : index
    %swap3A_43 = arith.constant 0 : index
    %swap3A_44 = vector.load %arg5[%swap3A, %swap3A_43] : memref<1024x2048xf32, #tpu.memory_space<vmem>>, vector<1024x2048xf32>
    tpu.vector_store %arg5[%swap3A, %swap3A_43], %mul3A_42 {strides = array<i32>} : memref<1024x2048xf32, #tpu.memory_space<vmem>>, vector<1024x2048xf32>,
    return
  }
  func.func @transform_1(%arg0: i32) -> (i32, i32) {
    %c0_i32 = arith.constant 0 : i32
    %c0_i32_0 = arith.constant 0 : i32
    return %arg0, %c0_i32 : i32, i32
  }
  func.func @transform_2(%arg0: i32) -> (i32, i32) {
    %c0_i32 = arith.constant 0 : i32
    %c0_i32_0 = arith.constant 0 : i32
    return %arg0, %c0_i32 : i32, i32
  }
  func.func @transform_3(%arg0: i32) -> (i32, i32) {
    %c0_i32 = arith.constant 0 : i32
    %c0_i32_0 = arith.constant 0 : i32
    %c0_i32_1 = arith.constant 0 : i32
    return %c0_i32, %c0_i32_0 : i32, i32
  }
  func.func @transform_4(%arg0: i32) -> (i32, i32) {
    %add3A = arith.constant 4 : i32
    %add3A_0 = arith.addi %arg0, %add3A : i32
    %c0_i32 = arith.constant 0 : i32
    %c0_i32_1 = arith.constant 0 : i32
    return %add3A_0, %c0_i32 : i32, i32
  }
}

module attributes {stable_mosaic.version = 14 : i64} {
  func.func @_stage1_body(%arg0: i32, %arg1: memref<1024x2048xf32, #tpu.memory_space<vmem>>, %arg2: memref<256x2048xf32, #tpu.memory_space<vmem>>, %arg3: memref<16x2048xf32, #tpu.memory_space<vmem>>, %arg4: memref<16x64xf32, #tpu.memory_space<vmem>>, %arg5: memref<1024x256xbf16, #tpu.memory_space<vmem>>, %arg6: memref<1024x128xf32, #tpu.memory_space<vmem>>) attributes {dimension_semantics = [#tpu.dimension_semantics<arbitrary>], iteration_bounds = array<i64: 4>, scalar_prefetch = 0 : i64, scratch_operands = 0 : i64, tpu.core_type = #tpu.core_type<tc>, window_params = [{transform_indices = @transform_0, window_bounds = array<i64: 1024, 2048>}, {pipeline_mode = #tpu.pipeline_mode<synchronous>, transform_indices = @transform_1, window_bounds = array<i64: 256, 2048>}, {pipeline_mode = #tpu.pipeline_mode<synchronous>, transform_indices = @transform_2, window_bounds = array<i64: 16, 2048>}, {pipeline_mode = #tpu.pipeline_mode<synchronous>, transform_indices = @transform_3, window_bounds = array<i64: 16, 64>}, {transform_indices = @transform_4, window_bounds = array<i64: 1024, 256>}, {transform_indices = @transform_5, window_bounds = array<i64: 1024, 128>}]} {
    %get3A = arith.constant 0 : index
    %get3A_0 = arith.constant 0 : index
    %get3A_1 = vector.load %arg1[%get3A, %get3A_0] : memref<1024x2048xf32, #tpu.memory_space<vmem>>, vector<1024x2048xf32>
    %convert_element_type3A = arith.truncf %get3A_1 : vector<1024x2048xf32> to vector<1024x2048xbf16>
    %get3A_2 = arith.constant 0 : index
    %get3A_3 = arith.constant 0 : index
    %get3A_4 = vector.load %arg2[%get3A_2, %get3A_3] : memref<256x2048xf32, #tpu.memory_space<vmem>>, vector<256x2048xf32>
    %convert_element_type3A_5 = arith.truncf %get3A_4 : vector<256x2048xf32> to vector<256x2048xbf16>
    %dot_general3A = arith.constant dense<0.000000e+00> : vector<1024x256xf32>
    %dot_general3A_6 = tpu.matmul %convert_element_type3A, %convert_element_type3A_5, %dot_general3A {dimension_numbers = #tpu.dot_dimension_numbers<[1], [1], [0], [0], [0, 0, 1, 0], [], []>, transpose_lhs_hint = false} : vector<1024x2048xbf16>, vector<256x2048xbf16>, vector<1024x256xf32> -> vector<1024x256xf32>
    %convert_element_type3A_7 = arith.truncf %dot_general3A_6 : vector<1024x256xf32> to vector<1024x256xbf16>
    %swap3A = arith.constant 0 : index
    %swap3A_8 = arith.constant 0 : index
    %swap3A_9 = vector.load %arg5[%swap3A, %swap3A_8] : memref<1024x256xbf16, #tpu.memory_space<vmem>>, vector<1024x256xbf16>
    tpu.vector_store %arg5[%swap3A, %swap3A_8], %convert_element_type3A_7 {strides = array<i32>} : memref<1024x256xbf16, #tpu.memory_space<vmem>>, vector<1024x256xbf16>,
    %get3A_10 = arith.constant 0 : index
    %get3A_11 = arith.constant 0 : index
    %get3A_12 = vector.load %arg3[%get3A_10, %get3A_11] : memref<16x2048xf32, #tpu.memory_space<vmem>>, vector<16x2048xf32>
    %dot_general3A_13 = arith.constant dense<0.000000e+00> : vector<1024x16xf32>
    %dot_general3A_14 = tpu.matmul %get3A_1, %get3A_12, %dot_general3A_13 {dimension_numbers = #tpu.dot_dimension_numbers<[1], [1], [0], [0], [0, 0, 1, 0], [], []>, transpose_lhs_hint = false} : vector<1024x2048xf32>, vector<16x2048xf32>, vector<1024x16xf32> -> vector<1024x16xf32>
    %get3A_15 = arith.constant 0 : index
    %get3A_16 = arith.constant 0 : index
    %get3A_17 = vector.load %arg4[%get3A_15, %get3A_16] : memref<16x64xf32, #tpu.memory_space<vmem>>, vector<16x64xf32>
    %dot_general3A_18 = arith.constant dense<0.000000e+00> : vector<1024x64xf32>
    %dot_general3A_19 = tpu.matmul %dot_general3A_14, %get3A_17, %dot_general3A_18 {dimension_numbers = #tpu.dot_dimension_numbers<[1], [0], [0], [1], [0, 0, 1, 1], [], []>, transpose_lhs_hint = false} : vector<1024x16xf32>, vector<16x64xf32>, vector<1024x64xf32> -> vector<1024x64xf32>
    %swap3A_20 = arith.constant 0 : index
    %swap3A_21 = arith.constant 0 : index
    %swap3A_22 = vector.load %arg6[%swap3A_20, %swap3A_21] : memref<1024x128xf32, #tpu.memory_space<vmem>>, vector<1024x64xf32>
    tpu.vector_store %arg6[%swap3A_20, %swap3A_21], %dot_general3A_19 {strides = array<i32>} : memref<1024x128xf32, #tpu.memory_space<vmem>>, vector<1024x64xf32>,
    return
  }
  func.func @transform_0(%arg0: i32) -> (i32, i32) {
    %add3A = arith.constant 0 : i32
    %add3A_0 = arith.addi %arg0, %add3A : i32
    %c0_i32 = arith.constant 0 : i32
    %c0_i32_1 = arith.constant 0 : i32
    return %add3A_0, %c0_i32 : i32, i32
  }
  func.func @transform_1(%arg0: i32) -> (i32, i32) {
    %c0_i32 = arith.constant 0 : i32
    %c0_i32_0 = arith.constant 0 : i32
    %c0_i32_1 = arith.constant 0 : i32
    return %c0_i32, %c0_i32_0 : i32, i32
  }
  func.func @transform_2(%arg0: i32) -> (i32, i32) {
    %c0_i32 = arith.constant 0 : i32
    %c0_i32_0 = arith.constant 0 : i32
    %c0_i32_1 = arith.constant 0 : i32
    return %c0_i32, %c0_i32_0 : i32, i32
  }
  func.func @transform_3(%arg0: i32) -> (i32, i32) {
    %c0_i32 = arith.constant 0 : i32
    %c0_i32_0 = arith.constant 0 : i32
    %c0_i32_1 = arith.constant 0 : i32
    return %c0_i32, %c0_i32_0 : i32, i32
  }
  func.func @transform_4(%arg0: i32) -> (i32, i32) {
    %c0_i32 = arith.constant 0 : i32
    %c0_i32_0 = arith.constant 0 : i32
    return %arg0, %c0_i32 : i32, i32
  }
  func.func @transform_5(%arg0: i32) -> (i32, i32) {
    %c0_i32 = arith.constant 0 : i32
    %c0_i32_0 = arith.constant 0 : i32
    return %arg0, %c0_i32 : i32, i32
  }
}

module attributes {stable_mosaic.version = 14 : i64} {
  func.func @_stage2_body(%arg0: i32, %arg1: memref<1024x256xbf16, #tpu.memory_space<vmem>>, %arg2: memref<1024x128xf32, #tpu.memory_space<vmem>>, %arg3: memref<2048x256xf32, #tpu.memory_space<vmem>>, %arg4: memref<1024x2048xf32, #tpu.memory_space<vmem>>) attributes {dimension_semantics = [#tpu.dimension_semantics<arbitrary>], iteration_bounds = array<i64: 4>, scalar_prefetch = 0 : i64, scratch_operands = 0 : i64, tpu.core_type = #tpu.core_type<tc>, window_params = [{transform_indices = @transform_0, window_bounds = array<i64: 1024, 256>}, {transform_indices = @transform_1, window_bounds = array<i64: 1024, 128>}, {pipeline_mode = #tpu.pipeline_mode<synchronous>, transform_indices = @transform_2, window_bounds = array<i64: 2048, 256>}, {transform_indices = @transform_3, window_bounds = array<i64: 1024, 2048>}]} {
    %get3A = arith.constant 0 : index
    %get3A_0 = arith.constant 0 : index
    %get3A_1 = vector.load %arg2[%get3A, %get3A_0] : memref<1024x128xf32, #tpu.memory_space<vmem>>, vector<1024x64xf32>
    %convert_element_type3A = arith.truncf %get3A_1 : vector<1024x64xf32> to vector<1024x64xbf16>
    %iota3A = tpu.iota {dimensions = array<i32: 1>} : vector<64x256xi32>
    %jit3A = arith.constant 4 : i32
    %div3A = vector.broadcast %jit3A : i32 to vector<64x256xi32>
    %div3A_2 = arith.divsi %iota3A, %div3A : vector<64x256xi32>
    %sign3A = arith.constant 0 : i32
    %sign3A_3 = vector.broadcast %sign3A : i32 to vector<64x256xi32>
    %sign3A_4 = arith.cmpi sgt, %iota3A, %sign3A_3 : vector<64x256xi32>
    %sign3A_5 = arith.extui %sign3A_4 : vector<64x256xi1> to vector<64x256xi32>
    %sign3A_6 = arith.constant 0 : i32
    %sign3A_7 = vector.broadcast %sign3A_6 : i32 to vector<64x256xi32>
    %sign3A_8 = arith.cmpi slt, %iota3A, %sign3A_7 : vector<64x256xi32>
    %sign3A_9 = arith.extui %sign3A_8 : vector<64x256xi1> to vector<64x256xi32>
    %sign3A_10 = arith.subi %sign3A_5, %sign3A_9 : vector<64x256xi32>
    %sign3A_11 = arith.constant 0 : i32
    %sign3A_12 = arith.cmpi sgt, %jit3A, %sign3A_11 : i32
    %sign3A_13 = arith.extui %sign3A_12 : i1 to i32
    %sign3A_14 = arith.constant 0 : i32
    %sign3A_15 = arith.cmpi slt, %jit3A, %sign3A_14 : i32
    %sign3A_16 = arith.extui %sign3A_15 : i1 to i32
    %sign3A_17 = arith.subi %sign3A_13, %sign3A_16 : i32
    %ne3A = vector.broadcast %sign3A_17 : i32 to vector<64x256xi32>
    %ne3A_18 = arith.cmpi ne, %sign3A_10, %ne3A : vector<64x256xi32>
    %rem3A = vector.broadcast %jit3A : i32 to vector<64x256xi32>
    %rem3A_19 = arith.remsi %iota3A, %rem3A : vector<64x256xi32>
    %ne3A_20 = arith.constant 0 : i32
    %ne3A_21 = vector.broadcast %ne3A_20 : i32 to vector<64x256xi32>
    %ne3A_22 = arith.cmpi ne, %rem3A_19, %ne3A_21 : vector<64x256xi32>
    %and3A = arith.andi %ne3A_18, %ne3A_22 : vector<64x256xi1>
    %sub3A = arith.constant 1 : i32
    %sub3A_23 = vector.broadcast %sub3A : i32 to vector<64x256xi32>
    %sub3A_24 = arith.subi %div3A_2, %sub3A_23 : vector<64x256xi32>
    %select_n3A = arith.select %and3A, %sub3A_24, %div3A_2 : vector<64x256xi1>, vector<64x256xi32>
    %iota3A_25 = tpu.iota {dimensions = array<i32: 0>} : vector<64x256xi32>
    %eq3A = arith.cmpi eq, %select_n3A, %iota3A_25 : vector<64x256xi32>
    %convert_element_type3A_26 = arith.extui %eq3A : vector<64x256xi1> to vector<64x256xi32>
    %convert_element_type3A_27 = arith.sitofp %convert_element_type3A_26 : vector<64x256xi32> to vector<64x256xf32>
    %convert_element_type3A_28 = arith.truncf %convert_element_type3A_27 : vector<64x256xf32> to vector<64x256xbf16>
    %dot_general3A = arith.constant dense<0.000000e+00> : vector<1024x256xf32>
    %dot_general3A_29 = tpu.matmul %convert_element_type3A, %convert_element_type3A_28, %dot_general3A {dimension_numbers = #tpu.dot_dimension_numbers<[1], [0], [0], [1], [0, 0, 1, 1], [], []>, transpose_lhs_hint = false} : vector<1024x64xbf16>, vector<64x256xbf16>, vector<1024x256xf32> -> vector<1024x256xf32>
    %get3A_30 = arith.constant 0 : index
    %get3A_31 = arith.constant 0 : index
    %get3A_32 = vector.load %arg1[%get3A_30, %get3A_31] : memref<1024x256xbf16, #tpu.memory_space<vmem>>, vector<1024x256xbf16>
    %convert_element_type3A_33 = arith.truncf %dot_general3A_29 : vector<1024x256xf32> to vector<1024x256xbf16>
    %mul3A = arith.mulf %get3A_32, %convert_element_type3A_33 : vector<1024x256xbf16>
    %get3A_34 = arith.constant 0 : index
    %get3A_35 = arith.constant 0 : index
    %get3A_36 = vector.load %arg3[%get3A_34, %get3A_35] : memref<2048x256xf32, #tpu.memory_space<vmem>>, vector<2048x256xf32>
    %convert_element_type3A_37 = arith.truncf %get3A_36 : vector<2048x256xf32> to vector<2048x256xbf16>
    %dot_general3A_38 = arith.constant dense<0.000000e+00> : vector<1024x2048xf32>
    %dot_general3A_39 = tpu.matmul %mul3A, %convert_element_type3A_37, %dot_general3A_38 {dimension_numbers = #tpu.dot_dimension_numbers<[1], [1], [0], [0], [0, 0, 1, 0], [], []>, transpose_lhs_hint = false} : vector<1024x256xbf16>, vector<2048x256xbf16>, vector<1024x2048xf32> -> vector<1024x2048xf32>
    %mul3A_40 = arith.constant 2.000000e+00 : f32
    %mul3A_41 = vector.broadcast %mul3A_40 : f32 to vector<1024x2048xf32>
    %mul3A_42 = arith.mulf %dot_general3A_39, %mul3A_41 : vector<1024x2048xf32>
    %swap3A = arith.constant 0 : index
    %swap3A_43 = arith.constant 0 : index
    %swap3A_44 = vector.load %arg4[%swap3A, %swap3A_43] : memref<1024x2048xf32, #tpu.memory_space<vmem>>, vector<1024x2048xf32>
    tpu.vector_store %arg4[%swap3A, %swap3A_43], %mul3A_42 {strides = array<i32>} : memref<1024x2048xf32, #tpu.memory_space<vmem>>, vector<1024x2048xf32>,
    return
  }
  func.func @transform_0(%arg0: i32) -> (i32, i32) {
    %c0_i32 = arith.constant 0 : i32
    %c0_i32_0 = arith.constant 0 : i32
    return %arg0, %c0_i32 : i32, i32
  }
  func.func @transform_1(%arg0: i32) -> (i32, i32) {
    %c0_i32 = arith.constant 0 : i32
    %c0_i32_0 = arith.constant 0 : i32
    return %arg0, %c0_i32 : i32, i32
  }
  func.func @transform_2(%arg0: i32) -> (i32, i32) {
    %c0_i32 = arith.constant 0 : i32
    %c0_i32_0 = arith.constant 0 : i32
    %c0_i32_1 = arith.constant 0 : i32
    return %c0_i32, %c0_i32_0 : i32, i32
  }
  func.func @transform_3(%arg0: i32) -> (i32, i32) {
    %add3A = arith.constant 0 : i32
    %add3A_0 = arith.addi %arg0, %add3A : i32
    %c0_i32 = arith.constant 0 : i32
    %c0_i32_1 = arith.constant 0 : i32
    return %add3A_0, %c0_i32 : i32, i32
  }
}

module attributes {stable_mosaic.version = 14 : i64} {
  func.func @_stage1_body(%arg0: i32, %arg1: memref<1024x2048xf32, #tpu.memory_space<vmem>>, %arg2: memref<256x2048xf32, #tpu.memory_space<vmem>>, %arg3: memref<16x2048xf32, #tpu.memory_space<vmem>>, %arg4: memref<16x64xf32, #tpu.memory_space<vmem>>, %arg5: memref<1024x256xbf16, #tpu.memory_space<vmem>>, %arg6: memref<1024x128xf32, #tpu.memory_space<vmem>>) attributes {dimension_semantics = [#tpu.dimension_semantics<arbitrary>], iteration_bounds = array<i64: 4>, scalar_prefetch = 0 : i64, scratch_operands = 0 : i64, tpu.core_type = #tpu.core_type<tc>, window_params = [{transform_indices = @transform_0, window_bounds = array<i64: 1024, 2048>}, {pipeline_mode = #tpu.pipeline_mode<synchronous>, transform_indices = @transform_1, window_bounds = array<i64: 256, 2048>}, {pipeline_mode = #tpu.pipeline_mode<synchronous>, transform_indices = @transform_2, window_bounds = array<i64: 16, 2048>}, {pipeline_mode = #tpu.pipeline_mode<synchronous>, transform_indices = @transform_3, window_bounds = array<i64: 16, 64>}, {transform_indices = @transform_4, window_bounds = array<i64: 1024, 256>}, {transform_indices = @transform_5, window_bounds = array<i64: 1024, 128>}]} {
    %get3A = arith.constant 0 : index
    %get3A_0 = arith.constant 0 : index
    %get3A_1 = vector.load %arg1[%get3A, %get3A_0] : memref<1024x2048xf32, #tpu.memory_space<vmem>>, vector<1024x2048xf32>
    %convert_element_type3A = arith.truncf %get3A_1 : vector<1024x2048xf32> to vector<1024x2048xbf16>
    %get3A_2 = arith.constant 0 : index
    %get3A_3 = arith.constant 0 : index
    %get3A_4 = vector.load %arg2[%get3A_2, %get3A_3] : memref<256x2048xf32, #tpu.memory_space<vmem>>, vector<256x2048xf32>
    %convert_element_type3A_5 = arith.truncf %get3A_4 : vector<256x2048xf32> to vector<256x2048xbf16>
    %dot_general3A = arith.constant dense<0.000000e+00> : vector<1024x256xf32>
    %dot_general3A_6 = tpu.matmul %convert_element_type3A, %convert_element_type3A_5, %dot_general3A {dimension_numbers = #tpu.dot_dimension_numbers<[1], [1], [0], [0], [0, 0, 1, 0], [], []>, transpose_lhs_hint = false} : vector<1024x2048xbf16>, vector<256x2048xbf16>, vector<1024x256xf32> -> vector<1024x256xf32>
    %convert_element_type3A_7 = arith.truncf %dot_general3A_6 : vector<1024x256xf32> to vector<1024x256xbf16>
    %swap3A = arith.constant 0 : index
    %swap3A_8 = arith.constant 0 : index
    %swap3A_9 = vector.load %arg5[%swap3A, %swap3A_8] : memref<1024x256xbf16, #tpu.memory_space<vmem>>, vector<1024x256xbf16>
    tpu.vector_store %arg5[%swap3A, %swap3A_8], %convert_element_type3A_7 {strides = array<i32>} : memref<1024x256xbf16, #tpu.memory_space<vmem>>, vector<1024x256xbf16>,
    %get3A_10 = arith.constant 0 : index
    %get3A_11 = arith.constant 0 : index
    %get3A_12 = vector.load %arg3[%get3A_10, %get3A_11] : memref<16x2048xf32, #tpu.memory_space<vmem>>, vector<16x2048xf32>
    %dot_general3A_13 = arith.constant dense<0.000000e+00> : vector<1024x16xf32>
    %dot_general3A_14 = tpu.matmul %get3A_1, %get3A_12, %dot_general3A_13 {dimension_numbers = #tpu.dot_dimension_numbers<[1], [1], [0], [0], [0, 0, 1, 0], [], []>, transpose_lhs_hint = false} : vector<1024x2048xf32>, vector<16x2048xf32>, vector<1024x16xf32> -> vector<1024x16xf32>
    %get3A_15 = arith.constant 0 : index
    %get3A_16 = arith.constant 0 : index
    %get3A_17 = vector.load %arg4[%get3A_15, %get3A_16] : memref<16x64xf32, #tpu.memory_space<vmem>>, vector<16x64xf32>
    %dot_general3A_18 = arith.constant dense<0.000000e+00> : vector<1024x64xf32>
    %dot_general3A_19 = tpu.matmul %dot_general3A_14, %get3A_17, %dot_general3A_18 {dimension_numbers = #tpu.dot_dimension_numbers<[1], [0], [0], [1], [0, 0, 1, 1], [], []>, transpose_lhs_hint = false} : vector<1024x16xf32>, vector<16x64xf32>, vector<1024x64xf32> -> vector<1024x64xf32>
    %swap3A_20 = arith.constant 0 : index
    %swap3A_21 = arith.constant 0 : index
    %swap3A_22 = vector.load %arg6[%swap3A_20, %swap3A_21] : memref<1024x128xf32, #tpu.memory_space<vmem>>, vector<1024x64xf32>
    tpu.vector_store %arg6[%swap3A_20, %swap3A_21], %dot_general3A_19 {strides = array<i32>} : memref<1024x128xf32, #tpu.memory_space<vmem>>, vector<1024x64xf32>,
    return
  }
  func.func @transform_0(%arg0: i32) -> (i32, i32) {
    %add3A = arith.constant 4 : i32
    %add3A_0 = arith.addi %arg0, %add3A : i32
    %c0_i32 = arith.constant 0 : i32
    %c0_i32_1 = arith.constant 0 : i32
    return %add3A_0, %c0_i32 : i32, i32
  }
  func.func @transform_1(%arg0: i32) -> (i32, i32) {
    %c0_i32 = arith.constant 0 : i32
    %c0_i32_0 = arith.constant 0 : i32
    %c0_i32_1 = arith.constant 0 : i32
    return %c0_i32, %c0_i32_0 : i32, i32
  }
  func.func @transform_2(%arg0: i32) -> (i32, i32) {
    %c0_i32 = arith.constant 0 : i32
    %c0_i32_0 = arith.constant 0 : i32
    %c0_i32_1 = arith.constant 0 : i32
    return %c0_i32, %c0_i32_0 : i32, i32
  }
  func.func @transform_3(%arg0: i32) -> (i32, i32) {
    %c0_i32 = arith.constant 0 : i32
    %c0_i32_0 = arith.constant 0 : i32
    %c0_i32_1 = arith.constant 0 : i32
    return %c0_i32, %c0_i32_0 : i32, i32
  }
  func.func @transform_4(%arg0: i32) -> (i32, i32) {
    %c0_i32 = arith.constant 0 : i32
    %c0_i32_0 = arith.constant 0 : i32
    return %arg0, %c0_i32 : i32, i32
  }
  func.func @transform_5(%arg0: i32) -> (i32, i32) {
    %c0_i32 = arith.constant 0 : i32
    %c0_i32_0 = arith.constant 0 : i32
    return %arg0, %c0_i32 : i32, i32
  }
}

</mosaic_0001>

<sc_bundles>
// kernel: kernel.11.cloned.1.call-start
scs
__scs_entry_jumppad:
0x0: {  	(pc) =	sbr.rel $0x88, $3  }
0x1: {  	(tag) =	ssettag $0x0;
	lr =	simm.s32 $0x1  }
0x2: {  	[smem:$0x3F9C] =	sst lr;
	_ =	strace $0xD0000000  }
0x3: {  	_ = 	snop  }
0x4: {  	_ = 	snop  }
0x5: {  	_ = 	snop  }
0x6: {  	_ = 	snop  }
0x7: {  	_ = 	snop  }
__scs_overlays_trampoline_lowered:
0x8: {  	[smem:$0x3FAB] =	sst s0  }
0x9: {  	[smem:$0x3FAC] =	sst s1  }
0xa: {  	[smem:$0x3FAD] =	sst s2  }
0xb: {  	[smem:$0x3FAE] =	sst s3  }
0xc: {  	[smem:$0x3FAF] =	sst s4  }
0xd: {  	[smem:$0x3FB0] =	sst s5  }
0xe: {  	[smem:$0x3FB1] =	sst s6  }
0xf: {  	[smem:$0x3FB2] =	sst s7  }
0x10: {  	[smem:$0x3FB3] =	sst s8  }
0x11: {  	[smem:$0x3FB4] =	sst s9;
	s0 =	simm.s32 @!p0 $0x0  }
0x12: {  	s1 =	sld [smem:$0x3F9A];
	s0 =	simm.s32 @p0 $0x1  }
0x13: {  	[smem:$0x3FB5] =	sst s0;
	s0 =	simm.s32 @!p1 $0x0  }
0x14: {  	s2 =	sld [smem:$0x3F99];
	s0 =	simm.s32 @p1 $0x1  }
0x15: {  	[smem:$0x3FB6] =	sst s0;
	s0 =	simm.s32 @!p2 $0x0  }
0x16: {  	s3 =	sld [smem:$0x3FDB];
	s0 =	simm.s32 @p2 $0x1  }
0x17: {  	s4 =	simm.s32 $0x1BF5;
	[smem:$0x3FB8] =	sst s0  }
0x18: {  	s0 =	sld [smem:$0x3F9B];
	_ =	swait.ge [sflag:s4], $0x0  }
0x19: {  	s7 =	sld [smem:$0x3F9C]  }
0x1a: {  	s8 =	sadd.s32 $0xFFFFE003, lr  }
0x1b: {  	s9 =	sadd.s32 $0xFFFFFEF7, lr;
	s5 =	simm.s32 $0xFFFFFFFF;
	p2 =	slt.u32 s8, $0xFFFFF086  }
0x1c: {  	p1 =	slt.u32 s9, $0xF7A;
	s5 =	simm.s32 @!p2 $0x0  }
0x1d: {  	s5 =	simm.s32 @p1 $0x1;
	p0 =	seq.s32 s7, s2  }
0x1e: {  	s7 =	smul.u32 @!p0 $0xF7A, s2;
	p2 =	seq.s32 @!p0 s5, $0x0  }
0x1f: {  	s9 =	smul.u32 $0xF7A, s1;
	s8 =	simm.s32 @!p0 $0x1BF5;
	p2 =	por !p2, p0  }
0x20: {  	[sflag:s8] =	ssyncset.s32 @!p0 $0xFFFFF086;
	s6 =	sadd.s32 @!p0 s3, s7;
	s7 =	simm.s32 @!p0 $0x108  }
0x21: {  	s3 =	sadd.s32 s3, s9;
	s6 =	sadd.s32 @!p0 $0x88, s6;
	s7 =	simm.s32 @p2 $0x1082  }
0x22: {  	[simem:s7], [sflag:s8] =	dma.local @!p0 [hbm:s6], $0xF7A  }
0x23: {  	s9 =	sor.u32 $0xD0000000, s2;
	s6 =	simm.s32 $0x108;
	_ =	swait.ge @!p0 [sflag:s8], $0x0  }
0x24: {  	s3 =	sadd.s32 $0x88, s3;
	s6 =	simm.s32 @!p1 $0x1082;
	[sflag:s4] =	ssyncset.s32 $0xFFFFF086  }
0x25: {  	[simem:s6], [sflag:s4] =	dma.local [hbm:s3], $0xF7A  }
0x26: {  	[smem:$0x3F9C] =	sst s1;
	(tag) =	ssettag s2;
	_ =	strace s9  }
0x27: {  	s1 =	sld [smem:$0x3FAC]  }
0x28: {  	s2 =	sld [smem:$0x3FAD]  }
0x29: {  	s4 =	sld [smem:$0x3FAF]  }
0x2a: {  	p0 =	seq.s32 s5, $0x0;
	s5 =	sld [smem:$0x3FB0]  }
0x2b: {  	s6 =	sld [smem:$0x3FB1]  }
0x2c: {  	s7 =	sld [smem:$0x3FB2]  }
0x2d: {  	s3 =	simm.s32 $0x108;
	s8 =	sld [smem:$0x3FB3]  }
0x2e: {  	s3 =	simm.s32 @!p0 $0x1082;
	s9 =	sld [smem:$0x3FB4]  }
0x2f: {  	lr =	sadd.s32 s0, s3;
	s0 =	sld [smem:$0x3FAB]  }
0x30: {  	s3 =	sld [smem:$0x3FAE]  }
0x31: {  	[smem:$0x3FB7] =	sst s10  }
0x32: {  	s10 =	sld [smem:$0x3FB5];
	_ =	sdelay $0x3  }
0x33: {  	p0 =	seq.s32 s10, $0x1;
	s10 =	sld [smem:$0x3FB7];
	_ =	sdelay $0x3  }
0x34: {  	[smem:$0x3FB7] =	sst s10  }
0x35: {  	s10 =	sld [smem:$0x3FB6];
	_ =	sdelay $0x3  }
0x36: {  	p1 =	seq.s32 s10, $0x1;
	s10 =	sld [smem:$0x3FB7];
	_ =	sdelay $0x3  }
0x37: {  	[smem:$0x3FB7] =	sst s10  }
0x38: {  	s10 =	sld [smem:$0x3FB8]  }
0x39: {  	_ = 	snop;
	(pc) =	sbr.ind lr, $3  }
0x3a: {  	_ = 	snop  }
0x3b: {  	_ = 	snop  }
0x3c: {  	p2 =	seq.s32 s10, $0x1;
	s10 =	sld [smem:$0x3FB7]  }
0x3d: {  	_ =	shalt  }
0x3e: {  	_ =	shalt  }
0x3f: {  	_ =	shalt  }
0x40: {  	_ =	shalt  }
0x41: {  	_ =	shalt  }
0x42: {  	_ =	shalt  }
0x43: {  	_ =	shalt  }
0x44: {  	_ =	shalt  }
0x45: {  	_ =	shalt  }
0x46: {  	_ =	shalt  }
0x47: {  	_ =	shalt  }
0x48: {  	_ =	shalt  }
0x49: {  	_ =	shalt  }
0x4a: {  	_ =	shalt  }
0x4b: {  	_ =	shalt  }
0x4c: {  	_ =	shalt  }
0x4d: {  	_ =	shalt  }
0x4e: {  	_ =	shalt  }
0x4f: {  	_ =	shalt  }
0x50: {  	_ =	shalt  }
0x51: {  	_ =	shalt  }
0x52: {  	_ =	shalt  }
0x53: {  	_ =	shalt  }
0x54: {  	_ =	shalt  }
0x55: {  	_ =	shalt  }
0x56: {  	_ =	shalt  }
0x57: {  	_ =	shalt  }
0x58: {  	_ =	shalt  }
0x59: {  	_ =	shalt  }
0x5a: {  	_ =	shalt  }
0x5b: {  	_ =	shalt  }
0x5c: {  	_ =	shalt  }
0x5d: {  	_ =	shalt  }
0x5e: {  	_ =	shalt  }
0x5f: {  	_ =	shalt  }
0x60: {  	_ =	shalt  }
0x61: {  	_ =	shalt  }
0x62: {  	_ =	shalt  }
0x63: {  	_ =	shalt  }
0x64: {  	_ =	shalt  }
0x65: {  	_ =	shalt  }
0x66: {  	_ =	shalt  }
0x67: {  	_ =	shalt  }
0x68: {  	_ =	shalt  }
0x69: {  	_ =	shalt  }
0x6a: {  	_ =	shalt  }
0x6b: {  	_ =	shalt  }
0x6c: {  	_ =	shalt  }
0x6d: {  	_ =	shalt  }
0x6e: {  	_ =	shalt  }
0x6f: {  	_ =	shalt  }
0x70: {  	_ =	shalt  }
0x71: {  	_ =	shalt  }
0x72: {  	_ =	shalt  }
0x73: {  	_ =	shalt  }
0x74: {  	_ =	shalt  }
0x75: {  	_ =	shalt  }
0x76: {  	_ =	shalt  }
0x77: {  	_ =	shalt  }
0x78: {  	_ =	shalt  }
0x79: {  	_ =	shalt  }
0x7a: {  	_ =	shalt  }
0x7b: {  	_ =	shalt  }
0x7c: {  	_ =	shalt  }
0x7d: {  	_ =	shalt  }
0x7e: {  	_ =	shalt  }
0x7f: {  	_ =	shalt  }
0x80: {  	_ =	shalt  }
0x81: {  	_ =	shalt  }
0x82: {  	_ =	shalt  }
0x83: {  	_ =	shalt  }
0x84: {  	_ =	shalt  }
0x85: {  	_ =	shalt  }
0x86: {  	_ =	shalt  }
0x87: {  	_ =	shalt  }
.Lfunc_end0:
.L_simem_size_0:
called_computation.1_lowered:
.L_overlay_start_0:
0x88: {  	s2 =	sld [smem:$0x3FD9]  }
0x89: {  	s3 =	sld [smem:$0x3FFE];
	_ =	sdelay $0x1  }
0x8a: {  	s1 =	srdreg.scid  }
0x8b: {  	s0 =	sand.u32 $0x1, s1  }
0x8c: {  	s17 =	sshll.u32 s0, $0xA;
	s2 =	sadd.s32 s3, s2  }
0x8d: {  	s2 =	sadd.s32 s2, s17  }
0x8e: {  	[smem:$0x3FC3] =	sst s2  }
0x8f: {  	_ = 	snop  }
0x90: {  	(tm) =	ssettm $0x1  }
0x91: {  	s18 =	sld [smem:$0x3FFB];
	_ =	sdelay $0x3  }
0x92: {  	_ =	strace s18  }
0x93: {  	s2 =	sld [smem:$0x3FFC];
	_ =	sdelay $0x3  }
0x94: {  	_ =	strace s2  }
0x95: {  	s2 =	sld [smem:$0x3FFD];
	_ =	sdelay $0x3  }
0x96: {  	_ =	strace s2  }
0x97: {  	_ =	strace $0x8FFFFFFF  }
0x98: {  	s19 =	sld [smem:$0x3FDB];
	_ =	sdelay $0x1  }
0x99: {  	s20 =	simm.s32 $_scs_section_size  }
0x9a: {  	s4 =	simm.s32 $_size__tile_overlayer_lowered;
	s5 =	simm.s32 $_tile_overlayer_lowered  }
0x9b: {  	s6 =	simm.s32 $0x1BFF;
	s21 =	sshll.u32 s5, $0x1;
	s3 =	sadd.s32 s20, s19  }
0x9c: {  	s22 =	simm.s32 $0x0;
	s4 =	sshll.u32 s4, $0x1;
	s5 =	sadd.s32 s21, s3  }
0x9d: {  	[timem:s22], [sflag:s6] =	dma.local [hbm:s5], s4  }
0x9e: {  	_ =	swait.ge [sflag:s6], s4  }
0x9f: {  	s4 =	ssub.s32 $0x0, s4;
	[sflag:s6] =	ssyncset.done $0x0  }
0xa0: {  	[sflag:s6] =	ssyncadd.s32 s4;
	_ =	sdelay $0x1  }
0xa1: {  	s23 =	simm.s32 $0x1B8B  }
0xa2: {  	_ =	swait.ge [sflag:s23], $0x1  }
0xa3: {  	[sflag:s23] =	ssyncset.done $0x0  }
0xa4: {  	[sflag:s23] =	ssyncadd.s32 $0xFFFFFFFF  }
0xa5: {  	s4 =	sld [smem:$0x0]  }
0xa6: {  	s5 =	sand.u32 $0xFFFFFFFE, s1  }
0xa7: {  	p0 =	sne.s32 s1, s5  }
0xa8: {  	s5 =	sshll.u32 @p0 s5, $0xE  }
0xa9: {  	s5 =	sadd.s32 @p0 $0x11B8D, s5;
	s6 =	sshll.u32 @p0 s4, $0x11  }
0xaa: {  	s5 =	sor.u32 @p0 s6, s5  }
0xab: {  	[sflag:s5] =	ssyncadd.remote.s32 @p0 $0x1;
	_ =	sdelay $0x1  }
0xac: {  	s5 =	simm.s32 @p0 $0x1B8D  }
0xad: {  	_ =	swait.eq @p0 [sflag:s5], $0x1  }
0xae: {  	[sflag:s5] =	ssyncadd.s32 @p0 $0xFFFFFFFF  }
0xaf: {  	s6 =	sshll.u32 @!p0 s1, $0xE  }
0xb0: {  	s6 =	sor.u32 @!p0 $0x4000, s6;
	s5 =	simm.s32 @!p0 $0x1B8D  }
0xb1: {  	s4 =	sshll.u32 @!p0 s4, $0x11;
	s6 =	sadd.s32 @!p0 $0x11B8D, s6;
	_ =	swait.eq @!p0 [sflag:s5], $0x1  }
0xb2: {  	s4 =	sor.u32 @!p0 s4, s6;
	[sflag:s5] =	ssyncadd.s32 @!p0 $0xFFFFFFFF  }
0xb3: {  	s25 =	simm.s32 $0x1B8E;
	s24 =	sld [smem:$0x3FFE];
	[sflag:s4] =	ssyncadd.remote.s32 @!p0 $0x1  }
0xb4: {  	s26 =	simm.s32 $execute0_lowered;
	[smem:$0x3FD2] =	sst s25  }
0xb5: {  	s5 =	sshll.u32 s26, $0x1;
	_ =	strace $0x80000049;
	[dreg:$0x1] =	wrdreg $0xFFFFFFFF  }
0xb6: {  	s28 =	simm.s32 $_size_execute0_lowered;
	s3 =	sadd.s32 s3, s5;
	[dreg:$0x0] =	wrdreg $0x0  }
0xb7: {  	s5 =	sshll.u32 s28, $0x1;
	[dreg:$0x2] =	wrdreg s3  }
0xb8: {  	[dreg:$0x3] =	wrdreg s5  }
0xb9: {  	[dreg:$0x4] =	wrdreg $0xC0  }
0xba: {  	_ =	task [dreg:s22], $0x5FFFF  }
0xbb: {  	[dreg:$0x1] =	wrdreg $0xFFFFFFFF  }
0xbc: {  	[dreg:$0x0] =	wrdreg $0x60  }
0xbd: {  	[dreg:$0x2] =	wrdreg s24  }
0xbe: {  	[dreg:$0x3] =	wrdreg $0xA  }
0xbf: {  	_ =	task.clear_ibuf [dreg:s22], $0x4FFFF;
	_ =	strace $0x90000049  }
0xc0: {  	s29 =	simm.s32 $0xA;
	_ =	strace $0x8000004B  }
0xc1: {  	_ =	swait.ge [sflag:s29], $0x1  }
0xc2: {  	[sflag:s29] =	ssyncadd.s32 $0xFFFFFFFF  }
0xc3: {  	_ =	strace $0x9000004B  }
0xc4: {  	_ =	sfence  }
0xc5: {  	s30 =	sld [smem:$0x0];
	_ =	sdelay $0x2  }
0xc6: {  	s31 =	sshll.u32 s1, $0xD;
	s1 =	sshrl.u32 s1, $0x2  }
0xc7: {  	s4 =	sand.u32 $0x4000, s31;
	s1 =	sadd.s32 s1, s30  }
0xc8: {  	s0 =	sor.u32 s4, s0;
	s1 =	sshll.u32 s1, $0x11  }
0xc9: {  	s0 =	sor.u32 s1, s0  }
0xca: {  	s0 =	sadd.s32 $0x8F2B, s0  }
0xcb: {  	[sflag:s0] =	ssyncadd.remote.s32 $0x1  }
0xcc: {  	_ =	sfence.sel $0xFFFF  }
0xcd: {  	[dreg:$0x0] =	wrdreg $0xFFFFFFFF;
	(pc) =	sbr.abs _section_cstart, $3  }
0xce: {  	[dreg:$0x1] =	wrdreg $0xFFFFFFFF  }
0xcf: {  	_ =	task.clear_ibuf [dreg:s22], $0x2FFFF;
	_ =	strace $0x9FFFFFFF  }
0xd0: {  	(tm) =	ssettm $0x7FFFFFFF  }
0xd1: {  	_ =	shalt  }
tec
execute0_lowered:
.L_overlay_start_1:
0x0: {  	(tag) =	ssettag $0x1  }
0x1: {  	s3 =	rddreg [dreg:$0x0]  }
0x2: {  	s0 =	rddreg [dreg:$0x1];
	s4 =	srdreg.scid  }
0x3: {  	s2 =	simm.s32 $0x0;
	s1 =	stileid.u32;
	s4 =	sand.u32 $0x1, s4  }
0x4: {  	v0 =	vlaneseq.u32;
	s7 =	simm.s32 $0x4000;
	s5 =	sshll.u32 s1, $0xC;
	s6 =	sshll.u32 s4, $0xB  }
0x5: {  	s8 =	simm.s32 $0x0;
	v0 =	vmul.u32 $0xFFFFFFFF, v0;
	s4 =	ssub.s32 $0x2, s4;
	s5 =	sor.u32 s6, s5  }
0x6: {  	[smem:$0x7FF] =	sst s2;
	s31 =	sshrl.u32 s4, $0x1;
	s5 =	sadd.s32 s5, s3  }
0x7: {  	_ =	strace $0x8000004A;
	v0 =	vadd.s32 $0xF, v0;
	s6 =	ssub.s32 s4, s31;
	s3 =	sadd.s32 $0x11C00, s5  }
0x8: {  	[tilespmem:$0x1FFF0] =	vst v0;
	s4 =	sadd.s32 $0x21C00, s5;
	s5 =	smax.u32 s6, $0x1;
	s6 =	simm.s32 $0x1  }
.LBB2_1:
0x9: {  	[tilespmem:s2], [sflag:$0x1] =	stream.linear.gather [hbm4b:s3+s2], $0x4000, $0x38;
	[tilespmem:$0x8000] =	vst v63  }
0xa: {  	_ =	swait.ge [sflag:s6], $0x4000  }
0xb: {  	[sflag:s6] =	ssyncset.done $0x0  }
0xc: {  	s9 =	simm.s32 $0x0;
	[sflag:s6] =	ssyncadd.s32 $0xFFFFC000  }
0xd: {  	v33 =	vld [tilespmem:s9+$0x190]  }
0xe: {  	v32 =	vld [tilespmem:s9+$0x180]  }
0xf: {  	v34 =	vld [tilespmem:$0x1FFF0]  }
0x10: {  	v28 =	vld [tilespmem:s9+$0x10]  }
0x11: {  	v27 =	vld [tilespmem:s9+$0x90]  }
0x12: {  	v24 =	vld [tilespmem:s9+$0x110];
	(xrf1) =	vsort.dscd.msk.f32 $0xffff, v33, v33  }
0x13: {  	v25 =	vld [tilespmem:s9+$0x0];
	(xrf1) =	vsort.dscd.msk.f32 $0xffff, v32, v32  }
0x14: {  	v23 =	vld [tilespmem:s9+$0x80]  }
0x15: {  	v22 =	vld [tilespmem:s9+$0x100];
	(xrf1) =	vsort.dscd.msk.f32 $0xffff, v28, v28  }
0x16: {  	v18 =	vld [tilespmem:s9+$0x20];
	(xrf1) =	vsort.dscd.msk.f32 $0xffff, v27, v27  }
0x17: {  	v29 =	vld [tilespmem:s9+$0xA0];
	(xrf1) =	vsort.dscd.msk.f32 $0xffff, v24, v24  }
0x18: {  	v30 =	vld [tilespmem:s9+$0x120];
	(xrf1) =	vsort.dscd.msk.f32 $0xffff, v25, v25  }
0x19: {  	v21 =	vld [tilespmem:s9+$0x30];
	(xrf1) =	vsort.dscd.msk.f32 $0xffff, v23, v23  }
0x1a: {  	v19 =	vld [tilespmem:s9+$0xB0];
	(xrf1) =	vsort.dscd.msk.f32 $0xffff, v22, v22  }
0x1b: {  	v0 =	vld [tilespmem:s9+$0x130];
	(xrf1) =	vsort.dscd.msk.f32 $0xffff, v18, v18  }
0x1c: {  	v35 =	vld [tilespmem:s9+$0x1A0];
	(xrf1) =	vsort.dscd.msk.f32 $0xffff, v29, v29  }
0x1d: {  	(xrf1) =	vsort.dscd.msk.f32 $0xffff, v30, v30  }
0x1e: {  	(xrf1) =	vsort.dscd.msk.f32 $0xffff, v21, v21  }
0x1f: {  	(xrf1) =	vsort.dscd.msk.f32 $0xffff, v19, v19  }
0x20: {  	v3, _, _ =	vpop (xrf1);
	(xrf1) =	vsort.dscd.msk.f32 $0xffff, v0, v0  }
0x21: {  	v3 =	vperm.xlane v3, v34;
	v4, _, _ =	vpop (xrf1);
	(xrf1) =	vsort.dscd.msk.f32 $0xffff, v35, v35;
	_ =	sdelay $0x1  }
0x22: {  	v3 =	vmax.f32 v4, v3;
	v4, _, _ =	vpop (xrf1)  }
0x23: {  	v5, _, _ =	vpop (xrf1)  }
0x24: {  	(xrf1) =	vsort.dscd.msk.f32 $0xffff, v3, v3;
	v3 =	vperm.xlane v4, v34;
	v4, _, _ =	vpop (xrf1)  }
0x25: {  	v6, _, _ =	vpop (xrf1)  }
0x26: {  	v3 =	vmax.f32 v6, v3;
	v6, _, _ =	vpop (xrf1)  }
0x27: {  	(xrf1) =	vsort.dscd.msk.f32 $0xffff, v3, v3;
	v7, _, _ =	vpop (xrf1)  }
0x28: {  	v5 =	vperm.xlane v5, v34;
	v8, _, _ =	vpop (xrf1)  }
0x29: {  	v9, _, _ =	vpop (xrf1)  }
0x2a: {  	v5 =	vmax.f32 v6, v5;
	v10, _, _ =	vpop (xrf1)  }
0x2b: {  	v4 =	vperm.xlane v4, v34;
	(xrf1) =	vsort.dscd.msk.f32 $0xffff, v5, v5;
	v11, _, _ =	vpop (xrf1)  }
0x2c: {  	v6, _, _ =	vpop (xrf1)  }
0x2d: {  	v3 =	vld [tilespmem:s9+$0x1B0];
	v4 =	vmax.f32 v7, v4;
	v5, _, _ =	vpop (xrf1)  }
0x2e: {  	v7, _, _ =	vpop (xrf1);
	(xrf1) =	vsort.dscd.msk.f32 $0xffff, v4, v4;
	_ =	sdelay $0x2  }
0x2f: {  	v4 =	vperm.xlane v7, v34  }
0x30: {  	(xrf1) =	vsort.dscd.msk.f32 $0xffff, v3, v3;
	v7, _, _ =	vpop (xrf1)  }
0x31: {  	v4 =	vmax.f32 v7, v4  }
0x32: {  	(xrf1) =	vsort.dscd.msk.f32 $0xffff, v4, v4;
	v4 =	vperm.xlane v8, v34  }
0x33: {  	v7, _, _ =	vpop (xrf1)  }
0x34: {  	v4 =	vmax.f32 v7, v4  }
0x35: {  	(xrf1) =	vsort.dscd.msk.f32 $0xffff, v4, v4  }
0x36: {  	v4 =	vperm.xlane v9, v34  }
0x37: {  	v7, _, _ =	vpop (xrf1)  }
0x38: {  	v4 =	vmax.f32 v7, v4  }
0x39: {  	v46 =	vperm.xlane v10, v34;
	(xrf1) =	vsort.dscd.msk.f32 $0xffff, v4, v4  }
0x3a: {  	v7, _, _ =	vpop (xrf1)  }
0x3b: {  	v4 =	vmax.f32 v7, v46  }
0x3c: {  	(xrf1) =	vsort.dscd.msk.f32 $0xffff, v4, v4;
	_ =	sdelay $0x1  }
0x3d: {  	v7, _, _ =	vpop (xrf1)  }
0x3e: {  	v4 =	vperm.xlane v7, v34  }
0x3f: {  	v7, _, _ =	vpop (xrf1)  }
0x40: {  	v4 =	vmax.f32 v7, v4  }
0x41: {  	(xrf1) =	vsort.dscd.msk.f32 $0xffff, v4, v4;
	v4 =	vperm.xlane v11, v34  }
0x42: {  	v7, _, _ =	vpop (xrf1)  }
0x43: {  	v4 =	vmax.f32 v7, v4  }
0x44: {  	(xrf1) =	vsort.dscd.msk.f32 $0xffff, v4, v4  }
0x45: {  	v4 =	vperm.xlane v6, v34  }
0x46: {  	v6, _, _ =	vpop (xrf1)  }
0x47: {  	v4 =	vmax.f32 v6, v4  }
0x48: {  	v5 =	vperm.xlane v5, v34;
	(xrf1) =	vsort.dscd.msk.f32 $0xffff, v4, v4  }
0x49: {  	v6, _, _ =	vpop (xrf1)  }
0x4a: {  	v4 =	vmax.f32 v6, v5  }
0x4b: {  	(xrf1) =	vsort.dscd.msk.f32 $0xffff, v4, v4;
	_ =	sdelay $0x3  }
0x4c: {  	v1 =	vimm.s32 $0x0;
	v5, _, _ =	vpop (xrf1)  }
0x4d: {  	v47 =	vperm.xlane v5, v1;
	_ =	sdelay $0x1  }
0x4e: {  	v4 =	vsub.f32 v5, v47;
	v10, _, _ =	vpop (xrf1)  }
0x4f: {  	v48 =	vperm.xlane v10, v1  }
0x50: {  	s10 =	simm.s32 $0x200;
	v4 =	vmul.f32 $1.442695020e+00, v4  }
0x51: {  	v16 =	vld [tilespmem:s10+$0x190];
	v6 =	vsub.f32 v10, v48  }
0x52: {  	v2 =	vimm.s32 $0xF;
	v51 =	vld [tilespmem:s10+$0x180];
	(erf) = vpow2.f32 v4;
	v12, _, _ =	vpop (xrf1)  }
0x53: {  	v31 =	vperm.xlane v12, v2;
	v4 =	vmul.f32 $1.442695020e+00, v6  }
0x54: {  	v59 =	vld [tilespmem:s10+$0x10];
	[tilespmem:$0x1FE80] =	vst v0;
	v0 =	vperm.xlane v10, v2  }
0x55: {  	v58 =	vld [tilespmem:s10+$0x90];
	vm0 =	veq.f32 v23, v31;
	(erf) = vpow2.f32 v4;
	v13, _, _ =	vpop (xrf1);
	v4 =	vimm.s32 $0x0  }
0x56: {  	v57 =	vld [tilespmem:s10+$0x110];
	(xrf1) =	vsort.dscd.msk.f32 $0xffff, v16, v16;
	vm2 =	veq.f32 v25, v0;
	v26 =	vperm.xlane v13, v2;
	v4 =	vsel vm0, $0xFFFFFFFF, v4  }
0x57: {  	(xrf1) =	vsort.dscd.msk.f32 $0xffff, v51, v51;
	[tilespmem:$0x1FE90] =	vst v4;
	v4 =	vsel vm2, $0x1, v1  }
0x58: {  	v6 =	vsel vm0, $0x1, v1;
	(xrf0) =	vadd.scan.msk.s32 $0xffff, v4;
	vm0 =	veq.f32 v22, v26;
	v4 =	vimm.s32 $0x0  }
0x59: {  	(xrf1) =	vsort.dscd.msk.f32 $0xffff, v59, v59;
	v4 =	vsel vm0, $0xFFFFFFFF, v4  }
0x5a: {  	(xrf1) =	vsort.dscd.msk.f32 $0xffff, v58, v58  }
0x5b: {  	(xrf1) =	vsort.dscd.msk.f32 $0xffff, v57, v57  }
0x5c: {  	(xrf0) =	vadd.scan.msk.s32 $0xffff, v6;
	[tilespmem:$0x1FEA0] =	vst v4;
	v4 =	vpop (erf)  }
0x5d: {  	vm4 =	veq.f32 v28, v0;
	v6 =	vsel vm0, $0x1, v1;
	(xrf2) =	vadd.scan.msk.f32 $0xffff, v4;
	v4 =	vperm.xlane v5, v2  }
0x5e: {  	v7 =	vsel vm4, $0x1, v1;
	vm3 =	veq.f32 v27, v31;
	(xrf0) =	vadd.scan.msk.s32 $0xffff, v6  }
0x5f: {  	v8 =	vperm.xlane v12, v1;
	v6 =	vsel vm3, $0x1, v1;
	(xrf0) =	vadd.scan.msk.s32 $0xffff, v7;
	vm8 =	veq.f32 v32, v4  }
0x60: {  	vm5 =	veq.f32 v24, v26;
	(xrf0) =	vadd.scan.msk.s32 $0xffff, v6;
	v15 =	vsel vm8, $0x1, v1  }
0x61: {  	v49 =	vsel vm5, $0x1, v1;
	v7 =	vsub.f32 v12, v8;
	v14 =	vpop (erf);
	vm9 =	veq.f32 v33, v4;
	(xrf0) =	vadd.scan.msk.s32 $0xffff, v15  }
0x62: {  	v39 =	vperm.xlane v13, v1;
	v37, _, _ =	vpop (xrf0);
	v50 =	vsel vm9, $0x1, v1;
	(xrf0) =	vadd.scan.msk.s32 $0xffff, v49  }
0x63: {  	v62 =	vld [tilespmem:s10+$0x0];
	v7 =	vmul.f32 $1.442695020e+00, v7;
	v36, _, _ =	vpop (xrf0);
	(xrf0) =	vadd.scan.msk.s32 $0xffff, v50  }
0x64: {  	v17 =	vsub.f32 v3, v47;
	vm6 =	veq.f32 v18, v0;
	v6 =	vsub.f32 v13, v39;
	v38, _, _ =	vpop (xrf0)  }
0x65: {  	(xrf2) =	vadd.scan.msk.f32 $0xffff, v14;
	(erf) = vpow2.f32 v7;
	v7 =	vsel vm6, $0x1, v1;
	vm11 =	veq.f32 v35, v4;
	v14, _, _ =	vpop (xrf0)  }
0x66: {  	v52 =	vsel vm11, $0x1, v1;
	v40, _, _ =	vpop (xrf0);
	(xrf0) =	vadd.scan.msk.s32 $0xffff, v7  }
0x67: {  	v60 =	vld [tilespmem:s10+$0x80];
	v53 =	vmul.f32 $1.442695020e+00, v17;
	v6 =	vmul.f32 $1.442695020e+00, v6;
	vm0 =	veq.f32 v5, v4;
	(xrf0) =	vadd.scan.msk.s32 $0xffff, v52;
	v41, _, _ =	vpop (xrf0)  }
0x68: {  	v61 =	vld [tilespmem:s10+$0x100];
	(xrf1) =	vsort.dscd.msk.f32 $0xffff, v62, v62;
	vm12 =	veq.f32 v3, v4;
	v5 =	vsel vm0, $0x1, v1;
	v42, _, _ =	vpop (xrf0);
	v17 =	vperm.xlane v41, v2  }
0x69: {  	[tilespmem:$0x1FEF0] =	vst v16;
	v16 =	vld [tilespmem:s10+$0x20];
	(erf) = vpow2.f32 v6;
	v6 =	vsel vm12, $0x1, v1;
	(xrf0) =	vadd.scan.msk.s32 $0xffff, v5;
	v54, _, _ =	vpop (xrf0)  }
0x6a: {  	v44 =	vsub.f32 v25, v48;
	(xrf0) =	vadd.scan.msk.s32 $0xffff, v6;
	v9 =	vadd.s32 v17, v54  }
0x6b: {  	v20 =	vld [tilespmem:s10+$0xA0];
	v45 =	vsub.f32 v28, v48;
	v46 =	vsub.f32 v18, v48;
	v17 =	vperm.xlane v9, v2  }
0x6c: {  	(xrf1) =	vsort.dscd.msk.f32 $0xffff, v60, v60;
	v11 =	vsub.f32 v21, v48;
	v44 =	vmul.f32 $1.442695020e+00, v44;
	v48, _, _ =	vpop (xrf0)  }
0x6d: {  	[tilespmem:$0x1FF20] =	vst v51;
	(xrf1) =	vsort.dscd.msk.f32 $0xffff, v61, v61;
	v45 =	vmul.f32 $1.442695020e+00, v45;
	v46 =	vmul.f32 $1.442695020e+00, v46;
	v51, _, _ =	vpop (xrf0)  }
0x6e: {  	v63 =	vld [tilespmem:s10+$0x120];
	(xrf1) =	vsort.dscd.msk.f32 $0xffff, v16, v16;
	v11 =	vmul.f32 $1.442695020e+00, v11;
	vm7 =	veq.f32 v29, v31;
	v51 =	vadd.s32 v51, v17  }
0x6f: {  	v56 =	vld [tilespmem:s10+$0x30];
	vm13 =	veq.f32 v12, v31;
	vm10 =	veq.f32 v30, v26;
	v12 =	vperm.xlane v51, v2;
	v17, _, _ =	vpop (xrf0)  }
0x70: {  	(xrf1) =	vsort.dscd.msk.f32 $0xffff, v20, v20;
	vm14 =	veq.f32 v13, v26;
	vm0 =	veq.f32 v10, v0;
	(erf) = vpow2.f32 v53;
	v54 =	vld [tilespmem:s10+$0xB0];
	v53, _, _ =	vpop (xrf0)  }
0x71: {  	v15 =	vld [tilespmem:s10+$0x130];
	v49 =	vsub.f32 v23, v8;
	v50 =	vsub.f32 v27, v8;
	v55, _, _ =	vpop (xrf2);
	v12 =	vadd.s32 v53, v12  }
0x72: {  	v7 =	vsub.f32 v33, v47;
	v43 =	vpop (erf);
	v10 =	vperm.xlane v55, v2;
	v52 =	vperm.xlane v17, v2;
	v17 =	vld [tilespmem:s10+$0x1A0]  }
0x73: {  	(xrf1) =	vsort.dscd.msk.f32 $0xffff, v63, v63;
	v49 =	vmul.f32 $1.442695020e+00, v49;
	v5 =	vsub.f32 v35, v47;
	v6 =	vsub.f32 v32, v47;
	v47 =	vpop (erf)  }
0x74: {  	(xrf1) =	vsort.dscd.msk.f32 $0xffff, v56, v56;
	(erf) = vrcp.f32 v10;
	v10 =	vsel vm0, $0x1, v1;
	vm0 =	vle.s32 v12, v52;
	v12, _, _ =	vpop (xrf1)  }
0x75: {  	v13, _, _ =	vpop (xrf2);
	(xrf1) =	vsort.dscd.msk.f32 $0xffff, v54, v54;
	v53 =	vsel vm13, $0x1, v1;
	vm13 =	vgt.f32 v3, v4;
	v3 =	vperm.xlane v12, v34  }
0x76: {  	vm15 =	vle.s32 v51, v52;
	(xrf1) =	vsort.dscd.msk.f32 $0xffff, v15, v15;
	v12 =	vsel vm14, $0x1, v1;
	v55, _, _ =	vpop (xrf1);
	vm14 =	vle.s32 v41, v52  }
0x77: {  	v50 =	vmul.f32 $1.442695020e+00, v50;
	v41 =	vperm.xlane v37, v2;
	(xrf1) =	vsort.dscd.msk.f32 $0xffff, v17, v17;
	v51, _, _ =	vpop (xrf1);
	v3 =	vmax.f32 v55, v3  }
0x78: {  	vm0 =	vmand vm12, vm0;
	vm12 =	vle.s32 v9, v52;
	v52, _, _ =	vpop (xrf1);
	(xrf1) =	vsort.dscd.msk.f32 $0xffff, v3, v3;
	v3 =	vperm.xlane v36, v2  }
0x79: {  	(xrf2) =	vadd.scan.msk.f32 $0xffff, v43;
	v13 =	vperm.xlane v13, v2;
	v14 =	vadd.s32 v41, v14;
	v41 =	vperm.xlane v51, v34;
	v51, _, _ =	vpop (xrf1)  }
0x7a: {  	v52 =	vperm.xlane v52, v34;
	v55, _, _ =	vpop (xrf1);
	v40 =	vadd.s32 v3, v40;
	v3 =	vperm.xlane v51, v34  }
0x7b: {  	v7 =	vmul.f32 $1.442695020e+00, v7;
	(erf) = vrcp.f32 v13;
	v41 =	vmax.f32 v55, v41;
	v55, _, _ =	vpop (xrf1)  }
0x7c: {  	(xrf2) =	vadd.scan.msk.f32 $0xffff, v47;
	(erf) = vpow2.f32 v44;
	[tilespmem:$0x1FF90] =	vst v54;
	v54 =	vpop (erf);
	v43 =	vmax.f32 v55, v52  }
0x7d: {  	v5 =	vmul.f32 $1.442695020e+00, v5;
	(erf) = vpow2.f32 v45;
	v51 =	vsel vm7, $0x1, v1;
	(xrf1) =	vsort.dscd.msk.f32 $0xffff, v41, v41;
	v55, _, _ =	vpop (xrf1)  }
0x7e: {  	v9 =	vsub.f32 v29, v8;
	v8 =	vsub.f32 v19, v8;
	(xrf0) =	vadd.scan.msk.s32 $0xffff, v51;
	v41 =	vmax.f32 v55, v3;
	v3 =	vpop (erf)  }
0x7f: {  	v13 =	vperm.xlane v14, v2;
	v52 =	vperm.xlane v38, v2;
	(xrf1) =	vsort.dscd.msk.f32 $0xffff, v43, v43;
	v43, _, _ =	vpop (xrf1)  }
0x80: {  	vm15 =	vmand vm11, vm15;
	vm0 =	vmor vm13, vm0;
	vm13 =	vgt.f32 v32, v4;
	(xrf1) =	vsort.dscd.msk.f32 $0xffff, v41, v41;
	v47, _, _ =	vpop (xrf1)  }
0x81: {  	v13 =	vadd.s32 v48, v13;
	v42 =	vadd.s32 v52, v42;
	v52 =	vmul.f32 v3, v54;
	v48, _, _ =	vpop (xrf1)  }
0x82: {  	[tilespmem:$0x1FF30] =	vst v17;
	vm11 =	vmand vm8, vm14;
	vm14 =	vgt.f32 v35, v4;
	v41 =	vsel vm10, $0x1, v1;
	v17, _, _ =	vpop (xrf1)  }
0x83: {  	v51 =	vsub.f32 v24, v39;
	(xrf0) =	vadd.scan.msk.s32 $0xffff, v41;
	v52 =	vnsel vm0, $0x0, v52;
	vm0 =	vgt.f32 v33, v4;
	v4, _, _ =	vpop (xrf2)  }
0x84: {  	v9 =	vmul.f32 $1.442695020e+00, v9;
	v8 =	vmul.f32 $1.442695020e+00, v8;
	(xrf0) =	vadd.scan.msk.s32 $0xffff, v10;
	v10, _, _ =	vpop (xrf0)  }
0x85: {  	vm8 =	vmand vm9, vm12;
	vm12 =	vgt.f32 v18, v0;
	v41, _, _ =	vpop (xrf1);
	v4 =	vperm.xlane v4, v2  }
0x86: {  	vm11 =	vmor vm13, vm11;
	v18 =	vperm.xlane v40, v2;
	v55 =	vsub.f32 v22, v39;
	v54, _, _ =	vpop (xrf1)  }
0x87: {  	vm9 =	vmor vm14, vm15;
	v35 =	vmul.f32 $1.442695020e+00, v51;
	[tilespmem:s9+$0x41B0] =	vst v52;
	v52 =	vld [tilespmem:$0x1FE80];
	v51, _, _ =	vpop (xrf1);
	(erf) = vrcp.f32 v4  }
0x88: {  	v55 =	vmul.f32 $1.442695020e+00, v55;
	v33 =	vsub.f32 v30, v39;
	(erf) = vpow2.f32 v46;
	v46 =	vpop (erf)  }
0x89: {  	v43 =	vperm.xlane v43, v34;
	v10 =	vadd.s32 v10, v18;
	v18 =	vld [tilespmem:s10+$0x1B0];
	v44 =	vperm.xlane v51, v34;
	v45, _, _ =	vpop (xrf1)  }
0x8a: {  	(xrf0) =	vadd.scan.msk.s32 $0xffff, v53;
	v48 =	vperm.xlane v48, v34;
	vm0 =	vmor vm0, vm8;
	v51 =	vmul.f32 $1.442695020e+00, v33;
	v4, _, _ =	vpop (xrf2)  }
0x8b: {  	v33 =	vmax.f32 v45, v44;
	v44 =	vperm.xlane v42, v2;
	v45, _, _ =	vpop (xrf0);
	(xrf0) =	vadd.scan.msk.s32 $0xffff, v12;
	v4 =	vperm.xlane v4, v2  }
0x8c: {  	vm8 =	vgt.f32 v29, v31;
	v41 =	vperm.xlane v41, v34;
	v12 =	vsub.f32 v52, v39;
	v53, _, _ =	vpop (xrf1)  }
0x8d: {  	(erf) = vpow2.f32 v11;
	v39 =	vperm.xlane v47, v34;
	v44 =	vadd.s32 v45, v44;
	v11, _, _ =	vpop (xrf1)  }
0x8e: {  	v12 =	vmul.f32 $1.442695020e+00, v12;
	(erf) = vrcp.f32 v4;
	(xrf1) =	vsort.dscd.msk.f32 $0xffff, v18, v18;
	v43 =	vmax.f32 v53, v43;
	v53, _, _ =	vpop (xrf1)  }
0x8f: {  	(erf) = vpow2.f32 v49;
	v11 =	vmax.f32 v11, v39;
	v39 =	vmul.f32 $1.442695020e+00, v6;
	v4, _, _ =	vpop (xrf0)  }
0x90: {  	(xrf1) =	vsort.dscd.msk.f32 $0xffff, v33, v33;
	v45 =	vmax.f32 v53, v48;
	v6 =	vperm.xlane v4, v2;
	v4, _, _ =	vpop (xrf0);
	v48 =	vimm.s32 $0x0  }
0x91: {  	(erf) = vpow2.f32 v50;
	v33 =	vsel vm0, $0xFFFFFFFF, v48;
	v53, _, _ =	vpop (xrf0);
	v4 =	vperm.xlane v4, v2  }
0x92: {  	[tilespmem:$0x1FF10] =	vst v33;
	vm0 =	vle.s32 v14, v6;
	v33 =	vperm.xlane v53, v2;
	vm13 =	vle.s32 v13, v6  }
0x93: {  	(xrf1) =	vsort.dscd.msk.f32 $0xffff, v43, v43;
	v50 =	vld [tilespmem:$0x1FE90];
	vm14 =	vle.s32 v10, v4;
	vm13 =	vmand vm6, vm13;
	vm6 =	veq.f32 v21, v0  }
0x94: {  	vm0 =	vmand vm4, vm0;
	v48 =	vpop (erf);
	(erf) = vpow2.f32 v9;
	vm15 =	vle.s32 v44, v33  }
0x95: {  	v29 =	vld [tilespmem:$0x1FEA0];
	vm7 =	vmand vm7, vm14;
	vm15 =	vmand vm10, vm15;
	vm10 =	vle.s32 v40, v4  }
0x96: {  	(xrf1) =	vsort.dscd.msk.f32 $0xffff, v11, v11;
	v14 =	vsel vm6, $0x1, v1;
	vm1 =	vmand vm3, vm10;
	vm3 =	vle.s32 v42, v33  }
0x97: {  	(xrf1) =	vsort.dscd.msk.f32 $0xffff, v45, v45;
	v49 =	vpop (erf);
	(erf) = vpow2.f32 v8;
	vm10 =	vmand vm5, vm3;
	vm3 =	vle.s32 v37, v6  }
0x98: {  	vm5 =	vmand vm2, vm3;
	vm2 =	vle.s32 v36, v4;
	vm3 =	vnez.u8 v50  }
0x99: {  	vm14 =	vmand vm3, vm2;
	vm2 =	vle.s32 v38, v33;
	vm3 =	vmor vm12, vm13  }
0x9a: {  	vm12 =	vnez.u8 v29;
	vm13 =	vgt.f32 v30, v26;
	v29 =	vpop (erf);
	(erf) = vpow2.f32 v55  }
0x9b: {  	vm12 =	vmand vm12, vm2;
	vm2 =	vmor vm8, vm7;
	vm7 =	vgt.f32 v28, v0;
	v28 =	vpop (erf)  }
0x9c: {  	vm8 =	vmor vm13, vm15;
	vm7 =	vmor vm7, vm0;
	vm0 =	vgt.f32 v27, v31;
	v30, _, _ =	vpop (xrf1)  }
0x9d: {  	v27 =	vpop (erf);
	vm0 =	vmor vm0, vm1;
	vm1 =	vgt.f32 v25, v0;
	v53 =	vperm.xlane v30, v34  }
0x9e: {  	(erf) = vpow2.f32 v35;
	vm13 =	vmor vm1, vm5;
	vm1 =	vgt.f32 v24, v26;
	v24, _, _ =	vpop (xrf1)  }
0x9f: {  	v30 =	vpop (erf);
	vm5 =	vgt.f32 v21, v0;
	v0 =	vimm.s32 $0x0;
	v8 =	vmax.f32 v24, v53  }
0xa0: {  	v24 =	vpop (erf);
	vm10 =	vmor vm1, vm10;
	vm1 =	vgt.f32 v23, v31;
	v23 =	vperm.xlane v17, v34  }
0xa1: {  	(xrf0) =	vadd.scan.msk.s32 $0xffff, v14;
	v28 =	vmul.f32 v46, v28;
	(erf) = vpow2.f32 v51;
	v25, _, _ =	vpop (xrf1);
	v0 =	vsel vm5, $0xFFFFFFFF, v0  }
0xa2: {  	(xrf1) =	vsort.dscd.msk.f32 $0xffff, v8, v8;
	v55 =	vpop (erf);
	(erf) = vpow2.f32 v12;
	vm14 =	vmor vm1, vm14;
	v23 =	vmax.f32 v25, v23  }
0xa3: {  	vm1 =	vgt.f32 v22, v26;
	v22 =	vperm.xlane v54, v34;
	[tilespmem:$0x1FEB0] =	vst v0;
	v0 =	vmul.f32 v46, v27;
	v17 =	vpop (erf)  }
0xa4: {  	vm5 =	vgt.f32 v19, v31;
	(erf) = vpow2.f32 v39;
	v25, _, _ =	vpop (xrf1);
	v8 =	vmul.f32 v29, v55  }
0xa5: {  	(erf) = vpow2.f32 v7;
	v12 =	vmax.f32 v25, v41;
	(xrf1) =	vsort.dscd.msk.f32 $0xffff, v23, v23;
	[tilespmem:$0x1FEC0] =	vst v0;
	v23, _, _ =	vpop (xrf1)  }
0xa6: {  	v0 =	vimm.s32 $0x0;
	(erf) = vpow2.f32 v5;
	(xrf1) =	vsort.dscd.msk.f32 $0xffff, v12, v12;
	v22 =	vmax.f32 v23, v22  }
0xa7: {  	v7 =	vmul.f32 v46, v48;
	v47 =	vpop (erf);
	v48 =	vmul.f32 v29, v24;
	v0 =	vsel vm5, $0xFFFFFFFF, v0  }
0xa8: {  	v21 =	vmul.f32 v29, v17;
	[tilespmem:$0x1FED0] =	vst v0;
	v0 =	vmul.f32 v29, v47;
	v29 =	vnsel vm3, $0x0, v28;
	v28, _, _ =	vpop (xrf0)  }
0xa9: {  	vm4 =	veq.f32 v19, v31;
	(xrf1) =	vsort.dscd.msk.f32 $0xffff, v22, v22;
	v22 =	vpop (erf)  }
0xaa: {  	v43 =	vperm.xlane v44, v2;
	v9 =	vmul.f32 v46, v49;
	v5 =	vsel vm4, $0x1, v1;
	v49 =	vpop (erf)  }
0xab: {  	v13 =	vperm.xlane v13, v2;
	v10 =	vperm.xlane v10, v2;
	vm15 =	veq.f32 v52, v26;
	v24 =	vpop (erf)  }
0xac: {  	v42 =	vsel vm15, $0x1, v1;
	v9 =	vnsel vm7, $0x0, v9;
	vm1 =	vmor vm1, vm12;
	v19 =	vpop (erf)  }
0xad: {  	v36 =	vld [tilespmem:$0x1FF30];
	v8 =	vnsel vm0, $0x0, v8;
	v7 =	vnsel vm13, $0x0, v7;
	(xrf0) =	vadd.scan.msk.s32 $0xffff, v5;
	v11 =	vnsel vm14, $0x0, v48;
	v5 =	vpop (erf)  }
0xae: {  	v34 =	vld [tilespmem:$0x1FF20];
	vm13 =	vmmov vm15;
	[tilespmem:$0x1FEE0] =	vst v0;
	v50 =	vmul.f32 v30, v22;
	v0 =	vmul.f32 v30, v19;
	v19 =	vpop (erf)  }
0xaf: {  	v14 =	vmul.f32 v30, v49;
	v22 =	vmul.f32 v30, v24;
	v24 =	vld [tilespmem:$0x1FEF0];
	v30 =	vnsel vm2, $0x0, v21;
	v21 =	vpop (erf)  }
0xb0: {  	v13 =	vadd.s32 v28, v13;
	v5 =	vmul.f32 v3, v5;
	v19 =	vmul.f32 v3, v19;
	v27, _, _ =	vpop (xrf1)  }
0xb1: {  	v12 =	vnsel vm1, $0x0, v50;
	[tilespmem:$0x1FF00] =	vst v0;
	v0 =	vld [tilespmem:$0x1FF10];
	v3 =	vmul.f32 v3, v21;
	v28 =	vperm.xlane v27, v1  }
0xb2: {  	v40 =	vmovc v52;
	v25 =	vmovc v15;
	v14 =	vnsel vm10, $0x0, v14;
	v31 =	vnsel vm8, $0x0, v22;
	v5 =	vnsel vm11, $0x0, v5  }
0xb3: {  	(xrf0) =	vadd.scan.msk.s32 $0xffff, v42;
	v15, _, _ =	vpop (xrf1);
	v3 =	vnsel vm9, $0x0, v3;
	v52 =	vsub.f32 v27, v28;
	v47 =	vsub.f32 v34, v28  }
0xb4: {  	[tilespmem:s9+$0x4000] =	vst v7;
	v44 =	vsub.f32 v24, v28;
	v45 =	vsub.f32 v36, v28;
	v17, _, _ =	vpop (xrf1);
	v21 =	vperm.xlane v15, v2  }
0xb5: {  	v7 =	vperm.xlane v15, v1;
	v22 =	vperm.xlane v17, v2;
	[tilespmem:s9+$0x41A0] =	vst v3;
	v3 =	vimm.s32 $0x0  }
0xb6: {  	[tilespmem:s9+$0x4100] =	vst v12;
	vm0 =	vnez.u8 v0;
	vm10 =	veq.f32 v62, v21;
	vm1 =	veq.f32 v59, v21  }
0xb7: {  	[tilespmem:s9+$0x4110] =	vst v14;
	vm2 =	veq.f32 v16, v21;
	v12 =	vsub.f32 v62, v7;
	v14 =	vsub.f32 v59, v7  }
0xb8: {  	vm3 =	veq.f32 v15, v21;
	v0 =	vnsel vm0, $0x0, v19;
	vm0 =	vle.s32 v13, v6  }
0xb9: {  	[tilespmem:$0x1FF60] =	vst v62;
	v6, _, _ =	vpop (xrf0);
	v13 =	vmul.f32 $1.442695020e+00, v52;
	vm11 =	veq.f32 v60, v22;
	v55 =	vsel vm10, $0x1, v1  }
0xba: {  	[tilespmem:s9+$0x4010] =	vst v9;
	v9, _, _ =	vpop (xrf1);
	v46 =	vsel vm1, $0x1, v1;
	v3 =	vsel vm2, $0xFFFFFFFF, v3;
	vm14 =	vmand vm6, vm0  }
0xbb: {  	v6 =	vadd.s32 v6, v10;
	v23 =	vperm.xlane v9, v1;
	v19 =	vperm.xlane v9, v2;
	(xrf0) =	vadd.scan.msk.s32 $0xffff, v55  }
0xbc: {  	v51, _, _ =	vpop (xrf0);
	v55 =	vimm.s32 $0x0;
	[tilespmem:s9+$0x4190] =	vst v0;
	v0 =	vsub.f32 v16, v7;
	v52 =	vmul.f32 $1.442695020e+00, v12  }
0xbd: {  	[tilespmem:$0x1FF80] =	vst v60;
	v50 =	vmul.f32 $1.442695020e+00, v14;
	v10 =	vadd.s32 v51, v43;
	vm0 =	vle.s32 v6, v4  }
0xbe: {  	[tilespmem:$0x1FFB0] =	vst v61;
	v6 =	vperm.xlane v17, v1;
	v4 =	vsub.f32 v15, v7;
	(erf) = vpow2.f32 v13  }
0xbf: {  	[tilespmem:$0x1FFC0] =	vst v57;
	v43 =	vimm.s32 $0x0;
	vm12 =	vmand vm4, vm0;
	v54 =	vsub.f32 v9, v23  }
0xc0: {  	[tilespmem:s9+$0x4090] =	vst v8;
	vm15 =	veq.f32 v61, v19;
	vm0 =	veq.f32 v58, v22;
	vm9 =	veq.f32 v57, v19  }
0xc1: {  	[tilespmem:s9+$0x4020] =	vst v29;
	v61 =	vsub.f32 v61, v23;
	v42 =	vmul.f32 $1.442695020e+00, v0;
	vm8 =	vle.s32 v10, v33  }
0xc2: {  	[tilespmem:s9+$0x4120] =	vst v31;
	vm4 =	veq.f32 v17, v22;
	v53 =	vsub.f32 v17, v6;
	v4 =	vmul.f32 $1.442695020e+00, v4  }
0xc3: {  	[tilespmem:s9+$0x4180] =	vst v5;
	v35 =	vsel vm15, $0x1, v1;
	v5 =	vsel vm9, $0x1, v1;
	v31 =	vsub.f32 v60, v6  }
0xc4: {  	v39 =	vmovc v59;
	[tilespmem:s9+$0x4080] =	vst v11;
	v59 =	vsub.f32 v58, v6;
	v11 =	vmul.f32 $1.442695020e+00, v53;
	(erf) = vpow2.f32 v4  }
0xc5: {  	v32 =	vmovc v56;
	[tilespmem:s9+$0x40A0] =	vst v30;
	v62 =	vsub.f32 v20, v6;
	v8 =	vmul.f32 $1.442695020e+00, v54;
	v4 =	vsel vm11, $0x1, v1  }
0xc6: {  	v37 =	vmovc v58;
	v58 =	vsub.f32 v63, v23;
	(xrf0) =	vadd.scan.msk.s32 $0xffff, v4;
	v4 =	vsel vm2, $0x1, v1;
	(erf) = vpow2.f32 v11  }
0xc7: {  	v38 =	vmovc v20;
	v41 =	vmovc v16;
	[tilespmem:$0x1FF70] =	vst v3;
	v11 =	vsel vm0, $0xFFFFFFFF, v55;
	v55 =	vsub.f32 v56, v7;
	(erf) = vpow2.f32 v8  }
0xc8: {  	v30, _, _ =	vpop (xrf0);
	(xrf0) =	vadd.scan.msk.s32 $0xffff, v35;
	v7 =	vld [tilespmem:$0x1FF90];
	v56 =	vsub.f32 v57, v23;
	v57 =	vsub.f32 v25, v23;
	v8 =	vsel vm1, $0xFFFFFFFF, v43  }
0xc9: {  	v53 =	vmovc v63;
	[tilespmem:$0x1FF50] =	vst v11;
	v11 =	vsel vm0, $0x1, v1;
	vm0 =	veq.f32 v20, v22;
	vm1 =	veq.f32 v63, v19  }
0xca: {  	v23 =	vmovc v36;
	v43 =	vperm.xlane v27, v2;
	v2 =	vimm.s32 $0x0;
	(xrf0) =	vadd.scan.msk.s32 $0xffff, v46;
	[tilespmem:$0x1FF40] =	vst v8  }
0xcb: {  	v2 =	vsel vm0, $0xFFFFFFFF, v2;
	v48 =	vsel vm0, $0x1, v1;
	v49 =	vsel vm1, $0x1, v1;
	(xrf0) =	vadd.scan.msk.s32 $0xffff, v11;
	v3 =	vpop (erf)  }
0xcc: {  	vm0 =	vgt.f32 v40, v26;
	[tilespmem:$0x1FFA0] =	vst v2;
	v2 =	vimm.s32 $0x0;
	vm2 =	veq.f32 v24, v43;
	v35, _, _ =	vpop (xrf0)  }
0xcd: {  	(xrf2) =	vadd.scan.msk.f32 $0xffff, v3;
	v2 =	vsel vm1, $0xFFFFFFFF, v2;
	vm1 =	veq.f32 v34, v43;
	v60 =	vsub.f32 v7, v6;
	v3 =	vpop (erf)  }
0xce: {  	v6 =	vsel vm1, $0x1, v1;
	v33, _, _ =	vpop (xrf0);
	(xrf2) =	vadd.scan.msk.f32 $0xffff, v3;
	v3 =	vsel vm2, $0x1, v1;
	v1 =	vimm.s32 $0x0  }
0xcf: {  	s11 =	simm.s32 $0x400;
	v46 =	vmov v34;
	[tilespmem:$0x1FFD0] =	vst v2;
	(xrf0) =	vadd.scan.msk.s32 $0xffff, v6;
	v54 =	vpop (erf);
	v1 =	vsel vm0, $0xFFFFFFFF, v1  }
0xd0: {  	s12 =	simm.s32 $0x1800;
	v36 =	vld [tilespmem:s11+$0x190];
	v0 =	vmov v7;
	(xrf0) =	vadd.scan.msk.s32 $0xffff, v5;
	vm0 =	veq.f32 v9, v19;
	v51 =	vpop (erf);
	[tilespmem:$0x1FFE0] =	vst v1  }
.LBB2_2:
0xd1: {  	v1 =	vimm.s32 $0x0  }
0xd2: {  	v1 =	vsel vm11, $0xFFFFFFFF, v1  }
0xd3: {  	[tilespmem:$0x1FD70] =	vst v1;
	v1 =	vimm.s32 $0x0  }
0xd4: {  	v1 =	vsel vm10, $0xFFFFFFFF, v1  }
0xd5: {  	[tilespmem:$0x1FD60] =	vst v1;
	v1 =	vmul.f32 $1.442695020e+00, v31;
	_ =	sdelay $0x1  }
0xd6: {  	[tilespmem:$0x1FCE0] =	vst v1;
	v1 =	vmul.f32 $1.442695020e+00, v62;
	_ =	sdelay $0x1  }
0xd7: {  	[tilespmem:$0x1FCF0] =	vst v1;
	v1 =	vmul.f32 $1.442695020e+00, v60;
	_ =	sdelay $0x1  }
0xd8: {  	[tilespmem:$0x1FD00] =	vst v1;
	v1 =	vmul.f32 $1.442695020e+00, v61;
	_ =	sdelay $0x1  }
0xd9: {  	[tilespmem:$0x1FD10] =	vst v1;
	v1 =	vmul.f32 $1.442695020e+00, v56;
	_ =	sdelay $0x1  }
0xda: {  	v5 =	vsub.f32 v18, v28;
	[tilespmem:$0x1FD20] =	vst v1;
	v1 =	vmul.f32 $1.442695020e+00, v58  }
0xdb: {  	vm5 =	veq.f32 v23, v43;
	v2 =	vimm.s32 $0x0;
	v29 =	vimm.s32 $0xF;
	v6, _, _ =	vpop (xrf0);
	(xrf0) =	vadd.scan.msk.s32 $0xffff, v3  }
0xdc: {  	vm6 =	veq.f32 v27, v43;
	vm7 =	veq.f32 v18, v43;
	[tilespmem:$0x1FD30] =	vst v1;
	v1 =	vmul.f32 $1.442695020e+00, v57  }
0xdd: {  	v27 =	vmov v23;
	v7 =	vsel vm5, $0x1, v2;
	v5 =	vmul.f32 $1.442695020e+00, v5;
	v11, _, _ =	vpop (xrf0)  }
0xde: {  	v10 =	vsel vm6, $0x1, v2;
	(xrf0) =	vadd.scan.msk.s32 $0xffff, v4;
	v4, _, _ =	vpop (xrf2);
	[tilespmem:$0x1FD40] =	vst v1;
	v1 =	vmul.f32 $1.442695020e+00, v47  }
0xdf: {  	v9 =	vsel vm7, $0x1, v2;
	(xrf0) =	vadd.scan.msk.s32 $0xffff, v7;
	v23, _, _ =	vpop (xrf0);
	(erf) = vpow2.f32 v5;
	v4 =	vperm.xlane v4, v29  }
0xe0: {  	v8 =	vperm.xlane v23, v29;
	v12, _, _ =	vpop (xrf0);
	(xrf0) =	vadd.scan.msk.s32 $0xffff, v10;
	[tilespmem:$0x1FD50] =	vst v1;
	v1 =	vmul.f32 $1.442695020e+00, v45  }
0xe1: {  	v7, _, _ =	vpop (xrf0);
	(xrf0) =	vadd.scan.msk.s32 $0xffff, v9;
	v9 =	vsel vm0, $0x1, v2;
	(erf) = vrcp.f32 v4  }
0xe2: {  	vm0 =	veq.f32 v32, v21;
	v15 =	vadd.s32 v8, v7;
	v7, _, _ =	vpop (xrf2);
	[tilespmem:$0x1FD80] =	vst v1;
	v1 =	vimm.s32 $0x0  }
0xe3: {  	v17 =	vperm.xlane v35, v29;
	v40 =	vperm.xlane v7, v29;
	v1 =	vsel vm0, $0xFFFFFFFF, v1  }
0xe4: {  	v31 =	vmul.f32 $1.442695020e+00, v59;
	v14, _, _ =	vpop (xrf0);
	v34 =	vperm.xlane v15, v29;
	[tilespmem:$0x1FE60] =	vst v1;
	v1 =	vsel vm0, $0x1, v2  }
0xe5: {  	(xrf1) =	vsort.dscd.msk.f32 $0xffff, v36, v36;
	v62 =	vld [tilespmem:s11+$0x180];
	v13, _, _ =	vpop (xrf0);
	vm0 =	veq.f32 v0, v22;
	[tilespmem:$0x1FDD0] =	vst v1;
	v1 =	vimm.s32 $0x0  }
0xe6: {  	v63 =	vld [tilespmem:s11+$0x10];
	v5 =	vsel vm3, $0x1, v2;
	v28 =	vmovc v36;
	v36 =	vmovc v24;
	v24 =	vadd.s32 v13, v34;
	v1 =	vsel vm0, $0xFFFFFFFF, v1  }
0xe7: {  	v3 =	vld [tilespmem:s11+$0x90];
	(erf) = vrcp.f32 v40;
	v10 =	vperm.xlane v24, v29;
	v40, _, _ =	vpop (xrf0);
	[tilespmem:$0x1FE70] =	vst v1;
	v1 =	vsel vm0, $0x1, v2  }
0xe8: {  	v59 =	vld [tilespmem:s11+$0x110];
	v16 =	vperm.xlane v40, v29;
	v34, _, _ =	vpop (xrf0);
	vm0 =	veq.f32 v25, v19;
	[tilespmem:$0x1FE00] =	vst v1;
	v1 =	vimm.s32 $0x0  }
0xe9: {  	vm3 =	vgt.f32 v18, v43;
	v60 =	vld [tilespmem:s11+$0x0];
	v13 =	vpop (erf);
	v10 =	vadd.s32 v34, v10;
	v1 =	vsel vm0, $0xFFFFFFFF, v1  }
0xea: {  	v61 =	vld [tilespmem:s11+$0x80];
	(xrf1) =	vsort.dscd.msk.f32 $0xffff, v62, v62;
	v26 =	vpop (erf);
	[tilespmem:$0x1FE40] =	vst v1;
	v1 =	vsel vm0, $0x1, v2;
	vm0 =	vle.s32 v10, v16  }
0xeb: {  	v4 =	vld [tilespmem:s11+$0x100];
	(xrf1) =	vsort.dscd.msk.f32 $0xffff, v63, v63;
	[tilespmem:$0x1FE10] =	vst v1;
	v1 =	vmul.f32 v26, v13;
	vm0 =	vmand vm7, vm0  }
0xec: {  	v56 =	vld [tilespmem:s11+$0x120];
	(xrf1) =	vsort.dscd.msk.f32 $0xffff, v3, v3;
	vm0 =	vmor vm3, vm0  }
0xed: {  	v11 =	vadd.s32 v17, v11;
	v17 =	vnsel vm0, $0x0, v1;
	v1 =	vld [tilespmem:$0x1FEB0]  }
0xee: {  	v58 =	vld [tilespmem:s11+$0x20]  }
0xef: {  	(xrf1) =	vsort.dscd.msk.f32 $0xffff, v59, v59;
	v47 =	vld [tilespmem:s11+$0xA0]  }
0xf0: {  	(xrf1) =	vsort.dscd.msk.f32 $0xffff, v60, v60;
	v57 =	vld [tilespmem:s11+$0xB0]  }
0xf1: {  	(xrf1) =	vsort.dscd.msk.f32 $0xffff, v61, v61;
	v45 =	vld [tilespmem:s11+$0x30]  }
0xf2: {  	(xrf1) =	vsort.dscd.msk.f32 $0xffff, v4, v4;
	vm0 =	vnez.u8 v1;
	v1 =	vld [tilespmem:$0x1FFF0]  }
0xf3: {  	v8 =	vld [tilespmem:s11+$0x130];
	v40 =	vperm.xlane v30, v29;
	(xrf1) =	vsort.dscd.msk.f32 $0xffff, v58, v58  }
0xf4: {  	(xrf1) =	vsort.dscd.msk.f32 $0xffff, v47, v47;
	v13 =	vld [tilespmem:s11+$0x1A0]  }
0xf5: {  	(xrf1) =	vsort.dscd.msk.f32 $0xffff, v56, v56;
	v10 =	vadd.s32 v40, v6  }
0xf6: {  	v34 =	vmov v25;
	(xrf1) =	vsort.dscd.msk.f32 $0xffff, v45, v45;
	v25, _, _ =	vpop (xrf1);
	v18 =	vperm.xlane v10, v29  }
0xf7: {  	v7 =	vsel vm4, $0x1, v2;
	(xrf1) =	vsort.dscd.msk.f32 $0xffff, v57, v57;
	v25 =	vperm.xlane v25, v1  }
0xf8: {  	vm4 =	vle.s32 v15, v16;
	(xrf1) =	vsort.dscd.msk.f32 $0xffff, v8, v8;
	vm10 =	vmor vm0, vm14;
	vm0 =	vle.s32 v24, v16;
	v24, _, _ =	vpop (xrf1)  }
0xf9: {  	vm3 =	vle.s32 v23, v16;
	(xrf1) =	vsort.dscd.msk.f32 $0xffff, v13, v13;
	v16, _, _ =	vpop (xrf1);
	v15 =	vmax.f32 v24, v25  }
0xfa: {  	v14 =	vadd.s32 v14, v18;
	v18, _, _ =	vpop (xrf1);
	(xrf1) =	vsort.dscd.msk.f32 $0xffff, v15, v15;
	v15 =	vld [tilespmem:$0x1FF60];
	_ =	sdelay $0x3  }
0xfb: {  	vm11 =	vmand vm5, vm0  }
0xfc: {  	vm0 =	vmand vm1, vm3;
	vm1 =	vgt.f32 v15, v21;
	v15 =	vimm.s32 $0x0  }
0xfd: {  	v15 =	vsel vm1, $0xFFFFFFFF, v15  }
0xfe: {  	[tilespmem:$0x1FDC0] =	vst v15;
	v15 =	vld [tilespmem:$0x1FED0];
	_ =	sdelay $0x4  }
0xff: {  	vm1 =	vnez.u8 v15  }
0x100: {  	v23 =	vimm.s32 $0x0;
	vm12 =	vmor vm1, vm12;
	vm1 =	vgt.f32 v39, v21  }
0x101: {  	v39 =	vimm.s32 $0x0;
	v23 =	vsel vm1, $0xFFFFFFFF, v23;
	vm1 =	vgt.f32 v41, v21  }
0x102: {  	v24 =	vsel vm1, $0xFFFFFFFF, v39;
	vm1 =	vgt.f32 v32, v21;
	v21 =	vimm.s32 $0x0  }
0x103: {  	v21 =	vsel vm1, $0xFFFFFFFF, v21  }
0x104: {  	[tilespmem:$0x1FEB0] =	vst v21;
	v21 =	vld [tilespmem:$0x1FF80];
	_ =	sdelay $0x3  }
0x105: {  	v16 =	vperm.xlane v16, v1;
	v15 =	vperm.xlane v18, v1;
	v18, _, _ =	vpop (xrf1)  }
0x106: {  	v25 =	vperm.xlane v18, v1;
	v18 =	vimm.s32 $0x0;
	[tilespmem:$0x1FDA0] =	vst v23;
	vm1 =	vgt.f32 v21, v22  }
0x107: {  	[tilespmem:$0x1FD90] =	vst v24;
	v23, _, _ =	vpop (xrf1);
	v24 =	vsel vm1, $0xFFFFFFFF, v18  }
0x108: {  	vm1 =	vgt.f32 v37, v22;
	[tilespmem:$0x1FDE0] =	vst v24;
	v24 =	vmax.f32 v23, v16;
	v23 =	vimm.s32 $0x0  }
0x109: {  	v23 =	vsel vm1, $0xFFFFFFFF, v23;
	vm1 =	vgt.f32 v0, v22;
	v0 =	vimm.s32 $0x0  }
0x10a: {  	v0 =	vsel vm1, $0xFFFFFFFF, v0  }
0x10b: {  	[tilespmem:$0x1FED0] =	vst v0;
	v0 =	vld [tilespmem:$0x1FFB0];
	_ =	sdelay $0x4  }
0x10c: {  	vm1 =	vgt.f32 v0, v19;
	v0 =	vimm.s32 $0x0  }
0x10d: {  	v0 =	vsel vm1, $0xFFFFFFFF, v0  }
0x10e: {  	[tilespmem:$0x1FDF0] =	vst v0;
	v0 =	vld [tilespmem:$0x1FFE0];
	_ =	sdelay $0x4  }
0x10f: {  	vm1 =	vnez.u8 v0;
	v0 =	vld [tilespmem:$0x1FFC0];
	_ =	sdelay $0x4  }
0x110: {  	vm6 =	vmand vm13, vm8;
	vm13 =	vgt.f32 v0, v19;
	v0 =	vld [tilespmem:$0x1FEC0];
	_ =	sdelay $0x1  }
0x111: {  	v21, _, _ =	vpop (xrf1)  }
0x112: {  	v15 =	vmax.f32 v21, v15;
	v16, _, _ =	vpop (xrf1);
	(xrf1) =	vsort.dscd.msk.f32 $0xffff, v24, v24  }
0x113: {  	vm8 =	vmand vm2, vm4;
	vm2 =	vgt.f32 v34, v19;
	v16 =	vmax.f32 v16, v25;
	v18, _, _ =	vpop (xrf1);
	(xrf1) =	vsort.dscd.msk.f32 $0xffff, v15, v15  }
0x114: {  	v15 =	vperm.xlane v18, v1;
	v18, _, _ =	vpop (xrf1);
	(xrf1) =	vsort.dscd.msk.f32 $0xffff, v16, v16;
	v16 =	vnsel vm10, $0x0, v0;
	v0 =	vimm.s32 $0x0  }
0x115: {  	vm3 =	vgt.f32 v36, v43;
	v0 =	vsel vm2, $0xFFFFFFFF, v0  }
0x116: {  	vm3 =	vmor vm3, vm8;
	[tilespmem:$0x1FFE0] =	vst v0;
	v0 =	vimm.s32 $0x0  }
0x117: {  	vm2 =	vgt.f32 v46, v43;
	v0 =	vsel vm3, $0xFFFFFFFF, v0  }
0x118: {  	vm0 =	vmor vm2, vm0;
	[tilespmem:$0x1FE30] =	vst v0;
	v0 =	vimm.s32 $0x0  }
0x119: {  	vm3 =	vgt.f32 v27, v43;
	v0 =	vsel vm0, $0xFFFFFFFF, v0  }
0x11a: {  	vm0 =	vmor vm3, vm11;
	[tilespmem:$0x1FE20] =	vst v0;
	v0 =	vimm.s32 $0x0  }
0x11b: {  	v0 =	vsel vm0, $0xFFFFFFFF, v0  }
0x11c: {  	[tilespmem:$0x1FE50] =	vst v0;
	v0 =	vld [tilespmem:$0x1FEE0];
	_ =	sdelay $0x4  }
0x11d: {  	v6 =	vpop (erf);
	(erf) = vpow2.f32 v52;
	[tilespmem:s10+$0x41B0] =	vst v17;
	v27 =	vnsel vm12, $0x0, v0;
	v0 =	vld [tilespmem:$0x1FF00]  }
0x11e: {  	(xrf2) =	vadd.scan.msk.f32 $0xffff, v54;
	[tilespmem:$0x1FDB0] =	vst v23;
	v23 =	vperm.xlane v18, v1;
	v18, _, _ =	vpop (xrf1)  }
0x11f: {  	v24 =	vperm.xlane v18, v1;
	v18, _, _ =	vpop (xrf1);
	[tilespmem:s9+$0x4030] =	vst v16  }
0x120: {  	(xrf2) =	vadd.scan.msk.f32 $0xffff, v51;
	vm10 =	vgt.f32 v53, v19;
	v19 =	vperm.xlane v18, v1;
	v18 =	vld [tilespmem:s11+$0x1B0]  }
0x121: {  	(xrf0) =	vadd.scan.msk.s32 $0xffff, v48;
	vm1 =	vmor vm1, vm6  }
0x122: {  	v16, _, _ =	vpop (xrf1);
	v25 =	vnsel vm1, $0x0, v0  }
0x123: {  	(xrf0) =	vadd.scan.msk.s32 $0xffff, v49;
	vm14 =	vgt.f32 v38, v22;
	v22 =	vperm.xlane v16, v1;
	v16, _, _ =	vpop (xrf1)  }
0x124: {  	(xrf0) =	vadd.scan.msk.s32 $0xffff, v5;
	v54, _, _ =	vpop (xrf1)  }
0x125: {  	[tilespmem:s9+$0x4130] =	vst v25;
	v25, _, _ =	vpop (xrf1);
	(xrf1) =	vsort.dscd.msk.f32 $0xffff, v18, v18  }
0x126: {  	v40 =	vperm.xlane v33, v29;
	v21 =	vpop (erf);
	(erf) = vpow2.f32 v50  }
0x127: {  	v5, _, _ =	vpop (xrf0)  }
0x128: {  	v20 =	vperm.xlane v11, v29;
	v12 =	vadd.s32 v40, v12;
	v43 =	vperm.xlane v16, v1;
	v16, _, _ =	vpop (xrf2)  }
0x129: {  	v49 =	vmov v4;
	v4, _, _ =	vpop (xrf0);
	v17 =	vperm.xlane v12, v29;
	v16 =	vperm.xlane v16, v29  }
0x12a: {  	(xrf0) =	vadd.scan.msk.s32 $0xffff, v7;
	v7, _, _ =	vpop (xrf0);
	v36 =	vmov v3;
	v3 =	vperm.xlane v54, v1  }
0x12b: {  	v20 =	vadd.s32 v5, v20;
	(erf) = vrcp.f32 v16;
	v16 =	vadd.s32 v4, v17;
	v4, _, _ =	vpop (xrf2)  }
0x12c: {  	v3 =	vmax.f32 v25, v3;
	v5, _, _ =	vpop (xrf1);
	v25 =	vmov v8;
	v8 =	vperm.xlane v7, v29;
	v7 =	vld [tilespmem:$0x1FCE0]  }
0x12d: {  	v55 =	vmul.f32 $1.442695020e+00, v55;
	v34 =	vmov v59;
	v59, _, _ =	vpop (xrf1)  }
0x12e: {  	(erf) = vpow2.f32 v42;
	v17 =	vperm.xlane v4, v29;
	[tilespmem:s9+$0x40B0] =	vst v27;
	v27 =	vmax.f32 v5, v15;
	v5, _, _ =	vpop (xrf1)  }
0x12f: {  	v39 =	vmov v60;
	(erf) = vpow2.f32 v55;
	v60 =	vmax.f32 v5, v24;
	v5 =	vpop (erf)  }
0x130: {  	v38 =	vmov v61;
	(erf) = vrcp.f32 v17;
	v61 =	vmul.f32 v6, v5;
	v5, _, _ =	vpop (xrf0)  }
0x131: {  	(erf) = vpow2.f32 v7;
	v7 =	vperm.xlane v5, v29;
	_ =	sdelay $0x1  }
0x132: {  	v41 =	vld [tilespmem:$0x1FF70];
	vm12 =	vle.s32 v35, v7;
	v35, _, _ =	vpop (xrf1)  }
0x133: {  	(xrf0) =	vadd.scan.msk.s32 $0xffff, v9;
	v9 =	vmax.f32 v59, v23;
	v23 =	vmov v13;
	v13 =	vperm.xlane v35, v1;
	v1 =	vld [tilespmem:$0x1FFA0]  }
0x134: {  	v5 =	vld [tilespmem:$0x1FCF0];
	_ =	sdelay $0x2  }
0x135: {  	v32 =	vmov v45;
	v45 =	vld [tilespmem:$0x1FD00];
	vm6 =	vnez.u8 v41;
	vm0 =	vle.s32 v14, v8  }
0x136: {  	vm6 =	vmand vm6, vm0;
	(erf) = vpow2.f32 v31;
	vm0 =	vnez.u8 v1;
	v1 =	vld [tilespmem:$0x1FD10]  }
0x137: {  	(erf) = vpow2.f32 v5;
	v5, _, _ =	vpop (xrf0)  }
0x138: {  	v51 =	vmov v62;
	v62 =	vpop (erf);
	v5 =	vperm.xlane v5, v29  }
0x139: {  	v37 =	vmov v63;
	v63 =	vpop (erf)  }
0x13a: {  	vm11 =	vle.s32 v33, v5;
	v33 =	vpop (erf);
	(erf) = vpow2.f32 v45  }
0x13b: {  	v46 =	vpop (erf);
	(erf) = vpow2.f32 v1;
	v1 =	vmul.f32 v6, v33;
	_ =	sdelay $0x1  }
0x13c: {  	[tilespmem:$0x1FEC0] =	vst v1;
	v1 =	vld [tilespmem:$0x1FFD0];
	_ =	sdelay $0x3  }
0x13d: {  	vm3 =	vle.s32 v20, v7  }
0x13e: {  	vm7 =	vmand vm0, vm3;
	vm0 =	vnez.u8 v1;
	v1 =	vld [tilespmem:$0x1FD20];
	_ =	sdelay $0x4  }
0x13f: {  	(erf) = vpow2.f32 v1;
	v1 =	vld [tilespmem:$0x1FF40];
	_ =	sdelay $0x3  }
0x140: {  	vm5 =	vle.s32 v16, v5  }
0x141: {  	vm5 =	vmand vm0, vm5;
	vm0 =	vnez.u8 v1;
	v1 =	vld [tilespmem:$0x1FD30];
	_ =	sdelay $0x4  }
0x142: {  	v52 =	vpop (erf);
	(erf) = vpow2.f32 v1;
	v1 =	vld [tilespmem:$0x1FF50];
	_ =	sdelay $0x3  }
0x143: {  	vm1 =	vle.s32 v10, v8  }
0x144: {  	vm3 =	vmand vm0, vm1;
	vm0 =	vnez.u8 v1;
	v1 =	vld [tilespmem:$0x1FD40];
	_ =	sdelay $0x4  }
0x145: {  	v53 =	vpop (erf);
	(erf) = vpow2.f32 v1;
	v1 =	vld [tilespmem:$0x1FD50];
	_ =	sdelay $0x4  }
0x146: {  	v54 =	vpop (erf);
	(erf) = vpow2.f32 v1;
	v1 =	vld [tilespmem:$0x1FD60];
	_ =	sdelay $0x3  }
0x147: {  	vm2 =	vle.s32 v11, v7  }
0x148: {  	vm0 =	vmand vm0, vm2;
	vm2 =	vnez.u8 v1;
	v1 =	vld [tilespmem:$0x1FD70];
	_ =	sdelay $0x3  }
0x149: {  	vm8 =	vle.s32 v30, v8  }
0x14a: {  	vm8 =	vmand vm2, vm8;
	vm2 =	vnez.u8 v1;
	v1 =	vld [tilespmem:$0x1FD80];
	_ =	sdelay $0x1  }
0x14b: {  	v44 =	vmul.f32 $1.442695020e+00, v44;
	(xrf1) =	vsort.dscd.msk.f32 $0xffff, v3, v3  }
0x14c: {  	(xrf1) =	vsort.dscd.msk.f32 $0xffff, v27, v27  }
0x14d: {  	(xrf1) =	vsort.dscd.msk.f32 $0xffff, v9, v9;
	(erf) = vpow2.f32 v44  }
0x14e: {  	(erf) = vpow2.f32 v1;
	v1 =	vld [tilespmem:$0x1FD90];
	_ =	sdelay $0x4  }
0x14f: {  	vm12 =	vmand vm2, vm12;
	vm2 =	vnez.u8 v1;
	v1 =	vld [tilespmem:$0x1FDA0];
	_ =	sdelay $0x3  }
0x150: {  	vm4 =	vle.s32 v12, v5  }
0x151: {  	vm1 =	vmand vm9, vm4;
	vm4 =	vmor vm10, vm5;
	vm5 =	vnez.u8 v1;
	v1 =	vld [tilespmem:$0x1FDB0]  }
0x152: {  	v50 =	vmov v47;
	v47, _, _ =	vpop (xrf1)  }
0x153: {  	v55, _, _ =	vpop (xrf1)  }
0x154: {  	v4 =	vperm.xlane v16, v29;
	v16, _, _ =	vpop (xrf1)  }
0x155: {  	v17 =	vmax.f32 v55, v19;
	v19 =	vmax.f32 v16, v22;
	v16 =	vpop (erf)  }
0x156: {  	vm3 =	vmor vm5, vm3;
	vm5 =	vnez.u8 v1;
	v1 =	vmul.f32 v62, v16;
	_ =	sdelay $0x1  }
0x157: {  	[tilespmem:$0x1FEE0] =	vst v1;
	v1 =	vld [tilespmem:$0x1FDC0];
	_ =	sdelay $0x4  }
0x158: {  	vm0 =	vmor vm5, vm0;
	vm5 =	vnez.u8 v1;
	v1 =	vld [tilespmem:$0x1FDD0]  }
0x159: {  	(xrf1) =	vsort.dscd.msk.f32 $0xffff, v60, v60;
	_ =	sdelay $0x3  }
0x15a: {  	(xrf0) =	vadd.scan.msk.s32 $0xffff, v1;
	v1 =	vld [tilespmem:$0x1FDE0];
	_ =	sdelay $0x4  }
0x15b: {  	vm6 =	vmor vm2, vm6;
	vm2 =	vmor vm14, vm7;
	vm7 =	vnez.u8 v1;
	v1 =	vld [tilespmem:$0x1FDF0];
	_ =	sdelay $0x3  }
0x15c: {  	v21 =	vmul.f32 v6, v21  }
0x15d: {  	v42 =	vmov v56;
	v56, _, _ =	vpop (xrf1);
	vm5 =	vmor vm5, vm8;
	vm8 =	vnez.u8 v1;
	v1 =	vld [tilespmem:$0x1FE00]  }
0x15e: {  	v0 =	vmov v57;
	v11 =	vmul.f32 v6, v63;
	v6 =	vmax.f32 v47, v13;
	v57 =	vpop (erf)  }
0x15f: {  	v48 =	vmov v58;
	(xrf1) =	vsort.dscd.msk.f32 $0xffff, v6, v6;
	v58 =	vpop (erf)  }
0x160: {  	(xrf1) =	vsort.dscd.msk.f32 $0xffff, v17, v17;
	v16 =	vpop (erf)  }
0x161: {  	(xrf1) =	vsort.dscd.msk.f32 $0xffff, v19, v19;
	v19 =	vpop (erf)  }
0x162: {  	(xrf0) =	vadd.scan.msk.s32 $0xffff, v1;
	v1 =	vmul.f32 v46, v19;
	_ =	sdelay $0x1  }
0x163: {  	[tilespmem:$0x1FF00] =	vst v1;
	v1 =	vld [tilespmem:$0x1FE10];
	_ =	sdelay $0x4  }
0x164: {  	(xrf0) =	vadd.scan.msk.s32 $0xffff, v1;
	v1 =	vld [tilespmem:$0x1FE20];
	_ =	sdelay $0x1  }
0x165: {  	v17 =	vmax.f32 v56, v43  }
0x166: {  	v12 =	vmul.f32 v62, v53;
	(xrf1) =	vsort.dscd.msk.f32 $0xffff, v17, v17;
	_ =	sdelay $0x1  }
0x167: {  	v40 =	vperm.xlane v14, v29;
	v27, _, _ =	vpop (xrf1);
	v12 =	vnsel vm0, $0x0, v12;
	vm0 =	vnez.u8 v1;
	v1 =	vld [tilespmem:$0x1FE30]  }
0x168: {  	v3 =	vperm.xlane v20, v29;
	v24 =	vmov v28;
	v28 =	vperm.xlane v27, v2  }
0x169: {  	vm11 =	vmand vm15, vm11;
	v13 =	vmul.f32 v62, v54;
	v6 =	vmul.f32 v62, v52;
	v59 =	vpop (erf)  }
0x16a: {  	v10 =	vmul.f32 v46, v57;
	v41 =	vsub.f32 v27, v28;
	v14 =	vmul.f32 v26, v59  }
0x16b: {  	v43 =	vperm.xlane v27, v29;
	v47 =	vsub.f32 v51, v28;
	v45 =	vsub.f32 v23, v28  }
0x16c: {  	v9 =	vnsel vm3, $0x0, v61;
	v14 =	vnsel vm0, $0x0, v14;
	vm0 =	vnez.u8 v1;
	v1 =	vld [tilespmem:$0x1FE40]  }
0x16d: {  	vm1 =	vmor vm13, vm1;
	v15 =	vmul.f32 v46, v58;
	v16 =	vmul.f32 v46, v16;
	v17 =	vpop (erf)  }
0x16e: {  	s9 =	smov.u32 s10;
	v44 =	vsub.f32 v24, v28;
	v11 =	vnsel vm6, $0x0, v11;
	v62 =	vmul.f32 v26, v17;
	v17 =	vpop (erf)  }
0x16f: {  	[tilespmem:s9+$0x4010] =	vst v9;
	v9, _, _ =	vpop (xrf1);
	v63 =	vnsel vm4, $0x0, v16;
	v16 =	vmul.f32 v26, v17;
	vm7 =	vmor vm7, vm12  }
0x170: {  	v20 =	vnsel vm5, $0x0, v21;
	v21 =	vperm.xlane v9, v29;
	v6 =	vnsel vm7, $0x0, v6  }
0x171: {  	v17, _, _ =	vpop (xrf0);
	[tilespmem:s9+$0x4080] =	vst v6;
	vm8 =	vmor vm8, vm11;
	v6 =	vnsel vm0, $0x0, v62;
	vm0 =	vnez.u8 v1;
	v1 =	vld [tilespmem:$0x1FE50]  }
0x172: {  	v13 =	vnsel vm2, $0x0, v13;
	v61 =	vnsel vm1, $0x0, v15;
	v60 =	vnsel vm8, $0x0, v10;
	v10, _, _ =	vpop (xrf1)  }
0x173: {  	[tilespmem:s9+$0x4020] =	vst v11;
	vm10 =	veq.f32 v39, v21;
	vm2 =	veq.f32 v48, v21;
	v11, _, _ =	vpop (xrf1);
	v22 =	vperm.xlane v10, v29  }
0x174: {  	vm3 =	veq.f32 v9, v21;
	v17 =	vadd.s32 v17, v40;
	v19 =	vperm.xlane v11, v29;
	v35, _, _ =	vpop (xrf0)  }
0x175: {  	v46 =	vperm.xlane v11, v2;
	vm11 =	veq.f32 v38, v22;
	vm4 =	veq.f32 v10, v22;
	v40, _, _ =	vpop (xrf0)  }
0x176: {  	vm15 =	veq.f32 v49, v19;
	v4 =	vadd.s32 v40, v4;
	vm1 =	vnez.u8 v1;
	v1 =	vld [tilespmem:$0x1FE60]  }
0x177: {  	[tilespmem:s9+$0x4110] =	vst v61;
	v61 =	vsub.f32 v49, v46;
	vm8 =	vle.s32 v4, v5;
	v5 =	vperm.xlane v10, v2  }
0x178: {  	vm9 =	veq.f32 v34, v19;
	v56 =	vsub.f32 v34, v46;
	v58 =	vsub.f32 v42, v46  }
0x179: {  	[tilespmem:$0x1FF60] =	vst v39;
	v57 =	vsub.f32 v25, v46;
	v3 =	vadd.s32 v35, v3;
	v31 =	vsub.f32 v38, v5  }
0x17a: {  	[tilespmem:s9+$0x4100] =	vst v60;
	v59 =	vsub.f32 v36, v5;
	v60 =	vsub.f32 v0, v5;
	vm13 =	vmmov vm0  }
0x17b: {  	[tilespmem:$0x1FF80] =	vst v38;
	vm0 =	vle.s32 v17, v8;
	v33 =	vnsel vm1, $0x0, v16;
	vm1 =	vnez.u8 v1  }
0x17c: {  	[tilespmem:s9+$0x4120] =	vst v63;
	v1 =	vld [tilespmem:$0x1FE70];
	vm14 =	vmand vm1, vm0;
	vm0 =	vle.s32 v3, v7;
	v3 =	vperm.xlane v9, v2  }
0x17d: {  	v62 =	vsel vm10, $0x1, v2;
	[tilespmem:s9+$0x4190] =	vst v6;
	v6 =	vsub.f32 v10, v5;
	v7 =	vmul.f32 $1.442695020e+00, v41  }
0x17e: {  	v63 =	vsel vm15, $0x1, v2;
	(xrf0) =	vadd.scan.msk.s32 $0xffff, v62;
	v62 =	vsub.f32 v50, v5;
	v4 =	vsub.f32 v9, v3  }
0x17f: {  	[tilespmem:$0x1FFB0] =	vst v49;
	v6 =	vmul.f32 $1.442695020e+00, v6;
	(erf) = vpow2.f32 v7;
	v7 =	vsub.f32 v11, v46  }
0x180: {  	[tilespmem:s9+$0x4180] =	vst v14;
	v8 =	vsel vm9, $0x1, v2;
	v14 =	vsub.f32 v39, v3;
	v4 =	vmul.f32 $1.442695020e+00, v4  }
0x181: {  	[tilespmem:$0x1FFC0] =	vst v34;
	vm1 =	vnez.u8 v1;
	v7 =	vmul.f32 $1.442695020e+00, v7;
	v1 =	vimm.s32 $0x0  }
0x182: {  	[tilespmem:s9+$0x40A0] =	vst v13;
	vm12 =	vmand vm1, vm0;
	vm1 =	veq.f32 v37, v21;
	(erf) = vpow2.f32 v4  }
0x183: {  	[tilespmem:s9+$0x4090] =	vst v12;
	vm0 =	veq.f32 v36, v22;
	v4 =	vsel vm11, $0x1, v2;
	v1 =	vsel vm1, $0xFFFFFFFF, v1  }
0x184: {  	(erf) = vpow2.f32 v6;
	(xrf0) =	vadd.scan.msk.s32 $0xffff, v4;
	[tilespmem:$0x1FF40] =	vst v1;
	v1 =	vimm.s32 $0x0  }
0x185: {  	v53 =	vmovc v42;
	[tilespmem:s9+$0x4000] =	vst v20;
	v15 =	vsub.f32 v37, v3;
	(erf) = vpow2.f32 v7;
	v1 =	vsel vm0, $0xFFFFFFFF, v1  }
0x186: {  	v30, _, _ =	vpop (xrf0);
	v17 =	vsub.f32 v48, v3;
	(xrf0) =	vadd.scan.msk.s32 $0xffff, v63;
	[tilespmem:$0x1FF50] =	vst v1;
	v1 =	vimm.s32 $0x0  }
0x187: {  	v38 =	vmovc v50;
	[tilespmem:s9+$0x41A0] =	vst v33;
	v41 =	vmovc v48;
	v55 =	vsub.f32 v32, v3;
	v6 =	vsel vm1, $0x1, v2;
	v1 =	vsel vm2, $0xFFFFFFFF, v1  }
0x188: {  	v39 =	vmovc v37;
	v46 =	vmovc v51;
	v7 =	vsel vm0, $0x1, v2;
	vm0 =	veq.f32 v50, v22;
	[tilespmem:$0x1FF70] =	vst v1;
	v1 =	vimm.s32 $0x0  }
0x189: {  	p0 =	sne.s32 s12, $0xF800;
	v52 =	vmul.f32 $1.442695020e+00, v14;
	v37 =	vmov v36;
	(xrf0) =	vadd.scan.msk.s32 $0xffff, v6;
	v16 =	vpop (erf);
	v1 =	vsel vm0, $0xFFFFFFFF, v1  }
.Ltmp0:
0x18a: {  	vm1 =	veq.f32 v42, v19;
	(xrf2) =	vadd.scan.msk.f32 $0xffff, v16;
	[tilespmem:$0x1FFA0] =	vst v1;
	v35, _, _ =	vpop (xrf0);
	v1 =	vimm.s32 $0x0;
	(pc) =	sbr.rel @p0 .LBB2_2-.Ltmp0, $4  }
0x18b: {  	v49 =	vsel vm1, $0x1, v2;
	(xrf0) =	vadd.scan.msk.s32 $0xffff, v7;
	v1 =	vsel vm1, $0xFFFFFFFF, v1;
	vm1 =	veq.f32 v51, v43;
	v3 =	vpop (erf)  }
0x18c: {  	v4 =	vsel vm2, $0x1, v2;
	v42 =	vmul.f32 $1.442695020e+00, v17;
	v33, _, _ =	vpop (xrf0);
	v5 =	vsel vm1, $0x1, v2;
	(xrf2) =	vadd.scan.msk.f32 $0xffff, v3  }
0x18d: {  	s10 =	smov.u32 s11;
	s11 =	sshra.s32 s12, $0x2;
	v50 =	vmul.f32 $1.442695020e+00, v15;
	v48 =	vsel vm0, $0x1, v2;
	vm2 =	veq.f32 v24, v43;
	v54 =	vpop (erf);
	(xrf0) =	vadd.scan.msk.s32 $0xffff, v5  }
0x18e: {  	s12 =	sadd.s32 $0x800, s12;
	v36 =	vld [tilespmem:s11+$0x190];
	vm0 =	veq.f32 v11, v19;
	[tilespmem:$0x1FFD0] =	vst v1;
	v3 =	vsel vm2, $0x1, v2;
	v51 =	vpop (erf);
	(xrf0) =	vadd.scan.msk.s32 $0xffff, v8  }
0x18f: {  	_ = 	snop  }
0x190: {  	v40 =	vld [tilespmem:s11+$0x180];
	(xrf0) =	vadd.scan.msk.s32 $0xffff, v3;
	vm5 =	veq.f32 v23, v43;
	v34 =	vimm.s32 $0x0  }
0x191: {  	v20 =	vsel vm5, $0x1, v34;
	(xrf0) =	vadd.scan.msk.s32 $0xffff, v4  }
0x192: {  	v5 =	vld [tilespmem:s11+$0x10];
	vm6 =	veq.f32 v27, v43;
	(xrf0) =	vadd.scan.msk.s32 $0xffff, v20  }
0x193: {  	v2 =	vld [tilespmem:s11+$0x90];
	v27 =	vsub.f32 v18, v28;
	v26 =	vsel vm6, $0x1, v34;
	(xrf1) =	vsort.dscd.msk.f32 $0xffff, v36, v36  }
0x194: {  	v1 =	vld [tilespmem:s11+$0x110];
	vm6 =	veq.f32 v18, v43;
	(xrf0) =	vadd.scan.msk.s32 $0xffff, v26  }
0x195: {  	v9 =	vld [tilespmem:s11+$0x0];
	v28 =	vsel vm6, $0x1, v34;
	v4 =	vmul.f32 $1.442695020e+00, v27;
	(xrf1) =	vsort.dscd.msk.f32 $0xffff, v40, v40  }
0x196: {  	v6, _, _ =	vpop (xrf0);
	v8 =	vld [tilespmem:s11+$0x80];
	(xrf0) =	vadd.scan.msk.s32 $0xffff, v28  }
0x197: {  	v63 =	vld [tilespmem:s11+$0x100];
	(erf) = vpow2.f32 v4;
	(xrf1) =	vsort.dscd.msk.f32 $0xffff, v5, v5  }
0x198: {  	v28 =	vld [tilespmem:s11+$0x20];
	(xrf1) =	vsort.dscd.msk.f32 $0xffff, v2, v2  }
0x199: {  	v11 =	vld [tilespmem:s11+$0xA0];
	[tilespmem:$0x1FBC0] =	vst v2;
	v16, _, _ =	vpop (xrf2);
	v2 =	vimm.s32 $0xF;
	(xrf1) =	vsort.dscd.msk.f32 $0xffff, v1, v1  }
0x19a: {  	v10 =	vld [tilespmem:s11+$0x120];
	v3, _, _ =	vpop (xrf0);
	[tilespmem:$0x1FBB0] =	vst v5;
	v5 =	vperm.xlane v16, v2;
	(xrf1) =	vsort.dscd.msk.f32 $0xffff, v9, v9  }
0x19b: {  	v12 =	vld [tilespmem:s11+$0x30];
	v7, _, _ =	vpop (xrf0);
	(xrf1) =	vsort.dscd.msk.f32 $0xffff, v8, v8  }
0x19c: {  	v17 =	vld [tilespmem:s11+$0xB0];
	[tilespmem:$0x1FBD0] =	vst v1;
	v4, _, _ =	vpop (xrf0);
	(xrf1) =	vsort.dscd.msk.f32 $0xffff, v63, v63  }
0x19d: {  	[tilespmem:$0x1FB90] =	vst v8;
	v20 =	vperm.xlane v7, v2;
	v1 =	vld [tilespmem:$0x1FFF0];
	(erf) = vrcp.f32 v5;
	v8, _, _ =	vpop (xrf0);
	(xrf1) =	vsort.dscd.msk.f32 $0xffff, v28, v28  }
0x19e: {  	v16 =	vld [tilespmem:s11+$0x130];
	v5, _, _ =	vpop (xrf0);
	(xrf1) =	vsort.dscd.msk.f32 $0xffff, v11, v11  }
0x19f: {  	v27 =	vld [tilespmem:s11+$0x1A0];
	[tilespmem:$0x1FB80] =	vst v9;
	v8 =	vadd.s32 v20, v8;
	v9, _, _ =	vpop (xrf0);
	(xrf1) =	vsort.dscd.msk.f32 $0xffff, v10, v10  }
0x1a0: {  	v13 =	vperm.xlane v8, v2;
	v15 =	vpop (erf);
	(xrf1) =	vsort.dscd.msk.f32 $0xffff, v12, v12  }
0x1a1: {  	[tilespmem:$0x1FC70] =	vst v17;
	(xrf1) =	vsort.dscd.msk.f32 $0xffff, v17, v17;
	v17, _, _ =	vpop (xrf1)  }
0x1a2: {  	[tilespmem:$0x1FC20] =	vst v10;
	v26, _, _ =	vpop (xrf0);
	v9 =	vadd.s32 v9, v13;
	v10 =	vperm.xlane v17, v1  }
0x1a3: {  	[tilespmem:$0x1FBA0] =	vst v63;
	v20 =	vperm.xlane v9, v2;
	(xrf1) =	vsort.dscd.msk.f32 $0xffff, v16, v16;
	v14, _, _ =	vpop (xrf1)  }
0x1a4: {  	[tilespmem:$0x1FC10] =	vst v11;
	v63, _, _ =	vpop (xrf0);
	v11 =	vperm.xlane v26, v2;
	(xrf1) =	vsort.dscd.msk.f32 $0xffff, v27, v27;
	v10 =	vmax.f32 v14, v10  }
0x1a5: {  	v13, _, _ =	vpop (xrf1);
	(xrf1) =	vsort.dscd.msk.f32 $0xffff, v10, v10;
	v10 =	vadd.s32 v63, v20  }
0x1a6: {  	v29 =	vmov v0;
	[tilespmem:$0x1FF90] =	vst v0;
	v0 =	vpop (erf);
	v63 =	vld [tilespmem:$0x1FEB0];
	vm7 =	vle.s32 v10, v11  }
0x1a7: {  	v26 =	vmul.f32 v0, v15;
	v14, _, _ =	vpop (xrf1);
	vm6 =	vmand vm6, vm7;
	vm7 =	vgt.f32 v18, v43  }
0x1a8: {  	[tilespmem:$0x1FC40] =	vst v12;
	v12, _, _ =	vpop (xrf1);
	vm6 =	vmor vm7, vm6  }
0x1a9: {  	[tilespmem:$0x1FCC0] =	vst v16;
	v16, _, _ =	vpop (xrf1);
	v10 =	vnsel vm6, $0x0, v26;
	v26 =	vld [tilespmem:$0x1FEC0]  }
0x1aa: {  	v15, _, _ =	vpop (xrf1)  }
0x1ab: {  	v14 =	vperm.xlane v14, v1;
	v17, _, _ =	vpop (xrf1);
	vm6 =	vnez.u8 v63;
	v63 =	vperm.xlane v13, v1  }
0x1ac: {  	v20, _, _ =	vpop (xrf1)  }
0x1ad: {  	v14 =	vmax.f32 v15, v14;
	[tilespmem:s10+$0x41B0] =	vst v10;
	v13, _, _ =	vpop (xrf1);
	vm6 =	vmor vm6, vm14;
	v10 =	vmax.f32 v16, v63  }
0x1ae: {  	v63 =	vperm.xlane v12, v1;
	v18 =	vnsel vm6, $0x0, v26;
	v26 =	vmov v23;
	v23, _, _ =	vpop (xrf1)  }
0x1af: {  	(xrf0) =	vadd.scan.msk.s32 $0xffff, v48;
	[tilespmem:s9+$0x4030] =	vst v18;
	v16, _, _ =	vpop (xrf1)  }
0x1b0: {  	v44 =	vmul.f32 $1.442695020e+00, v44;
	(xrf1) =	vsort.dscd.msk.f32 $0xffff, v10, v10;
	v18 =	vld [tilespmem:s11+$0x1B0];
	v12, _, _ =	vpop (xrf1)  }
0x1b1: {  	v48 =	vimm.s32 $0x0;
	vm7 =	vmand vm13, vm8;
	(xrf1) =	vsort.dscd.msk.f32 $0xffff, v14, v14;
	v10 =	vmax.f32 v17, v63;
	v14, _, _ =	vpop (xrf1)  }
0x1b2: {  	vm8 =	vle.s32 v7, v11;
	v7 =	vsel vm3, $0x1, v34;
	vm13 =	vle.s32 v8, v11;
	v15 =	vld [tilespmem:$0x1FED0];
	(xrf1) =	vsort.dscd.msk.f32 $0xffff, v10, v10;
	v63, _, _ =	vpop (xrf1)  }
0x1b3: {  	v8 =	vmul.f32 $1.442695020e+00, v55;
	vm1 =	vmand vm1, vm8;
	v10 =	vperm.xlane v63, v1  }
0x1b4: {  	vm2 =	vmand vm2, vm13;
	vm13 =	vgt.f32 v24, v43;
	v55 =	vperm.xlane v20, v1;
	v63, _, _ =	vpop (xrf1)  }
0x1b5: {  	v20 =	vmul.f32 $1.442695020e+00, v56;
	vm14 =	vle.s32 v9, v11;
	(xrf1) =	vsort.dscd.msk.f32 $0xffff, v18, v18;
	v10 =	vmax.f32 v63, v10  }
0x1b6: {  	v9 =	vmul.f32 $1.442695020e+00, v31;
	v31 =	vsel vm4, $0x1, v34;
	v13 =	vperm.xlane v13, v1;
	(xrf1) =	vsort.dscd.msk.f32 $0xffff, v10, v10  }
0x1b7: {  	(xrf2) =	vadd.scan.msk.f32 $0xffff, v54;
	vm4 =	veq.f32 v29, v22;
	vm6 =	vmand vm5, vm14;
	vm14 =	vnez.u8 v15;
	v17 =	vld [tilespmem:$0x1FFE0]  }
0x1b8: {  	v11 =	vmul.f32 $1.442695020e+00, v45;
	v56 =	vsel vm4, $0x1, v34;
	vm5 =	vmor vm14, vm12  }
0x1b9: {  	vm12 =	vgt.f32 v46, v43;
	vm14 =	vgt.f32 v26, v43;
	v43 =	vperm.xlane v33, v2;
	v63, _, _ =	vpop (xrf2)  }
0x1ba: {  	vm1 =	vmor vm12, vm1;
	v12 =	vperm.xlane v12, v1;
	v54 =	vperm.xlane v63, v2  }
0x1bb: {  	v4 =	vadd.s32 v43, v4;
	v14 =	vperm.xlane v14, v1;
	(xrf2) =	vadd.scan.msk.f32 $0xffff, v51;
	v51 =	vmul.f32 $1.442695020e+00, v61  }
0x1bc: {  	vm8 =	vnez.u8 v17;
	v63 =	vperm.xlane v30, v2;
	(erf) = vrcp.f32 v54  }
0x1bd: {  	(xrf0) =	vadd.scan.msk.s32 $0xffff, v49;
	vm3 =	vmor vm8, vm7;
	v10 =	vmul.f32 $1.442695020e+00, v59;
	(erf) = vpow2.f32 v52  }
0x1be: {  	(xrf0) =	vadd.scan.msk.s32 $0xffff, v7;
	vm8 =	veq.f32 v32, v21;
	(erf) = vpow2.f32 v50;
	v50 =	vmul.f32 $1.442695020e+00, v60;
	v60, _, _ =	vpop (xrf1)  }
0x1bf: {  	(xrf0) =	vadd.scan.msk.s32 $0xffff, v31;
	v59 =	vsel vm0, $0x1, v34;
	vm0 =	vmor vm13, vm2;
	v15 =	vmax.f32 v60, v55;
	v61, _, _ =	vpop (xrf1)  }
0x1c0: {  	v31 =	vsel vm0, $0xFFFFFFFF, v48;
	vm0 =	vmor vm14, vm6;
	v6 =	vadd.s32 v63, v6;
	v49, _, _ =	vpop (xrf1);
	(xrf1) =	vsort.dscd.msk.f32 $0xffff, v15, v15  }
0x1c1: {  	v63 =	vmov v25;
	v25 =	vmul.f32 $1.442695020e+00, v62;
	v62, _, _ =	vpop (xrf2);
	v55 =	vperm.xlane v23, v1  }
0x1c2: {  	(xrf0) =	vadd.scan.msk.s32 $0xffff, v59;
	v48 =	vimm.s32 $0x0;
	v24 =	vperm.xlane v62, v2;
	v23 =	vperm.xlane v35, v2  }
0x1c3: {  	[tilespmem:$0x1FBF0] =	vst v31;
	v7 =	vmax.f32 v61, v13;
	v31 =	vmax.f32 v49, v55;
	v49 =	vperm.xlane v6, v2;
	v60, _, _ =	vpop (xrf1)  }
0x1c4: {  	v13 =	vmul.f32 $1.442695020e+00, v47;
	v61 =	vimm.s32 $0x0;
	(xrf1) =	vsort.dscd.msk.f32 $0xffff, v7, v7;
	v62 =	vperm.xlane v60, v1;
	v47, _, _ =	vpop (xrf1)  }
0x1c5: {  	v52 =	vmul.f32 $1.442695020e+00, v58;
	v58 =	vld [tilespmem:$0x1FEE0];
	v26 =	vsel vm1, $0xFFFFFFFF, v61;
	v3 =	vadd.s32 v23, v3;
	(xrf1) =	vsort.dscd.msk.f32 $0xffff, v31, v31;
	v60, _, _ =	vpop (xrf0)  }
0x1c6: {  	[tilespmem:$0x1FBE0] =	vst v26;
	v61 =	vperm.xlane v3, v2;
	v26 =	vadd.s32 v5, v49;
	v5 =	vld [tilespmem:$0x1FFA0];
	v43, _, _ =	vpop (xrf0);
	v7 =	vmax.f32 v47, v62  }
0x1c7: {  	v54 =	vmul.f32 $1.442695020e+00, v57;
	v57 =	vsel vm8, $0x1, v34;
	(erf) = vrcp.f32 v24;
	v49, _, _ =	vpop (xrf0);
	(xrf1) =	vsort.dscd.msk.f32 $0xffff, v7, v7  }
0x1c8: {  	(erf) = vpow2.f32 v42;
	v23 =	vperm.xlane v4, v2;
	v47 =	vadd.s32 v60, v61;
	v60 =	vld [tilespmem:$0x1FF00];
	v62, _, _ =	vpop (xrf2)  }
0x1c9: {  	v24 =	vsel vm0, $0xFFFFFFFF, v48;
	v42 =	vperm.xlane v16, v1;
	v59, _, _ =	vpop (xrf0);
	v48 =	vperm.xlane v62, v2  }
0x1ca: {  	(erf) = vpow2.f32 v8;
	v17 =	vpop (erf);
	v1 =	vnsel vm5, $0x0, v58;
	v45 =	vperm.xlane v59, v2;
	v62 =	vld [tilespmem:$0x1FF70]  }
0x1cb: {  	vm12 =	vnez.u8 v5;
	v61, _, _ =	vpop (xrf0);
	(erf) = vrcp.f32 v48;
	v48 =	vperm.xlane v49, v2  }
0x1cc: {  	[tilespmem:$0x1FC00] =	vst v24;
	v55 =	vpop (erf);
	v24 =	vperm.xlane v61, v2;
	vm6 =	vle.s32 v47, v45;
	(erf) = vpow2.f32 v9;
	v9 =	vld [tilespmem:$0x1FF40]  }
0x1cd: {  	[tilespmem:$0x1FC50] =	vst v1;
	v1 =	vnsel vm3, $0x0, v60;
	v49 =	vadd.s32 v43, v23;
	vm13 =	vle.s32 v6, v48;
	v6 =	vld [tilespmem:$0x1FFD0]  }
0x1ce: {  	vm0 =	vmand vm12, vm6;
	(erf) = vpow2.f32 v10;
	vm5 =	vle.s32 v26, v48;
	v10, _, _ =	vpop (xrf1)  }
0x1cf: {  	v8 =	vpop (erf);
	(erf) = vpow2.f32 v25;
	vm7 =	vnez.u8 v62;
	v15 =	vmax.f32 v10, v42  }
0x1d0: {  	v23 =	vpop (erf);
	vm3 =	vmand vm7, vm5;
	(erf) = vpow2.f32 v50;
	vm7 =	vle.s32 v30, v48  }
0x1d1: {  	v7 =	vpop (erf);
	vm2 =	vle.s32 v49, v24;
	(xrf1) =	vsort.dscd.msk.f32 $0xffff, v15, v15;
	(erf) = vpow2.f32 v51;
	vm7 =	vmand vm10, vm7  }
0x1d2: {  	vm12 =	vnez.u8 v9;
	(erf) = vpow2.f32 v20;
	v16, _, _ =	vpop (xrf1);
	v20 =	vld [tilespmem:$0x1FF50];
	vm14 =	vnez.u8 v6  }
0x1d3: {  	vm1 =	vmand vm12, vm13;
	vm13 =	vle.s32 v3, v45;
	v6 =	vmax.f32 v16, v12;
	v25, _, _ =	vpop (xrf1)  }
0x1d4: {  	v31 =	vpop (erf);
	(erf) = vpow2.f32 v52;
	vm12 =	vle.s32 v4, v24;
	v3 =	vmax.f32 v25, v14;
	(xrf1) =	vsort.dscd.msk.f32 $0xffff, v6, v6  }
0x1d5: {  	vm2 =	vmand vm14, vm2;
	(erf) = vpow2.f32 v54;
	vm6 =	vmand vm9, vm12;
	(xrf1) =	vsort.dscd.msk.f32 $0xffff, v3, v3;
	v4, _, _ =	vpop (xrf1)  }
0x1d6: {  	vm12 =	vle.s32 v33, v24;
	v42 =	vpop (erf);
	(erf) = vpow2.f32 v13;
	v30 =	vperm.xlane v4, v34  }
0x1d7: {  	vm9 =	vgt.f32 v38, v22;
	v29 =	vpop (erf);
	(erf) = vpow2.f32 v44;
	vm14 =	vnez.u8 v20  }
0x1d8: {  	v51 =	vld [tilespmem:$0x1FF60];
	vm5 =	vmand vm14, vm13;
	vm14 =	vle.s32 v35, v45;
	v35 =	vpop (erf);
	v46 =	vsub.f32 v4, v30  }
0x1d9: {  	v52 =	vld [tilespmem:$0x1FFC0];
	vm15 =	vmand vm15, vm12;
	vm12 =	vmor vm9, vm0;
	vm0 =	vgt.f32 v37, v22;
	v20 =	vpop (erf)  }
0x1da: {  	v58 =	vld [tilespmem:$0x1FF80];
	vm13 =	vgt.f32 v41, v21;
	(erf) = vpow2.f32 v11;
	v50 =	vpop (erf);
	v9 =	vmul.f32 $1.442695020e+00, v46  }
0x1db: {  	vm10 =	vmand vm11, vm14;
	vm3 =	vmor vm13, vm3;
	vm11 =	vgt.f32 v39, v21;
	v44 =	vpop (erf)  }
0x1dc: {  	(xrf0) =	vadd.scan.msk.s32 $0xffff, v57;
	vm9 =	vmor vm11, vm1;
	vm11 =	veq.f32 v63, v19;
	v60 =	vpop (erf);
	(erf) = vpow2.f32 v9  }
0x1dd: {  	(xrf0) =	vadd.scan.msk.s32 $0xffff, v56;
	v5 =	vld [tilespmem:$0x1FFB0];
	vm13 =	vgt.f32 v53, v19;
	vm14 =	vgt.f32 v51, v21;
	v53 =	vsel vm11, $0x1, v34;
	v61 =	vpop (erf)  }
0x1de: {  	vm0 =	vmor vm0, vm5;
	vm5 =	vmor vm14, vm7;
	vm14 =	vgt.f32 v52, v19;
	(xrf0) =	vadd.scan.msk.s32 $0xffff, v53;
	v53 =	vld [tilespmem:$0x1FB80];
	v51 =	vpop (erf)  }
0x1df: {  	v8 =	vmul.f32 v17, v8;
	vm14 =	vmor vm14, vm6;
	vm6 =	vgt.f32 v58, v22;
	v58, _, _ =	vpop (xrf1)  }
0x1e0: {  	v59 =	vmul.f32 v17, v55;
	v7 =	vmul.f32 v17, v7;
	v39 =	vld [tilespmem:$0x1FB90];
	v62 =	vpop (erf)  }
0x1e1: {  	v38 =	vld [tilespmem:$0x1FBA0];
	v3 =	vmul.f32 v23, v29;
	v9 =	vnsel vm9, $0x0, v8;
	v8 =	vperm.xlane v58, v2;
	v43 =	vpop (erf)  }
0x1e2: {  	vm7 =	vgt.f32 v5, v19;
	v10 =	vnsel vm3, $0x0, v7;
	v25 =	vperm.xlane v58, v34;
	v57, _, _ =	vpop (xrf1)  }
0x1e3: {  	v6 =	vnsel vm5, $0x0, v59;
	vm5 =	veq.f32 v53, v8;
	v56, _, _ =	vpop (xrf1);
	v7 =	vperm.xlane v57, v2  }
0x1e4: {  	[tilespmem:$0x1FC80] =	vst v6;
	v16 =	vpop (erf);
	v11 =	vsub.f32 v58, v25;
	v5 =	vsel vm5, $0x1, v34;
	v6 =	vperm.xlane v56, v2  }
0x1e5: {  	vm1 =	vmor vm6, vm10;
	[tilespmem:$0x1FC90] =	vst v9;
	(xrf0) =	vadd.scan.msk.s32 $0xffff, v5;
	vm6 =	veq.f32 v39, v7;
	v46 =	vpop (erf)  }
0x1e6: {  	v9 =	vmul.f32 $1.442695020e+00, v11;
	vm10 =	veq.f32 v38, v6;
	v11 =	vsel vm6, $0x1, v34;
	(xrf2) =	vadd.scan.msk.f32 $0xffff, v46  }
0x1e7: {  	v37 =	vsel vm10, $0x1, v34;
	(xrf0) =	vadd.scan.msk.s32 $0xffff, v11;
	v46 =	vld [tilespmem:$0x1FBB0]  }
0x1e8: {  	v29 =	vmul.f32 v23, v35;
	v35 =	vnsel vm1, $0x0, v3;
	v12 =	vperm.xlane v57, v34;
	(xrf0) =	vadd.scan.msk.s32 $0xffff, v37;
	v37 =	vld [tilespmem:$0x1FBC0]  }
0x1e9: {  	v15 =	vsub.f32 v18, v30;
	vm13 =	vmor vm13, vm2;
	v20 =	vmul.f32 v23, v20;
	[tilespmem:$0x1FCB0] =	vst v35;
	v35 =	vld [tilespmem:$0x1FBD0]  }
0x1ea: {  	vm2 =	vmor vm7, vm15;
	v14 =	vperm.xlane v56, v34;
	v59 =	vsub.f32 v57, v12  }
0x1eb: {  	[tilespmem:$0x1FCA0] =	vst v10;
	v10 =	vimm.s32 $0x0;
	v55 =	vnsel vm0, $0x0, v29;
	(erf) = vpow2.f32 v9  }
0x1ec: {  	v52 =	vsub.f32 v56, v14;
	v33 =	vmul.f32 $1.442695020e+00, v59;
	vm7 =	veq.f32 v46, v8  }
0x1ed: {  	[tilespmem:$0x1FC60] =	vst v1;
	v59 =	vperm.xlane v4, v2;
	vm9 =	veq.f32 v37, v7;
	v41 =	vsel vm7, $0x1, v34  }
0x1ee: {  	v5, _, _ =	vpop (xrf0);
	v1 =	vsel vm10, $0xFFFFFFFF, v10;
	vm10 =	veq.f32 v35, v6;
	(xrf0) =	vadd.scan.msk.s32 $0xffff, v41;
	v54 =	vsel vm9, $0x1, v34  }
0x1ef: {  	v9 =	vmul.f32 $1.442695020e+00, v52;
	v13 =	vsel vm10, $0x1, v34;
	v11, _, _ =	vpop (xrf0);
	vm15 =	veq.f32 v40, v59;
	(xrf0) =	vadd.scan.msk.s32 $0xffff, v54  }
0x1f0: {  	[tilespmem:$0x1FCD0] =	vst v55;
	(erf) = vpow2.f32 v33;
	vm3 =	veq.f32 v36, v59;
	v10, _, _ =	vpop (xrf0);
	v3 =	vsel vm15, $0x1, v34  }
0x1f1: {  	v33 =	vnsel vm12, $0x0, v20;
	vm12 =	veq.f32 v28, v8;
	vm1 =	veq.f32 v27, v59;
	v52, _, _ =	vpop (xrf0);
	(xrf0) =	vadd.scan.msk.s32 $0xffff, v3  }
0x1f2: {  	(erf) = vpow2.f32 v9;
	v20 =	vsel vm3, $0x1, v34;
	v9 =	vmul.f32 v42, v44;
	v54, _, _ =	vpop (xrf0);
	(xrf0) =	vadd.scan.msk.s32 $0xffff, v13  }
0x1f3: {  	v44 =	vmul.f32 v42, v60;
	v60 =	vmul.f32 v42, v61;
	v41 =	vsel vm12, $0x1, v34;
	v55, _, _ =	vpop (xrf0);
	(xrf0) =	vadd.scan.msk.s32 $0xffff, v20  }
0x1f4: {  	[tilespmem:$0x1FC30] =	vst v1;
	vm0 =	veq.f32 v4, v59;
	v1 =	vsel vm1, $0x1, v34;
	v13, _, _ =	vpop (xrf0);
	(xrf0) =	vadd.scan.msk.s32 $0xffff, v41  }
0x1f5: {  	v3 =	vmul.f32 $1.442695020e+00, v15;
	v15, _, _ =	vpop (xrf0);
	(xrf0) =	vadd.scan.msk.s32 $0xffff, v1;
	v1 =	vnsel vm14, $0x0, v44;
	v44 =	vnsel vm13, $0x0, v60;
	v60 =	vld [tilespmem:$0x1FBE0]  }
0x1f6: {  	v4 =	vsel vm0, $0x1, v34;
	v29, _, _ =	vpop (xrf2)  }
0x1f7: {  	v20 =	vperm.xlane v29, v2;
	(erf) = vpow2.f32 v3;
	v29 =	vnsel vm2, $0x0, v9;
	v61, _, _ =	vpop (xrf0)  }
0x1f8: {  	vm2 =	veq.f32 v18, v59;
	v3 =	vperm.xlane v26, v2;
	(xrf0) =	vadd.scan.msk.s32 $0xffff, v4;
	v4 =	vperm.xlane v61, v2;
	v9, _, _ =	vpop (xrf0)  }
0x1f9: {  	v62 =	vmul.f32 v0, v62;
	v41 =	vsel vm2, $0x1, v34;
	v26, _, _ =	vpop (xrf0)  }
0x1fa: {  	v3 =	vadd.s32 v5, v3;
	(xrf0) =	vadd.scan.msk.s32 $0xffff, v41;
	v41 =	vld [tilespmem:$0x1FBF0];
	v4 =	vadd.s32 v4, v26;
	vm14 =	vnez.u8 v60  }
0x1fb: {  	v5 =	vperm.xlane v47, v2;
	v47, _, _ =	vpop (xrf0);
	v60 =	vnsel vm14, $0x0, v62;
	v62 =	vperm.xlane v4, v2  }
0x1fc: {  	(erf) = vrcp.f32 v20;
	vm0 =	vle.s32 v3, v48;
	v48, _, _ =	vpop (xrf0)  }
0x1fd: {  	v5 =	vadd.s32 v11, v5;
	v11 =	vadd.s32 v48, v62;
	v62 =	vld [tilespmem:$0x1FC00];
	_ =	sdelay $0x1  }
0x1fe: {  	v20 =	vpop (erf);
	vm13 =	vnez.u8 v41;
	v41 =	vmul.f32 v0, v16;
	v16 =	vperm.xlane v49, v2  }
0x1ff: {  	v26 =	vmul.f32 v0, v43;
	v43 =	vpop (erf)  }
0x200: {  	vm11 =	vmmov vm11;
	vm0 =	vmand vm8, vm0;
	v49 =	vpop (erf);
	v10 =	vadd.s32 v10, v16  }
0x201: {  	v26 =	vnsel vm13, $0x0, v26;
	v0 =	vpop (erf);
	vm8 =	vle.s32 v10, v24;
	vm13 =	vnez.u8 v62  }
0x202: {  	v48 =	vnsel vm13, $0x0, v41;
	vm13 =	vle.s32 v5, v45;
	v41 =	vperm.xlane v11, v2;
	v45, _, _ =	vpop (xrf0)  }
0x203: {  	vm11 =	vmand vm11, vm8;
	vm8 =	vgt.f32 v18, v59;
	v18 =	vld [tilespmem:$0x1FF90];
	v5 =	vperm.xlane v45, v2;
	v62, _, _ =	vpop (xrf0)  }
0x204: {  	v24 =	vpop (erf);
	v3 =	vadd.s32 v62, v41  }
0x205: {  	v16 =	vmul.f32 v24, v0;
	vm14 =	vle.s32 v3, v5  }
0x206: {  	vm13 =	vmand vm4, vm13;
	v45 =	vld [tilespmem:$0x1FC20];
	v62 =	vperm.xlane v54, v2;
	vm2 =	vmand vm2, vm14  }
0x207: {  	(xrf2) =	vadd.scan.msk.f32 $0xffff, v20;
	vm4 =	vle.s32 v61, v5;
	vm14 =	vgt.f32 v32, v21;
	vm2 =	vmor vm8, vm2  }
0x208: {  	v61 =	vld [tilespmem:$0x1FC10];
	vm8 =	vgt.f32 v18, v22;
	vm0 =	vmor vm14, vm0;
	vm14 =	vgt.f32 v63, v19  }
0x209: {  	v19 =	vmul.f32 v17, v31;
	v63 =	vmul.f32 v42, v51;
	v42 =	vsub.f32 v27, v30  }
0x20a: {  	v18 =	vnsel vm2, $0x0, v16;
	vm2 =	vle.s32 v11, v5;
	vm13 =	vmor vm8, vm13  }
0x20b: {  	vm8 =	veq.f32 v45, v6;
	vm11 =	vmor vm14, vm11;
	vm14 =	veq.f32 v57, v7  }
0x20c: {  	v11 =	vsub.f32 v40, v30;
	vm1 =	vmand vm1, vm2;
	vm2 =	vmand vm15, vm4  }
0x20d: {  	vm15 =	vle.s32 v4, v5;
	v21 =	vsel vm8, $0x1, v34;
	vm4 =	veq.f32 v61, v7  }
0x20e: {  	v31 =	vnsel vm0, $0x0, v19;
	v41 =	vsel vm14, $0x1, v34;
	v20 =	vsel vm4, $0x1, v34  }
0x20f: {  	vm14 =	vgt.f32 v40, v59;
	vm3 =	vmand vm3, vm15;
	vm15 =	veq.f32 v58, v8;
	(xrf0) =	vadd.scan.msk.s32 $0xffff, v20  }
0x210: {  	v4 =	vadd.s32 v62, v15;
	v22 =	vsel vm15, $0x1, v34;
	vm15 =	vgt.f32 v36, v59;
	(xrf0) =	vadd.scan.msk.s32 $0xffff, v21  }
0x211: {  	v62, _, _ =	vpop (xrf2);
	v58 =	vperm.xlane v52, v2;
	vm0 =	vmor vm15, vm3;
	vm15 =	veq.f32 v56, v6;
	(xrf0) =	vadd.scan.msk.s32 $0xffff, v22  }
0x212: {  	vm2 =	vmor vm14, vm2;
	v10 =	vperm.xlane v62, v2;
	v57 =	vsel vm15, $0x1, v34;
	(xrf0) =	vadd.scan.msk.s32 $0xffff, v41  }
0x213: {  	v51 =	vperm.xlane v4, v2;
	v56 =	vmul.f32 v23, v50;
	v3 =	vadd.s32 v58, v13;
	(xrf0) =	vadd.scan.msk.s32 $0xffff, v57  }
0x214: {  	(erf) = vrcp.f32 v10;
	v13 =	vsub.f32 v28, v25;
	v22 =	vperm.xlane v55, v2  }
0x215: {  	vm15 =	vgt.f32 v27, v59;
	v32 =	vperm.xlane v3, v2;
	v27 =	vsub.f32 v39, v12;
	v0, _, _ =	vpop (xrf0)  }
0x216: {  	vm1 =	vmor vm15, vm1;
	v23 =	vnsel vm13, $0x0, v56;
	v9 =	vadd.s32 v22, v9;
	v50, _, _ =	vpop (xrf0)  }
0x217: {  	v41 =	vsub.f32 v36, v30;
	v21 =	vadd.s32 v47, v32;
	v58 =	vperm.xlane v9, v2;
	v56, _, _ =	vpop (xrf0)  }
0x218: {  	v30 =	vnsel vm11, $0x0, v63;
	v63 =	vsub.f32 v53, v25;
	v17 =	vperm.xlane v56, v2;
	v57, _, _ =	vpop (xrf0)  }
0x219: {  	v36 =	vsub.f32 v37, v12;
	v20 =	vadd.s32 v0, v51;
	v0 =	vld [tilespmem:$0x1FCC0];
	v22 =	vadd.s32 v50, v58;
	v59, _, _ =	vpop (xrf0)  }
0x21a: {  	(xrf2) =	vadd.scan.msk.f32 $0xffff, v43;
	v5 =	vperm.xlane v57, v2;
	vm11 =	vle.s32 v21, v17;
	v19 =	vperm.xlane v59, v2  }
0x21b: {  	vm15 =	vle.s32 v3, v17;
	v3 =	vmul.f32 $1.442695020e+00, v63;
	v21 =	vperm.xlane v21, v2  }
0x21c: {  	vm3 =	vmand vm12, vm11;
	vm13 =	vle.s32 v20, v5;
	vm12 =	vmand vm7, vm15  }
0x21d: {  	vm11 =	vle.s32 v4, v5;
	vm15 =	vle.s32 v52, v17;
	v4 =	vmul.f32 $1.442695020e+00, v13  }
0x21e: {  	(xrf2) =	vadd.scan.msk.f32 $0xffff, v49;
	v15 =	vld [tilespmem:$0x1FC30];
	v57 =	vsub.f32 v0, v14;
	v20 =	vperm.xlane v20, v2;
	vm4 =	vmand vm4, vm13  }
0x21f: {  	vm14 =	vle.s32 v22, v19;
	vm11 =	vmand vm9, vm11;
	(erf) = vpow2.f32 v3  }
0x220: {  	vm9 =	vgt.f32 v28, v8;
	vm13 =	vmand vm8, vm14;
	vm14 =	vle.s32 v9, v19  }
0x221: {  	v28 =	vld [tilespmem:$0x1FC40];
	v9 =	vsub.f32 v46, v25;
	vm8 =	vle.s32 v54, v5;
	vm7 =	vmand vm10, vm14  }
0x222: {  	vm10 =	vmand vm5, vm15;
	vm8 =	vmand vm6, vm8;
	vm5 =	vmor vm9, vm3  }
0x223: {  	vm14 =	vle.s32 v55, v19;
	vm15 =	vnez.u8 v15;
	vm9 =	vgt.f32 v61, v7  }
0x224: {  	v43 =	vld [tilespmem:$0x1FC60];
	v16, _, _ =	vpop (xrf2);
	v10 =	vmul.f32 $1.442695020e+00, v9;
	vm6 =	vmand vm15, vm14;
	vm15 =	vgt.f32 v46, v8  }
0x225: {  	v3 =	vperm.xlane v16, v2;
	vm4 =	vmor vm9, vm4;
	v46 =	vld [tilespmem:$0x1FC70];
	vm9 =	vmor vm15, vm12  }
0x226: {  	vm12 =	vgt.f32 v37, v7;
	v37 =	vld [tilespmem:$0x1FC50];
	(erf) = vpow2.f32 v10;
	v25 =	vsub.f32 v28, v25  }
0x227: {  	v49 =	vld [tilespmem:$0x1FC80];
	v40 =	vsub.f32 v61, v12;
	v13 =	vmul.f32 $1.442695020e+00, v57;
	(erf) = vrcp.f32 v3  }
0x228: {  	v32, _, _ =	vpop (xrf2);
	v51 =	vld [tilespmem:$0x1FC90];
	v50 =	vsub.f32 v38, v14;
	v3 =	vmul.f32 $1.442695020e+00, v27;
	v9 =	vmul.f32 $1.442695020e+00, v25  }
0x229: {  	v52 =	vsub.f32 v35, v14;
	v54 =	vld [tilespmem:$0x1FCA0];
	(erf) = vpow2.f32 v4;
	v4 =	vperm.xlane v32, v2  }
0x22a: {  	[tilespmem:s9+$0x4130] =	vst v43;
	v56 =	vld [tilespmem:$0x1FCB0];
	v55 =	vsub.f32 v45, v14;
	(erf) = vpow2.f32 v9;
	v9 =	vmul.f32 $1.442695020e+00, v40  }
0x22b: {  	v59 =	vld [tilespmem:$0x1FCD0];
	v10 =	vmul.f32 $1.442695020e+00, v36;
	v47 =	vsub.f32 v46, v12;
	[tilespmem:s9+$0x40B0] =	vst v37;
	(erf) = vrcp.f32 v4  }
0x22c: {  	vm14 =	vgt.f32 v45, v6;
	v61 =	vmul.f32 $1.442695020e+00, v55;
	[tilespmem:s10+$0x4000] =	vst v49;
	(erf) = vpow2.f32 v3  }
0x22d: {  	vm3 =	vmor vm14, vm13;
	[tilespmem:s10+$0x4010] =	vst v51;
	v4 =	vmul.f32 $1.442695020e+00, v47;
	(erf) = vpow2.f32 v10  }
0x22e: {  	vm13 =	vgt.f32 v35, v6;
	[tilespmem:s10+$0x4020] =	vst v54;
	v3 =	vmul.f32 $1.442695020e+00, v50;
	(erf) = vpow2.f32 v9;
	v9 =	vpop (erf)  }
0x22f: {  	vm14 =	vgt.f32 v39, v7;
	[tilespmem:s10+$0x4080] =	vst v56;
	v10 =	vmul.f32 $1.442695020e+00, v52;
	(erf) = vpow2.f32 v4;
	v58 =	vpop (erf)  }
0x230: {  	vm15 =	vgt.f32 v38, v6;
	vm11 =	vmor vm12, vm11;
	[tilespmem:s10+$0x4090] =	vst v59;
	(erf) = vpow2.f32 v3;
	v62 =	vpop (erf)  }
0x231: {  	vm12 =	vgt.f32 v53, v8;
	[tilespmem:s10+$0x40A0] =	vst v33;
	v4 =	vmul.f32 v9, v58;
	(erf) = vpow2.f32 v10;
	v63 =	vpop (erf)  }
0x232: {  	vm7 =	vmor vm13, vm7;
	vm8 =	vmor vm14, vm8;
	vm12 =	vmor vm12, vm10;
	[tilespmem:s10+$0x4100] =	vst v29;
	v29 =	vpop (erf)  }
0x233: {  	[tilespmem:s10+$0x4110] =	vst v1;
	(erf) = vpow2.f32 v61;
	v4 =	vnsel vm12, $0x0, v4;
	vm12 =	veq.f32 v28, v8;
	v33 =	vpop (erf)  }
0x234: {  	vm14 =	veq.f32 v0, v6;
	v25 =	vmul.f32 $1.442695020e+00, v11;
	[tilespmem:s10+$0x4120] =	vst v44;
	v43 =	vsel vm12, $0x1, v34;
	v35 =	vpop (erf)  }
0x235: {  	vm13 =	veq.f32 v46, v7;
	[tilespmem:s10+$0x4180] =	vst v60;
	(erf) = vpow2.f32 v13;
	(xrf0) =	vadd.scan.msk.s32 $0xffff, v43;
	v36 =	vpop (erf)  }
0x236: {  	v32 =	vmul.f32 $1.442695020e+00, v41;
	[tilespmem:s10+$0x4190] =	vst v26;
	v44 =	vmov v46;
	v46 =	vsel vm13, $0x1, v34;
	v38 =	vpop (erf)  }
0x237: {  	v37 =	vmul.f32 $1.442695020e+00, v42;
	[tilespmem:s10+$0x41A0] =	vst v48;
	(erf) = vpow2.f32 v25;
	(xrf0) =	vadd.scan.msk.s32 $0xffff, v46;
	v39 =	vpop (erf)  }
0x238: {  	v57 =	vperm.xlane v22, v2;
	v48 =	vsel vm14, $0x1, v34;
	[tilespmem:s11+$0x41B0] =	vst v18;
	(erf) = vpow2.f32 v32;
	v40 =	vpop (erf)  }
0x239: {  	vm10 =	vmor vm15, vm6;
	[tilespmem:s10+$0x4030] =	vst v31;
	(erf) = vpow2.f32 v37;
	(xrf0) =	vadd.scan.msk.s32 $0xffff, v48;
	v42 =	vpop (erf)  }
0x23a: {  	v41 =	vmov v28;
	[tilespmem:s10+$0x40B0] =	vst v23;
	v12 =	vmul.f32 v9, v62;
	v11 =	vmul.f32 v9, v29;
	v45 =	vpop (erf)  }
0x23b: {  	vm15 =	vgt.f32 v41, v8;
	[tilespmem:s10+$0x4130] =	vst v30;
	v14 =	vmul.f32 v63, v36;
	v16 =	vmul.f32 v63, v38;
	v55, _, _ =	vpop (xrf0)  }
0x23c: {  	v12 =	vnsel vm9, $0x0, v12;
	[tilespmem:s11+$0x4000] =	vst v4;
	v62 =	vmul.f32 v9, v33;
	v15 =	vmul.f32 v63, v39;
	v47 =	vpop (erf)  }
0x23d: {  	[tilespmem:s11+$0x4010] =	vst v12;
	v11 =	vnsel vm5, $0x0, v11;
	v14 =	vnsel vm8, $0x0, v14;
	v16 =	vnsel vm11, $0x0, v16;
	v58, _, _ =	vpop (xrf0)  }
0x23e: {  	[tilespmem:s11+$0x4020] =	vst v11;
	v63 =	vmul.f32 v63, v40;
	v25 =	vmul.f32 v35, v42;
	v15 =	vnsel vm4, $0x0, v15;
	v49 =	vpop (erf)  }
0x23f: {  	[tilespmem:s11+$0x4080] =	vst v14;
	v23 =	vmul.f32 v35, v45;
	v56 =	vadd.s32 v55, v21;
	v26 =	vmul.f32 v35, v47;
	v60, _, _ =	vpop (xrf0)  }
0x240: {  	[tilespmem:s11+$0x4090] =	vst v16;
	v25 =	vnsel vm10, $0x0, v25;
	vm9 =	vle.s32 v56, v17;
	v59 =	vadd.s32 v58, v20;
	v50 =	vpop (erf)  }
0x241: {  	[tilespmem:s11+$0x40A0] =	vst v15;
	v23 =	vnsel vm7, $0x0, v23;
	vm10 =	vle.s32 v59, v5;
	v4 =	vmul.f32 v24, v50;
	v51 =	vpop (erf)  }
0x242: {  	[tilespmem:s11+$0x4100] =	vst v25;
	v61 =	vadd.s32 v60, v57;
	v53 =	vnsel vm3, $0x0, v26;
	v52 =	vmul.f32 v24, v51;
	v54 =	vpop (erf)  }
0x243: {  	[tilespmem:s11+$0x4110] =	vst v23;
	vm11 =	vle.s32 v61, v19;
	v4 =	vnsel vm2, $0x0, v4;
	v14 =	vmul.f32 v24, v54  }
0x244: {  	[tilespmem:s11+$0x4120] =	vst v53;
	vm2 =	vmand vm13, vm10;
	vm13 =	vgt.f32 v44, v7;
	v11 =	vnsel vm0, $0x0, v52  }
0x245: {  	[tilespmem:s11+$0x4180] =	vst v4;
	v14 =	vnsel vm1, $0x0, v14;
	vm1 =	vmand vm12, vm9;
	vm12 =	vmmov vm14  }
0x246: {  	v3 =	vmul.f32 v35, v49;
	vm14 =	vmor vm13, vm2;
	[tilespmem:s11+$0x4190] =	vst v11;
	vm3 =	vmand vm12, vm11  }
0x247: {  	vm0 =	vmor vm15, vm1;
	vm15 =	vgt.f32 v0, v6;
	[tilespmem:s11+$0x41A0] =	vst v14;
	v4 =	vnsel vm14, $0x0, v63  }
0x248: {  	s8 =	sadd.s32 $0x1, s8;
	v5 =	vnsel vm0, $0x0, v62;
	vm0 =	vmor vm15, vm3;
	[tilespmem:s11+$0x40B0] =	vst v4  }
0x249: {  	p0 =	sne.s32 s8, s5;
	[tilespmem:s11+$0x4030] =	vst v5;
	v3 =	vnsel vm0, $0x0, v3  }
.Ltmp1:
0x24a: {  	[tilespmem:s11+$0x4130] =	vst v3;
	(pc) =	sbr.rel @p0 .LBB2_1-.Ltmp1, $4  }
0x24b: {  	[hbm4b:s4+s2] =	stream.linear.scatter [tilespmem:s7], [sflag:$0x1], $0x4000, $0x38;
	[tilespmem:$0x8000] =	vst v63  }
0x24c: {  	_ =	swait.ge [sflag:s6], $0x4000  }
0x24d: {  	[sflag:s6] =	ssyncset.done $0x0  }
0x24e: {  	[sflag:s6] =	ssyncadd.s32 $0xFFFFC000  }
0x24f: {  	_ =	sfence.sel $0x180000  }
0x250: {  	[bflag:$0x0] =	sbarrier.arrive $0xFFFF  }
0x251: {  	p0 =	sne.s32 s1, $0x0;
	_ =	strace $0x9000004A  }
0x252: {  	s0 =	sadd.s32 @!p0 $0x100000, s0;
	[bflag:$0x2] =	sbarrier.arrive $0xFFFF  }
0x253: {  	[sflag:s0] =	ssyncadd.tile.s32 @!p0 $0x1;
	_ =	shalt  }
.Lfunc_end2:
_tile_overlayer_lowered:
.L_overlay_start_2:
0x254: {  	(tag) =	ssettag $0x2  }
0x255: {  	s0 =	rddreg [dreg:$0x0];
	s2 =	stileid.u32  }
0x256: {  	s1 =	rddreg [dreg:$0x1];
	p0 =	sne.s32 s2, $0x0  }
0x257: {  	s3 =	rddreg [dreg:$0x2];
	[bflag:$0x3] =	sbarrier.arrive $0xFFFF;
	s2 =	simm.s32 @!p0 $0x1C01  }
0x258: {  	[timem:s3], [sflag:s2] =	dma.local @!p0 [hbm:s0], s1  }
0x259: {  	s0 =	simm.s32 @!p0 $0x1  }
0x25a: {  	_ =	swait.ge @!p0 [sflag:s0], s1  }
0x25b: {  	s1 =	ssub.s32 @!p0 $0x0, s1;
	[sflag:s0] =	ssyncset.done @!p0 $0x0  }
0x25c: {  	[sflag:s0] =	ssyncadd.s32 @!p0 s1  }
0x25d: {  	[bflag:$0x3] =	sbarrier.arrive $0xFFFF  }
0x25e: {  	_ =	shalt  }

// kernel: kernel.8.cloned.1.call-start
scs
__scs_entry_jumppad:
0x0: {  	(pc) =	sbr.rel $0x88, $3  }
0x1: {  	(tag) =	ssettag $0x0;
	lr =	simm.s32 $0x1  }
0x2: {  	[smem:$0x3F9C] =	sst lr;
	_ =	strace $0xD0000000  }
0x3: {  	_ = 	snop  }
0x4: {  	_ = 	snop  }
0x5: {  	_ = 	snop  }
0x6: {  	_ = 	snop  }
0x7: {  	_ = 	snop  }
__scs_overlays_trampoline_lowered:
0x8: {  	[smem:$0x3FAB] =	sst s0  }
0x9: {  	[smem:$0x3FAC] =	sst s1  }
0xa: {  	[smem:$0x3FAD] =	sst s2  }
0xb: {  	[smem:$0x3FAE] =	sst s3  }
0xc: {  	[smem:$0x3FAF] =	sst s4  }
0xd: {  	[smem:$0x3FB0] =	sst s5  }
0xe: {  	[smem:$0x3FB1] =	sst s6  }
0xf: {  	[smem:$0x3FB2] =	sst s7  }
0x10: {  	[smem:$0x3FB3] =	sst s8  }
0x11: {  	[smem:$0x3FB4] =	sst s9;
	s0 =	simm.s32 @!p0 $0x0  }
0x12: {  	s1 =	sld [smem:$0x3F9A];
	s0 =	simm.s32 @p0 $0x1  }
0x13: {  	[smem:$0x3FB5] =	sst s0;
	s0 =	simm.s32 @!p1 $0x0  }
0x14: {  	s2 =	sld [smem:$0x3F99];
	s0 =	simm.s32 @p1 $0x1  }
0x15: {  	[smem:$0x3FB6] =	sst s0;
	s0 =	simm.s32 @!p2 $0x0  }
0x16: {  	s3 =	sld [smem:$0x3FDB];
	s0 =	simm.s32 @p2 $0x1  }
0x17: {  	s4 =	simm.s32 $0x1BF5;
	[smem:$0x3FB8] =	sst s0  }
0x18: {  	s0 =	sld [smem:$0x3F9B];
	_ =	swait.ge [sflag:s4], $0x0  }
0x19: {  	s7 =	sld [smem:$0x3F9C]  }
0x1a: {  	s8 =	sadd.s32 $0xFFFFE003, lr  }
0x1b: {  	s9 =	sadd.s32 $0xFFFFFEF7, lr;
	s5 =	simm.s32 $0xFFFFFFFF;
	p2 =	slt.u32 s8, $0xFFFFF086  }
0x1c: {  	p1 =	slt.u32 s9, $0xF7A;
	s5 =	simm.s32 @!p2 $0x0  }
0x1d: {  	s5 =	simm.s32 @p1 $0x1;
	p0 =	seq.s32 s7, s2  }
0x1e: {  	s7 =	smul.u32 @!p0 $0xF7A, s2;
	p2 =	seq.s32 @!p0 s5, $0x0  }
0x1f: {  	s9 =	smul.u32 $0xF7A, s1;
	s8 =	simm.s32 @!p0 $0x1BF5;
	p2 =	por !p2, p0  }
0x20: {  	[sflag:s8] =	ssyncset.s32 @!p0 $0xFFFFF086;
	s6 =	sadd.s32 @!p0 s3, s7;
	s7 =	simm.s32 @!p0 $0x108  }
0x21: {  	s3 =	sadd.s32 s3, s9;
	s6 =	sadd.s32 @!p0 $0x88, s6;
	s7 =	simm.s32 @p2 $0x1082  }
0x22: {  	[simem:s7], [sflag:s8] =	dma.local @!p0 [hbm:s6], $0xF7A  }
0x23: {  	s9 =	sor.u32 $0xD0000000, s2;
	s6 =	simm.s32 $0x108;
	_ =	swait.ge @!p0 [sflag:s8], $0x0  }
0x24: {  	s3 =	sadd.s32 $0x88, s3;
	s6 =	simm.s32 @!p1 $0x1082;
	[sflag:s4] =	ssyncset.s32 $0xFFFFF086  }
0x25: {  	[simem:s6], [sflag:s4] =	dma.local [hbm:s3], $0xF7A  }
0x26: {  	[smem:$0x3F9C] =	sst s1;
	(tag) =	ssettag s2;
	_ =	strace s9  }
0x27: {  	s1 =	sld [smem:$0x3FAC]  }
0x28: {  	s2 =	sld [smem:$0x3FAD]  }
0x29: {  	s4 =	sld [smem:$0x3FAF]  }
0x2a: {  	p0 =	seq.s32 s5, $0x0;
	s5 =	sld [smem:$0x3FB0]  }
0x2b: {  	s6 =	sld [smem:$0x3FB1]  }
0x2c: {  	s7 =	sld [smem:$0x3FB2]  }
0x2d: {  	s3 =	simm.s32 $0x108;
	s8 =	sld [smem:$0x3FB3]  }
0x2e: {  	s3 =	simm.s32 @!p0 $0x1082;
	s9 =	sld [smem:$0x3FB4]  }
0x2f: {  	lr =	sadd.s32 s0, s3;
	s0 =	sld [smem:$0x3FAB]  }
0x30: {  	s3 =	sld [smem:$0x3FAE]  }
0x31: {  	[smem:$0x3FB7] =	sst s10  }
0x32: {  	s10 =	sld [smem:$0x3FB5];
	_ =	sdelay $0x3  }
0x33: {  	p0 =	seq.s32 s10, $0x1;
	s10 =	sld [smem:$0x3FB7];
	_ =	sdelay $0x3  }
0x34: {  	[smem:$0x3FB7] =	sst s10  }
0x35: {  	s10 =	sld [smem:$0x3FB6];
	_ =	sdelay $0x3  }
0x36: {  	p1 =	seq.s32 s10, $0x1;
	s10 =	sld [smem:$0x3FB7];
	_ =	sdelay $0x3  }
0x37: {  	[smem:$0x3FB7] =	sst s10  }
0x38: {  	s10 =	sld [smem:$0x3FB8]  }
0x39: {  	_ = 	snop;
	(pc) =	sbr.ind lr, $3  }
0x3a: {  	_ = 	snop  }
0x3b: {  	_ = 	snop  }
0x3c: {  	p2 =	seq.s32 s10, $0x1;
	s10 =	sld [smem:$0x3FB7]  }
0x3d: {  	_ =	shalt  }
0x3e: {  	_ =	shalt  }
0x3f: {  	_ =	shalt  }
0x40: {  	_ =	shalt  }
0x41: {  	_ =	shalt  }
0x42: {  	_ =	shalt  }
0x43: {  	_ =	shalt  }
0x44: {  	_ =	shalt  }
0x45: {  	_ =	shalt  }
0x46: {  	_ =	shalt  }
0x47: {  	_ =	shalt  }
0x48: {  	_ =	shalt  }
0x49: {  	_ =	shalt  }
0x4a: {  	_ =	shalt  }
0x4b: {  	_ =	shalt  }
0x4c: {  	_ =	shalt  }
0x4d: {  	_ =	shalt  }
0x4e: {  	_ =	shalt  }
0x4f: {  	_ =	shalt  }
0x50: {  	_ =	shalt  }
0x51: {  	_ =	shalt  }
0x52: {  	_ =	shalt  }
0x53: {  	_ =	shalt  }
0x54: {  	_ =	shalt  }
0x55: {  	_ =	shalt  }
0x56: {  	_ =	shalt  }
0x57: {  	_ =	shalt  }
0x58: {  	_ =	shalt  }
0x59: {  	_ =	shalt  }
0x5a: {  	_ =	shalt  }
0x5b: {  	_ =	shalt  }
0x5c: {  	_ =	shalt  }
0x5d: {  	_ =	shalt  }
0x5e: {  	_ =	shalt  }
0x5f: {  	_ =	shalt  }
0x60: {  	_ =	shalt  }
0x61: {  	_ =	shalt  }
0x62: {  	_ =	shalt  }
0x63: {  	_ =	shalt  }
0x64: {  	_ =	shalt  }
0x65: {  	_ =	shalt  }
0x66: {  	_ =	shalt  }
0x67: {  	_ =	shalt  }
0x68: {  	_ =	shalt  }
0x69: {  	_ =	shalt  }
0x6a: {  	_ =	shalt  }
0x6b: {  	_ =	shalt  }
0x6c: {  	_ =	shalt  }
0x6d: {  	_ =	shalt  }
0x6e: {  	_ =	shalt  }
0x6f: {  	_ =	shalt  }
0x70: {  	_ =	shalt  }
0x71: {  	_ =	shalt  }
0x72: {  	_ =	shalt  }
0x73: {  	_ =	shalt  }
0x74: {  	_ =	shalt  }
0x75: {  	_ =	shalt  }
0x76: {  	_ =	shalt  }
0x77: {  	_ =	shalt  }
0x78: {  	_ =	shalt  }
0x79: {  	_ =	shalt  }
0x7a: {  	_ =	shalt  }
0x7b: {  	_ =	shalt  }
0x7c: {  	_ =	shalt  }
0x7d: {  	_ =	shalt  }
0x7e: {  	_ =	shalt  }
0x7f: {  	_ =	shalt  }
0x80: {  	_ =	shalt  }
0x81: {  	_ =	shalt  }
0x82: {  	_ =	shalt  }
0x83: {  	_ =	shalt  }
0x84: {  	_ =	shalt  }
0x85: {  	_ =	shalt  }
0x86: {  	_ =	shalt  }
0x87: {  	_ =	shalt  }
.Lfunc_end0:
.L_simem_size_0:
called_computation_lowered:
.L_overlay_start_0:
0x88: {  	s2 =	sld [smem:$0x3FD9]  }
0x89: {  	s3 =	sld [smem:$0x3FFE];
	_ =	sdelay $0x1  }
0x8a: {  	s1 =	srdreg.scid  }
0x8b: {  	s0 =	sand.u32 $0x1, s1  }
0x8c: {  	s17 =	sshll.u32 s0, $0xA;
	s2 =	sadd.s32 s3, s2  }
0x8d: {  	s2 =	sadd.s32 s2, s17  }
0x8e: {  	[smem:$0x3FC3] =	sst s2  }
0x8f: {  	_ = 	snop  }
0x90: {  	s2 =	sld [smem:$0x3FD0];
	(tm) =	ssettm $0x1  }
0x91: {  	s18 =	sld [smem:$0x3FFB];
	_ =	sdelay $0x3  }
0x92: {  	_ =	strace s18  }
0x93: {  	s3 =	sld [smem:$0x3FFC];
	_ =	sdelay $0x3  }
0x94: {  	_ =	strace s3  }
0x95: {  	s3 =	sld [smem:$0x3FFD];
	_ =	sdelay $0x3  }
0x96: {  	_ =	strace s3  }
0x97: {  	_ =	strace $0x8FFFFFFF  }
0x98: {  	s19 =	sld [smem:$0x3FDB];
	_ =	sdelay $0x1  }
0x99: {  	s4 =	simm.s32 $_scs_section_size  }
0x9a: {  	s5 =	simm.s32 $_size__tile_overlayer_lowered;
	s6 =	simm.s32 $_tile_overlayer_lowered  }
0x9b: {  	s22 =	simm.s32 $0x1BFF;
	s21 =	sshll.u32 s6, $0x1;
	s3 =	sadd.s32 s4, s19  }
0x9c: {  	s7 =	simm.s32 $0x0;
	s20 =	sshll.u32 s5, $0x1;
	s5 =	sadd.s32 s21, s3  }
0x9d: {  	[timem:s7], [sflag:s22] =	dma.local [hbm:s5], s20  }
0x9e: {  	_ =	swait.ge [sflag:s22], s20  }
0x9f: {  	s4 =	ssub.s32 $0x0, s20;
	[sflag:s22] =	ssyncset.done $0x0  }
0xa0: {  	[sflag:s22] =	ssyncadd.s32 s4;
	_ =	sdelay $0x1  }
0xa1: {  	s23 =	simm.s32 $0x1B8B  }
0xa2: {  	_ =	swait.ge [sflag:s23], $0x1  }
0xa3: {  	[sflag:s23] =	ssyncset.done $0x0  }
0xa4: {  	s25 =	simm.s32 $0x1B8E;
	s24 =	sld [smem:$0x3FFE];
	[sflag:s23] =	ssyncadd.s32 $0xFFFFFFFF  }
0xa5: {  	s26 =	simm.s32 $execute0_lowered;
	[smem:$0x3FD2] =	sst s25  }
0xa6: {  	s5 =	sshll.u32 s26, $0x1;
	_ =	strace $0x80000046;
	[dreg:$0x1] =	wrdreg $0xFFFFFFFF  }
0xa7: {  	s28 =	simm.s32 $_size_execute0_lowered;
	s3 =	sadd.s32 s3, s5;
	[dreg:$0x0] =	wrdreg $0x0  }
0xa8: {  	s5 =	sshll.u32 s28, $0x1;
	[dreg:$0x2] =	wrdreg s3  }
0xa9: {  	[dreg:$0x3] =	wrdreg s5  }
0xaa: {  	[dreg:$0x4] =	wrdreg $0xC0  }
0xab: {  	_ =	task [dreg:s7], $0x5FFFF  }
0xac: {  	[dreg:$0x1] =	wrdreg $0xFFFFFFFF  }
0xad: {  	[dreg:$0x0] =	wrdreg $0x60  }
0xae: {  	[dreg:$0x2] =	wrdreg s2  }
0xaf: {  	[dreg:$0x3] =	wrdreg s24  }
0xb0: {  	[dreg:$0x4] =	wrdreg $0x9  }
0xb1: {  	_ =	task.clear_ibuf [dreg:s7], $0x5FFFF;
	_ =	strace $0x90000046  }
0xb2: {  	s29 =	simm.s32 $0x9;
	_ =	strace $0x80000048  }
0xb3: {  	_ =	swait.ge [sflag:s29], $0x1  }
0xb4: {  	[sflag:s29] =	ssyncadd.s32 $0xFFFFFFFF  }
0xb5: {  	_ =	strace $0x90000048  }
0xb6: {  	_ =	sfence  }
0xb7: {  	s30 =	sld [smem:$0x0];
	_ =	sdelay $0x2  }
0xb8: {  	s31 =	sshll.u32 s1, $0xD;
	s1 =	sshrl.u32 s1, $0x2  }
0xb9: {  	s3 =	sand.u32 $0x4000, s31;
	s1 =	sadd.s32 s1, s30  }
0xba: {  	s0 =	sor.u32 s3, s0;
	s1 =	sshll.u32 s1, $0x11  }
0xbb: {  	s0 =	sor.u32 s1, s0  }
0xbc: {  	s0 =	sadd.s32 $0x8F2B, s0  }
0xbd: {  	[sflag:s0] =	ssyncadd.remote.s32 $0x1  }
0xbe: {  	_ =	sfence.sel $0xFFFF  }
0xbf: {  	[dreg:$0x0] =	wrdreg $0xFFFFFFFF;
	(pc) =	sbr.abs _section_cstart, $3  }
0xc0: {  	[dreg:$0x1] =	wrdreg $0xFFFFFFFF  }
0xc1: {  	_ =	task.clear_ibuf [dreg:s7], $0x2FFFF;
	_ =	strace $0x9FFFFFFF  }
0xc2: {  	(tm) =	ssettm $0x7FFFFFFF  }
0xc3: {  	_ =	shalt  }
tec
execute0_lowered:
.L_overlay_start_1:
0x0: {  	(tag) =	ssettag $0x1  }
0x1: {  	s3 =	rddreg [dreg:$0x0]  }
0x2: {  	s4 =	rddreg [dreg:$0x1]  }
0x3: {  	s0 =	rddreg [dreg:$0x2];
	s5 =	srdreg.scid  }
0x4: {  	s2 =	simm.s32 $0x0;
	s1 =	stileid.u32;
	s8 =	simm.s32 $0x0  }
0x5: {  	v0 =	vlaneseq.u32;
	s5 =	sand.u32 $0x1, s5;
	s6 =	sshll.u32 s1, $0xC;
	[smem:$0x7FF] =	sst s2  }
0x6: {  	v0 =	vmul.u32 $0xFFFFFFFF, v0;
	s7 =	sshll.u32 s5, $0xB;
	s5 =	ssub.s32 $0x2, s5;
	_ =	strace $0x80000047  }
0x7: {  	s6 =	sor.u32 s7, s6;
	s31 =	sshrl.u32 s5, $0x1;
	s7 =	simm.s32 $0x4000  }
0x8: {  	v0 =	vadd.s32 $0xF, v0;
	s4 =	sadd.s32 s6, s4;
	s5 =	ssub.s32 s5, s31;
	s3 =	sadd.s32 s3, s6  }
0x9: {  	s6 =	simm.s32 $0x1;
	[tilespmem:$0x1FFF0] =	vst v0;
	s4 =	sadd.s32 $0x1C00, s4;
	s5 =	smax.u32 s5, $0x1  }
.LBB2_1:
0xa: {  	[tilespmem:s2], [sflag:$0x1] =	stream.linear.gather [hbm4b:s3+s2], $0x4000, $0x38;
	[tilespmem:$0x8000] =	vst v63  }
0xb: {  	_ =	swait.ge [sflag:s6], $0x4000  }
0xc: {  	[sflag:s6] =	ssyncset.done $0x0  }
0xd: {  	s9 =	simm.s32 $0x0;
	[sflag:s6] =	ssyncadd.s32 $0xFFFFC000  }
0xe: {  	v33 =	vld [tilespmem:s9+$0x190]  }
0xf: {  	v32 =	vld [tilespmem:s9+$0x180]  }
0x10: {  	v34 =	vld [tilespmem:$0x1FFF0]  }
0x11: {  	v28 =	vld [tilespmem:s9+$0x10]  }
0x12: {  	v27 =	vld [tilespmem:s9+$0x90]  }
0x13: {  	v24 =	vld [tilespmem:s9+$0x110];
	(xrf1) =	vsort.dscd.msk.f32 $0xffff, v33, v33  }
0x14: {  	v25 =	vld [tilespmem:s9+$0x0];
	(xrf1) =	vsort.dscd.msk.f32 $0xffff, v32, v32  }
0x15: {  	v23 =	vld [tilespmem:s9+$0x80]  }
0x16: {  	v22 =	vld [tilespmem:s9+$0x100];
	(xrf1) =	vsort.dscd.msk.f32 $0xffff, v28, v28  }
0x17: {  	v18 =	vld [tilespmem:s9+$0x20];
	(xrf1) =	vsort.dscd.msk.f32 $0xffff, v27, v27  }
0x18: {  	v29 =	vld [tilespmem:s9+$0xA0];
	(xrf1) =	vsort.dscd.msk.f32 $0xffff, v24, v24  }
0x19: {  	v30 =	vld [tilespmem:s9+$0x120];
	(xrf1) =	vsort.dscd.msk.f32 $0xffff, v25, v25  }
0x1a: {  	v21 =	vld [tilespmem:s9+$0x30];
	(xrf1) =	vsort.dscd.msk.f32 $0xffff, v23, v23  }
0x1b: {  	v19 =	vld [tilespmem:s9+$0xB0];
	(xrf1) =	vsort.dscd.msk.f32 $0xffff, v22, v22  }
0x1c: {  	v0 =	vld [tilespmem:s9+$0x130];
	(xrf1) =	vsort.dscd.msk.f32 $0xffff, v18, v18  }
0x1d: {  	v35 =	vld [tilespmem:s9+$0x1A0];
	(xrf1) =	vsort.dscd.msk.f32 $0xffff, v29, v29  }
0x1e: {  	(xrf1) =	vsort.dscd.msk.f32 $0xffff, v30, v30  }
0x1f: {  	(xrf1) =	vsort.dscd.msk.f32 $0xffff, v21, v21  }
0x20: {  	(xrf1) =	vsort.dscd.msk.f32 $0xffff, v19, v19  }
0x21: {  	v3, _, _ =	vpop (xrf1);
	(xrf1) =	vsort.dscd.msk.f32 $0xffff, v0, v0  }
0x22: {  	v3 =	vperm.xlane v3, v34;
	v4, _, _ =	vpop (xrf1);
	(xrf1) =	vsort.dscd.msk.f32 $0xffff, v35, v35;
	_ =	sdelay $0x1  }
0x23: {  	v3 =	vmax.f32 v4, v3;
	v4, _, _ =	vpop (xrf1)  }
0x24: {  	v5, _, _ =	vpop (xrf1)  }
0x25: {  	(xrf1) =	vsort.dscd.msk.f32 $0xffff, v3, v3;
	v3 =	vperm.xlane v4, v34;
	v4, _, _ =	vpop (xrf1)  }
0x26: {  	v6, _, _ =	vpop (xrf1)  }
0x27: {  	v3 =	vmax.f32 v6, v3;
	v6, _, _ =	vpop (xrf1)  }
0x28: {  	(xrf1) =	vsort.dscd.msk.f32 $0xffff, v3, v3;
	v7, _, _ =	vpop (xrf1)  }
0x29: {  	v5 =	vperm.xlane v5, v34;
	v8, _, _ =	vpop (xrf1)  }
0x2a: {  	v9, _, _ =	vpop (xrf1)  }
0x2b: {  	v5 =	vmax.f32 v6, v5;
	v10, _, _ =	vpop (xrf1)  }
0x2c: {  	v4 =	vperm.xlane v4, v34;
	(xrf1) =	vsort.dscd.msk.f32 $0xffff, v5, v5;
	v11, _, _ =	vpop (xrf1)  }
0x2d: {  	v6, _, _ =	vpop (xrf1)  }
0x2e: {  	v3 =	vld [tilespmem:s9+$0x1B0];
	v4 =	vmax.f32 v7, v4;
	v5, _, _ =	vpop (xrf1)  }
0x2f: {  	v7, _, _ =	vpop (xrf1);
	(xrf1) =	vsort.dscd.msk.f32 $0xffff, v4, v4;
	_ =	sdelay $0x2  }
0x30: {  	v4 =	vperm.xlane v7, v34  }
0x31: {  	(xrf1) =	vsort.dscd.msk.f32 $0xffff, v3, v3;
	v7, _, _ =	vpop (xrf1)  }
0x32: {  	v4 =	vmax.f32 v7, v4  }
0x33: {  	(xrf1) =	vsort.dscd.msk.f32 $0xffff, v4, v4;
	v4 =	vperm.xlane v8, v34  }
0x34: {  	v7, _, _ =	vpop (xrf1)  }
0x35: {  	v4 =	vmax.f32 v7, v4  }
0x36: {  	(xrf1) =	vsort.dscd.msk.f32 $0xffff, v4, v4  }
0x37: {  	v4 =	vperm.xlane v9, v34  }
0x38: {  	v7, _, _ =	vpop (xrf1)  }
0x39: {  	v4 =	vmax.f32 v7, v4  }
0x3a: {  	v46 =	vperm.xlane v10, v34;
	(xrf1) =	vsort.dscd.msk.f32 $0xffff, v4, v4  }
0x3b: {  	v7, _, _ =	vpop (xrf1)  }
0x3c: {  	v4 =	vmax.f32 v7, v46  }
0x3d: {  	(xrf1) =	vsort.dscd.msk.f32 $0xffff, v4, v4;
	_ =	sdelay $0x1  }
0x3e: {  	v7, _, _ =	vpop (xrf1)  }
0x3f: {  	v4 =	vperm.xlane v7, v34  }
0x40: {  	v7, _, _ =	vpop (xrf1)  }
0x41: {  	v4 =	vmax.f32 v7, v4  }
0x42: {  	(xrf1) =	vsort.dscd.msk.f32 $0xffff, v4, v4;
	v4 =	vperm.xlane v11, v34  }
0x43: {  	v7, _, _ =	vpop (xrf1)  }
0x44: {  	v4 =	vmax.f32 v7, v4  }
0x45: {  	(xrf1) =	vsort.dscd.msk.f32 $0xffff, v4, v4  }
0x46: {  	v4 =	vperm.xlane v6, v34  }
0x47: {  	v6, _, _ =	vpop (xrf1)  }
0x48: {  	v4 =	vmax.f32 v6, v4  }
0x49: {  	v5 =	vperm.xlane v5, v34;
	(xrf1) =	vsort.dscd.msk.f32 $0xffff, v4, v4  }
0x4a: {  	v6, _, _ =	vpop (xrf1)  }
0x4b: {  	v4 =	vmax.f32 v6, v5  }
0x4c: {  	(xrf1) =	vsort.dscd.msk.f32 $0xffff, v4, v4;
	_ =	sdelay $0x3  }
0x4d: {  	v1 =	vimm.s32 $0x0;
	v5, _, _ =	vpop (xrf1)  }
0x4e: {  	v47 =	vperm.xlane v5, v1;
	_ =	sdelay $0x1  }
0x4f: {  	v4 =	vsub.f32 v5, v47;
	v10, _, _ =	vpop (xrf1)  }
0x50: {  	v48 =	vperm.xlane v10, v1  }
0x51: {  	s10 =	simm.s32 $0x200;
	v4 =	vmul.f32 $1.442695020e+00, v4  }
0x52: {  	v16 =	vld [tilespmem:s10+$0x190];
	v6 =	vsub.f32 v10, v48  }
0x53: {  	v2 =	vimm.s32 $0xF;
	v51 =	vld [tilespmem:s10+$0x180];
	(erf) = vpow2.f32 v4;
	v12, _, _ =	vpop (xrf1)  }
0x54: {  	v31 =	vperm.xlane v12, v2;
	v4 =	vmul.f32 $1.442695020e+00, v6  }
0x55: {  	v59 =	vld [tilespmem:s10+$0x10];
	[tilespmem:$0x1FE80] =	vst v0;
	v0 =	vperm.xlane v10, v2  }
0x56: {  	v58 =	vld [tilespmem:s10+$0x90];
	vm0 =	veq.f32 v23, v31;
	(erf) = vpow2.f32 v4;
	v13, _, _ =	vpop (xrf1);
	v4 =	vimm.s32 $0x0  }
0x57: {  	v57 =	vld [tilespmem:s10+$0x110];
	(xrf1) =	vsort.dscd.msk.f32 $0xffff, v16, v16;
	vm2 =	veq.f32 v25, v0;
	v26 =	vperm.xlane v13, v2;
	v4 =	vsel vm0, $0xFFFFFFFF, v4  }
0x58: {  	(xrf1) =	vsort.dscd.msk.f32 $0xffff, v51, v51;
	[tilespmem:$0x1FE90] =	vst v4;
	v4 =	vsel vm2, $0x1, v1  }
0x59: {  	v6 =	vsel vm0, $0x1, v1;
	(xrf0) =	vadd.scan.msk.s32 $0xffff, v4;
	vm0 =	veq.f32 v22, v26;
	v4 =	vimm.s32 $0x0  }
0x5a: {  	(xrf1) =	vsort.dscd.msk.f32 $0xffff, v59, v59;
	v4 =	vsel vm0, $0xFFFFFFFF, v4  }
0x5b: {  	(xrf1) =	vsort.dscd.msk.f32 $0xffff, v58, v58  }
0x5c: {  	(xrf1) =	vsort.dscd.msk.f32 $0xffff, v57, v57  }
0x5d: {  	(xrf0) =	vadd.scan.msk.s32 $0xffff, v6;
	[tilespmem:$0x1FEA0] =	vst v4;
	v4 =	vpop (erf)  }
0x5e: {  	vm4 =	veq.f32 v28, v0;
	v6 =	vsel vm0, $0x1, v1;
	(xrf2) =	vadd.scan.msk.f32 $0xffff, v4;
	v4 =	vperm.xlane v5, v2  }
0x5f: {  	v7 =	vsel vm4, $0x1, v1;
	vm3 =	veq.f32 v27, v31;
	(xrf0) =	vadd.scan.msk.s32 $0xffff, v6  }
0x60: {  	v8 =	vperm.xlane v12, v1;
	v6 =	vsel vm3, $0x1, v1;
	(xrf0) =	vadd.scan.msk.s32 $0xffff, v7;
	vm8 =	veq.f32 v32, v4  }
0x61: {  	vm5 =	veq.f32 v24, v26;
	(xrf0) =	vadd.scan.msk.s32 $0xffff, v6;
	v15 =	vsel vm8, $0x1, v1  }
0x62: {  	v49 =	vsel vm5, $0x1, v1;
	v7 =	vsub.f32 v12, v8;
	v14 =	vpop (erf);
	vm9 =	veq.f32 v33, v4;
	(xrf0) =	vadd.scan.msk.s32 $0xffff, v15  }
0x63: {  	v39 =	vperm.xlane v13, v1;
	v37, _, _ =	vpop (xrf0);
	v50 =	vsel vm9, $0x1, v1;
	(xrf0) =	vadd.scan.msk.s32 $0xffff, v49  }
0x64: {  	v62 =	vld [tilespmem:s10+$0x0];
	v7 =	vmul.f32 $1.442695020e+00, v7;
	v36, _, _ =	vpop (xrf0);
	(xrf0) =	vadd.scan.msk.s32 $0xffff, v50  }
0x65: {  	v17 =	vsub.f32 v3, v47;
	vm6 =	veq.f32 v18, v0;
	v6 =	vsub.f32 v13, v39;
	v38, _, _ =	vpop (xrf0)  }
0x66: {  	(xrf2) =	vadd.scan.msk.f32 $0xffff, v14;
	(erf) = vpow2.f32 v7;
	v7 =	vsel vm6, $0x1, v1;
	vm11 =	veq.f32 v35, v4;
	v14, _, _ =	vpop (xrf0)  }
0x67: {  	v52 =	vsel vm11, $0x1, v1;
	v40, _, _ =	vpop (xrf0);
	(xrf0) =	vadd.scan.msk.s32 $0xffff, v7  }
0x68: {  	v60 =	vld [tilespmem:s10+$0x80];
	v53 =	vmul.f32 $1.442695020e+00, v17;
	v6 =	vmul.f32 $1.442695020e+00, v6;
	vm0 =	veq.f32 v5, v4;
	(xrf0) =	vadd.scan.msk.s32 $0xffff, v52;
	v41, _, _ =	vpop (xrf0)  }
0x69: {  	v61 =	vld [tilespmem:s10+$0x100];
	(xrf1) =	vsort.dscd.msk.f32 $0xffff, v62, v62;
	vm12 =	veq.f32 v3, v4;
	v5 =	vsel vm0, $0x1, v1;
	v42, _, _ =	vpop (xrf0);
	v17 =	vperm.xlane v41, v2  }
0x6a: {  	[tilespmem:$0x1FEF0] =	vst v16;
	v16 =	vld [tilespmem:s10+$0x20];
	(erf) = vpow2.f32 v6;
	v6 =	vsel vm12, $0x1, v1;
	(xrf0) =	vadd.scan.msk.s32 $0xffff, v5;
	v54, _, _ =	vpop (xrf0)  }
0x6b: {  	v44 =	vsub.f32 v25, v48;
	(xrf0) =	vadd.scan.msk.s32 $0xffff, v6;
	v9 =	vadd.s32 v17, v54  }
0x6c: {  	v20 =	vld [tilespmem:s10+$0xA0];
	v45 =	vsub.f32 v28, v48;
	v46 =	vsub.f32 v18, v48;
	v17 =	vperm.xlane v9, v2  }
0x6d: {  	(xrf1) =	vsort.dscd.msk.f32 $0xffff, v60, v60;
	v11 =	vsub.f32 v21, v48;
	v44 =	vmul.f32 $1.442695020e+00, v44;
	v48, _, _ =	vpop (xrf0)  }
0x6e: {  	[tilespmem:$0x1FF20] =	vst v51;
	(xrf1) =	vsort.dscd.msk.f32 $0xffff, v61, v61;
	v45 =	vmul.f32 $1.442695020e+00, v45;
	v46 =	vmul.f32 $1.442695020e+00, v46;
	v51, _, _ =	vpop (xrf0)  }
0x6f: {  	v63 =	vld [tilespmem:s10+$0x120];
	(xrf1) =	vsort.dscd.msk.f32 $0xffff, v16, v16;
	v11 =	vmul.f32 $1.442695020e+00, v11;
	vm7 =	veq.f32 v29, v31;
	v51 =	vadd.s32 v51, v17  }
0x70: {  	v56 =	vld [tilespmem:s10+$0x30];
	vm13 =	veq.f32 v12, v31;
	vm10 =	veq.f32 v30, v26;
	v12 =	vperm.xlane v51, v2;
	v17, _, _ =	vpop (xrf0)  }
0x71: {  	(xrf1) =	vsort.dscd.msk.f32 $0xffff, v20, v20;
	vm14 =	veq.f32 v13, v26;
	vm0 =	veq.f32 v10, v0;
	(erf) = vpow2.f32 v53;
	v54 =	vld [tilespmem:s10+$0xB0];
	v53, _, _ =	vpop (xrf0)  }
0x72: {  	v15 =	vld [tilespmem:s10+$0x130];
	v49 =	vsub.f32 v23, v8;
	v50 =	vsub.f32 v27, v8;
	v55, _, _ =	vpop (xrf2);
	v12 =	vadd.s32 v53, v12  }
0x73: {  	v7 =	vsub.f32 v33, v47;
	v43 =	vpop (erf);
	v10 =	vperm.xlane v55, v2;
	v52 =	vperm.xlane v17, v2;
	v17 =	vld [tilespmem:s10+$0x1A0]  }
0x74: {  	(xrf1) =	vsort.dscd.msk.f32 $0xffff, v63, v63;
	v49 =	vmul.f32 $1.442695020e+00, v49;
	v5 =	vsub.f32 v35, v47;
	v6 =	vsub.f32 v32, v47;
	v47 =	vpop (erf)  }
0x75: {  	(xrf1) =	vsort.dscd.msk.f32 $0xffff, v56, v56;
	(erf) = vrcp.f32 v10;
	v10 =	vsel vm0, $0x1, v1;
	vm0 =	vle.s32 v12, v52;
	v12, _, _ =	vpop (xrf1)  }
0x76: {  	v13, _, _ =	vpop (xrf2);
	(xrf1) =	vsort.dscd.msk.f32 $0xffff, v54, v54;
	v53 =	vsel vm13, $0x1, v1;
	vm13 =	vgt.f32 v3, v4;
	v3 =	vperm.xlane v12, v34  }
0x77: {  	vm15 =	vle.s32 v51, v52;
	(xrf1) =	vsort.dscd.msk.f32 $0xffff, v15, v15;
	v12 =	vsel vm14, $0x1, v1;
	v55, _, _ =	vpop (xrf1);
	vm14 =	vle.s32 v41, v52  }
0x78: {  	v50 =	vmul.f32 $1.442695020e+00, v50;
	v41 =	vperm.xlane v37, v2;
	(xrf1) =	vsort.dscd.msk.f32 $0xffff, v17, v17;
	v51, _, _ =	vpop (xrf1);
	v3 =	vmax.f32 v55, v3  }
0x79: {  	vm0 =	vmand vm12, vm0;
	vm12 =	vle.s32 v9, v52;
	v52, _, _ =	vpop (xrf1);
	(xrf1) =	vsort.dscd.msk.f32 $0xffff, v3, v3;
	v3 =	vperm.xlane v36, v2  }
0x7a: {  	(xrf2) =	vadd.scan.msk.f32 $0xffff, v43;
	v13 =	vperm.xlane v13, v2;
	v14 =	vadd.s32 v41, v14;
	v41 =	vperm.xlane v51, v34;
	v51, _, _ =	vpop (xrf1)  }
0x7b: {  	v52 =	vperm.xlane v52, v34;
	v55, _, _ =	vpop (xrf1);
	v40 =	vadd.s32 v3, v40;
	v3 =	vperm.xlane v51, v34  }
0x7c: {  	v7 =	vmul.f32 $1.442695020e+00, v7;
	(erf) = vrcp.f32 v13;
	v41 =	vmax.f32 v55, v41;
	v55, _, _ =	vpop (xrf1)  }
0x7d: {  	(xrf2) =	vadd.scan.msk.f32 $0xffff, v47;
	(erf) = vpow2.f32 v44;
	[tilespmem:$0x1FF90] =	vst v54;
	v54 =	vpop (erf);
	v43 =	vmax.f32 v55, v52  }
0x7e: {  	v5 =	vmul.f32 $1.442695020e+00, v5;
	(erf) = vpow2.f32 v45;
	v51 =	vsel vm7, $0x1, v1;
	(xrf1) =	vsort.dscd.msk.f32 $0xffff, v41, v41;
	v55, _, _ =	vpop (xrf1)  }
0x7f: {  	v9 =	vsub.f32 v29, v8;
	v8 =	vsub.f32 v19, v8;
	(xrf0) =	vadd.scan.msk.s32 $0xffff, v51;
	v41 =	vmax.f32 v55, v3;
	v3 =	vpop (erf)  }
0x80: {  	v13 =	vperm.xlane v14, v2;
	v52 =	vperm.xlane v38, v2;
	(xrf1) =	vsort.dscd.msk.f32 $0xffff, v43, v43;
	v43, _, _ =	vpop (xrf1)  }
0x81: {  	vm15 =	vmand vm11, vm15;
	vm0 =	vmor vm13, vm0;
	vm13 =	vgt.f32 v32, v4;
	(xrf1) =	vsort.dscd.msk.f32 $0xffff, v41, v41;
	v47, _, _ =	vpop (xrf1)  }
0x82: {  	v13 =	vadd.s32 v48, v13;
	v42 =	vadd.s32 v52, v42;
	v52 =	vmul.f32 v3, v54;
	v48, _, _ =	vpop (xrf1)  }
0x83: {  	[tilespmem:$0x1FF30] =	vst v17;
	vm11 =	vmand vm8, vm14;
	vm14 =	vgt.f32 v35, v4;
	v41 =	vsel vm10, $0x1, v1;
	v17, _, _ =	vpop (xrf1)  }
0x84: {  	v51 =	vsub.f32 v24, v39;
	(xrf0) =	vadd.scan.msk.s32 $0xffff, v41;
	v52 =	vnsel vm0, $0x0, v52;
	vm0 =	vgt.f32 v33, v4;
	v4, _, _ =	vpop (xrf2)  }
0x85: {  	v9 =	vmul.f32 $1.442695020e+00, v9;
	v8 =	vmul.f32 $1.442695020e+00, v8;
	(xrf0) =	vadd.scan.msk.s32 $0xffff, v10;
	v10, _, _ =	vpop (xrf0)  }
0x86: {  	vm8 =	vmand vm9, vm12;
	vm12 =	vgt.f32 v18, v0;
	v41, _, _ =	vpop (xrf1);
	v4 =	vperm.xlane v4, v2  }
0x87: {  	vm11 =	vmor vm13, vm11;
	v18 =	vperm.xlane v40, v2;
	v55 =	vsub.f32 v22, v39;
	v54, _, _ =	vpop (xrf1)  }
0x88: {  	vm9 =	vmor vm14, vm15;
	v35 =	vmul.f32 $1.442695020e+00, v51;
	[tilespmem:s9+$0x41B0] =	vst v52;
	v52 =	vld [tilespmem:$0x1FE80];
	v51, _, _ =	vpop (xrf1);
	(erf) = vrcp.f32 v4  }
0x89: {  	v55 =	vmul.f32 $1.442695020e+00, v55;
	v33 =	vsub.f32 v30, v39;
	(erf) = vpow2.f32 v46;
	v46 =	vpop (erf)  }
0x8a: {  	v43 =	vperm.xlane v43, v34;
	v10 =	vadd.s32 v10, v18;
	v18 =	vld [tilespmem:s10+$0x1B0];
	v44 =	vperm.xlane v51, v34;
	v45, _, _ =	vpop (xrf1)  }
0x8b: {  	(xrf0) =	vadd.scan.msk.s32 $0xffff, v53;
	v48 =	vperm.xlane v48, v34;
	vm0 =	vmor vm0, vm8;
	v51 =	vmul.f32 $1.442695020e+00, v33;
	v4, _, _ =	vpop (xrf2)  }
0x8c: {  	v33 =	vmax.f32 v45, v44;
	v44 =	vperm.xlane v42, v2;
	v45, _, _ =	vpop (xrf0);
	(xrf0) =	vadd.scan.msk.s32 $0xffff, v12;
	v4 =	vperm.xlane v4, v2  }
0x8d: {  	vm8 =	vgt.f32 v29, v31;
	v41 =	vperm.xlane v41, v34;
	v12 =	vsub.f32 v52, v39;
	v53, _, _ =	vpop (xrf1)  }
0x8e: {  	(erf) = vpow2.f32 v11;
	v39 =	vperm.xlane v47, v34;
	v44 =	vadd.s32 v45, v44;
	v11, _, _ =	vpop (xrf1)  }
0x8f: {  	v12 =	vmul.f32 $1.442695020e+00, v12;
	(erf) = vrcp.f32 v4;
	(xrf1) =	vsort.dscd.msk.f32 $0xffff, v18, v18;
	v43 =	vmax.f32 v53, v43;
	v53, _, _ =	vpop (xrf1)  }
0x90: {  	(erf) = vpow2.f32 v49;
	v11 =	vmax.f32 v11, v39;
	v39 =	vmul.f32 $1.442695020e+00, v6;
	v4, _, _ =	vpop (xrf0)  }
0x91: {  	(xrf1) =	vsort.dscd.msk.f32 $0xffff, v33, v33;
	v45 =	vmax.f32 v53, v48;
	v6 =	vperm.xlane v4, v2;
	v4, _, _ =	vpop (xrf0);
	v48 =	vimm.s32 $0x0  }
0x92: {  	(erf) = vpow2.f32 v50;
	v33 =	vsel vm0, $0xFFFFFFFF, v48;
	v53, _, _ =	vpop (xrf0);
	v4 =	vperm.xlane v4, v2  }
0x93: {  	[tilespmem:$0x1FF10] =	vst v33;
	vm0 =	vle.s32 v14, v6;
	v33 =	vperm.xlane v53, v2;
	vm13 =	vle.s32 v13, v6  }
0x94: {  	(xrf1) =	vsort.dscd.msk.f32 $0xffff, v43, v43;
	v50 =	vld [tilespmem:$0x1FE90];
	vm14 =	vle.s32 v10, v4;
	vm13 =	vmand vm6, vm13;
	vm6 =	veq.f32 v21, v0  }
0x95: {  	vm0 =	vmand vm4, vm0;
	v48 =	vpop (erf);
	(erf) = vpow2.f32 v9;
	vm15 =	vle.s32 v44, v33  }
0x96: {  	v29 =	vld [tilespmem:$0x1FEA0];
	vm7 =	vmand vm7, vm14;
	vm15 =	vmand vm10, vm15;
	vm10 =	vle.s32 v40, v4  }
0x97: {  	(xrf1) =	vsort.dscd.msk.f32 $0xffff, v11, v11;
	v14 =	vsel vm6, $0x1, v1;
	vm1 =	vmand vm3, vm10;
	vm3 =	vle.s32 v42, v33  }
0x98: {  	(xrf1) =	vsort.dscd.msk.f32 $0xffff, v45, v45;
	v49 =	vpop (erf);
	(erf) = vpow2.f32 v8;
	vm10 =	vmand vm5, vm3;
	vm3 =	vle.s32 v37, v6  }
0x99: {  	vm5 =	vmand vm2, vm3;
	vm2 =	vle.s32 v36, v4;
	vm3 =	vnez.u8 v50  }
0x9a: {  	vm14 =	vmand vm3, vm2;
	vm2 =	vle.s32 v38, v33;
	vm3 =	vmor vm12, vm13  }
0x9b: {  	vm12 =	vnez.u8 v29;
	vm13 =	vgt.f32 v30, v26;
	v29 =	vpop (erf);
	(erf) = vpow2.f32 v55  }
0x9c: {  	vm12 =	vmand vm12, vm2;
	vm2 =	vmor vm8, vm7;
	vm7 =	vgt.f32 v28, v0;
	v28 =	vpop (erf)  }
0x9d: {  	vm8 =	vmor vm13, vm15;
	vm7 =	vmor vm7, vm0;
	vm0 =	vgt.f32 v27, v31;
	v30, _, _ =	vpop (xrf1)  }
0x9e: {  	v27 =	vpop (erf);
	vm0 =	vmor vm0, vm1;
	vm1 =	vgt.f32 v25, v0;
	v53 =	vperm.xlane v30, v34  }
0x9f: {  	(erf) = vpow2.f32 v35;
	vm13 =	vmor vm1, vm5;
	vm1 =	vgt.f32 v24, v26;
	v24, _, _ =	vpop (xrf1)  }
0xa0: {  	v30 =	vpop (erf);
	vm5 =	vgt.f32 v21, v0;
	v0 =	vimm.s32 $0x0;
	v8 =	vmax.f32 v24, v53  }
0xa1: {  	v24 =	vpop (erf);
	vm10 =	vmor vm1, vm10;
	vm1 =	vgt.f32 v23, v31;
	v23 =	vperm.xlane v17, v34  }
0xa2: {  	(xrf0) =	vadd.scan.msk.s32 $0xffff, v14;
	v28 =	vmul.f32 v46, v28;
	(erf) = vpow2.f32 v51;
	v25, _, _ =	vpop (xrf1);
	v0 =	vsel vm5, $0xFFFFFFFF, v0  }
0xa3: {  	(xrf1) =	vsort.dscd.msk.f32 $0xffff, v8, v8;
	v55 =	vpop (erf);
	(erf) = vpow2.f32 v12;
	vm14 =	vmor vm1, vm14;
	v23 =	vmax.f32 v25, v23  }
0xa4: {  	vm1 =	vgt.f32 v22, v26;
	v22 =	vperm.xlane v54, v34;
	[tilespmem:$0x1FEB0] =	vst v0;
	v0 =	vmul.f32 v46, v27;
	v17 =	vpop (erf)  }
0xa5: {  	vm5 =	vgt.f32 v19, v31;
	(erf) = vpow2.f32 v39;
	v25, _, _ =	vpop (xrf1);
	v8 =	vmul.f32 v29, v55  }
0xa6: {  	(erf) = vpow2.f32 v7;
	v12 =	vmax.f32 v25, v41;
	(xrf1) =	vsort.dscd.msk.f32 $0xffff, v23, v23;
	[tilespmem:$0x1FEC0] =	vst v0;
	v23, _, _ =	vpop (xrf1)  }
0xa7: {  	v0 =	vimm.s32 $0x0;
	(erf) = vpow2.f32 v5;
	(xrf1) =	vsort.dscd.msk.f32 $0xffff, v12, v12;
	v22 =	vmax.f32 v23, v22  }
0xa8: {  	v7 =	vmul.f32 v46, v48;
	v47 =	vpop (erf);
	v48 =	vmul.f32 v29, v24;
	v0 =	vsel vm5, $0xFFFFFFFF, v0  }
0xa9: {  	v21 =	vmul.f32 v29, v17;
	[tilespmem:$0x1FED0] =	vst v0;
	v0 =	vmul.f32 v29, v47;
	v29 =	vnsel vm3, $0x0, v28;
	v28, _, _ =	vpop (xrf0)  }
0xaa: {  	vm4 =	veq.f32 v19, v31;
	(xrf1) =	vsort.dscd.msk.f32 $0xffff, v22, v22;
	v22 =	vpop (erf)  }
0xab: {  	v43 =	vperm.xlane v44, v2;
	v9 =	vmul.f32 v46, v49;
	v5 =	vsel vm4, $0x1, v1;
	v49 =	vpop (erf)  }
0xac: {  	v13 =	vperm.xlane v13, v2;
	v10 =	vperm.xlane v10, v2;
	vm15 =	veq.f32 v52, v26;
	v24 =	vpop (erf)  }
0xad: {  	v42 =	vsel vm15, $0x1, v1;
	v9 =	vnsel vm7, $0x0, v9;
	vm1 =	vmor vm1, vm12;
	v19 =	vpop (erf)  }
0xae: {  	v36 =	vld [tilespmem:$0x1FF30];
	v8 =	vnsel vm0, $0x0, v8;
	v7 =	vnsel vm13, $0x0, v7;
	(xrf0) =	vadd.scan.msk.s32 $0xffff, v5;
	v11 =	vnsel vm14, $0x0, v48;
	v5 =	vpop (erf)  }
0xaf: {  	v34 =	vld [tilespmem:$0x1FF20];
	vm13 =	vmmov vm15;
	[tilespmem:$0x1FEE0] =	vst v0;
	v50 =	vmul.f32 v30, v22;
	v0 =	vmul.f32 v30, v19;
	v19 =	vpop (erf)  }
0xb0: {  	v14 =	vmul.f32 v30, v49;
	v22 =	vmul.f32 v30, v24;
	v24 =	vld [tilespmem:$0x1FEF0];
	v30 =	vnsel vm2, $0x0, v21;
	v21 =	vpop (erf)  }
0xb1: {  	v13 =	vadd.s32 v28, v13;
	v5 =	vmul.f32 v3, v5;
	v19 =	vmul.f32 v3, v19;
	v27, _, _ =	vpop (xrf1)  }
0xb2: {  	v12 =	vnsel vm1, $0x0, v50;
	[tilespmem:$0x1FF00] =	vst v0;
	v0 =	vld [tilespmem:$0x1FF10];
	v3 =	vmul.f32 v3, v21;
	v28 =	vperm.xlane v27, v1  }
0xb3: {  	v40 =	vmovc v52;
	v25 =	vmovc v15;
	v14 =	vnsel vm10, $0x0, v14;
	v31 =	vnsel vm8, $0x0, v22;
	v5 =	vnsel vm11, $0x0, v5  }
0xb4: {  	(xrf0) =	vadd.scan.msk.s32 $0xffff, v42;
	v15, _, _ =	vpop (xrf1);
	v3 =	vnsel vm9, $0x0, v3;
	v52 =	vsub.f32 v27, v28;
	v47 =	vsub.f32 v34, v28  }
0xb5: {  	[tilespmem:s9+$0x4000] =	vst v7;
	v44 =	vsub.f32 v24, v28;
	v45 =	vsub.f32 v36, v28;
	v17, _, _ =	vpop (xrf1);
	v21 =	vperm.xlane v15, v2  }
0xb6: {  	v7 =	vperm.xlane v15, v1;
	v22 =	vperm.xlane v17, v2;
	[tilespmem:s9+$0x41A0] =	vst v3;
	v3 =	vimm.s32 $0x0  }
0xb7: {  	[tilespmem:s9+$0x4100] =	vst v12;
	vm0 =	vnez.u8 v0;
	vm10 =	veq.f32 v62, v21;
	vm1 =	veq.f32 v59, v21  }
0xb8: {  	[tilespmem:s9+$0x4110] =	vst v14;
	vm2 =	veq.f32 v16, v21;
	v12 =	vsub.f32 v62, v7;
	v14 =	vsub.f32 v59, v7  }
0xb9: {  	vm3 =	veq.f32 v15, v21;
	v0 =	vnsel vm0, $0x0, v19;
	vm0 =	vle.s32 v13, v6  }
0xba: {  	[tilespmem:$0x1FF60] =	vst v62;
	v6, _, _ =	vpop (xrf0);
	v13 =	vmul.f32 $1.442695020e+00, v52;
	vm11 =	veq.f32 v60, v22;
	v55 =	vsel vm10, $0x1, v1  }
0xbb: {  	[tilespmem:s9+$0x4010] =	vst v9;
	v9, _, _ =	vpop (xrf1);
	v46 =	vsel vm1, $0x1, v1;
	v3 =	vsel vm2, $0xFFFFFFFF, v3;
	vm14 =	vmand vm6, vm0  }
0xbc: {  	v6 =	vadd.s32 v6, v10;
	v23 =	vperm.xlane v9, v1;
	v19 =	vperm.xlane v9, v2;
	(xrf0) =	vadd.scan.msk.s32 $0xffff, v55  }
0xbd: {  	v51, _, _ =	vpop (xrf0);
	v55 =	vimm.s32 $0x0;
	[tilespmem:s9+$0x4190] =	vst v0;
	v0 =	vsub.f32 v16, v7;
	v52 =	vmul.f32 $1.442695020e+00, v12  }
0xbe: {  	[tilespmem:$0x1FF80] =	vst v60;
	v50 =	vmul.f32 $1.442695020e+00, v14;
	v10 =	vadd.s32 v51, v43;
	vm0 =	vle.s32 v6, v4  }
0xbf: {  	[tilespmem:$0x1FFB0] =	vst v61;
	v6 =	vperm.xlane v17, v1;
	v4 =	vsub.f32 v15, v7;
	(erf) = vpow2.f32 v13  }
0xc0: {  	[tilespmem:$0x1FFC0] =	vst v57;
	v43 =	vimm.s32 $0x0;
	vm12 =	vmand vm4, vm0;
	v54 =	vsub.f32 v9, v23  }
0xc1: {  	[tilespmem:s9+$0x4090] =	vst v8;
	vm15 =	veq.f32 v61, v19;
	vm0 =	veq.f32 v58, v22;
	vm9 =	veq.f32 v57, v19  }
0xc2: {  	[tilespmem:s9+$0x4020] =	vst v29;
	v61 =	vsub.f32 v61, v23;
	v42 =	vmul.f32 $1.442695020e+00, v0;
	vm8 =	vle.s32 v10, v33  }
0xc3: {  	[tilespmem:s9+$0x4120] =	vst v31;
	vm4 =	veq.f32 v17, v22;
	v53 =	vsub.f32 v17, v6;
	v4 =	vmul.f32 $1.442695020e+00, v4  }
0xc4: {  	[tilespmem:s9+$0x4180] =	vst v5;
	v35 =	vsel vm15, $0x1, v1;
	v5 =	vsel vm9, $0x1, v1;
	v31 =	vsub.f32 v60, v6  }
0xc5: {  	v39 =	vmovc v59;
	[tilespmem:s9+$0x4080] =	vst v11;
	v59 =	vsub.f32 v58, v6;
	v11 =	vmul.f32 $1.442695020e+00, v53;
	(erf) = vpow2.f32 v4  }
0xc6: {  	v32 =	vmovc v56;
	[tilespmem:s9+$0x40A0] =	vst v30;
	v62 =	vsub.f32 v20, v6;
	v8 =	vmul.f32 $1.442695020e+00, v54;
	v4 =	vsel vm11, $0x1, v1  }
0xc7: {  	v37 =	vmovc v58;
	v58 =	vsub.f32 v63, v23;
	(xrf0) =	vadd.scan.msk.s32 $0xffff, v4;
	v4 =	vsel vm2, $0x1, v1;
	(erf) = vpow2.f32 v11  }
0xc8: {  	v38 =	vmovc v20;
	v41 =	vmovc v16;
	[tilespmem:$0x1FF70] =	vst v3;
	v11 =	vsel vm0, $0xFFFFFFFF, v55;
	v55 =	vsub.f32 v56, v7;
	(erf) = vpow2.f32 v8  }
0xc9: {  	v30, _, _ =	vpop (xrf0);
	(xrf0) =	vadd.scan.msk.s32 $0xffff, v35;
	v7 =	vld [tilespmem:$0x1FF90];
	v56 =	vsub.f32 v57, v23;
	v57 =	vsub.f32 v25, v23;
	v8 =	vsel vm1, $0xFFFFFFFF, v43  }
0xca: {  	v53 =	vmovc v63;
	[tilespmem:$0x1FF50] =	vst v11;
	v11 =	vsel vm0, $0x1, v1;
	vm0 =	veq.f32 v20, v22;
	vm1 =	veq.f32 v63, v19  }
0xcb: {  	v23 =	vmovc v36;
	v43 =	vperm.xlane v27, v2;
	v2 =	vimm.s32 $0x0;
	(xrf0) =	vadd.scan.msk.s32 $0xffff, v46;
	[tilespmem:$0x1FF40] =	vst v8  }
0xcc: {  	v2 =	vsel vm0, $0xFFFFFFFF, v2;
	v48 =	vsel vm0, $0x1, v1;
	v49 =	vsel vm1, $0x1, v1;
	(xrf0) =	vadd.scan.msk.s32 $0xffff, v11;
	v3 =	vpop (erf)  }
0xcd: {  	vm0 =	vgt.f32 v40, v26;
	[tilespmem:$0x1FFA0] =	vst v2;
	v2 =	vimm.s32 $0x0;
	vm2 =	veq.f32 v24, v43;
	v35, _, _ =	vpop (xrf0)  }
0xce: {  	(xrf2) =	vadd.scan.msk.f32 $0xffff, v3;
	v2 =	vsel vm1, $0xFFFFFFFF, v2;
	vm1 =	veq.f32 v34, v43;
	v60 =	vsub.f32 v7, v6;
	v3 =	vpop (erf)  }
0xcf: {  	v6 =	vsel vm1, $0x1, v1;
	v33, _, _ =	vpop (xrf0);
	(xrf2) =	vadd.scan.msk.f32 $0xffff, v3;
	v3 =	vsel vm2, $0x1, v1;
	v1 =	vimm.s32 $0x0  }
0xd0: {  	s11 =	simm.s32 $0x400;
	v46 =	vmov v34;
	[tilespmem:$0x1FFD0] =	vst v2;
	(xrf0) =	vadd.scan.msk.s32 $0xffff, v6;
	v54 =	vpop (erf);
	v1 =	vsel vm0, $0xFFFFFFFF, v1  }
0xd1: {  	s12 =	simm.s32 $0x1800;
	v36 =	vld [tilespmem:s11+$0x190];
	v0 =	vmov v7;
	(xrf0) =	vadd.scan.msk.s32 $0xffff, v5;
	vm0 =	veq.f32 v9, v19;
	v51 =	vpop (erf);
	[tilespmem:$0x1FFE0] =	vst v1  }
.LBB2_2:
0xd2: {  	v1 =	vimm.s32 $0x0  }
0xd3: {  	v1 =	vsel vm11, $0xFFFFFFFF, v1  }
0xd4: {  	[tilespmem:$0x1FD70] =	vst v1;
	v1 =	vimm.s32 $0x0  }
0xd5: {  	v1 =	vsel vm10, $0xFFFFFFFF, v1  }
0xd6: {  	[tilespmem:$0x1FD60] =	vst v1;
	v1 =	vmul.f32 $1.442695020e+00, v31;
	_ =	sdelay $0x1  }
0xd7: {  	[tilespmem:$0x1FCE0] =	vst v1;
	v1 =	vmul.f32 $1.442695020e+00, v62;
	_ =	sdelay $0x1  }
0xd8: {  	[tilespmem:$0x1FCF0] =	vst v1;
	v1 =	vmul.f32 $1.442695020e+00, v60;
	_ =	sdelay $0x1  }
0xd9: {  	[tilespmem:$0x1FD00] =	vst v1;
	v1 =	vmul.f32 $1.442695020e+00, v61;
	_ =	sdelay $0x1  }
0xda: {  	[tilespmem:$0x1FD10] =	vst v1;
	v1 =	vmul.f32 $1.442695020e+00, v56;
	_ =	sdelay $0x1  }
0xdb: {  	v5 =	vsub.f32 v18, v28;
	[tilespmem:$0x1FD20] =	vst v1;
	v1 =	vmul.f32 $1.442695020e+00, v58  }
0xdc: {  	vm5 =	veq.f32 v23, v43;
	v2 =	vimm.s32 $0x0;
	v29 =	vimm.s32 $0xF;
	v6, _, _ =	vpop (xrf0);
	(xrf0) =	vadd.scan.msk.s32 $0xffff, v3  }
0xdd: {  	vm6 =	veq.f32 v27, v43;
	vm7 =	veq.f32 v18, v43;
	[tilespmem:$0x1FD30] =	vst v1;
	v1 =	vmul.f32 $1.442695020e+00, v57  }
0xde: {  	v27 =	vmov v23;
	v7 =	vsel vm5, $0x1, v2;
	v5 =	vmul.f32 $1.442695020e+00, v5;
	v11, _, _ =	vpop (xrf0)  }
0xdf: {  	v10 =	vsel vm6, $0x1, v2;
	(xrf0) =	vadd.scan.msk.s32 $0xffff, v4;
	v4, _, _ =	vpop (xrf2);
	[tilespmem:$0x1FD40] =	vst v1;
	v1 =	vmul.f32 $1.442695020e+00, v47  }
0xe0: {  	v9 =	vsel vm7, $0x1, v2;
	(xrf0) =	vadd.scan.msk.s32 $0xffff, v7;
	v23, _, _ =	vpop (xrf0);
	(erf) = vpow2.f32 v5;
	v4 =	vperm.xlane v4, v29  }
0xe1: {  	v8 =	vperm.xlane v23, v29;
	v12, _, _ =	vpop (xrf0);
	(xrf0) =	vadd.scan.msk.s32 $0xffff, v10;
	[tilespmem:$0x1FD50] =	vst v1;
	v1 =	vmul.f32 $1.442695020e+00, v45  }
0xe2: {  	v7, _, _ =	vpop (xrf0);
	(xrf0) =	vadd.scan.msk.s32 $0xffff, v9;
	v9 =	vsel vm0, $0x1, v2;
	(erf) = vrcp.f32 v4  }
0xe3: {  	vm0 =	veq.f32 v32, v21;
	v15 =	vadd.s32 v8, v7;
	v7, _, _ =	vpop (xrf2);
	[tilespmem:$0x1FD80] =	vst v1;
	v1 =	vimm.s32 $0x0  }
0xe4: {  	v17 =	vperm.xlane v35, v29;
	v40 =	vperm.xlane v7, v29;
	v1 =	vsel vm0, $0xFFFFFFFF, v1  }
0xe5: {  	v31 =	vmul.f32 $1.442695020e+00, v59;
	v14, _, _ =	vpop (xrf0);
	v34 =	vperm.xlane v15, v29;
	[tilespmem:$0x1FE60] =	vst v1;
	v1 =	vsel vm0, $0x1, v2  }
0xe6: {  	(xrf1) =	vsort.dscd.msk.f32 $0xffff, v36, v36;
	v62 =	vld [tilespmem:s11+$0x180];
	v13, _, _ =	vpop (xrf0);
	vm0 =	veq.f32 v0, v22;
	[tilespmem:$0x1FDD0] =	vst v1;
	v1 =	vimm.s32 $0x0  }
0xe7: {  	v63 =	vld [tilespmem:s11+$0x10];
	v5 =	vsel vm3, $0x1, v2;
	v28 =	vmovc v36;
	v36 =	vmovc v24;
	v24 =	vadd.s32 v13, v34;
	v1 =	vsel vm0, $0xFFFFFFFF, v1  }
0xe8: {  	v3 =	vld [tilespmem:s11+$0x90];
	(erf) = vrcp.f32 v40;
	v10 =	vperm.xlane v24, v29;
	v40, _, _ =	vpop (xrf0);
	[tilespmem:$0x1FE70] =	vst v1;
	v1 =	vsel vm0, $0x1, v2  }
0xe9: {  	v59 =	vld [tilespmem:s11+$0x110];
	v16 =	vperm.xlane v40, v29;
	v34, _, _ =	vpop (xrf0);
	vm0 =	veq.f32 v25, v19;
	[tilespmem:$0x1FE00] =	vst v1;
	v1 =	vimm.s32 $0x0  }
0xea: {  	vm3 =	vgt.f32 v18, v43;
	v60 =	vld [tilespmem:s11+$0x0];
	v13 =	vpop (erf);
	v10 =	vadd.s32 v34, v10;
	v1 =	vsel vm0, $0xFFFFFFFF, v1  }
0xeb: {  	v61 =	vld [tilespmem:s11+$0x80];
	(xrf1) =	vsort.dscd.msk.f32 $0xffff, v62, v62;
	v26 =	vpop (erf);
	[tilespmem:$0x1FE40] =	vst v1;
	v1 =	vsel vm0, $0x1, v2;
	vm0 =	vle.s32 v10, v16  }
0xec: {  	v4 =	vld [tilespmem:s11+$0x100];
	(xrf1) =	vsort.dscd.msk.f32 $0xffff, v63, v63;
	[tilespmem:$0x1FE10] =	vst v1;
	v1 =	vmul.f32 v26, v13;
	vm0 =	vmand vm7, vm0  }
0xed: {  	v56 =	vld [tilespmem:s11+$0x120];
	(xrf1) =	vsort.dscd.msk.f32 $0xffff, v3, v3;
	vm0 =	vmor vm3, vm0  }
0xee: {  	v11 =	vadd.s32 v17, v11;
	v17 =	vnsel vm0, $0x0, v1;
	v1 =	vld [tilespmem:$0x1FEB0]  }
0xef: {  	v58 =	vld [tilespmem:s11+$0x20]  }
0xf0: {  	(xrf1) =	vsort.dscd.msk.f32 $0xffff, v59, v59;
	v47 =	vld [tilespmem:s11+$0xA0]  }
0xf1: {  	(xrf1) =	vsort.dscd.msk.f32 $0xffff, v60, v60;
	v57 =	vld [tilespmem:s11+$0xB0]  }
0xf2: {  	(xrf1) =	vsort.dscd.msk.f32 $0xffff, v61, v61;
	v45 =	vld [tilespmem:s11+$0x30]  }
0xf3: {  	(xrf1) =	vsort.dscd.msk.f32 $0xffff, v4, v4;
	vm0 =	vnez.u8 v1;
	v1 =	vld [tilespmem:$0x1FFF0]  }
0xf4: {  	v8 =	vld [tilespmem:s11+$0x130];
	v40 =	vperm.xlane v30, v29;
	(xrf1) =	vsort.dscd.msk.f32 $0xffff, v58, v58  }
0xf5: {  	(xrf1) =	vsort.dscd.msk.f32 $0xffff, v47, v47;
	v13 =	vld [tilespmem:s11+$0x1A0]  }
0xf6: {  	(xrf1) =	vsort.dscd.msk.f32 $0xffff, v56, v56;
	v10 =	vadd.s32 v40, v6  }
0xf7: {  	v34 =	vmov v25;
	(xrf1) =	vsort.dscd.msk.f32 $0xffff, v45, v45;
	v25, _, _ =	vpop (xrf1);
	v18 =	vperm.xlane v10, v29  }
0xf8: {  	v7 =	vsel vm4, $0x1, v2;
	(xrf1) =	vsort.dscd.msk.f32 $0xffff, v57, v57;
	v25 =	vperm.xlane v25, v1  }
0xf9: {  	vm4 =	vle.s32 v15, v16;
	(xrf1) =	vsort.dscd.msk.f32 $0xffff, v8, v8;
	vm10 =	vmor vm0, vm14;
	vm0 =	vle.s32 v24, v16;
	v24, _, _ =	vpop (xrf1)  }
0xfa: {  	vm3 =	vle.s32 v23, v16;
	(xrf1) =	vsort.dscd.msk.f32 $0xffff, v13, v13;
	v16, _, _ =	vpop (xrf1);
	v15 =	vmax.f32 v24, v25  }
0xfb: {  	v14 =	vadd.s32 v14, v18;
	v18, _, _ =	vpop (xrf1);
	(xrf1) =	vsort.dscd.msk.f32 $0xffff, v15, v15;
	v15 =	vld [tilespmem:$0x1FF60];
	_ =	sdelay $0x3  }
0xfc: {  	vm11 =	vmand vm5, vm0  }
0xfd: {  	vm0 =	vmand vm1, vm3;
	vm1 =	vgt.f32 v15, v21;
	v15 =	vimm.s32 $0x0  }
0xfe: {  	v15 =	vsel vm1, $0xFFFFFFFF, v15  }
0xff: {  	[tilespmem:$0x1FDC0] =	vst v15;
	v15 =	vld [tilespmem:$0x1FED0];
	_ =	sdelay $0x4  }
0x100: {  	vm1 =	vnez.u8 v15  }
0x101: {  	v23 =	vimm.s32 $0x0;
	vm12 =	vmor vm1, vm12;
	vm1 =	vgt.f32 v39, v21  }
0x102: {  	v39 =	vimm.s32 $0x0;
	v23 =	vsel vm1, $0xFFFFFFFF, v23;
	vm1 =	vgt.f32 v41, v21  }
0x103: {  	v24 =	vsel vm1, $0xFFFFFFFF, v39;
	vm1 =	vgt.f32 v32, v21;
	v21 =	vimm.s32 $0x0  }
0x104: {  	v21 =	vsel vm1, $0xFFFFFFFF, v21  }
0x105: {  	[tilespmem:$0x1FEB0] =	vst v21;
	v21 =	vld [tilespmem:$0x1FF80];
	_ =	sdelay $0x3  }
0x106: {  	v16 =	vperm.xlane v16, v1;
	v15 =	vperm.xlane v18, v1;
	v18, _, _ =	vpop (xrf1)  }
0x107: {  	v25 =	vperm.xlane v18, v1;
	v18 =	vimm.s32 $0x0;
	[tilespmem:$0x1FDA0] =	vst v23;
	vm1 =	vgt.f32 v21, v22  }
0x108: {  	[tilespmem:$0x1FD90] =	vst v24;
	v23, _, _ =	vpop (xrf1);
	v24 =	vsel vm1, $0xFFFFFFFF, v18  }
0x109: {  	vm1 =	vgt.f32 v37, v22;
	[tilespmem:$0x1FDE0] =	vst v24;
	v24 =	vmax.f32 v23, v16;
	v23 =	vimm.s32 $0x0  }
0x10a: {  	v23 =	vsel vm1, $0xFFFFFFFF, v23;
	vm1 =	vgt.f32 v0, v22;
	v0 =	vimm.s32 $0x0  }
0x10b: {  	v0 =	vsel vm1, $0xFFFFFFFF, v0  }
0x10c: {  	[tilespmem:$0x1FED0] =	vst v0;
	v0 =	vld [tilespmem:$0x1FFB0];
	_ =	sdelay $0x4  }
0x10d: {  	vm1 =	vgt.f32 v0, v19;
	v0 =	vimm.s32 $0x0  }
0x10e: {  	v0 =	vsel vm1, $0xFFFFFFFF, v0  }
0x10f: {  	[tilespmem:$0x1FDF0] =	vst v0;
	v0 =	vld [tilespmem:$0x1FFE0];
	_ =	sdelay $0x4  }
0x110: {  	vm1 =	vnez.u8 v0;
	v0 =	vld [tilespmem:$0x1FFC0];
	_ =	sdelay $0x4  }
0x111: {  	vm6 =	vmand vm13, vm8;
	vm13 =	vgt.f32 v0, v19;
	v0 =	vld [tilespmem:$0x1FEC0];
	_ =	sdelay $0x1  }
0x112: {  	v21, _, _ =	vpop (xrf1)  }
0x113: {  	v15 =	vmax.f32 v21, v15;
	v16, _, _ =	vpop (xrf1);
	(xrf1) =	vsort.dscd.msk.f32 $0xffff, v24, v24  }
0x114: {  	vm8 =	vmand vm2, vm4;
	vm2 =	vgt.f32 v34, v19;
	v16 =	vmax.f32 v16, v25;
	v18, _, _ =	vpop (xrf1);
	(xrf1) =	vsort.dscd.msk.f32 $0xffff, v15, v15  }
0x115: {  	v15 =	vperm.xlane v18, v1;
	v18, _, _ =	vpop (xrf1);
	(xrf1) =	vsort.dscd.msk.f32 $0xffff, v16, v16;
	v16 =	vnsel vm10, $0x0, v0;
	v0 =	vimm.s32 $0x0  }
0x116: {  	vm3 =	vgt.f32 v36, v43;
	v0 =	vsel vm2, $0xFFFFFFFF, v0  }
0x117: {  	vm3 =	vmor vm3, vm8;
	[tilespmem:$0x1FFE0] =	vst v0;
	v0 =	vimm.s32 $0x0  }
0x118: {  	vm2 =	vgt.f32 v46, v43;
	v0 =	vsel vm3, $0xFFFFFFFF, v0  }
0x119: {  	vm0 =	vmor vm2, vm0;
	[tilespmem:$0x1FE30] =	vst v0;
	v0 =	vimm.s32 $0x0  }
0x11a: {  	vm3 =	vgt.f32 v27, v43;
	v0 =	vsel vm0, $0xFFFFFFFF, v0  }
0x11b: {  	vm0 =	vmor vm3, vm11;
	[tilespmem:$0x1FE20] =	vst v0;
	v0 =	vimm.s32 $0x0  }
0x11c: {  	v0 =	vsel vm0, $0xFFFFFFFF, v0  }
0x11d: {  	[tilespmem:$0x1FE50] =	vst v0;
	v0 =	vld [tilespmem:$0x1FEE0];
	_ =	sdelay $0x4  }
0x11e: {  	v6 =	vpop (erf);
	(erf) = vpow2.f32 v52;
	[tilespmem:s10+$0x41B0] =	vst v17;
	v27 =	vnsel vm12, $0x0, v0;
	v0 =	vld [tilespmem:$0x1FF00]  }
0x11f: {  	(xrf2) =	vadd.scan.msk.f32 $0xffff, v54;
	[tilespmem:$0x1FDB0] =	vst v23;
	v23 =	vperm.xlane v18, v1;
	v18, _, _ =	vpop (xrf1)  }
0x120: {  	v24 =	vperm.xlane v18, v1;
	v18, _, _ =	vpop (xrf1);
	[tilespmem:s9+$0x4030] =	vst v16  }
0x121: {  	(xrf2) =	vadd.scan.msk.f32 $0xffff, v51;
	vm10 =	vgt.f32 v53, v19;
	v19 =	vperm.xlane v18, v1;
	v18 =	vld [tilespmem:s11+$0x1B0]  }
0x122: {  	(xrf0) =	vadd.scan.msk.s32 $0xffff, v48;
	vm1 =	vmor vm1, vm6  }
0x123: {  	v16, _, _ =	vpop (xrf1);
	v25 =	vnsel vm1, $0x0, v0  }
0x124: {  	(xrf0) =	vadd.scan.msk.s32 $0xffff, v49;
	vm14 =	vgt.f32 v38, v22;
	v22 =	vperm.xlane v16, v1;
	v16, _, _ =	vpop (xrf1)  }
0x125: {  	(xrf0) =	vadd.scan.msk.s32 $0xffff, v5;
	v54, _, _ =	vpop (xrf1)  }
0x126: {  	[tilespmem:s9+$0x4130] =	vst v25;
	v25, _, _ =	vpop (xrf1);
	(xrf1) =	vsort.dscd.msk.f32 $0xffff, v18, v18  }
0x127: {  	v40 =	vperm.xlane v33, v29;
	v21 =	vpop (erf);
	(erf) = vpow2.f32 v50  }
0x128: {  	v5, _, _ =	vpop (xrf0)  }
0x129: {  	v20 =	vperm.xlane v11, v29;
	v12 =	vadd.s32 v40, v12;
	v43 =	vperm.xlane v16, v1;
	v16, _, _ =	vpop (xrf2)  }
0x12a: {  	v49 =	vmov v4;
	v4, _, _ =	vpop (xrf0);
	v17 =	vperm.xlane v12, v29;
	v16 =	vperm.xlane v16, v29  }
0x12b: {  	(xrf0) =	vadd.scan.msk.s32 $0xffff, v7;
	v7, _, _ =	vpop (xrf0);
	v36 =	vmov v3;
	v3 =	vperm.xlane v54, v1  }
0x12c: {  	v20 =	vadd.s32 v5, v20;
	(erf) = vrcp.f32 v16;
	v16 =	vadd.s32 v4, v17;
	v4, _, _ =	vpop (xrf2)  }
0x12d: {  	v3 =	vmax.f32 v25, v3;
	v5, _, _ =	vpop (xrf1);
	v25 =	vmov v8;
	v8 =	vperm.xlane v7, v29;
	v7 =	vld [tilespmem:$0x1FCE0]  }
0x12e: {  	v55 =	vmul.f32 $1.442695020e+00, v55;
	v34 =	vmov v59;
	v59, _, _ =	vpop (xrf1)  }
0x12f: {  	(erf) = vpow2.f32 v42;
	v17 =	vperm.xlane v4, v29;
	[tilespmem:s9+$0x40B0] =	vst v27;
	v27 =	vmax.f32 v5, v15;
	v5, _, _ =	vpop (xrf1)  }
0x130: {  	v39 =	vmov v60;
	(erf) = vpow2.f32 v55;
	v60 =	vmax.f32 v5, v24;
	v5 =	vpop (erf)  }
0x131: {  	v38 =	vmov v61;
	(erf) = vrcp.f32 v17;
	v61 =	vmul.f32 v6, v5;
	v5, _, _ =	vpop (xrf0)  }
0x132: {  	(erf) = vpow2.f32 v7;
	v7 =	vperm.xlane v5, v29;
	_ =	sdelay $0x1  }
0x133: {  	v41 =	vld [tilespmem:$0x1FF70];
	vm12 =	vle.s32 v35, v7;
	v35, _, _ =	vpop (xrf1)  }
0x134: {  	(xrf0) =	vadd.scan.msk.s32 $0xffff, v9;
	v9 =	vmax.f32 v59, v23;
	v23 =	vmov v13;
	v13 =	vperm.xlane v35, v1;
	v1 =	vld [tilespmem:$0x1FFA0]  }
0x135: {  	v5 =	vld [tilespmem:$0x1FCF0];
	_ =	sdelay $0x2  }
0x136: {  	v32 =	vmov v45;
	v45 =	vld [tilespmem:$0x1FD00];
	vm6 =	vnez.u8 v41;
	vm0 =	vle.s32 v14, v8  }
0x137: {  	vm6 =	vmand vm6, vm0;
	(erf) = vpow2.f32 v31;
	vm0 =	vnez.u8 v1;
	v1 =	vld [tilespmem:$0x1FD10]  }
0x138: {  	(erf) = vpow2.f32 v5;
	v5, _, _ =	vpop (xrf0)  }
0x139: {  	v51 =	vmov v62;
	v62 =	vpop (erf);
	v5 =	vperm.xlane v5, v29  }
0x13a: {  	v37 =	vmov v63;
	v63 =	vpop (erf)  }
0x13b: {  	vm11 =	vle.s32 v33, v5;
	v33 =	vpop (erf);
	(erf) = vpow2.f32 v45  }
0x13c: {  	v46 =	vpop (erf);
	(erf) = vpow2.f32 v1;
	v1 =	vmul.f32 v6, v33;
	_ =	sdelay $0x1  }
0x13d: {  	[tilespmem:$0x1FEC0] =	vst v1;
	v1 =	vld [tilespmem:$0x1FFD0];
	_ =	sdelay $0x3  }
0x13e: {  	vm3 =	vle.s32 v20, v7  }
0x13f: {  	vm7 =	vmand vm0, vm3;
	vm0 =	vnez.u8 v1;
	v1 =	vld [tilespmem:$0x1FD20];
	_ =	sdelay $0x4  }
0x140: {  	(erf) = vpow2.f32 v1;
	v1 =	vld [tilespmem:$0x1FF40];
	_ =	sdelay $0x3  }
0x141: {  	vm5 =	vle.s32 v16, v5  }
0x142: {  	vm5 =	vmand vm0, vm5;
	vm0 =	vnez.u8 v1;
	v1 =	vld [tilespmem:$0x1FD30];
	_ =	sdelay $0x4  }
0x143: {  	v52 =	vpop (erf);
	(erf) = vpow2.f32 v1;
	v1 =	vld [tilespmem:$0x1FF50];
	_ =	sdelay $0x3  }
0x144: {  	vm1 =	vle.s32 v10, v8  }
0x145: {  	vm3 =	vmand vm0, vm1;
	vm0 =	vnez.u8 v1;
	v1 =	vld [tilespmem:$0x1FD40];
	_ =	sdelay $0x4  }
0x146: {  	v53 =	vpop (erf);
	(erf) = vpow2.f32 v1;
	v1 =	vld [tilespmem:$0x1FD50];
	_ =	sdelay $0x4  }
0x147: {  	v54 =	vpop (erf);
	(erf) = vpow2.f32 v1;
	v1 =	vld [tilespmem:$0x1FD60];
	_ =	sdelay $0x3  }
0x148: {  	vm2 =	vle.s32 v11, v7  }
0x149: {  	vm0 =	vmand vm0, vm2;
	vm2 =	vnez.u8 v1;
	v1 =	vld [tilespmem:$0x1FD70];
	_ =	sdelay $0x3  }
0x14a: {  	vm8 =	vle.s32 v30, v8  }
0x14b: {  	vm8 =	vmand vm2, vm8;
	vm2 =	vnez.u8 v1;
	v1 =	vld [tilespmem:$0x1FD80];
	_ =	sdelay $0x1  }
0x14c: {  	v44 =	vmul.f32 $1.442695020e+00, v44;
	(xrf1) =	vsort.dscd.msk.f32 $0xffff, v3, v3  }
0x14d: {  	(xrf1) =	vsort.dscd.msk.f32 $0xffff, v27, v27  }
0x14e: {  	(xrf1) =	vsort.dscd.msk.f32 $0xffff, v9, v9;
	(erf) = vpow2.f32 v44  }
0x14f: {  	(erf) = vpow2.f32 v1;
	v1 =	vld [tilespmem:$0x1FD90];
	_ =	sdelay $0x4  }
0x150: {  	vm12 =	vmand vm2, vm12;
	vm2 =	vnez.u8 v1;
	v1 =	vld [tilespmem:$0x1FDA0];
	_ =	sdelay $0x3  }
0x151: {  	vm4 =	vle.s32 v12, v5  }
0x152: {  	vm1 =	vmand vm9, vm4;
	vm4 =	vmor vm10, vm5;
	vm5 =	vnez.u8 v1;
	v1 =	vld [tilespmem:$0x1FDB0]  }
0x153: {  	v50 =	vmov v47;
	v47, _, _ =	vpop (xrf1)  }
0x154: {  	v55, _, _ =	vpop (xrf1)  }
0x155: {  	v4 =	vperm.xlane v16, v29;
	v16, _, _ =	vpop (xrf1)  }
0x156: {  	v17 =	vmax.f32 v55, v19;
	v19 =	vmax.f32 v16, v22;
	v16 =	vpop (erf)  }
0x157: {  	vm3 =	vmor vm5, vm3;
	vm5 =	vnez.u8 v1;
	v1 =	vmul.f32 v62, v16;
	_ =	sdelay $0x1  }
0x158: {  	[tilespmem:$0x1FEE0] =	vst v1;
	v1 =	vld [tilespmem:$0x1FDC0];
	_ =	sdelay $0x4  }
0x159: {  	vm0 =	vmor vm5, vm0;
	vm5 =	vnez.u8 v1;
	v1 =	vld [tilespmem:$0x1FDD0]  }
0x15a: {  	(xrf1) =	vsort.dscd.msk.f32 $0xffff, v60, v60;
	_ =	sdelay $0x3  }
0x15b: {  	(xrf0) =	vadd.scan.msk.s32 $0xffff, v1;
	v1 =	vld [tilespmem:$0x1FDE0];
	_ =	sdelay $0x4  }
0x15c: {  	vm6 =	vmor vm2, vm6;
	vm2 =	vmor vm14, vm7;
	vm7 =	vnez.u8 v1;
	v1 =	vld [tilespmem:$0x1FDF0];
	_ =	sdelay $0x3  }
0x15d: {  	v21 =	vmul.f32 v6, v21  }
0x15e: {  	v42 =	vmov v56;
	v56, _, _ =	vpop (xrf1);
	vm5 =	vmor vm5, vm8;
	vm8 =	vnez.u8 v1;
	v1 =	vld [tilespmem:$0x1FE00]  }
0x15f: {  	v0 =	vmov v57;
	v11 =	vmul.f32 v6, v63;
	v6 =	vmax.f32 v47, v13;
	v57 =	vpop (erf)  }
0x160: {  	v48 =	vmov v58;
	(xrf1) =	vsort.dscd.msk.f32 $0xffff, v6, v6;
	v58 =	vpop (erf)  }
0x161: {  	(xrf1) =	vsort.dscd.msk.f32 $0xffff, v17, v17;
	v16 =	vpop (erf)  }
0x162: {  	(xrf1) =	vsort.dscd.msk.f32 $0xffff, v19, v19;
	v19 =	vpop (erf)  }
0x163: {  	(xrf0) =	vadd.scan.msk.s32 $0xffff, v1;
	v1 =	vmul.f32 v46, v19;
	_ =	sdelay $0x1  }
0x164: {  	[tilespmem:$0x1FF00] =	vst v1;
	v1 =	vld [tilespmem:$0x1FE10];
	_ =	sdelay $0x4  }
0x165: {  	(xrf0) =	vadd.scan.msk.s32 $0xffff, v1;
	v1 =	vld [tilespmem:$0x1FE20];
	_ =	sdelay $0x1  }
0x166: {  	v17 =	vmax.f32 v56, v43  }
0x167: {  	v12 =	vmul.f32 v62, v53;
	(xrf1) =	vsort.dscd.msk.f32 $0xffff, v17, v17;
	_ =	sdelay $0x1  }
0x168: {  	v40 =	vperm.xlane v14, v29;
	v27, _, _ =	vpop (xrf1);
	v12 =	vnsel vm0, $0x0, v12;
	vm0 =	vnez.u8 v1;
	v1 =	vld [tilespmem:$0x1FE30]  }
0x169: {  	v3 =	vperm.xlane v20, v29;
	v24 =	vmov v28;
	v28 =	vperm.xlane v27, v2  }
0x16a: {  	vm11 =	vmand vm15, vm11;
	v13 =	vmul.f32 v62, v54;
	v6 =	vmul.f32 v62, v52;
	v59 =	vpop (erf)  }
0x16b: {  	v10 =	vmul.f32 v46, v57;
	v41 =	vsub.f32 v27, v28;
	v14 =	vmul.f32 v26, v59  }
0x16c: {  	v43 =	vperm.xlane v27, v29;
	v47 =	vsub.f32 v51, v28;
	v45 =	vsub.f32 v23, v28  }
0x16d: {  	v9 =	vnsel vm3, $0x0, v61;
	v14 =	vnsel vm0, $0x0, v14;
	vm0 =	vnez.u8 v1;
	v1 =	vld [tilespmem:$0x1FE40]  }
0x16e: {  	vm1 =	vmor vm13, vm1;
	v15 =	vmul.f32 v46, v58;
	v16 =	vmul.f32 v46, v16;
	v17 =	vpop (erf)  }
0x16f: {  	s9 =	smov.u32 s10;
	v44 =	vsub.f32 v24, v28;
	v11 =	vnsel vm6, $0x0, v11;
	v62 =	vmul.f32 v26, v17;
	v17 =	vpop (erf)  }
0x170: {  	[tilespmem:s9+$0x4010] =	vst v9;
	v9, _, _ =	vpop (xrf1);
	v63 =	vnsel vm4, $0x0, v16;
	v16 =	vmul.f32 v26, v17;
	vm7 =	vmor vm7, vm12  }
0x171: {  	v20 =	vnsel vm5, $0x0, v21;
	v21 =	vperm.xlane v9, v29;
	v6 =	vnsel vm7, $0x0, v6  }
0x172: {  	v17, _, _ =	vpop (xrf0);
	[tilespmem:s9+$0x4080] =	vst v6;
	vm8 =	vmor vm8, vm11;
	v6 =	vnsel vm0, $0x0, v62;
	vm0 =	vnez.u8 v1;
	v1 =	vld [tilespmem:$0x1FE50]  }
0x173: {  	v13 =	vnsel vm2, $0x0, v13;
	v61 =	vnsel vm1, $0x0, v15;
	v60 =	vnsel vm8, $0x0, v10;
	v10, _, _ =	vpop (xrf1)  }
0x174: {  	[tilespmem:s9+$0x4020] =	vst v11;
	vm10 =	veq.f32 v39, v21;
	vm2 =	veq.f32 v48, v21;
	v11, _, _ =	vpop (xrf1);
	v22 =	vperm.xlane v10, v29  }
0x175: {  	vm3 =	veq.f32 v9, v21;
	v17 =	vadd.s32 v17, v40;
	v19 =	vperm.xlane v11, v29;
	v35, _, _ =	vpop (xrf0)  }
0x176: {  	v46 =	vperm.xlane v11, v2;
	vm11 =	veq.f32 v38, v22;
	vm4 =	veq.f32 v10, v22;
	v40, _, _ =	vpop (xrf0)  }
0x177: {  	vm15 =	veq.f32 v49, v19;
	v4 =	vadd.s32 v40, v4;
	vm1 =	vnez.u8 v1;
	v1 =	vld [tilespmem:$0x1FE60]  }
0x178: {  	[tilespmem:s9+$0x4110] =	vst v61;
	v61 =	vsub.f32 v49, v46;
	vm8 =	vle.s32 v4, v5;
	v5 =	vperm.xlane v10, v2  }
0x179: {  	vm9 =	veq.f32 v34, v19;
	v56 =	vsub.f32 v34, v46;
	v58 =	vsub.f32 v42, v46  }
0x17a: {  	[tilespmem:$0x1FF60] =	vst v39;
	v57 =	vsub.f32 v25, v46;
	v3 =	vadd.s32 v35, v3;
	v31 =	vsub.f32 v38, v5  }
0x17b: {  	[tilespmem:s9+$0x4100] =	vst v60;
	v59 =	vsub.f32 v36, v5;
	v60 =	vsub.f32 v0, v5;
	vm13 =	vmmov vm0  }
0x17c: {  	[tilespmem:$0x1FF80] =	vst v38;
	vm0 =	vle.s32 v17, v8;
	v33 =	vnsel vm1, $0x0, v16;
	vm1 =	vnez.u8 v1  }
0x17d: {  	[tilespmem:s9+$0x4120] =	vst v63;
	v1 =	vld [tilespmem:$0x1FE70];
	vm14 =	vmand vm1, vm0;
	vm0 =	vle.s32 v3, v7;
	v3 =	vperm.xlane v9, v2  }
0x17e: {  	v62 =	vsel vm10, $0x1, v2;
	[tilespmem:s9+$0x4190] =	vst v6;
	v6 =	vsub.f32 v10, v5;
	v7 =	vmul.f32 $1.442695020e+00, v41  }
0x17f: {  	v63 =	vsel vm15, $0x1, v2;
	(xrf0) =	vadd.scan.msk.s32 $0xffff, v62;
	v62 =	vsub.f32 v50, v5;
	v4 =	vsub.f32 v9, v3  }
0x180: {  	[tilespmem:$0x1FFB0] =	vst v49;
	v6 =	vmul.f32 $1.442695020e+00, v6;
	(erf) = vpow2.f32 v7;
	v7 =	vsub.f32 v11, v46  }
0x181: {  	[tilespmem:s9+$0x4180] =	vst v14;
	v8 =	vsel vm9, $0x1, v2;
	v14 =	vsub.f32 v39, v3;
	v4 =	vmul.f32 $1.442695020e+00, v4  }
0x182: {  	[tilespmem:$0x1FFC0] =	vst v34;
	vm1 =	vnez.u8 v1;
	v7 =	vmul.f32 $1.442695020e+00, v7;
	v1 =	vimm.s32 $0x0  }
0x183: {  	[tilespmem:s9+$0x40A0] =	vst v13;
	vm12 =	vmand vm1, vm0;
	vm1 =	veq.f32 v37, v21;
	(erf) = vpow2.f32 v4  }
0x184: {  	[tilespmem:s9+$0x4090] =	vst v12;
	vm0 =	veq.f32 v36, v22;
	v4 =	vsel vm11, $0x1, v2;
	v1 =	vsel vm1, $0xFFFFFFFF, v1  }
0x185: {  	(erf) = vpow2.f32 v6;
	(xrf0) =	vadd.scan.msk.s32 $0xffff, v4;
	[tilespmem:$0x1FF40] =	vst v1;
	v1 =	vimm.s32 $0x0  }
0x186: {  	v53 =	vmovc v42;
	[tilespmem:s9+$0x4000] =	vst v20;
	v15 =	vsub.f32 v37, v3;
	(erf) = vpow2.f32 v7;
	v1 =	vsel vm0, $0xFFFFFFFF, v1  }
0x187: {  	v30, _, _ =	vpop (xrf0);
	v17 =	vsub.f32 v48, v3;
	(xrf0) =	vadd.scan.msk.s32 $0xffff, v63;
	[tilespmem:$0x1FF50] =	vst v1;
	v1 =	vimm.s32 $0x0  }
0x188: {  	v38 =	vmovc v50;
	[tilespmem:s9+$0x41A0] =	vst v33;
	v41 =	vmovc v48;
	v55 =	vsub.f32 v32, v3;
	v6 =	vsel vm1, $0x1, v2;
	v1 =	vsel vm2, $0xFFFFFFFF, v1  }
0x189: {  	v39 =	vmovc v37;
	v46 =	vmovc v51;
	v7 =	vsel vm0, $0x1, v2;
	vm0 =	veq.f32 v50, v22;
	[tilespmem:$0x1FF70] =	vst v1;
	v1 =	vimm.s32 $0x0  }
0x18a: {  	p0 =	sne.s32 s12, $0xF800;
	v52 =	vmul.f32 $1.442695020e+00, v14;
	v37 =	vmov v36;
	(xrf0) =	vadd.scan.msk.s32 $0xffff, v6;
	v16 =	vpop (erf);
	v1 =	vsel vm0, $0xFFFFFFFF, v1  }
.Ltmp0:
0x18b: {  	vm1 =	veq.f32 v42, v19;
	(xrf2) =	vadd.scan.msk.f32 $0xffff, v16;
	[tilespmem:$0x1FFA0] =	vst v1;
	v35, _, _ =	vpop (xrf0);
	v1 =	vimm.s32 $0x0;
	(pc) =	sbr.rel @p0 .LBB2_2-.Ltmp0, $4  }
0x18c: {  	v49 =	vsel vm1, $0x1, v2;
	(xrf0) =	vadd.scan.msk.s32 $0xffff, v7;
	v1 =	vsel vm1, $0xFFFFFFFF, v1;
	vm1 =	veq.f32 v51, v43;
	v3 =	vpop (erf)  }
0x18d: {  	v4 =	vsel vm2, $0x1, v2;
	v42 =	vmul.f32 $1.442695020e+00, v17;
	v33, _, _ =	vpop (xrf0);
	v5 =	vsel vm1, $0x1, v2;
	(xrf2) =	vadd.scan.msk.f32 $0xffff, v3  }
0x18e: {  	s10 =	smov.u32 s11;
	s11 =	sshra.s32 s12, $0x2;
	v50 =	vmul.f32 $1.442695020e+00, v15;
	v48 =	vsel vm0, $0x1, v2;
	vm2 =	veq.f32 v24, v43;
	v54 =	vpop (erf);
	(xrf0) =	vadd.scan.msk.s32 $0xffff, v5  }
0x18f: {  	s12 =	sadd.s32 $0x800, s12;
	v36 =	vld [tilespmem:s11+$0x190];
	vm0 =	veq.f32 v11, v19;
	[tilespmem:$0x1FFD0] =	vst v1;
	v3 =	vsel vm2, $0x1, v2;
	v51 =	vpop (erf);
	(xrf0) =	vadd.scan.msk.s32 $0xffff, v8  }
0x190: {  	_ = 	snop  }
0x191: {  	v40 =	vld [tilespmem:s11+$0x180];
	(xrf0) =	vadd.scan.msk.s32 $0xffff, v3;
	vm5 =	veq.f32 v23, v43;
	v34 =	vimm.s32 $0x0  }
0x192: {  	v20 =	vsel vm5, $0x1, v34;
	(xrf0) =	vadd.scan.msk.s32 $0xffff, v4  }
0x193: {  	v5 =	vld [tilespmem:s11+$0x10];
	vm6 =	veq.f32 v27, v43;
	(xrf0) =	vadd.scan.msk.s32 $0xffff, v20  }
0x194: {  	v2 =	vld [tilespmem:s11+$0x90];
	v27 =	vsub.f32 v18, v28;
	v26 =	vsel vm6, $0x1, v34;
	(xrf1) =	vsort.dscd.msk.f32 $0xffff, v36, v36  }
0x195: {  	v1 =	vld [tilespmem:s11+$0x110];
	vm6 =	veq.f32 v18, v43;
	(xrf0) =	vadd.scan.msk.s32 $0xffff, v26  }
0x196: {  	v9 =	vld [tilespmem:s11+$0x0];
	v28 =	vsel vm6, $0x1, v34;
	v4 =	vmul.f32 $1.442695020e+00, v27;
	(xrf1) =	vsort.dscd.msk.f32 $0xffff, v40, v40  }
0x197: {  	v6, _, _ =	vpop (xrf0);
	v8 =	vld [tilespmem:s11+$0x80];
	(xrf0) =	vadd.scan.msk.s32 $0xffff, v28  }
0x198: {  	v63 =	vld [tilespmem:s11+$0x100];
	(erf) = vpow2.f32 v4;
	(xrf1) =	vsort.dscd.msk.f32 $0xffff, v5, v5  }
0x199: {  	v28 =	vld [tilespmem:s11+$0x20];
	(xrf1) =	vsort.dscd.msk.f32 $0xffff, v2, v2  }
0x19a: {  	v11 =	vld [tilespmem:s11+$0xA0];
	[tilespmem:$0x1FBC0] =	vst v2;
	v16, _, _ =	vpop (xrf2);
	v2 =	vimm.s32 $0xF;
	(xrf1) =	vsort.dscd.msk.f32 $0xffff, v1, v1  }
0x19b: {  	v10 =	vld [tilespmem:s11+$0x120];
	v3, _, _ =	vpop (xrf0);
	[tilespmem:$0x1FBB0] =	vst v5;
	v5 =	vperm.xlane v16, v2;
	(xrf1) =	vsort.dscd.msk.f32 $0xffff, v9, v9  }
0x19c: {  	v12 =	vld [tilespmem:s11+$0x30];
	v7, _, _ =	vpop (xrf0);
	(xrf1) =	vsort.dscd.msk.f32 $0xffff, v8, v8  }
0x19d: {  	v17 =	vld [tilespmem:s11+$0xB0];
	[tilespmem:$0x1FBD0] =	vst v1;
	v4, _, _ =	vpop (xrf0);
	(xrf1) =	vsort.dscd.msk.f32 $0xffff, v63, v63  }
0x19e: {  	[tilespmem:$0x1FB90] =	vst v8;
	v20 =	vperm.xlane v7, v2;
	v1 =	vld [tilespmem:$0x1FFF0];
	(erf) = vrcp.f32 v5;
	v8, _, _ =	vpop (xrf0);
	(xrf1) =	vsort.dscd.msk.f32 $0xffff, v28, v28  }
0x19f: {  	v16 =	vld [tilespmem:s11+$0x130];
	v5, _, _ =	vpop (xrf0);
	(xrf1) =	vsort.dscd.msk.f32 $0xffff, v11, v11  }
0x1a0: {  	v27 =	vld [tilespmem:s11+$0x1A0];
	[tilespmem:$0x1FB80] =	vst v9;
	v8 =	vadd.s32 v20, v8;
	v9, _, _ =	vpop (xrf0);
	(xrf1) =	vsort.dscd.msk.f32 $0xffff, v10, v10  }
0x1a1: {  	v13 =	vperm.xlane v8, v2;
	v15 =	vpop (erf);
	(xrf1) =	vsort.dscd.msk.f32 $0xffff, v12, v12  }
0x1a2: {  	[tilespmem:$0x1FC70] =	vst v17;
	(xrf1) =	vsort.dscd.msk.f32 $0xffff, v17, v17;
	v17, _, _ =	vpop (xrf1)  }
0x1a3: {  	[tilespmem:$0x1FC20] =	vst v10;
	v26, _, _ =	vpop (xrf0);
	v9 =	vadd.s32 v9, v13;
	v10 =	vperm.xlane v17, v1  }
0x1a4: {  	[tilespmem:$0x1FBA0] =	vst v63;
	v20 =	vperm.xlane v9, v2;
	(xrf1) =	vsort.dscd.msk.f32 $0xffff, v16, v16;
	v14, _, _ =	vpop (xrf1)  }
0x1a5: {  	[tilespmem:$0x1FC10] =	vst v11;
	v63, _, _ =	vpop (xrf0);
	v11 =	vperm.xlane v26, v2;
	(xrf1) =	vsort.dscd.msk.f32 $0xffff, v27, v27;
	v10 =	vmax.f32 v14, v10  }
0x1a6: {  	v13, _, _ =	vpop (xrf1);
	(xrf1) =	vsort.dscd.msk.f32 $0xffff, v10, v10;
	v10 =	vadd.s32 v63, v20  }
0x1a7: {  	v29 =	vmov v0;
	[tilespmem:$0x1FF90] =	vst v0;
	v0 =	vpop (erf);
	v63 =	vld [tilespmem:$0x1FEB0];
	vm7 =	vle.s32 v10, v11  }
0x1a8: {  	v26 =	vmul.f32 v0, v15;
	v14, _, _ =	vpop (xrf1);
	vm6 =	vmand vm6, vm7;
	vm7 =	vgt.f32 v18, v43  }
0x1a9: {  	[tilespmem:$0x1FC40] =	vst v12;
	v12, _, _ =	vpop (xrf1);
	vm6 =	vmor vm7, vm6  }
0x1aa: {  	[tilespmem:$0x1FCC0] =	vst v16;
	v16, _, _ =	vpop (xrf1);
	v10 =	vnsel vm6, $0x0, v26;
	v26 =	vld [tilespmem:$0x1FEC0]  }
0x1ab: {  	v15, _, _ =	vpop (xrf1)  }
0x1ac: {  	v14 =	vperm.xlane v14, v1;
	v17, _, _ =	vpop (xrf1);
	vm6 =	vnez.u8 v63;
	v63 =	vperm.xlane v13, v1  }
0x1ad: {  	v20, _, _ =	vpop (xrf1)  }
0x1ae: {  	v14 =	vmax.f32 v15, v14;
	[tilespmem:s10+$0x41B0] =	vst v10;
	v13, _, _ =	vpop (xrf1);
	vm6 =	vmor vm6, vm14;
	v10 =	vmax.f32 v16, v63  }
0x1af: {  	v63 =	vperm.xlane v12, v1;
	v18 =	vnsel vm6, $0x0, v26;
	v26 =	vmov v23;
	v23, _, _ =	vpop (xrf1)  }
0x1b0: {  	(xrf0) =	vadd.scan.msk.s32 $0xffff, v48;
	[tilespmem:s9+$0x4030] =	vst v18;
	v16, _, _ =	vpop (xrf1)  }
0x1b1: {  	v44 =	vmul.f32 $1.442695020e+00, v44;
	(xrf1) =	vsort.dscd.msk.f32 $0xffff, v10, v10;
	v18 =	vld [tilespmem:s11+$0x1B0];
	v12, _, _ =	vpop (xrf1)  }
0x1b2: {  	v48 =	vimm.s32 $0x0;
	vm7 =	vmand vm13, vm8;
	(xrf1) =	vsort.dscd.msk.f32 $0xffff, v14, v14;
	v10 =	vmax.f32 v17, v63;
	v14, _, _ =	vpop (xrf1)  }
0x1b3: {  	vm8 =	vle.s32 v7, v11;
	v7 =	vsel vm3, $0x1, v34;
	vm13 =	vle.s32 v8, v11;
	v15 =	vld [tilespmem:$0x1FED0];
	(xrf1) =	vsort.dscd.msk.f32 $0xffff, v10, v10;
	v63, _, _ =	vpop (xrf1)  }
0x1b4: {  	v8 =	vmul.f32 $1.442695020e+00, v55;
	vm1 =	vmand vm1, vm8;
	v10 =	vperm.xlane v63, v1  }
0x1b5: {  	vm2 =	vmand vm2, vm13;
	vm13 =	vgt.f32 v24, v43;
	v55 =	vperm.xlane v20, v1;
	v63, _, _ =	vpop (xrf1)  }
0x1b6: {  	v20 =	vmul.f32 $1.442695020e+00, v56;
	vm14 =	vle.s32 v9, v11;
	(xrf1) =	vsort.dscd.msk.f32 $0xffff, v18, v18;
	v10 =	vmax.f32 v63, v10  }
0x1b7: {  	v9 =	vmul.f32 $1.442695020e+00, v31;
	v31 =	vsel vm4, $0x1, v34;
	v13 =	vperm.xlane v13, v1;
	(xrf1) =	vsort.dscd.msk.f32 $0xffff, v10, v10  }
0x1b8: {  	(xrf2) =	vadd.scan.msk.f32 $0xffff, v54;
	vm4 =	veq.f32 v29, v22;
	vm6 =	vmand vm5, vm14;
	vm14 =	vnez.u8 v15;
	v17 =	vld [tilespmem:$0x1FFE0]  }
0x1b9: {  	v11 =	vmul.f32 $1.442695020e+00, v45;
	v56 =	vsel vm4, $0x1, v34;
	vm5 =	vmor vm14, vm12  }
0x1ba: {  	vm12 =	vgt.f32 v46, v43;
	vm14 =	vgt.f32 v26, v43;
	v43 =	vperm.xlane v33, v2;
	v63, _, _ =	vpop (xrf2)  }
0x1bb: {  	vm1 =	vmor vm12, vm1;
	v12 =	vperm.xlane v12, v1;
	v54 =	vperm.xlane v63, v2  }
0x1bc: {  	v4 =	vadd.s32 v43, v4;
	v14 =	vperm.xlane v14, v1;
	(xrf2) =	vadd.scan.msk.f32 $0xffff, v51;
	v51 =	vmul.f32 $1.442695020e+00, v61  }
0x1bd: {  	vm8 =	vnez.u8 v17;
	v63 =	vperm.xlane v30, v2;
	(erf) = vrcp.f32 v54  }
0x1be: {  	(xrf0) =	vadd.scan.msk.s32 $0xffff, v49;
	vm3 =	vmor vm8, vm7;
	v10 =	vmul.f32 $1.442695020e+00, v59;
	(erf) = vpow2.f32 v52  }
0x1bf: {  	(xrf0) =	vadd.scan.msk.s32 $0xffff, v7;
	vm8 =	veq.f32 v32, v21;
	(erf) = vpow2.f32 v50;
	v50 =	vmul.f32 $1.442695020e+00, v60;
	v60, _, _ =	vpop (xrf1)  }
0x1c0: {  	(xrf0) =	vadd.scan.msk.s32 $0xffff, v31;
	v59 =	vsel vm0, $0x1, v34;
	vm0 =	vmor vm13, vm2;
	v15 =	vmax.f32 v60, v55;
	v61, _, _ =	vpop (xrf1)  }
0x1c1: {  	v31 =	vsel vm0, $0xFFFFFFFF, v48;
	vm0 =	vmor vm14, vm6;
	v6 =	vadd.s32 v63, v6;
	v49, _, _ =	vpop (xrf1);
	(xrf1) =	vsort.dscd.msk.f32 $0xffff, v15, v15  }
0x1c2: {  	v63 =	vmov v25;
	v25 =	vmul.f32 $1.442695020e+00, v62;
	v62, _, _ =	vpop (xrf2);
	v55 =	vperm.xlane v23, v1  }
0x1c3: {  	(xrf0) =	vadd.scan.msk.s32 $0xffff, v59;
	v48 =	vimm.s32 $0x0;
	v24 =	vperm.xlane v62, v2;
	v23 =	vperm.xlane v35, v2  }
0x1c4: {  	[tilespmem:$0x1FBF0] =	vst v31;
	v7 =	vmax.f32 v61, v13;
	v31 =	vmax.f32 v49, v55;
	v49 =	vperm.xlane v6, v2;
	v60, _, _ =	vpop (xrf1)  }
0x1c5: {  	v13 =	vmul.f32 $1.442695020e+00, v47;
	v61 =	vimm.s32 $0x0;
	(xrf1) =	vsort.dscd.msk.f32 $0xffff, v7, v7;
	v62 =	vperm.xlane v60, v1;
	v47, _, _ =	vpop (xrf1)  }
0x1c6: {  	v52 =	vmul.f32 $1.442695020e+00, v58;
	v58 =	vld [tilespmem:$0x1FEE0];
	v26 =	vsel vm1, $0xFFFFFFFF, v61;
	v3 =	vadd.s32 v23, v3;
	(xrf1) =	vsort.dscd.msk.f32 $0xffff, v31, v31;
	v60, _, _ =	vpop (xrf0)  }
0x1c7: {  	[tilespmem:$0x1FBE0] =	vst v26;
	v61 =	vperm.xlane v3, v2;
	v26 =	vadd.s32 v5, v49;
	v5 =	vld [tilespmem:$0x1FFA0];
	v43, _, _ =	vpop (xrf0);
	v7 =	vmax.f32 v47, v62  }
0x1c8: {  	v54 =	vmul.f32 $1.442695020e+00, v57;
	v57 =	vsel vm8, $0x1, v34;
	(erf) = vrcp.f32 v24;
	v49, _, _ =	vpop (xrf0);
	(xrf1) =	vsort.dscd.msk.f32 $0xffff, v7, v7  }
0x1c9: {  	(erf) = vpow2.f32 v42;
	v23 =	vperm.xlane v4, v2;
	v47 =	vadd.s32 v60, v61;
	v60 =	vld [tilespmem:$0x1FF00];
	v62, _, _ =	vpop (xrf2)  }
0x1ca: {  	v24 =	vsel vm0, $0xFFFFFFFF, v48;
	v42 =	vperm.xlane v16, v1;
	v59, _, _ =	vpop (xrf0);
	v48 =	vperm.xlane v62, v2  }
0x1cb: {  	(erf) = vpow2.f32 v8;
	v17 =	vpop (erf);
	v1 =	vnsel vm5, $0x0, v58;
	v45 =	vperm.xlane v59, v2;
	v62 =	vld [tilespmem:$0x1FF70]  }
0x1cc: {  	vm12 =	vnez.u8 v5;
	v61, _, _ =	vpop (xrf0);
	(erf) = vrcp.f32 v48;
	v48 =	vperm.xlane v49, v2  }
0x1cd: {  	[tilespmem:$0x1FC00] =	vst v24;
	v55 =	vpop (erf);
	v24 =	vperm.xlane v61, v2;
	vm6 =	vle.s32 v47, v45;
	(erf) = vpow2.f32 v9;
	v9 =	vld [tilespmem:$0x1FF40]  }
0x1ce: {  	[tilespmem:$0x1FC50] =	vst v1;
	v1 =	vnsel vm3, $0x0, v60;
	v49 =	vadd.s32 v43, v23;
	vm13 =	vle.s32 v6, v48;
	v6 =	vld [tilespmem:$0x1FFD0]  }
0x1cf: {  	vm0 =	vmand vm12, vm6;
	(erf) = vpow2.f32 v10;
	vm5 =	vle.s32 v26, v48;
	v10, _, _ =	vpop (xrf1)  }
0x1d0: {  	v8 =	vpop (erf);
	(erf) = vpow2.f32 v25;
	vm7 =	vnez.u8 v62;
	v15 =	vmax.f32 v10, v42  }
0x1d1: {  	v23 =	vpop (erf);
	vm3 =	vmand vm7, vm5;
	(erf) = vpow2.f32 v50;
	vm7 =	vle.s32 v30, v48  }
0x1d2: {  	v7 =	vpop (erf);
	vm2 =	vle.s32 v49, v24;
	(xrf1) =	vsort.dscd.msk.f32 $0xffff, v15, v15;
	(erf) = vpow2.f32 v51;
	vm7 =	vmand vm10, vm7  }
0x1d3: {  	vm12 =	vnez.u8 v9;
	(erf) = vpow2.f32 v20;
	v16, _, _ =	vpop (xrf1);
	v20 =	vld [tilespmem:$0x1FF50];
	vm14 =	vnez.u8 v6  }
0x1d4: {  	vm1 =	vmand vm12, vm13;
	vm13 =	vle.s32 v3, v45;
	v6 =	vmax.f32 v16, v12;
	v25, _, _ =	vpop (xrf1)  }
0x1d5: {  	v31 =	vpop (erf);
	(erf) = vpow2.f32 v52;
	vm12 =	vle.s32 v4, v24;
	v3 =	vmax.f32 v25, v14;
	(xrf1) =	vsort.dscd.msk.f32 $0xffff, v6, v6  }
0x1d6: {  	vm2 =	vmand vm14, vm2;
	(erf) = vpow2.f32 v54;
	vm6 =	vmand vm9, vm12;
	(xrf1) =	vsort.dscd.msk.f32 $0xffff, v3, v3;
	v4, _, _ =	vpop (xrf1)  }
0x1d7: {  	vm12 =	vle.s32 v33, v24;
	v42 =	vpop (erf);
	(erf) = vpow2.f32 v13;
	v30 =	vperm.xlane v4, v34  }
0x1d8: {  	vm9 =	vgt.f32 v38, v22;
	v29 =	vpop (erf);
	(erf) = vpow2.f32 v44;
	vm14 =	vnez.u8 v20  }
0x1d9: {  	v51 =	vld [tilespmem:$0x1FF60];
	vm5 =	vmand vm14, vm13;
	vm14 =	vle.s32 v35, v45;
	v35 =	vpop (erf);
	v46 =	vsub.f32 v4, v30  }
0x1da: {  	v52 =	vld [tilespmem:$0x1FFC0];
	vm15 =	vmand vm15, vm12;
	vm12 =	vmor vm9, vm0;
	vm0 =	vgt.f32 v37, v22;
	v20 =	vpop (erf)  }
0x1db: {  	v58 =	vld [tilespmem:$0x1FF80];
	vm13 =	vgt.f32 v41, v21;
	(erf) = vpow2.f32 v11;
	v50 =	vpop (erf);
	v9 =	vmul.f32 $1.442695020e+00, v46  }
0x1dc: {  	vm10 =	vmand vm11, vm14;
	vm3 =	vmor vm13, vm3;
	vm11 =	vgt.f32 v39, v21;
	v44 =	vpop (erf)  }
0x1dd: {  	(xrf0) =	vadd.scan.msk.s32 $0xffff, v57;
	vm9 =	vmor vm11, vm1;
	vm11 =	veq.f32 v63, v19;
	v60 =	vpop (erf);
	(erf) = vpow2.f32 v9  }
0x1de: {  	(xrf0) =	vadd.scan.msk.s32 $0xffff, v56;
	v5 =	vld [tilespmem:$0x1FFB0];
	vm13 =	vgt.f32 v53, v19;
	vm14 =	vgt.f32 v51, v21;
	v53 =	vsel vm11, $0x1, v34;
	v61 =	vpop (erf)  }
0x1df: {  	vm0 =	vmor vm0, vm5;
	vm5 =	vmor vm14, vm7;
	vm14 =	vgt.f32 v52, v19;
	(xrf0) =	vadd.scan.msk.s32 $0xffff, v53;
	v53 =	vld [tilespmem:$0x1FB80];
	v51 =	vpop (erf)  }
0x1e0: {  	v8 =	vmul.f32 v17, v8;
	vm14 =	vmor vm14, vm6;
	vm6 =	vgt.f32 v58, v22;
	v58, _, _ =	vpop (xrf1)  }
0x1e1: {  	v59 =	vmul.f32 v17, v55;
	v7 =	vmul.f32 v17, v7;
	v39 =	vld [tilespmem:$0x1FB90];
	v62 =	vpop (erf)  }
0x1e2: {  	v38 =	vld [tilespmem:$0x1FBA0];
	v3 =	vmul.f32 v23, v29;
	v9 =	vnsel vm9, $0x0, v8;
	v8 =	vperm.xlane v58, v2;
	v43 =	vpop (erf)  }
0x1e3: {  	vm7 =	vgt.f32 v5, v19;
	v10 =	vnsel vm3, $0x0, v7;
	v25 =	vperm.xlane v58, v34;
	v57, _, _ =	vpop (xrf1)  }
0x1e4: {  	v6 =	vnsel vm5, $0x0, v59;
	vm5 =	veq.f32 v53, v8;
	v56, _, _ =	vpop (xrf1);
	v7 =	vperm.xlane v57, v2  }
0x1e5: {  	[tilespmem:$0x1FC80] =	vst v6;
	v16 =	vpop (erf);
	v11 =	vsub.f32 v58, v25;
	v5 =	vsel vm5, $0x1, v34;
	v6 =	vperm.xlane v56, v2  }
0x1e6: {  	vm1 =	vmor vm6, vm10;
	[tilespmem:$0x1FC90] =	vst v9;
	(xrf0) =	vadd.scan.msk.s32 $0xffff, v5;
	vm6 =	veq.f32 v39, v7;
	v46 =	vpop (erf)  }
0x1e7: {  	v9 =	vmul.f32 $1.442695020e+00, v11;
	vm10 =	veq.f32 v38, v6;
	v11 =	vsel vm6, $0x1, v34;
	(xrf2) =	vadd.scan.msk.f32 $0xffff, v46  }
0x1e8: {  	v37 =	vsel vm10, $0x1, v34;
	(xrf0) =	vadd.scan.msk.s32 $0xffff, v11;
	v46 =	vld [tilespmem:$0x1FBB0]  }
0x1e9: {  	v29 =	vmul.f32 v23, v35;
	v35 =	vnsel vm1, $0x0, v3;
	v12 =	vperm.xlane v57, v34;
	(xrf0) =	vadd.scan.msk.s32 $0xffff, v37;
	v37 =	vld [tilespmem:$0x1FBC0]  }
0x1ea: {  	v15 =	vsub.f32 v18, v30;
	vm13 =	vmor vm13, vm2;
	v20 =	vmul.f32 v23, v20;
	[tilespmem:$0x1FCB0] =	vst v35;
	v35 =	vld [tilespmem:$0x1FBD0]  }
0x1eb: {  	vm2 =	vmor vm7, vm15;
	v14 =	vperm.xlane v56, v34;
	v59 =	vsub.f32 v57, v12  }
0x1ec: {  	[tilespmem:$0x1FCA0] =	vst v10;
	v10 =	vimm.s32 $0x0;
	v55 =	vnsel vm0, $0x0, v29;
	(erf) = vpow2.f32 v9  }
0x1ed: {  	v52 =	vsub.f32 v56, v14;
	v33 =	vmul.f32 $1.442695020e+00, v59;
	vm7 =	veq.f32 v46, v8  }
0x1ee: {  	[tilespmem:$0x1FC60] =	vst v1;
	v59 =	vperm.xlane v4, v2;
	vm9 =	veq.f32 v37, v7;
	v41 =	vsel vm7, $0x1, v34  }
0x1ef: {  	v5, _, _ =	vpop (xrf0);
	v1 =	vsel vm10, $0xFFFFFFFF, v10;
	vm10 =	veq.f32 v35, v6;
	(xrf0) =	vadd.scan.msk.s32 $0xffff, v41;
	v54 =	vsel vm9, $0x1, v34  }
0x1f0: {  	v9 =	vmul.f32 $1.442695020e+00, v52;
	v13 =	vsel vm10, $0x1, v34;
	v11, _, _ =	vpop (xrf0);
	vm15 =	veq.f32 v40, v59;
	(xrf0) =	vadd.scan.msk.s32 $0xffff, v54  }
0x1f1: {  	[tilespmem:$0x1FCD0] =	vst v55;
	(erf) = vpow2.f32 v33;
	vm3 =	veq.f32 v36, v59;
	v10, _, _ =	vpop (xrf0);
	v3 =	vsel vm15, $0x1, v34  }
0x1f2: {  	v33 =	vnsel vm12, $0x0, v20;
	vm12 =	veq.f32 v28, v8;
	vm1 =	veq.f32 v27, v59;
	v52, _, _ =	vpop (xrf0);
	(xrf0) =	vadd.scan.msk.s32 $0xffff, v3  }
0x1f3: {  	(erf) = vpow2.f32 v9;
	v20 =	vsel vm3, $0x1, v34;
	v9 =	vmul.f32 v42, v44;
	v54, _, _ =	vpop (xrf0);
	(xrf0) =	vadd.scan.msk.s32 $0xffff, v13  }
0x1f4: {  	v44 =	vmul.f32 v42, v60;
	v60 =	vmul.f32 v42, v61;
	v41 =	vsel vm12, $0x1, v34;
	v55, _, _ =	vpop (xrf0);
	(xrf0) =	vadd.scan.msk.s32 $0xffff, v20  }
0x1f5: {  	[tilespmem:$0x1FC30] =	vst v1;
	vm0 =	veq.f32 v4, v59;
	v1 =	vsel vm1, $0x1, v34;
	v13, _, _ =	vpop (xrf0);
	(xrf0) =	vadd.scan.msk.s32 $0xffff, v41  }
0x1f6: {  	v3 =	vmul.f32 $1.442695020e+00, v15;
	v15, _, _ =	vpop (xrf0);
	(xrf0) =	vadd.scan.msk.s32 $0xffff, v1;
	v1 =	vnsel vm14, $0x0, v44;
	v44 =	vnsel vm13, $0x0, v60;
	v60 =	vld [tilespmem:$0x1FBE0]  }
0x1f7: {  	v4 =	vsel vm0, $0x1, v34;
	v29, _, _ =	vpop (xrf2)  }
0x1f8: {  	v20 =	vperm.xlane v29, v2;
	(erf) = vpow2.f32 v3;
	v29 =	vnsel vm2, $0x0, v9;
	v61, _, _ =	vpop (xrf0)  }
0x1f9: {  	vm2 =	veq.f32 v18, v59;
	v3 =	vperm.xlane v26, v2;
	(xrf0) =	vadd.scan.msk.s32 $0xffff, v4;
	v4 =	vperm.xlane v61, v2;
	v9, _, _ =	vpop (xrf0)  }
0x1fa: {  	v62 =	vmul.f32 v0, v62;
	v41 =	vsel vm2, $0x1, v34;
	v26, _, _ =	vpop (xrf0)  }
0x1fb: {  	v3 =	vadd.s32 v5, v3;
	(xrf0) =	vadd.scan.msk.s32 $0xffff, v41;
	v41 =	vld [tilespmem:$0x1FBF0];
	v4 =	vadd.s32 v4, v26;
	vm14 =	vnez.u8 v60  }
0x1fc: {  	v5 =	vperm.xlane v47, v2;
	v47, _, _ =	vpop (xrf0);
	v60 =	vnsel vm14, $0x0, v62;
	v62 =	vperm.xlane v4, v2  }
0x1fd: {  	(erf) = vrcp.f32 v20;
	vm0 =	vle.s32 v3, v48;
	v48, _, _ =	vpop (xrf0)  }
0x1fe: {  	v5 =	vadd.s32 v11, v5;
	v11 =	vadd.s32 v48, v62;
	v62 =	vld [tilespmem:$0x1FC00];
	_ =	sdelay $0x1  }
0x1ff: {  	v20 =	vpop (erf);
	vm13 =	vnez.u8 v41;
	v41 =	vmul.f32 v0, v16;
	v16 =	vperm.xlane v49, v2  }
0x200: {  	v26 =	vmul.f32 v0, v43;
	v43 =	vpop (erf)  }
0x201: {  	vm11 =	vmmov vm11;
	vm0 =	vmand vm8, vm0;
	v49 =	vpop (erf);
	v10 =	vadd.s32 v10, v16  }
0x202: {  	v26 =	vnsel vm13, $0x0, v26;
	v0 =	vpop (erf);
	vm8 =	vle.s32 v10, v24;
	vm13 =	vnez.u8 v62  }
0x203: {  	v48 =	vnsel vm13, $0x0, v41;
	vm13 =	vle.s32 v5, v45;
	v41 =	vperm.xlane v11, v2;
	v45, _, _ =	vpop (xrf0)  }
0x204: {  	vm11 =	vmand vm11, vm8;
	vm8 =	vgt.f32 v18, v59;
	v18 =	vld [tilespmem:$0x1FF90];
	v5 =	vperm.xlane v45, v2;
	v62, _, _ =	vpop (xrf0)  }
0x205: {  	v24 =	vpop (erf);
	v3 =	vadd.s32 v62, v41  }
0x206: {  	v16 =	vmul.f32 v24, v0;
	vm14 =	vle.s32 v3, v5  }
0x207: {  	vm13 =	vmand vm4, vm13;
	v45 =	vld [tilespmem:$0x1FC20];
	v62 =	vperm.xlane v54, v2;
	vm2 =	vmand vm2, vm14  }
0x208: {  	(xrf2) =	vadd.scan.msk.f32 $0xffff, v20;
	vm4 =	vle.s32 v61, v5;
	vm14 =	vgt.f32 v32, v21;
	vm2 =	vmor vm8, vm2  }
0x209: {  	v61 =	vld [tilespmem:$0x1FC10];
	vm8 =	vgt.f32 v18, v22;
	vm0 =	vmor vm14, vm0;
	vm14 =	vgt.f32 v63, v19  }
0x20a: {  	v19 =	vmul.f32 v17, v31;
	v63 =	vmul.f32 v42, v51;
	v42 =	vsub.f32 v27, v30  }
0x20b: {  	v18 =	vnsel vm2, $0x0, v16;
	vm2 =	vle.s32 v11, v5;
	vm13 =	vmor vm8, vm13  }
0x20c: {  	vm8 =	veq.f32 v45, v6;
	vm11 =	vmor vm14, vm11;
	vm14 =	veq.f32 v57, v7  }
0x20d: {  	v11 =	vsub.f32 v40, v30;
	vm1 =	vmand vm1, vm2;
	vm2 =	vmand vm15, vm4  }
0x20e: {  	vm15 =	vle.s32 v4, v5;
	v21 =	vsel vm8, $0x1, v34;
	vm4 =	veq.f32 v61, v7  }
0x20f: {  	v31 =	vnsel vm0, $0x0, v19;
	v41 =	vsel vm14, $0x1, v34;
	v20 =	vsel vm4, $0x1, v34  }
0x210: {  	vm14 =	vgt.f32 v40, v59;
	vm3 =	vmand vm3, vm15;
	vm15 =	veq.f32 v58, v8;
	(xrf0) =	vadd.scan.msk.s32 $0xffff, v20  }
0x211: {  	v4 =	vadd.s32 v62, v15;
	v22 =	vsel vm15, $0x1, v34;
	vm15 =	vgt.f32 v36, v59;
	(xrf0) =	vadd.scan.msk.s32 $0xffff, v21  }
0x212: {  	v62, _, _ =	vpop (xrf2);
	v58 =	vperm.xlane v52, v2;
	vm0 =	vmor vm15, vm3;
	vm15 =	veq.f32 v56, v6;
	(xrf0) =	vadd.scan.msk.s32 $0xffff, v22  }
0x213: {  	vm2 =	vmor vm14, vm2;
	v10 =	vperm.xlane v62, v2;
	v57 =	vsel vm15, $0x1, v34;
	(xrf0) =	vadd.scan.msk.s32 $0xffff, v41  }
0x214: {  	v51 =	vperm.xlane v4, v2;
	v56 =	vmul.f32 v23, v50;
	v3 =	vadd.s32 v58, v13;
	(xrf0) =	vadd.scan.msk.s32 $0xffff, v57  }
0x215: {  	(erf) = vrcp.f32 v10;
	v13 =	vsub.f32 v28, v25;
	v22 =	vperm.xlane v55, v2  }
0x216: {  	vm15 =	vgt.f32 v27, v59;
	v32 =	vperm.xlane v3, v2;
	v27 =	vsub.f32 v39, v12;
	v0, _, _ =	vpop (xrf0)  }
0x217: {  	vm1 =	vmor vm15, vm1;
	v23 =	vnsel vm13, $0x0, v56;
	v9 =	vadd.s32 v22, v9;
	v50, _, _ =	vpop (xrf0)  }
0x218: {  	v41 =	vsub.f32 v36, v30;
	v21 =	vadd.s32 v47, v32;
	v58 =	vperm.xlane v9, v2;
	v56, _, _ =	vpop (xrf0)  }
0x219: {  	v30 =	vnsel vm11, $0x0, v63;
	v63 =	vsub.f32 v53, v25;
	v17 =	vperm.xlane v56, v2;
	v57, _, _ =	vpop (xrf0)  }
0x21a: {  	v36 =	vsub.f32 v37, v12;
	v20 =	vadd.s32 v0, v51;
	v0 =	vld [tilespmem:$0x1FCC0];
	v22 =	vadd.s32 v50, v58;
	v59, _, _ =	vpop (xrf0)  }
0x21b: {  	(xrf2) =	vadd.scan.msk.f32 $0xffff, v43;
	v5 =	vperm.xlane v57, v2;
	vm11 =	vle.s32 v21, v17;
	v19 =	vperm.xlane v59, v2  }
0x21c: {  	vm15 =	vle.s32 v3, v17;
	v3 =	vmul.f32 $1.442695020e+00, v63;
	v21 =	vperm.xlane v21, v2  }
0x21d: {  	vm3 =	vmand vm12, vm11;
	vm13 =	vle.s32 v20, v5;
	vm12 =	vmand vm7, vm15  }
0x21e: {  	vm11 =	vle.s32 v4, v5;
	vm15 =	vle.s32 v52, v17;
	v4 =	vmul.f32 $1.442695020e+00, v13  }
0x21f: {  	(xrf2) =	vadd.scan.msk.f32 $0xffff, v49;
	v15 =	vld [tilespmem:$0x1FC30];
	v57 =	vsub.f32 v0, v14;
	v20 =	vperm.xlane v20, v2;
	vm4 =	vmand vm4, vm13  }
0x220: {  	vm14 =	vle.s32 v22, v19;
	vm11 =	vmand vm9, vm11;
	(erf) = vpow2.f32 v3  }
0x221: {  	vm9 =	vgt.f32 v28, v8;
	vm13 =	vmand vm8, vm14;
	vm14 =	vle.s32 v9, v19  }
0x222: {  	v28 =	vld [tilespmem:$0x1FC40];
	v9 =	vsub.f32 v46, v25;
	vm8 =	vle.s32 v54, v5;
	vm7 =	vmand vm10, vm14  }
0x223: {  	vm10 =	vmand vm5, vm15;
	vm8 =	vmand vm6, vm8;
	vm5 =	vmor vm9, vm3  }
0x224: {  	vm14 =	vle.s32 v55, v19;
	vm15 =	vnez.u8 v15;
	vm9 =	vgt.f32 v61, v7  }
0x225: {  	v43 =	vld [tilespmem:$0x1FC60];
	v16, _, _ =	vpop (xrf2);
	v10 =	vmul.f32 $1.442695020e+00, v9;
	vm6 =	vmand vm15, vm14;
	vm15 =	vgt.f32 v46, v8  }
0x226: {  	v3 =	vperm.xlane v16, v2;
	vm4 =	vmor vm9, vm4;
	v46 =	vld [tilespmem:$0x1FC70];
	vm9 =	vmor vm15, vm12  }
0x227: {  	vm12 =	vgt.f32 v37, v7;
	v37 =	vld [tilespmem:$0x1FC50];
	(erf) = vpow2.f32 v10;
	v25 =	vsub.f32 v28, v25  }
0x228: {  	v49 =	vld [tilespmem:$0x1FC80];
	v40 =	vsub.f32 v61, v12;
	v13 =	vmul.f32 $1.442695020e+00, v57;
	(erf) = vrcp.f32 v3  }
0x229: {  	v32, _, _ =	vpop (xrf2);
	v51 =	vld [tilespmem:$0x1FC90];
	v50 =	vsub.f32 v38, v14;
	v3 =	vmul.f32 $1.442695020e+00, v27;
	v9 =	vmul.f32 $1.442695020e+00, v25  }
0x22a: {  	v52 =	vsub.f32 v35, v14;
	v54 =	vld [tilespmem:$0x1FCA0];
	(erf) = vpow2.f32 v4;
	v4 =	vperm.xlane v32, v2  }
0x22b: {  	[tilespmem:s9+$0x4130] =	vst v43;
	v56 =	vld [tilespmem:$0x1FCB0];
	v55 =	vsub.f32 v45, v14;
	(erf) = vpow2.f32 v9;
	v9 =	vmul.f32 $1.442695020e+00, v40  }
0x22c: {  	v59 =	vld [tilespmem:$0x1FCD0];
	v10 =	vmul.f32 $1.442695020e+00, v36;
	v47 =	vsub.f32 v46, v12;
	[tilespmem:s9+$0x40B0] =	vst v37;
	(erf) = vrcp.f32 v4  }
0x22d: {  	vm14 =	vgt.f32 v45, v6;
	v61 =	vmul.f32 $1.442695020e+00, v55;
	[tilespmem:s10+$0x4000] =	vst v49;
	(erf) = vpow2.f32 v3  }
0x22e: {  	vm3 =	vmor vm14, vm13;
	[tilespmem:s10+$0x4010] =	vst v51;
	v4 =	vmul.f32 $1.442695020e+00, v47;
	(erf) = vpow2.f32 v10  }
0x22f: {  	vm13 =	vgt.f32 v35, v6;
	[tilespmem:s10+$0x4020] =	vst v54;
	v3 =	vmul.f32 $1.442695020e+00, v50;
	(erf) = vpow2.f32 v9;
	v9 =	vpop (erf)  }
0x230: {  	vm14 =	vgt.f32 v39, v7;
	[tilespmem:s10+$0x4080] =	vst v56;
	v10 =	vmul.f32 $1.442695020e+00, v52;
	(erf) = vpow2.f32 v4;
	v58 =	vpop (erf)  }
0x231: {  	vm15 =	vgt.f32 v38, v6;
	vm11 =	vmor vm12, vm11;
	[tilespmem:s10+$0x4090] =	vst v59;
	(erf) = vpow2.f32 v3;
	v62 =	vpop (erf)  }
0x232: {  	vm12 =	vgt.f32 v53, v8;
	[tilespmem:s10+$0x40A0] =	vst v33;
	v4 =	vmul.f32 v9, v58;
	(erf) = vpow2.f32 v10;
	v63 =	vpop (erf)  }
0x233: {  	vm7 =	vmor vm13, vm7;
	vm8 =	vmor vm14, vm8;
	vm12 =	vmor vm12, vm10;
	[tilespmem:s10+$0x4100] =	vst v29;
	v29 =	vpop (erf)  }
0x234: {  	[tilespmem:s10+$0x4110] =	vst v1;
	(erf) = vpow2.f32 v61;
	v4 =	vnsel vm12, $0x0, v4;
	vm12 =	veq.f32 v28, v8;
	v33 =	vpop (erf)  }
0x235: {  	vm14 =	veq.f32 v0, v6;
	v25 =	vmul.f32 $1.442695020e+00, v11;
	[tilespmem:s10+$0x4120] =	vst v44;
	v43 =	vsel vm12, $0x1, v34;
	v35 =	vpop (erf)  }
0x236: {  	vm13 =	veq.f32 v46, v7;
	[tilespmem:s10+$0x4180] =	vst v60;
	(erf) = vpow2.f32 v13;
	(xrf0) =	vadd.scan.msk.s32 $0xffff, v43;
	v36 =	vpop (erf)  }
0x237: {  	v32 =	vmul.f32 $1.442695020e+00, v41;
	[tilespmem:s10+$0x4190] =	vst v26;
	v44 =	vmov v46;
	v46 =	vsel vm13, $0x1, v34;
	v38 =	vpop (erf)  }
0x238: {  	v37 =	vmul.f32 $1.442695020e+00, v42;
	[tilespmem:s10+$0x41A0] =	vst v48;
	(erf) = vpow2.f32 v25;
	(xrf0) =	vadd.scan.msk.s32 $0xffff, v46;
	v39 =	vpop (erf)  }
0x239: {  	v57 =	vperm.xlane v22, v2;
	v48 =	vsel vm14, $0x1, v34;
	[tilespmem:s11+$0x41B0] =	vst v18;
	(erf) = vpow2.f32 v32;
	v40 =	vpop (erf)  }
0x23a: {  	vm10 =	vmor vm15, vm6;
	[tilespmem:s10+$0x4030] =	vst v31;
	(erf) = vpow2.f32 v37;
	(xrf0) =	vadd.scan.msk.s32 $0xffff, v48;
	v42 =	vpop (erf)  }
0x23b: {  	v41 =	vmov v28;
	[tilespmem:s10+$0x40B0] =	vst v23;
	v12 =	vmul.f32 v9, v62;
	v11 =	vmul.f32 v9, v29;
	v45 =	vpop (erf)  }
0x23c: {  	vm15 =	vgt.f32 v41, v8;
	[tilespmem:s10+$0x4130] =	vst v30;
	v14 =	vmul.f32 v63, v36;
	v16 =	vmul.f32 v63, v38;
	v55, _, _ =	vpop (xrf0)  }
0x23d: {  	v12 =	vnsel vm9, $0x0, v12;
	[tilespmem:s11+$0x4000] =	vst v4;
	v62 =	vmul.f32 v9, v33;
	v15 =	vmul.f32 v63, v39;
	v47 =	vpop (erf)  }
0x23e: {  	[tilespmem:s11+$0x4010] =	vst v12;
	v11 =	vnsel vm5, $0x0, v11;
	v14 =	vnsel vm8, $0x0, v14;
	v16 =	vnsel vm11, $0x0, v16;
	v58, _, _ =	vpop (xrf0)  }
0x23f: {  	[tilespmem:s11+$0x4020] =	vst v11;
	v63 =	vmul.f32 v63, v40;
	v25 =	vmul.f32 v35, v42;
	v15 =	vnsel vm4, $0x0, v15;
	v49 =	vpop (erf)  }
0x240: {  	[tilespmem:s11+$0x4080] =	vst v14;
	v23 =	vmul.f32 v35, v45;
	v56 =	vadd.s32 v55, v21;
	v26 =	vmul.f32 v35, v47;
	v60, _, _ =	vpop (xrf0)  }
0x241: {  	[tilespmem:s11+$0x4090] =	vst v16;
	v25 =	vnsel vm10, $0x0, v25;
	vm9 =	vle.s32 v56, v17;
	v59 =	vadd.s32 v58, v20;
	v50 =	vpop (erf)  }
0x242: {  	[tilespmem:s11+$0x40A0] =	vst v15;
	v23 =	vnsel vm7, $0x0, v23;
	vm10 =	vle.s32 v59, v5;
	v4 =	vmul.f32 v24, v50;
	v51 =	vpop (erf)  }
0x243: {  	[tilespmem:s11+$0x4100] =	vst v25;
	v61 =	vadd.s32 v60, v57;
	v53 =	vnsel vm3, $0x0, v26;
	v52 =	vmul.f32 v24, v51;
	v54 =	vpop (erf)  }
0x244: {  	[tilespmem:s11+$0x4110] =	vst v23;
	vm11 =	vle.s32 v61, v19;
	v4 =	vnsel vm2, $0x0, v4;
	v14 =	vmul.f32 v24, v54  }
0x245: {  	[tilespmem:s11+$0x4120] =	vst v53;
	vm2 =	vmand vm13, vm10;
	vm13 =	vgt.f32 v44, v7;
	v11 =	vnsel vm0, $0x0, v52  }
0x246: {  	[tilespmem:s11+$0x4180] =	vst v4;
	v14 =	vnsel vm1, $0x0, v14;
	vm1 =	vmand vm12, vm9;
	vm12 =	vmmov vm14  }
0x247: {  	v3 =	vmul.f32 v35, v49;
	vm14 =	vmor vm13, vm2;
	[tilespmem:s11+$0x4190] =	vst v11;
	vm3 =	vmand vm12, vm11  }
0x248: {  	vm0 =	vmor vm15, vm1;
	vm15 =	vgt.f32 v0, v6;
	[tilespmem:s11+$0x41A0] =	vst v14;
	v4 =	vnsel vm14, $0x0, v63  }
0x249: {  	s8 =	sadd.s32 $0x1, s8;
	v5 =	vnsel vm0, $0x0, v62;
	vm0 =	vmor vm15, vm3;
	[tilespmem:s11+$0x40B0] =	vst v4  }
0x24a: {  	p0 =	sne.s32 s8, s5;
	[tilespmem:s11+$0x4030] =	vst v5;
	v3 =	vnsel vm0, $0x0, v3  }
.Ltmp1:
0x24b: {  	[tilespmem:s11+$0x4130] =	vst v3;
	(pc) =	sbr.rel @p0 .LBB2_1-.Ltmp1, $4  }
0x24c: {  	[hbm4b:s4+s2] =	stream.linear.scatter [tilespmem:s7], [sflag:$0x1], $0x4000, $0x38;
	[tilespmem:$0x8000] =	vst v63  }
0x24d: {  	_ =	swait.ge [sflag:s6], $0x4000  }
0x24e: {  	[sflag:s6] =	ssyncset.done $0x0  }
0x24f: {  	[sflag:s6] =	ssyncadd.s32 $0xFFFFC000  }
0x250: {  	_ =	sfence.sel $0x180000  }
0x251: {  	[bflag:$0x0] =	sbarrier.arrive $0xFFFF  }
0x252: {  	p0 =	sne.s32 s1, $0x0;
	_ =	strace $0x90000047  }
0x253: {  	s0 =	sadd.s32 @!p0 $0x100000, s0;
	[bflag:$0x2] =	sbarrier.arrive $0xFFFF  }
0x254: {  	[sflag:s0] =	ssyncadd.tile.s32 @!p0 $0x1;
	_ =	shalt  }
.Lfunc_end2:
_tile_overlayer_lowered:
.L_overlay_start_2:
0x255: {  	(tag) =	ssettag $0x2  }
0x256: {  	s0 =	rddreg [dreg:$0x0];
	s2 =	stileid.u32  }
0x257: {  	s1 =	rddreg [dreg:$0x1];
	p0 =	sne.s32 s2, $0x0  }
0x258: {  	s3 =	rddreg [dreg:$0x2];
	[bflag:$0x3] =	sbarrier.arrive $0xFFFF;
	s2 =	simm.s32 @!p0 $0x1C01  }
0x259: {  	[timem:s3], [sflag:s2] =	dma.local @!p0 [hbm:s0], s1  }
0x25a: {  	s0 =	simm.s32 @!p0 $0x1  }
0x25b: {  	_ =	swait.ge @!p0 [sflag:s0], s1  }
0x25c: {  	s1 =	ssub.s32 @!p0 $0x0, s1;
	[sflag:s0] =	ssyncset.done @!p0 $0x0  }
0x25d: {  	[sflag:s0] =	ssyncadd.s32 @!p0 s1  }
0x25e: {  	[bflag:$0x3] =	sbarrier.arrive $0xFFFF  }
0x25f: {  	_ =	shalt  }

</sc_bundles>
